<compile_context>
chip_gen: v7x
topology: tpu7x:2x2x1
jax: 0.10.2.dev20260603
libtpu: 0.0.44.dev20260713+nightly
codegen_flags: <defaults>
</compile_context>

<pallas_src>
import jax
import jax.numpy as jnp
from jax import lax
from jax.experimental import pallas as pl
from jax.experimental.pallas import tpu as pltpu
from jax.experimental.pallas import tpu_sc as plsc

NC = 2
NS = 16
NW = NC * NS
L = 16
K = 128
SC0_FRAC = 0.62


def _sc_mesh():
    return plsc.VectorSubcoreMesh(core_axis_name="c", subcore_axis_name="s",
                                  num_cores=NC, num_subcores=NS)


def _make_deg_kernel(n_pad, q0, q1, q_max):
    rpt = n_pad // NS

    def body(dst_hbm, out_hbm, dst_v, ones_v, zero_v, deg_sp):
        c = lax.axis_index("c")
        s = lax.axis_index("s")
        wid = c * NS + s
        qw = jnp.where(c == 0, q0, q1)
        pltpu.sync_copy(dst_hbm.at[wid], dst_v)

        def init_ones(i, carry):
            ones_v[pl.ds(i * L, L)] = jnp.ones((L,), jnp.float32)
            return carry

        lax.fori_loop(0, K // L, init_ones, 0)

        def init_zero(i, carry):
            zero_v[pl.ds(i * L, L)] = jnp.zeros((L,), jnp.float32)
            return carry

        lax.fori_loop(0, rpt // L, init_zero, 0)
        pltpu.sync_copy(zero_v, deg_sp.at[pl.ds(s * rpt, rpt)])
        plsc.subcore_barrier()

        def chunk(j, carry):
            pltpu.sync_copy(ones_v, deg_sp.at[dst_v.at[j]], add=True)
            return carry

        lax.fori_loop(0, qw, chunk, 0)
        plsc.subcore_barrier()
        pltpu.sync_copy(deg_sp.at[pl.ds(s * rpt, rpt)],
                        out_hbm.at[c, pl.ds(s * rpt, rpt)])

    return pl.kernel(
        body,
        out_type=jax.ShapeDtypeStruct((NC, n_pad), jnp.float32),
        mesh=_sc_mesh(),
        scratch_types=[
            pltpu.VMEM((q_max, K), jnp.int32),
            pltpu.VMEM((K,), jnp.float32),
            pltpu.VMEM((rpt,), jnp.float32),
            pltpu.VMEM_SHARED((n_pad,), jnp.float32),
        ],
    )


def _make_scatter_kernel(n_pad, d, q0, q1, q_half):
    rpt = n_pad // NS

    def body(zt_hbm, src_hbm, dst_hbm, out_hbm, src_v, dst_v, rows0, rows1,
             acc_sp, sem0, sem1):
        c = lax.axis_index("c")
        s = lax.axis_index("s")
        wid = c * NS + s
        qw = jnp.where(c == 0, q0, q1)
        pltpu.sync_copy(zt_hbm.at[pl.ds(s * rpt, rpt)],
                        acc_sp.at[pl.ds(s * rpt, rpt)])
        plsc.subcore_barrier()

        def do_half(base, b):
            pltpu.sync_copy(src_hbm.at[wid, pl.ds(base, q_half)], src_v)
            pltpu.sync_copy(dst_hbm.at[wid, pl.ds(base, q_half)], dst_v)

            @pl.when(b > 0)
            def _():
                pltpu.async_copy(zt_hbm.at[src_v.at[0]], rows0, sem0)

            @pl.when(b > 1)
            def _():
                pltpu.async_copy(zt_hbm.at[src_v.at[1]], rows1, sem1)

            def chunk(j, carry):
                def step(rows, sem):
                    pltpu.make_async_copy(zt_hbm.at[src_v.at[j]], rows,
                                          sem).wait()
                    pltpu.sync_copy(rows, acc_sp.at[dst_v.at[j]], add=True)

                    @pl.when(j + 2 < b)
                    def _():
                        pltpu.async_copy(zt_hbm.at[src_v.at[j + 2]], rows,
                                         sem)

                @pl.when(j % 2 == 0)
                def _():
                    step(rows0, sem0)

                @pl.when(j % 2 == 1)
                def _():
                    step(rows1, sem1)

                return carry

            lax.fori_loop(0, b, chunk, 0)

        b0 = jnp.minimum(qw, q_half)
        do_half(0, b0)
        do_half(q_half, qw - b0)
        plsc.subcore_barrier()
        pltpu.sync_copy(acc_sp.at[pl.ds(s * rpt, rpt)],
                        out_hbm.at[c, pl.ds(s * rpt, rpt)])

    return pl.kernel(
        body,
        out_type=jax.ShapeDtypeStruct((NC, n_pad, d), jnp.float32),
        mesh=_sc_mesh(),
        scratch_types=[
            pltpu.VMEM((q_half, K), jnp.int32),
            pltpu.VMEM((q_half, K), jnp.int32),
            pltpu.VMEM((K, d), jnp.float32),
            pltpu.VMEM((K, d), jnp.float32),
            pltpu.VMEM_SHARED((n_pad, d), jnp.float32),
            pltpu.SemaphoreType.DMA,
            pltpu.SemaphoreType.DMA,
        ],
    )


def _make_pre_kernel(n, n_pad, h):
    def body(p0, p1, x, w, dis_out, zt_out):
        deg = p0[...] + p1[...] + 1.0
        rid = lax.broadcasted_iota(jnp.int32, (n_pad, 1), 0)
        dis = jnp.where(rid < n, lax.rsqrt(jnp.maximum(deg, 1e-12)), 0.0)
        dis_out[...] = dis
        zt_out[...] = jnp.dot(x[...], w[...],
                              preferred_element_type=jnp.float32) * dis

    return pl.pallas_call(
        body,
        out_shape=[
            jax.ShapeDtypeStruct((n_pad, 1), jnp.float32),
            jax.ShapeDtypeStruct((n_pad, h), jnp.float32),
        ],
    )


def _make_mid_kernel(n, n_pad, h, scale_out):
    def body(a0, a1, ztp, dis, b, g, be, w, bout, out):
        agg = a0[...] + a1[...] - ztp[...]
        y = agg * dis[...] + b[...]
        r = jnp.maximum(y, 0.0)
        mask = (lax.broadcasted_iota(jnp.int32, (n_pad, 1), 0)
                < n).astype(jnp.float32)
        mu = jnp.sum(r * mask, axis=0, keepdims=True) * (1.0 / n)
        dvn = (r - mu) * mask
        var = jnp.sum(dvn * dvn, axis=0, keepdims=True) * (1.0 / n)
        bn = (r - mu) * lax.rsqrt(var + 1e-5) * g[...] + be[...]
        res = jnp.dot(bn, w[...], preferred_element_type=jnp.float32)
        res = res + bout[...]
        if scale_out:
            res = res * dis[...]
        out[...] = res

    return pl.pallas_call(
        body,
        out_shape=jax.ShapeDtypeStruct((n_pad, h), jnp.float32),
    )


def kernel(x, edge_index, W1, b1, g1, be1, W2, b2, g2, be2, W3, b3, g3, be3,
           Wc, bc):
    n, d = x.shape
    h = W1.shape[1]
    e = edge_index.shape[1]
    c_out = Wc.shape[1]

    n_pad = ((n + 1 + 255) // 256) * 256
    nch = (e + NS * K - 1) // (NS * K)
    q0 = max(1, min(nch - 1, round(nch * SC0_FRAC)))
    q1 = nch - q0
    q_max = max(q0, q1)
    q_half = (((q_max + 1) // 2 + 7) // 8) * 8
    q_pad = 2 * q_half
    e_cov = NS * nch * K

    src = edge_index[0]
    dst = edge_index[1]
    pad_idx = jnp.full((e_cov - e,), n, jnp.int32)

    def slabs(idx):
        flat = jnp.concatenate([idx, pad_idx])
        c0 = flat[:NS * q0 * K].reshape(NS, q0, K)
        c1 = flat[NS * q0 * K:].reshape(NS, q1, K)
        pad0 = jnp.full((NS, q_pad - q0, K), n, jnp.int32)
        pad1 = jnp.full((NS, q_pad - q1, K), n, jnp.int32)
        return jnp.concatenate([jnp.concatenate([c0, pad0], axis=1),
                                jnp.concatenate([c1, pad1], axis=1)], axis=0)

    src_p = slabs(src)
    dst_p = slabs(dst)
    x_p = jnp.zeros((n_pad, d), jnp.float32).at[:n].set(x)
    wc_p = jnp.zeros((h, h), jnp.float32).at[:, :c_out].set(Wc)
    bc_p = jnp.zeros((1, h), jnp.float32).at[0, :c_out].set(bc)
    zb = jnp.zeros((1, h), jnp.float32)

    deg_call = _make_deg_kernel(n_pad, q0, q1, q_pad)
    scat_call = _make_scatter_kernel(n_pad, h, q0, q1, q_half)
    pre_call = _make_pre_kernel(n, n_pad, h)
    mid_call = _make_mid_kernel(n, n_pad, h, True)
    fin_call = _make_mid_kernel(n, n_pad, h, False)

    degp = deg_call(dst_p)
    p0 = degp[0].reshape(n_pad, 1)
    p1 = degp[1].reshape(n_pad, 1)
    dis, zt = pre_call(p0, p1, x_p, W1)

    for (w_next, b, g, be) in ((W2, b1, g1, be1), (W3, b2, g2, be2)):
        accp = scat_call(zt, src_p, dst_p)
        zt = mid_call(accp[0], accp[1], zt, dis,
                      b.reshape(1, h), g.reshape(1, h), be.reshape(1, h),
                      w_next, zb)

    accp = scat_call(zt, src_p, dst_p)
    outp = fin_call(accp[0], accp[1], zt, dis,
                    b3.reshape(1, h), g3.reshape(1, h), be3.reshape(1, h),
                    wc_p, bc_p)
    return outp[:n, :c_out]

# --- scband reference (transcript-rebuilt; emitter-appended) ---
"""Pipeline reference for scband-patient-gnn-24120536334551 (READ-ONLY COPY).

The authoritative reference and input builder live on the scoring server;
editing this copy changes nothing except your own understanding.
"""

import jax, jax.numpy as jnp
import numpy as np

N = 10000
E = 320000
D = 128
H = 128
C = 2  # Config.NUM_CLASSES assumed 2


def setup_inputs(seed: int = 0) -> dict:
    key = jax.random.key(seed)
    ks = jax.random.split(key, 16)
    x = jax.random.normal(ks[0], (N, D), dtype=jnp.float32)
    edge_index = jax.random.randint(ks[1], (2, E), 0, N, dtype=jnp.int32)
    s = 0.05
    W1 = jax.random.normal(ks[2], (D, H), dtype=jnp.float32) * s
    b1 = jnp.zeros((H,), dtype=jnp.float32)
    g1 = jnp.ones((H,), dtype=jnp.float32)
    be1 = jnp.zeros((H,), dtype=jnp.float32)
    W2 = jax.random.normal(ks[3], (H, H), dtype=jnp.float32) * s
    b2 = jnp.zeros((H,), dtype=jnp.float32)
    g2 = jnp.ones((H,), dtype=jnp.float32)
    be2 = jnp.zeros((H,), dtype=jnp.float32)
    W3 = jax.random.normal(ks[4], (H, H), dtype=jnp.float32) * s
    b3 = jnp.zeros((H,), dtype=jnp.float32)
    g3 = jnp.ones((H,), dtype=jnp.float32)
    be3 = jnp.zeros((H,), dtype=jnp.float32)
    Wc = jax.random.normal(ks[5], (H, C), dtype=jnp.float32) * s
    bc = jnp.zeros((C,), dtype=jnp.float32)
    return {"x": x, "edge_index": edge_index, "W1": W1, "b1": b1, "g1": g1, "be1": be1,
            "W2": W2, "b2": b2, "g2": g2, "be2": be2, "W3": W3, "b3": b3, "g3": g3, "be3": be3,
            "Wc": Wc, "bc": bc}


def gcn_conv(x, edge_index, W, b):
    n = x.shape[0]
    src = edge_index[0]
    dst = edge_index[1]
    loop = jnp.arange(n, dtype=src.dtype)
    src = jnp.concatenate([src, loop])
    dst = jnp.concatenate([dst, loop])
    deg = jnp.zeros((n,), x.dtype).at[dst].add(1.0)
    dis = jnp.where(deg > 0, jax.lax.rsqrt(jnp.maximum(deg, 1e-12)), 0.0)
    norm = dis[src] * dis[dst]
    h = x @ W
    msg = h[src] * norm[:, None]
    out = jnp.zeros((n, W.shape[1]), x.dtype).at[dst].add(msg)
    return out + b


def batchnorm(x, gamma, beta, eps=1e-5):
    mu = jnp.mean(x, axis=0)
    var = jnp.var(x, axis=0)
    return (x - mu) * jax.lax.rsqrt(var + eps) * gamma + beta


def reference(x, edge_index, W1, b1, g1, be1, W2, b2, g2, be2, W3, b3, g3, be3, Wc, bc):
    h = x
    for (W, b, g, be) in ((W1, b1, g1, be1), (W2, b2, g2, be2), (W3, b3, g3, be3)):
        h = gcn_conv(h, edge_index, W, b)
        h = batchnorm(jax.nn.relu(h), g, be)
        # dropout is identity in eval mode
    return h @ Wc + bc

if __name__ == "__main__":
    import jax
    _d = setup_inputs()
    print(jax.jit(kernel)(*tuple(_d.values())))

</pallas_src>

<mosaic_0001>
#map = affine_map<(d0, d1) -> (0, 0, 0)>
#map1 = affine_map<(d0, d1) -> (0, 0)>
module attributes {stable_mosaic.version = 14 : i64} {
  func.func @body(%arg0: i32, %arg1: i32, %arg2: memref<32x112x128xi32, #tpu.memory_space<hbm>>, %arg3: memref<2x10240xf32, #tpu.memory_space<hbm>>, %arg4: memref<112x128xi32, #tpu.memory_space<vmem>>, %arg5: memref<128xf32, #tpu.memory_space<vmem>>, %arg6: memref<640xf32, #tpu.memory_space<vmem>>, %arg7: memref<10240xf32, #tpu.memory_space<vmem_shared>>) attributes {dimension_semantics = [#tpu.dimension_semantics<core_parallel>, #tpu.dimension_semantics<subcore_parallel>], iteration_bounds = array<i64: 2, 16>, scalar_prefetch = 0 : i64, scratch_operands = 4 : i64, tpu.core_type = #tpu.core_type<sc_vector_subcore>, window_params = [{transform_indices = #map}, {transform_indices = #map1}]} {
    %mul3A = arith.constant 16 : i32
    %mul3A_0 = arith.muli %arg0, %mul3A : i32
    %add3A = arith.addi %mul3A_0, %arg1 : i32
    %eq3A = arith.constant 0 : i32
    %eq3A_1 = arith.cmpi eq, %arg0, %eq3A : i32
    %jit3A = arith.constant 97 : i32
    %jit3A_2 = arith.constant 60 : i32
    %select_n3A = arith.select %eq3A_1, %jit3A, %jit3A_2 : i32
    "tpu.region"() ({
      %run_scoped3A = tpu.sem_alloc : memref<!tpu.dma_semaphore, #tpu.memory_space<semaphore_mem>>
      %dma_start3A = arith.constant 0 : i32
      %dma_start3A_30 = arith.constant 0 : i32
      %dma_start3A_31 = tpu.memref_slice %arg2[%add3A, %dma_start3A, %dma_start3A_30] : memref<32x112x128xi32, #tpu.memory_space<hbm>> -> memref<1x112x128xi32, #tpu.memory_space<hbm>>
      %dma_start3A_32 = tpu.memref_squeeze %dma_start3A_31 : memref<1x112x128xi32, #tpu.memory_space<hbm>> -> memref<112x128xi32, #tpu.memory_space<hbm>>
      %dma_start3A_33 = arith.constant 0 : i32
      %dma_start3A_34 = arith.constant 0 : i32
      %dma_start3A_35 = tpu.memref_slice %arg2[%add3A, %dma_start3A_33, %dma_start3A_34] : memref<32x112x128xi32, #tpu.memory_space<hbm>> -> memref<1x112x128xi32, #tpu.memory_space<hbm>>
      %dma_start3A_36 = tpu.memref_squeeze %dma_start3A_35 : memref<1x112x128xi32, #tpu.memory_space<hbm>> -> memref<112x128xi32, #tpu.memory_space<hbm>>
      tpu.enqueue_dma source(%dma_start3A_36 : memref<112x128xi32, #tpu.memory_space<hbm>>) target(%arg4 : memref<112x128xi32, #tpu.memory_space<vmem>>) target_semaphore(%run_scoped3A : memref<!tpu.dma_semaphore, #tpu.memory_space<semaphore_mem>>)
      %dma_wait3A = arith.constant 0 : i32
      %dma_wait3A_37 = arith.constant 0 : i32
      %dma_wait3A_38 = tpu.memref_slice %arg2[%add3A, %dma_wait3A, %dma_wait3A_37] : memref<32x112x128xi32, #tpu.memory_space<hbm>> -> memref<1x112x128xi32, #tpu.memory_space<hbm>>
      %dma_wait3A_39 = tpu.memref_squeeze %dma_wait3A_38 : memref<1x112x128xi32, #tpu.memory_space<hbm>> -> memref<112x128xi32, #tpu.memory_space<hbm>>
      %dma_wait3A_40 = arith.constant 0 : i32
      %dma_wait3A_41 = arith.constant 0 : i32
      %dma_wait3A_42 = tpu.memref_slice %arg2[%add3A, %dma_wait3A_40, %dma_wait3A_41] : memref<32x112x128xi32, #tpu.memory_space<hbm>> -> memref<1x112x128xi32, #tpu.memory_space<hbm>>
      %dma_wait3A_43 = tpu.memref_squeeze %dma_wait3A_42 : memref<1x112x128xi32, #tpu.memory_space<hbm>> -> memref<112x128xi32, #tpu.memory_space<hbm>>
      tpu.wait_dma2 semaphore(%run_scoped3A : memref<!tpu.dma_semaphore, #tpu.memory_space<semaphore_mem>>) src(%dma_wait3A_43 : memref<112x128xi32, #tpu.memory_space<hbm>>) dst(%arg4 : memref<112x128xi32, #tpu.memory_space<vmem>>)
      tpu.yield
    }) : () -> ()
    %scan3A = arith.constant 0 : i32
    %scan3A_3 = arith.constant 0 : i32
    %scan3A_4 = arith.constant 8 : i32
    %scan3A_5 = arith.addi %scan3A_3, %scan3A_4 : i32
    %scan3A_6 = arith.constant 1 : i32
    scf.for %scan3A_30 = %scan3A_3 to %scan3A_5 step %scan3A_6  : i32 {
      %broadcast_in_dim3A = arith.constant 1.000000e+00 : f32
      %broadcast_in_dim3A_31 = vector.broadcast %broadcast_in_dim3A : f32 to vector<16xf32>
      %mul3A_32 = arith.constant 16 : i32
      %mul3A_33 = arith.muli %scan3A_30, %mul3A_32 : i32
      %swap3A = arith.index_cast %mul3A_33 : i32 to index
      %swap3A_34 = tpu.vector_load %arg5[%swap3A] {strides = array<i32>} : memref<128xf32, #tpu.memory_space<vmem>>, vector<16xf32>,
      %swap3A_35 = vector.shape_cast %swap3A_34 : vector<16xf32> to vector<16xf32>
      %swap3A_36 = vector.shape_cast %broadcast_in_dim3A_31 : vector<16xf32> to vector<16xf32>
      tpu.vector_store %arg5[%swap3A], %swap3A_36 {strides = array<i32>} : memref<128xf32, #tpu.memory_space<vmem>>, vector<16xf32>,
    }
    %scan3A_7 = arith.constant 8 : i32
    %scan3A_8 = arith.constant 0 : i32
    %scan3A_9 = arith.constant 0 : i32
    %scan3A_10 = arith.constant 40 : i32
    %scan3A_11 = arith.addi %scan3A_9, %scan3A_10 : i32
    %scan3A_12 = arith.constant 1 : i32
    scf.for %scan3A_30 = %scan3A_9 to %scan3A_11 step %scan3A_12  : i32 {
      %broadcast_in_dim3A = arith.constant 0.000000e+00 : f32
      %broadcast_in_dim3A_31 = vector.broadcast %broadcast_in_dim3A : f32 to vector<16xf32>
      %mul3A_32 = arith.constant 16 : i32
      %mul3A_33 = arith.muli %scan3A_30, %mul3A_32 : i32
      %swap3A = arith.index_cast %mul3A_33 : i32 to index
      %swap3A_34 = tpu.vector_load %arg6[%swap3A] {strides = array<i32>} : memref<640xf32, #tpu.memory_space<vmem>>, vector<16xf32>,
      %swap3A_35 = vector.shape_cast %swap3A_34 : vector<16xf32> to vector<16xf32>
      %swap3A_36 = vector.shape_cast %broadcast_in_dim3A_31 : vector<16xf32> to vector<16xf32>
      tpu.vector_store %arg6[%swap3A], %swap3A_36 {strides = array<i32>} : memref<640xf32, #tpu.memory_space<vmem>>, vector<16xf32>,
    }
    %scan3A_13 = arith.constant 40 : i32
    %mul3A_14 = arith.constant 640 : i32
    %mul3A_15 = arith.muli %arg1, %mul3A_14 : i32
    "tpu.region"() ({
      %run_scoped3A = tpu.sem_alloc : memref<!tpu.dma_semaphore, #tpu.memory_space<semaphore_mem>>
      %dma_start3A = tpu.memref_slice %arg7[%mul3A_15] : memref<10240xf32, #tpu.memory_space<vmem_shared>> -> memref<640xf32, #tpu.memory_space<vmem_shared>>
      %dma_start3A_30 = tpu.memref_slice %arg7[%mul3A_15] : memref<10240xf32, #tpu.memory_space<vmem_shared>> -> memref<640xf32, #tpu.memory_space<vmem_shared>>
      tpu.enqueue_dma source(%arg6 : memref<640xf32, #tpu.memory_space<vmem>>) target(%dma_start3A_30 : memref<640xf32, #tpu.memory_space<vmem_shared>>) target_semaphore(%run_scoped3A : memref<!tpu.dma_semaphore, #tpu.memory_space<semaphore_mem>>)
      %dma_wait3A = tpu.memref_slice %arg7[%mul3A_15] : memref<10240xf32, #tpu.memory_space<vmem_shared>> -> memref<640xf32, #tpu.memory_space<vmem_shared>>
      %dma_wait3A_31 = tpu.memref_slice %arg7[%mul3A_15] : memref<10240xf32, #tpu.memory_space<vmem_shared>> -> memref<640xf32, #tpu.memory_space<vmem_shared>>
      tpu.wait_dma2 semaphore(%run_scoped3A : memref<!tpu.dma_semaphore, #tpu.memory_space<semaphore_mem>>) src(%arg6 : memref<640xf32, #tpu.memory_space<vmem>>) dst(%dma_wait3A_31 : memref<640xf32, #tpu.memory_space<vmem_shared>>)
      tpu.yield
    }) : () -> ()
    %barrier3A = arith.constant 0 : index
    tpu.barrier barrier_id(%barrier3A)
    %while3A = arith.constant 0 : i32
    %while3A_16 = arith.constant 0 : i32
    %while3A_17 = arith.subi %select_n3A, %while3A_16 : i32
    %while3A_18 = arith.addi %while3A_16, %while3A_17 : i32
    %while3A_19 = arith.constant 1 : i32
    %while3A_20 = arith.divsi %while3A_17, %while3A_19 : i32
    %while3A_21 = arith.muli %while3A_20, %while3A_19 : i32
    %while3A_22 = arith.addi %while3A_16, %while3A_21 : i32
    %while3A_23 = arith.constant 1 : i32
    scf.for %while3A_30 = %while3A_16 to %while3A_22 step %while3A_23  : i32 {
      "tpu.region"() ({
        %run_scoped3A = tpu.sem_alloc : memref<!tpu.dma_semaphore, #tpu.memory_space<semaphore_mem>>
        %dma_start3A = arith.constant 0 : i32
        %dma_start3A_31 = tpu.memref_slice %arg4[%while3A_30, %dma_start3A] : memref<112x128xi32, #tpu.memory_space<vmem>> -> memref<1x128xi32, #tpu.memory_space<vmem>>
        %dma_start3A_32 = tpu.memref_squeeze %dma_start3A_31 : memref<1x128xi32, #tpu.memory_space<vmem>> -> memref<128xi32, #tpu.memory_space<vmem>>
        %dma_start3A_33 = arith.constant 0 : i32
        %dma_start3A_34 = tpu.memref_slice %arg7[%dma_start3A_33] : memref<10240xf32, #tpu.memory_space<vmem_shared>> -> memref<10240xf32, #tpu.memory_space<vmem_shared>>
        tpu.enqueue_indirect_dma source(%arg5 : memref<128xf32, #tpu.memory_space<vmem>>) target(%dma_start3A_34 : memref<10240xf32, #tpu.memory_space<vmem_shared>>) offsets(%dma_start3A_32 : memref<128xi32, #tpu.memory_space<vmem>>) semaphore(%run_scoped3A : memref<!tpu.dma_semaphore, #tpu.memory_space<semaphore_mem>>) {add = true}
        %dma_wait3A = arith.constant 0 : i32
        %dma_wait3A_35 = tpu.memref_slice %arg4[%while3A_30, %dma_wait3A] : memref<112x128xi32, #tpu.memory_space<vmem>> -> memref<1x128xi32, #tpu.memory_space<vmem>>
        %dma_wait3A_36 = tpu.memref_squeeze %dma_wait3A_35 : memref<1x128xi32, #tpu.memory_space<vmem>> -> memref<128xi32, #tpu.memory_space<vmem>>
        %dma_wait3A_37 = arith.constant 0 : i32
        %dma_wait3A_38 = tpu.memref_slice %arg7[%dma_wait3A_37] : memref<10240xf32, #tpu.memory_space<vmem_shared>> -> memref<10240xf32, #tpu.memory_space<vmem_shared>>
        tpu.wait_indirect_dma semaphore(%run_scoped3A : memref<!tpu.dma_semaphore, #tpu.memory_space<semaphore_mem>>) src(%arg5 : memref<128xf32, #tpu.memory_space<vmem>>) dst(%dma_wait3A_38 : memref<10240xf32, #tpu.memory_space<vmem_shared>>)
        tpu.yield
      }) : () -> ()
    }
    %while3A_24 = arith.constant 1 : i32
    scf.for %while3A_30 = %while3A_22 to %while3A_18 step %while3A_24  : i32 {
      "tpu.region"() ({
        %run_scoped3A = tpu.sem_alloc : memref<!tpu.dma_semaphore, #tpu.memory_space<semaphore_mem>>
        %dma_start3A = arith.constant 0 : i32
        %dma_start3A_31 = tpu.memref_slice %arg4[%while3A_30, %dma_start3A] : memref<112x128xi32, #tpu.memory_space<vmem>> -> memref<1x128xi32, #tpu.memory_space<vmem>>
        %dma_start3A_32 = tpu.memref_squeeze %dma_start3A_31 : memref<1x128xi32, #tpu.memory_space<vmem>> -> memref<128xi32, #tpu.memory_space<vmem>>
        %dma_start3A_33 = arith.constant 0 : i32
        %dma_start3A_34 = tpu.memref_slice %arg7[%dma_start3A_33] : memref<10240xf32, #tpu.memory_space<vmem_shared>> -> memref<10240xf32, #tpu.memory_space<vmem_shared>>
        tpu.enqueue_indirect_dma source(%arg5 : memref<128xf32, #tpu.memory_space<vmem>>) target(%dma_start3A_34 : memref<10240xf32, #tpu.memory_space<vmem_shared>>) offsets(%dma_start3A_32 : memref<128xi32, #tpu.memory_space<vmem>>) semaphore(%run_scoped3A : memref<!tpu.dma_semaphore, #tpu.memory_space<semaphore_mem>>) {add = true}
        %dma_wait3A = arith.constant 0 : i32
        %dma_wait3A_35 = tpu.memref_slice %arg4[%while3A_30, %dma_wait3A] : memref<112x128xi32, #tpu.memory_space<vmem>> -> memref<1x128xi32, #tpu.memory_space<vmem>>
        %dma_wait3A_36 = tpu.memref_squeeze %dma_wait3A_35 : memref<1x128xi32, #tpu.memory_space<vmem>> -> memref<128xi32, #tpu.memory_space<vmem>>
        %dma_wait3A_37 = arith.constant 0 : i32
        %dma_wait3A_38 = tpu.memref_slice %arg7[%dma_wait3A_37] : memref<10240xf32, #tpu.memory_space<vmem_shared>> -> memref<10240xf32, #tpu.memory_space<vmem_shared>>
        tpu.wait_indirect_dma semaphore(%run_scoped3A : memref<!tpu.dma_semaphore, #tpu.memory_space<semaphore_mem>>) src(%arg5 : memref<128xf32, #tpu.memory_space<vmem>>) dst(%dma_wait3A_38 : memref<10240xf32, #tpu.memory_space<vmem_shared>>)
        tpu.yield
      }) : () -> ()
    }
    %barrier3A_25 = arith.constant 0 : index
    tpu.barrier barrier_id(%barrier3A_25)
    %mul3A_26 = arith.constant 640 : i32
    %mul3A_27 = arith.muli %arg1, %mul3A_26 : i32
    %mul3A_28 = arith.constant 640 : i32
    %mul3A_29 = arith.muli %arg1, %mul3A_28 : i32
    "tpu.region"() ({
      %run_scoped3A = tpu.sem_alloc : memref<!tpu.dma_semaphore, #tpu.memory_space<semaphore_mem>>
      %dma_start3A = tpu.memref_slice %arg3[%arg0, %mul3A_29] : memref<2x10240xf32, #tpu.memory_space<hbm>> -> memref<1x640xf32, #tpu.memory_space<hbm>>
      %dma_start3A_30 = tpu.memref_squeeze %dma_start3A : memref<1x640xf32, #tpu.memory_space<hbm>> -> memref<640xf32, #tpu.memory_space<hbm>>
      %dma_start3A_31 = tpu.memref_slice %arg7[%mul3A_27] : memref<10240xf32, #tpu.memory_space<vmem_shared>> -> memref<640xf32, #tpu.memory_space<vmem_shared>>
      tpu.enqueue_dma source(%dma_start3A_31 : memref<640xf32, #tpu.memory_space<vmem_shared>>) target(%dma_start3A_30 : memref<640xf32, #tpu.memory_space<hbm>>) target_semaphore(%run_scoped3A : memref<!tpu.dma_semaphore, #tpu.memory_space<semaphore_mem>>)
      %dma_wait3A = tpu.memref_slice %arg3[%arg0, %mul3A_29] : memref<2x10240xf32, #tpu.memory_space<hbm>> -> memref<1x640xf32, #tpu.memory_space<hbm>>
      %dma_wait3A_32 = tpu.memref_squeeze %dma_wait3A : memref<1x640xf32, #tpu.memory_space<hbm>> -> memref<640xf32, #tpu.memory_space<hbm>>
      %dma_wait3A_33 = tpu.memref_slice %arg7[%mul3A_27] : memref<10240xf32, #tpu.memory_space<vmem_shared>> -> memref<640xf32, #tpu.memory_space<vmem_shared>>
      tpu.wait_dma2 semaphore(%run_scoped3A : memref<!tpu.dma_semaphore, #tpu.memory_space<semaphore_mem>>) src(%dma_wait3A_33 : memref<640xf32, #tpu.memory_space<vmem_shared>>) dst(%dma_wait3A_32 : memref<640xf32, #tpu.memory_space<hbm>>)
      tpu.yield
    }) : () -> ()
    return
  }
}

#map = affine_map<(d0, d1) -> (0, 0)>
#map1 = affine_map<(d0, d1) -> (0, 0, 0)>
module attributes {stable_mosaic.version = 14 : i64} {
  func.func @body(%arg0: i32, %arg1: i32, %arg2: memref<10240x128xf32, #tpu.memory_space<hbm>>, %arg3: memref<32x112x128xi32, #tpu.memory_space<hbm>>, %arg4: memref<32x112x128xi32, #tpu.memory_space<hbm>>, %arg5: memref<2x10240x128xf32, #tpu.memory_space<hbm>>, %arg6: memref<56x128xi32, #tpu.memory_space<vmem>>, %arg7: memref<56x128xi32, #tpu.memory_space<vmem>>, %arg8: memref<128x128xf32, #tpu.memory_space<vmem>>, %arg9: memref<128x128xf32, #tpu.memory_space<vmem>>, %arg10: memref<10240x128xf32, #tpu.memory_space<vmem_shared>>, %arg11: memref<!tpu.dma_semaphore, #tpu.memory_space<semaphore_mem>>, %arg12: memref<!tpu.dma_semaphore, #tpu.memory_space<semaphore_mem>>) attributes {dimension_semantics = [#tpu.dimension_semantics<core_parallel>, #tpu.dimension_semantics<subcore_parallel>], iteration_bounds = array<i64: 2, 16>, scalar_prefetch = 0 : i64, scratch_operands = 7 : i64, tpu.core_type = #tpu.core_type<sc_vector_subcore>, window_params = [{transform_indices = #map}, {transform_indices = #map1}, {transform_indices = #map1}, {transform_indices = #map1}]} {
    %mul3A = arith.constant 16 : i32
    %mul3A_0 = arith.muli %arg0, %mul3A : i32
    %add3A = arith.addi %mul3A_0, %arg1 : i32
    %eq3A = arith.constant 0 : i32
    %eq3A_1 = arith.cmpi eq, %arg0, %eq3A : i32
    %jit3A = arith.constant 97 : i32
    %jit3A_2 = arith.constant 60 : i32
    %select_n3A = arith.select %eq3A_1, %jit3A, %jit3A_2 : i32
    %mul3A_3 = arith.constant 640 : i32
    %mul3A_4 = arith.muli %arg1, %mul3A_3 : i32
    %mul3A_5 = arith.constant 640 : i32
    %mul3A_6 = arith.muli %arg1, %mul3A_5 : i32
    "tpu.region"() ({
      %run_scoped3A = tpu.sem_alloc : memref<!tpu.dma_semaphore, #tpu.memory_space<semaphore_mem>>
      %dma_start3A = arith.constant 0 : i32
      %dma_start3A_49 = tpu.memref_slice %arg10[%mul3A_6, %dma_start3A] : memref<10240x128xf32, #tpu.memory_space<vmem_shared>> -> memref<640x128xf32, #tpu.memory_space<vmem_shared>>
      %dma_start3A_50 = arith.constant 0 : i32
      %dma_start3A_51 = tpu.memref_slice %arg2[%mul3A_4, %dma_start3A_50] : memref<10240x128xf32, #tpu.memory_space<hbm>> -> memref<640x128xf32, #tpu.memory_space<hbm>>
      tpu.enqueue_dma source(%dma_start3A_51 : memref<640x128xf32, #tpu.memory_space<hbm>>) target(%dma_start3A_49 : memref<640x128xf32, #tpu.memory_space<vmem_shared>>) target_semaphore(%run_scoped3A : memref<!tpu.dma_semaphore, #tpu.memory_space<semaphore_mem>>)
      %dma_wait3A = arith.constant 0 : i32
      %dma_wait3A_52 = tpu.memref_slice %arg10[%mul3A_6, %dma_wait3A] : memref<10240x128xf32, #tpu.memory_space<vmem_shared>> -> memref<640x128xf32, #tpu.memory_space<vmem_shared>>
      %dma_wait3A_53 = arith.constant 0 : i32
      %dma_wait3A_54 = tpu.memref_slice %arg2[%mul3A_4, %dma_wait3A_53] : memref<10240x128xf32, #tpu.memory_space<hbm>> -> memref<640x128xf32, #tpu.memory_space<hbm>>
      tpu.wait_dma2 semaphore(%run_scoped3A : memref<!tpu.dma_semaphore, #tpu.memory_space<semaphore_mem>>) src(%dma_wait3A_54 : memref<640x128xf32, #tpu.memory_space<hbm>>) dst(%dma_wait3A_52 : memref<640x128xf32, #tpu.memory_space<vmem_shared>>)
      tpu.yield
    }) : () -> ()
    %barrier3A = arith.constant 0 : index
    tpu.barrier barrier_id(%barrier3A)
    %min3A = arith.constant 56 : i32
    %min3A_7 = arith.minsi %select_n3A, %min3A : i32
    "tpu.region"() ({
      %run_scoped3A = tpu.sem_alloc : memref<!tpu.dma_semaphore, #tpu.memory_space<semaphore_mem>>
      %dma_start3A = arith.constant 0 : i32
      %dma_start3A_49 = arith.constant 0 : i32
      %dma_start3A_50 = tpu.memref_slice %arg3[%add3A, %dma_start3A, %dma_start3A_49] : memref<32x112x128xi32, #tpu.memory_space<hbm>> -> memref<1x56x128xi32, #tpu.memory_space<hbm>>
      %dma_start3A_51 = tpu.memref_squeeze %dma_start3A_50 : memref<1x56x128xi32, #tpu.memory_space<hbm>> -> memref<56x128xi32, #tpu.memory_space<hbm>>
      %dma_start3A_52 = arith.constant 0 : i32
      %dma_start3A_53 = arith.constant 0 : i32
      %dma_start3A_54 = tpu.memref_slice %arg3[%add3A, %dma_start3A_52, %dma_start3A_53] : memref<32x112x128xi32, #tpu.memory_space<hbm>> -> memref<1x56x128xi32, #tpu.memory_space<hbm>>
      %dma_start3A_55 = tpu.memref_squeeze %dma_start3A_54 : memref<1x56x128xi32, #tpu.memory_space<hbm>> -> memref<56x128xi32, #tpu.memory_space<hbm>>
      tpu.enqueue_dma source(%dma_start3A_55 : memref<56x128xi32, #tpu.memory_space<hbm>>) target(%arg6 : memref<56x128xi32, #tpu.memory_space<vmem>>) target_semaphore(%run_scoped3A : memref<!tpu.dma_semaphore, #tpu.memory_space<semaphore_mem>>)
      %dma_wait3A = arith.constant 0 : i32
      %dma_wait3A_56 = arith.constant 0 : i32
      %dma_wait3A_57 = tpu.memref_slice %arg3[%add3A, %dma_wait3A, %dma_wait3A_56] : memref<32x112x128xi32, #tpu.memory_space<hbm>> -> memref<1x56x128xi32, #tpu.memory_space<hbm>>
      %dma_wait3A_58 = tpu.memref_squeeze %dma_wait3A_57 : memref<1x56x128xi32, #tpu.memory_space<hbm>> -> memref<56x128xi32, #tpu.memory_space<hbm>>
      %dma_wait3A_59 = arith.constant 0 : i32
      %dma_wait3A_60 = arith.constant 0 : i32
      %dma_wait3A_61 = tpu.memref_slice %arg3[%add3A, %dma_wait3A_59, %dma_wait3A_60] : memref<32x112x128xi32, #tpu.memory_space<hbm>> -> memref<1x56x128xi32, #tpu.memory_space<hbm>>
      %dma_wait3A_62 = tpu.memref_squeeze %dma_wait3A_61 : memref<1x56x128xi32, #tpu.memory_space<hbm>> -> memref<56x128xi32, #tpu.memory_space<hbm>>
      tpu.wait_dma2 semaphore(%run_scoped3A : memref<!tpu.dma_semaphore, #tpu.memory_space<semaphore_mem>>) src(%dma_wait3A_62 : memref<56x128xi32, #tpu.memory_space<hbm>>) dst(%arg6 : memref<56x128xi32, #tpu.memory_space<vmem>>)
      tpu.yield
    }) : () -> ()
    "tpu.region"() ({
      %run_scoped3A = tpu.sem_alloc : memref<!tpu.dma_semaphore, #tpu.memory_space<semaphore_mem>>
      %dma_start3A = arith.constant 0 : i32
      %dma_start3A_49 = arith.constant 0 : i32
      %dma_start3A_50 = tpu.memref_slice %arg4[%add3A, %dma_start3A, %dma_start3A_49] : memref<32x112x128xi32, #tpu.memory_space<hbm>> -> memref<1x56x128xi32, #tpu.memory_space<hbm>>
      %dma_start3A_51 = tpu.memref_squeeze %dma_start3A_50 : memref<1x56x128xi32, #tpu.memory_space<hbm>> -> memref<56x128xi32, #tpu.memory_space<hbm>>
      %dma_start3A_52 = arith.constant 0 : i32
      %dma_start3A_53 = arith.constant 0 : i32
      %dma_start3A_54 = tpu.memref_slice %arg4[%add3A, %dma_start3A_52, %dma_start3A_53] : memref<32x112x128xi32, #tpu.memory_space<hbm>> -> memref<1x56x128xi32, #tpu.memory_space<hbm>>
      %dma_start3A_55 = tpu.memref_squeeze %dma_start3A_54 : memref<1x56x128xi32, #tpu.memory_space<hbm>> -> memref<56x128xi32, #tpu.memory_space<hbm>>
      tpu.enqueue_dma source(%dma_start3A_55 : memref<56x128xi32, #tpu.memory_space<hbm>>) target(%arg7 : memref<56x128xi32, #tpu.memory_space<vmem>>) target_semaphore(%run_scoped3A : memref<!tpu.dma_semaphore, #tpu.memory_space<semaphore_mem>>)
      %dma_wait3A = arith.constant 0 : i32
      %dma_wait3A_56 = arith.constant 0 : i32
      %dma_wait3A_57 = tpu.memref_slice %arg4[%add3A, %dma_wait3A, %dma_wait3A_56] : memref<32x112x128xi32, #tpu.memory_space<hbm>> -> memref<1x56x128xi32, #tpu.memory_space<hbm>>
      %dma_wait3A_58 = tpu.memref_squeeze %dma_wait3A_57 : memref<1x56x128xi32, #tpu.memory_space<hbm>> -> memref<56x128xi32, #tpu.memory_space<hbm>>
      %dma_wait3A_59 = arith.constant 0 : i32
      %dma_wait3A_60 = arith.constant 0 : i32
      %dma_wait3A_61 = tpu.memref_slice %arg4[%add3A, %dma_wait3A_59, %dma_wait3A_60] : memref<32x112x128xi32, #tpu.memory_space<hbm>> -> memref<1x56x128xi32, #tpu.memory_space<hbm>>
      %dma_wait3A_62 = tpu.memref_squeeze %dma_wait3A_61 : memref<1x56x128xi32, #tpu.memory_space<hbm>> -> memref<56x128xi32, #tpu.memory_space<hbm>>
      tpu.wait_dma2 semaphore(%run_scoped3A : memref<!tpu.dma_semaphore, #tpu.memory_space<semaphore_mem>>) src(%dma_wait3A_62 : memref<56x128xi32, #tpu.memory_space<hbm>>) dst(%arg7 : memref<56x128xi32, #tpu.memory_space<vmem>>)
      tpu.yield
    }) : () -> ()
    %gt3A = arith.constant 0 : i32
    %gt3A_8 = arith.cmpi sgt, %min3A_7, %gt3A : i32
    %convert_element_type3A = arith.extui %gt3A_8 : i1 to i32
    %cond3A = arith.constant 0 : i32
    %cond3A_9 = arith.cmpi ne, %convert_element_type3A, %cond3A : i32
    scf.if %cond3A_9 {
      %dma_start3A = arith.constant 0 : i32
      %dma_start3A_49 = arith.constant 0 : i32
      %dma_start3A_50 = tpu.memref_slice %arg6[%dma_start3A, %dma_start3A_49] : memref<56x128xi32, #tpu.memory_space<vmem>> -> memref<1x128xi32, #tpu.memory_space<vmem>>
      %dma_start3A_51 = tpu.memref_squeeze %dma_start3A_50 : memref<1x128xi32, #tpu.memory_space<vmem>> -> memref<128xi32, #tpu.memory_space<vmem>>
      %dma_start3A_52 = arith.constant 0 : i32
      %dma_start3A_53 = arith.constant 0 : i32
      %dma_start3A_54 = tpu.memref_slice %arg2[%dma_start3A_52, %dma_start3A_53] : memref<10240x128xf32, #tpu.memory_space<hbm>> -> memref<10240x128xf32, #tpu.memory_space<hbm>>
      tpu.enqueue_indirect_dma source(%dma_start3A_54 : memref<10240x128xf32, #tpu.memory_space<hbm>>) target(%arg8 : memref<128x128xf32, #tpu.memory_space<vmem>>) offsets(%dma_start3A_51 : memref<128xi32, #tpu.memory_space<vmem>>) semaphore(%arg11 : memref<!tpu.dma_semaphore, #tpu.memory_space<semaphore_mem>>)
    } else {
    }
    %gt3A_10 = arith.constant 1 : i32
    %gt3A_11 = arith.cmpi sgt, %min3A_7, %gt3A_10 : i32
    %convert_element_type3A_12 = arith.extui %gt3A_11 : i1 to i32
    %cond3A_13 = arith.constant 0 : i32
    %cond3A_14 = arith.cmpi ne, %convert_element_type3A_12, %cond3A_13 : i32
    scf.if %cond3A_14 {
      %dma_start3A = arith.constant 1 : i32
      %dma_start3A_49 = arith.constant 0 : i32
      %dma_start3A_50 = tpu.memref_slice %arg6[%dma_start3A, %dma_start3A_49] : memref<56x128xi32, #tpu.memory_space<vmem>> -> memref<1x128xi32, #tpu.memory_space<vmem>>
      %dma_start3A_51 = tpu.memref_squeeze %dma_start3A_50 : memref<1x128xi32, #tpu.memory_space<vmem>> -> memref<128xi32, #tpu.memory_space<vmem>>
      %dma_start3A_52 = arith.constant 0 : i32
      %dma_start3A_53 = arith.constant 0 : i32
      %dma_start3A_54 = tpu.memref_slice %arg2[%dma_start3A_52, %dma_start3A_53] : memref<10240x128xf32, #tpu.memory_space<hbm>> -> memref<10240x128xf32, #tpu.memory_space<hbm>>
      tpu.enqueue_indirect_dma source(%dma_start3A_54 : memref<10240x128xf32, #tpu.memory_space<hbm>>) target(%arg9 : memref<128x128xf32, #tpu.memory_space<vmem>>) offsets(%dma_start3A_51 : memref<128xi32, #tpu.memory_space<vmem>>) semaphore(%arg12 : memref<!tpu.dma_semaphore, #tpu.memory_space<semaphore_mem>>)
    } else {
    }
    %while3A = arith.constant 0 : i32
    %while3A_15 = arith.constant 0 : i32
    %while3A_16 = arith.subi %min3A_7, %while3A_15 : i32
    %while3A_17 = arith.addi %while3A_15, %while3A_16 : i32
    %while3A_18 = arith.constant 1 : i32
    %while3A_19 = arith.divsi %while3A_16, %while3A_18 : i32
    %while3A_20 = arith.muli %while3A_19, %while3A_18 : i32
    %while3A_21 = arith.addi %while3A_15, %while3A_20 : i32
    %while3A_22 = arith.constant 1 : i32
    scf.for %while3A_49 = %while3A_15 to %while3A_21 step %while3A_22  : i32 {
      %jit3A_50 = arith.constant 2 : i32
      %eq3A_51 = arith.constant 0 : i32
      %eq3A_52 = arith.cmpi eq, %jit3A_50, %eq3A_51 : i32
      %jit3A_53 = arith.constant 1 : i32
      %select_n3A_54 = arith.select %eq3A_52, %jit3A_53, %jit3A_50 : i32
      %rem3A = arith.remsi %while3A_49, %select_n3A_54 : i32
      %ne3A = arith.constant 0 : i32
      %ne3A_55 = arith.cmpi ne, %rem3A, %ne3A : i32
      %lt3A = arith.constant 0 : i32
      %lt3A_56 = arith.cmpi slt, %rem3A, %lt3A : i32
      %lt3A_57 = arith.constant 0 : i32
      %lt3A_58 = arith.cmpi slt, %select_n3A_54, %lt3A_57 : i32
      %ne3A_59 = arith.xori %lt3A_56, %lt3A_58 : i1
      %and3A = arith.andi %ne3A_59, %ne3A_55 : i1
      %add3A_60 = arith.addi %rem3A, %select_n3A_54 : i32
      %select_n3A_61 = arith.select %and3A, %add3A_60, %rem3A : i32
      %eq3A_62 = arith.constant 0 : i32
      %eq3A_63 = arith.cmpi eq, %select_n3A_61, %eq3A_62 : i32
      %convert_element_type3A_64 = arith.extui %eq3A_63 : i1 to i32
      %cond3A_65 = arith.constant 0 : i32
      %cond3A_66 = arith.cmpi ne, %convert_element_type3A_64, %cond3A_65 : i32
      scf.if %cond3A_66 {
        %dma_wait3A = arith.constant 0 : i32
        %dma_wait3A_88 = tpu.memref_slice %arg6[%while3A_49, %dma_wait3A] : memref<56x128xi32, #tpu.memory_space<vmem>> -> memref<1x128xi32, #tpu.memory_space<vmem>>
        %dma_wait3A_89 = tpu.memref_squeeze %dma_wait3A_88 : memref<1x128xi32, #tpu.memory_space<vmem>> -> memref<128xi32, #tpu.memory_space<vmem>>
        %dma_wait3A_90 = arith.constant 0 : i32
        %dma_wait3A_91 = arith.constant 0 : i32
        %dma_wait3A_92 = tpu.memref_slice %arg2[%dma_wait3A_90, %dma_wait3A_91] : memref<10240x128xf32, #tpu.memory_space<hbm>> -> memref<10240x128xf32, #tpu.memory_space<hbm>>
        tpu.wait_indirect_dma semaphore(%arg11 : memref<!tpu.dma_semaphore, #tpu.memory_space<semaphore_mem>>) src(%dma_wait3A_92 : memref<10240x128xf32, #tpu.memory_space<hbm>>) dst(%arg8 : memref<128x128xf32, #tpu.memory_space<vmem>>)
        "tpu.region"() ({
          %run_scoped3A = tpu.sem_alloc : memref<!tpu.dma_semaphore, #tpu.memory_space<semaphore_mem>>
          %dma_start3A = arith.constant 0 : i32
          %dma_start3A_99 = tpu.memref_slice %arg7[%while3A_49, %dma_start3A] : memref<56x128xi32, #tpu.memory_space<vmem>> -> memref<1x128xi32, #tpu.memory_space<vmem>>
          %dma_start3A_100 = tpu.memref_squeeze %dma_start3A_99 : memref<1x128xi32, #tpu.memory_space<vmem>> -> memref<128xi32, #tpu.memory_space<vmem>>
          %dma_start3A_101 = arith.constant 0 : i32
          %dma_start3A_102 = arith.constant 0 : i32
          %dma_start3A_103 = tpu.memref_slice %arg10[%dma_start3A_101, %dma_start3A_102] : memref<10240x128xf32, #tpu.memory_space<vmem_shared>> -> memref<10240x128xf32, #tpu.memory_space<vmem_shared>>
          tpu.enqueue_indirect_dma source(%arg8 : memref<128x128xf32, #tpu.memory_space<vmem>>) target(%dma_start3A_103 : memref<10240x128xf32, #tpu.memory_space<vmem_shared>>) offsets(%dma_start3A_100 : memref<128xi32, #tpu.memory_space<vmem>>) semaphore(%run_scoped3A : memref<!tpu.dma_semaphore, #tpu.memory_space<semaphore_mem>>) {add = true}
          %dma_wait3A_104 = arith.constant 0 : i32
          %dma_wait3A_105 = tpu.memref_slice %arg7[%while3A_49, %dma_wait3A_104] : memref<56x128xi32, #tpu.memory_space<vmem>> -> memref<1x128xi32, #tpu.memory_space<vmem>>
          %dma_wait3A_106 = tpu.memref_squeeze %dma_wait3A_105 : memref<1x128xi32, #tpu.memory_space<vmem>> -> memref<128xi32, #tpu.memory_space<vmem>>
          %dma_wait3A_107 = arith.constant 0 : i32
          %dma_wait3A_108 = arith.constant 0 : i32
          %dma_wait3A_109 = tpu.memref_slice %arg10[%dma_wait3A_107, %dma_wait3A_108] : memref<10240x128xf32, #tpu.memory_space<vmem_shared>> -> memref<10240x128xf32, #tpu.memory_space<vmem_shared>>
          tpu.wait_indirect_dma semaphore(%run_scoped3A : memref<!tpu.dma_semaphore, #tpu.memory_space<semaphore_mem>>) src(%arg8 : memref<128x128xf32, #tpu.memory_space<vmem>>) dst(%dma_wait3A_109 : memref<10240x128xf32, #tpu.memory_space<vmem_shared>>)
          tpu.yield
        }) : () -> ()
        %add3A_93 = arith.constant 2 : i32
        %add3A_94 = arith.addi %while3A_49, %add3A_93 : i32
        %lt3A_95 = arith.cmpi slt, %add3A_94, %min3A_7 : i32
        %convert_element_type3A_96 = arith.extui %lt3A_95 : i1 to i32
        %cond3A_97 = arith.constant 0 : i32
        %cond3A_98 = arith.cmpi ne, %convert_element_type3A_96, %cond3A_97 : i32
        scf.if %cond3A_98 {
          %add3A_99 = arith.constant 2 : i32
          %add3A_100 = arith.addi %while3A_49, %add3A_99 : i32
          %dma_start3A = arith.constant 0 : i32
          %dma_start3A_101 = tpu.memref_slice %arg6[%add3A_100, %dma_start3A] : memref<56x128xi32, #tpu.memory_space<vmem>> -> memref<1x128xi32, #tpu.memory_space<vmem>>
          %dma_start3A_102 = tpu.memref_squeeze %dma_start3A_101 : memref<1x128xi32, #tpu.memory_space<vmem>> -> memref<128xi32, #tpu.memory_space<vmem>>
          %dma_start3A_103 = arith.constant 0 : i32
          %dma_start3A_104 = arith.constant 0 : i32
          %dma_start3A_105 = tpu.memref_slice %arg2[%dma_start3A_103, %dma_start3A_104] : memref<10240x128xf32, #tpu.memory_space<hbm>> -> memref<10240x128xf32, #tpu.memory_space<hbm>>
          tpu.enqueue_indirect_dma source(%dma_start3A_105 : memref<10240x128xf32, #tpu.memory_space<hbm>>) target(%arg8 : memref<128x128xf32, #tpu.memory_space<vmem>>) offsets(%dma_start3A_102 : memref<128xi32, #tpu.memory_space<vmem>>) semaphore(%arg11 : memref<!tpu.dma_semaphore, #tpu.memory_space<semaphore_mem>>)
        } else {
        }
      } else {
      }
      %jit3A_67 = arith.constant 2 : i32
      %eq3A_68 = arith.constant 0 : i32
      %eq3A_69 = arith.cmpi eq, %jit3A_67, %eq3A_68 : i32
      %jit3A_70 = arith.constant 1 : i32
      %select_n3A_71 = arith.select %eq3A_69, %jit3A_70, %jit3A_67 : i32
      %rem3A_72 = arith.remsi %while3A_49, %select_n3A_71 : i32
      %ne3A_73 = arith.constant 0 : i32
      %ne3A_74 = arith.cmpi ne, %rem3A_72, %ne3A_73 : i32
      %lt3A_75 = arith.constant 0 : i32
      %lt3A_76 = arith.cmpi slt, %rem3A_72, %lt3A_75 : i32
      %lt3A_77 = arith.constant 0 : i32
      %lt3A_78 = arith.cmpi slt, %select_n3A_71, %lt3A_77 : i32
      %ne3A_79 = arith.xori %lt3A_76, %lt3A_78 : i1
      %and3A_80 = arith.andi %ne3A_79, %ne3A_74 : i1
      %add3A_81 = arith.addi %rem3A_72, %select_n3A_71 : i32
      %select_n3A_82 = arith.select %and3A_80, %add3A_81, %rem3A_72 : i32
      %eq3A_83 = arith.constant 1 : i32
      %eq3A_84 = arith.cmpi eq, %select_n3A_82, %eq3A_83 : i32
      %convert_element_type3A_85 = arith.extui %eq3A_84 : i1 to i32
      %cond3A_86 = arith.constant 0 : i32
      %cond3A_87 = arith.cmpi ne, %convert_element_type3A_85, %cond3A_86 : i32
      scf.if %cond3A_87 {
        %dma_wait3A = arith.constant 0 : i32
        %dma_wait3A_88 = tpu.memref_slice %arg6[%while3A_49, %dma_wait3A] : memref<56x128xi32, #tpu.memory_space<vmem>> -> memref<1x128xi32, #tpu.memory_space<vmem>>
        %dma_wait3A_89 = tpu.memref_squeeze %dma_wait3A_88 : memref<1x128xi32, #tpu.memory_space<vmem>> -> memref<128xi32, #tpu.memory_space<vmem>>
        %dma_wait3A_90 = arith.constant 0 : i32
        %dma_wait3A_91 = arith.constant 0 : i32
        %dma_wait3A_92 = tpu.memref_slice %arg2[%dma_wait3A_90, %dma_wait3A_91] : memref<10240x128xf32, #tpu.memory_space<hbm>> -> memref<10240x128xf32, #tpu.memory_space<hbm>>
        tpu.wait_indirect_dma semaphore(%arg12 : memref<!tpu.dma_semaphore, #tpu.memory_space<semaphore_mem>>) src(%dma_wait3A_92 : memref<10240x128xf32, #tpu.memory_space<hbm>>) dst(%arg9 : memref<128x128xf32, #tpu.memory_space<vmem>>)
        "tpu.region"() ({
          %run_scoped3A = tpu.sem_alloc : memref<!tpu.dma_semaphore, #tpu.memory_space<semaphore_mem>>
          %dma_start3A = arith.constant 0 : i32
          %dma_start3A_99 = tpu.memref_slice %arg7[%while3A_49, %dma_start3A] : memref<56x128xi32, #tpu.memory_space<vmem>> -> memref<1x128xi32, #tpu.memory_space<vmem>>
          %dma_start3A_100 = tpu.memref_squeeze %dma_start3A_99 : memref<1x128xi32, #tpu.memory_space<vmem>> -> memref<128xi32, #tpu.memory_space<vmem>>
          %dma_start3A_101 = arith.constant 0 : i32
          %dma_start3A_102 = arith.constant 0 : i32
          %dma_start3A_103 = tpu.memref_slice %arg10[%dma_start3A_101, %dma_start3A_102] : memref<10240x128xf32, #tpu.memory_space<vmem_shared>> -> memref<10240x128xf32, #tpu.memory_space<vmem_shared>>
          tpu.enqueue_indirect_dma source(%arg9 : memref<128x128xf32, #tpu.memory_space<vmem>>) target(%dma_start3A_103 : memref<10240x128xf32, #tpu.memory_space<vmem_shared>>) offsets(%dma_start3A_100 : memref<128xi32, #tpu.memory_space<vmem>>) semaphore(%run_scoped3A : memref<!tpu.dma_semaphore, #tpu.memory_space<semaphore_mem>>) {add = true}
          %dma_wait3A_104 = arith.constant 0 : i32
          %dma_wait3A_105 = tpu.memref_slice %arg7[%while3A_49, %dma_wait3A_104] : memref<56x128xi32, #tpu.memory_space<vmem>> -> memref<1x128xi32, #tpu.memory_space<vmem>>
          %dma_wait3A_106 = tpu.memref_squeeze %dma_wait3A_105 : memref<1x128xi32, #tpu.memory_space<vmem>> -> memref<128xi32, #tpu.memory_space<vmem>>
          %dma_wait3A_107 = arith.constant 0 : i32
          %dma_wait3A_108 = arith.constant 0 : i32
          %dma_wait3A_109 = tpu.memref_slice %arg10[%dma_wait3A_107, %dma_wait3A_108] : memref<10240x128xf32, #tpu.memory_space<vmem_shared>> -> memref<10240x128xf32, #tpu.memory_space<vmem_shared>>
          tpu.wait_indirect_dma semaphore(%run_scoped3A : memref<!tpu.dma_semaphore, #tpu.memory_space<semaphore_mem>>) src(%arg9 : memref<128x128xf32, #tpu.memory_space<vmem>>) dst(%dma_wait3A_109 : memref<10240x128xf32, #tpu.memory_space<vmem_shared>>)
          tpu.yield
        }) : () -> ()
        %add3A_93 = arith.constant 2 : i32
        %add3A_94 = arith.addi %while3A_49, %add3A_93 : i32
        %lt3A_95 = arith.cmpi slt, %add3A_94, %min3A_7 : i32
        %convert_element_type3A_96 = arith.extui %lt3A_95 : i1 to i32
        %cond3A_97 = arith.constant 0 : i32
        %cond3A_98 = arith.cmpi ne, %convert_element_type3A_96, %cond3A_97 : i32
        scf.if %cond3A_98 {
          %add3A_99 = arith.constant 2 : i32
          %add3A_100 = arith.addi %while3A_49, %add3A_99 : i32
          %dma_start3A = arith.constant 0 : i32
          %dma_start3A_101 = tpu.memref_slice %arg6[%add3A_100, %dma_start3A] : memref<56x128xi32, #tpu.memory_space<vmem>> -> memref<1x128xi32, #tpu.memory_space<vmem>>
          %dma_start3A_102 = tpu.memref_squeeze %dma_start3A_101 : memref<1x128xi32, #tpu.memory_space<vmem>> -> memref<128xi32, #tpu.memory_space<vmem>>
          %dma_start3A_103 = arith.constant 0 : i32
          %dma_start3A_104 = arith.constant 0 : i32
          %dma_start3A_105 = tpu.memref_slice %arg2[%dma_start3A_103, %dma_start3A_104] : memref<10240x128xf32, #tpu.memory_space<hbm>> -> memref<10240x128xf32, #tpu.memory_space<hbm>>
          tpu.enqueue_indirect_dma source(%dma_start3A_105 : memref<10240x128xf32, #tpu.memory_space<hbm>>) target(%arg9 : memref<128x128xf32, #tpu.memory_space<vmem>>) offsets(%dma_start3A_102 : memref<128xi32, #tpu.memory_space<vmem>>) semaphore(%arg12 : memref<!tpu.dma_semaphore, #tpu.memory_space<semaphore_mem>>)
        } else {
        }
      } else {
      }
    }
    %while3A_23 = arith.constant 1 : i32
    scf.for %while3A_49 = %while3A_21 to %while3A_17 step %while3A_23  : i32 {
      %jit3A_50 = arith.constant 2 : i32
      %eq3A_51 = arith.constant 0 : i32
      %eq3A_52 = arith.cmpi eq, %jit3A_50, %eq3A_51 : i32
      %jit3A_53 = arith.constant 1 : i32
      %select_n3A_54 = arith.select %eq3A_52, %jit3A_53, %jit3A_50 : i32
      %rem3A = arith.remsi %while3A_49, %select_n3A_54 : i32
      %ne3A = arith.constant 0 : i32
      %ne3A_55 = arith.cmpi ne, %rem3A, %ne3A : i32
      %lt3A = arith.constant 0 : i32
      %lt3A_56 = arith.cmpi slt, %rem3A, %lt3A : i32
      %lt3A_57 = arith.constant 0 : i32
      %lt3A_58 = arith.cmpi slt, %select_n3A_54, %lt3A_57 : i32
      %ne3A_59 = arith.xori %lt3A_56, %lt3A_58 : i1
      %and3A = arith.andi %ne3A_59, %ne3A_55 : i1
      %add3A_60 = arith.addi %rem3A, %select_n3A_54 : i32
      %select_n3A_61 = arith.select %and3A, %add3A_60, %rem3A : i32
      %eq3A_62 = arith.constant 0 : i32
      %eq3A_63 = arith.cmpi eq, %select_n3A_61, %eq3A_62 : i32
      %convert_element_type3A_64 = arith.extui %eq3A_63 : i1 to i32
      %cond3A_65 = arith.constant 0 : i32
      %cond3A_66 = arith.cmpi ne, %convert_element_type3A_64, %cond3A_65 : i32
      scf.if %cond3A_66 {
        %dma_wait3A = arith.constant 0 : i32
        %dma_wait3A_88 = tpu.memref_slice %arg6[%while3A_49, %dma_wait3A] : memref<56x128xi32, #tpu.memory_space<vmem>> -> memref<1x128xi32, #tpu.memory_space<vmem>>
        %dma_wait3A_89 = tpu.memref_squeeze %dma_wait3A_88 : memref<1x128xi32, #tpu.memory_space<vmem>> -> memref<128xi32, #tpu.memory_space<vmem>>
        %dma_wait3A_90 = arith.constant 0 : i32
        %dma_wait3A_91 = arith.constant 0 : i32
        %dma_wait3A_92 = tpu.memref_slice %arg2[%dma_wait3A_90, %dma_wait3A_91] : memref<10240x128xf32, #tpu.memory_space<hbm>> -> memref<10240x128xf32, #tpu.memory_space<hbm>>
        tpu.wait_indirect_dma semaphore(%arg11 : memref<!tpu.dma_semaphore, #tpu.memory_space<semaphore_mem>>) src(%dma_wait3A_92 : memref<10240x128xf32, #tpu.memory_space<hbm>>) dst(%arg8 : memref<128x128xf32, #tpu.memory_space<vmem>>)
        "tpu.region"() ({
          %run_scoped3A = tpu.sem_alloc : memref<!tpu.dma_semaphore, #tpu.memory_space<semaphore_mem>>
          %dma_start3A = arith.constant 0 : i32
          %dma_start3A_99 = tpu.memref_slice %arg7[%while3A_49, %dma_start3A] : memref<56x128xi32, #tpu.memory_space<vmem>> -> memref<1x128xi32, #tpu.memory_space<vmem>>
          %dma_start3A_100 = tpu.memref_squeeze %dma_start3A_99 : memref<1x128xi32, #tpu.memory_space<vmem>> -> memref<128xi32, #tpu.memory_space<vmem>>
          %dma_start3A_101 = arith.constant 0 : i32
          %dma_start3A_102 = arith.constant 0 : i32
          %dma_start3A_103 = tpu.memref_slice %arg10[%dma_start3A_101, %dma_start3A_102] : memref<10240x128xf32, #tpu.memory_space<vmem_shared>> -> memref<10240x128xf32, #tpu.memory_space<vmem_shared>>
          tpu.enqueue_indirect_dma source(%arg8 : memref<128x128xf32, #tpu.memory_space<vmem>>) target(%dma_start3A_103 : memref<10240x128xf32, #tpu.memory_space<vmem_shared>>) offsets(%dma_start3A_100 : memref<128xi32, #tpu.memory_space<vmem>>) semaphore(%run_scoped3A : memref<!tpu.dma_semaphore, #tpu.memory_space<semaphore_mem>>) {add = true}
          %dma_wait3A_104 = arith.constant 0 : i32
          %dma_wait3A_105 = tpu.memref_slice %arg7[%while3A_49, %dma_wait3A_104] : memref<56x128xi32, #tpu.memory_space<vmem>> -> memref<1x128xi32, #tpu.memory_space<vmem>>
          %dma_wait3A_106 = tpu.memref_squeeze %dma_wait3A_105 : memref<1x128xi32, #tpu.memory_space<vmem>> -> memref<128xi32, #tpu.memory_space<vmem>>
          %dma_wait3A_107 = arith.constant 0 : i32
          %dma_wait3A_108 = arith.constant 0 : i32
          %dma_wait3A_109 = tpu.memref_slice %arg10[%dma_wait3A_107, %dma_wait3A_108] : memref<10240x128xf32, #tpu.memory_space<vmem_shared>> -> memref<10240x128xf32, #tpu.memory_space<vmem_shared>>
          tpu.wait_indirect_dma semaphore(%run_scoped3A : memref<!tpu.dma_semaphore, #tpu.memory_space<semaphore_mem>>) src(%arg8 : memref<128x128xf32, #tpu.memory_space<vmem>>) dst(%dma_wait3A_109 : memref<10240x128xf32, #tpu.memory_space<vmem_shared>>)
          tpu.yield
        }) : () -> ()
        %add3A_93 = arith.constant 2 : i32
        %add3A_94 = arith.addi %while3A_49, %add3A_93 : i32
        %lt3A_95 = arith.cmpi slt, %add3A_94, %min3A_7 : i32
        %convert_element_type3A_96 = arith.extui %lt3A_95 : i1 to i32
        %cond3A_97 = arith.constant 0 : i32
        %cond3A_98 = arith.cmpi ne, %convert_element_type3A_96, %cond3A_97 : i32
        scf.if %cond3A_98 {
          %add3A_99 = arith.constant 2 : i32
          %add3A_100 = arith.addi %while3A_49, %add3A_99 : i32
          %dma_start3A = arith.constant 0 : i32
          %dma_start3A_101 = tpu.memref_slice %arg6[%add3A_100, %dma_start3A] : memref<56x128xi32, #tpu.memory_space<vmem>> -> memref<1x128xi32, #tpu.memory_space<vmem>>
          %dma_start3A_102 = tpu.memref_squeeze %dma_start3A_101 : memref<1x128xi32, #tpu.memory_space<vmem>> -> memref<128xi32, #tpu.memory_space<vmem>>
          %dma_start3A_103 = arith.constant 0 : i32
          %dma_start3A_104 = arith.constant 0 : i32
          %dma_start3A_105 = tpu.memref_slice %arg2[%dma_start3A_103, %dma_start3A_104] : memref<10240x128xf32, #tpu.memory_space<hbm>> -> memref<10240x128xf32, #tpu.memory_space<hbm>>
          tpu.enqueue_indirect_dma source(%dma_start3A_105 : memref<10240x128xf32, #tpu.memory_space<hbm>>) target(%arg8 : memref<128x128xf32, #tpu.memory_space<vmem>>) offsets(%dma_start3A_102 : memref<128xi32, #tpu.memory_space<vmem>>) semaphore(%arg11 : memref<!tpu.dma_semaphore, #tpu.memory_space<semaphore_mem>>)
        } else {
        }
      } else {
      }
      %jit3A_67 = arith.constant 2 : i32
      %eq3A_68 = arith.constant 0 : i32
      %eq3A_69 = arith.cmpi eq, %jit3A_67, %eq3A_68 : i32
      %jit3A_70 = arith.constant 1 : i32
      %select_n3A_71 = arith.select %eq3A_69, %jit3A_70, %jit3A_67 : i32
      %rem3A_72 = arith.remsi %while3A_49, %select_n3A_71 : i32
      %ne3A_73 = arith.constant 0 : i32
      %ne3A_74 = arith.cmpi ne, %rem3A_72, %ne3A_73 : i32
      %lt3A_75 = arith.constant 0 : i32
      %lt3A_76 = arith.cmpi slt, %rem3A_72, %lt3A_75 : i32
      %lt3A_77 = arith.constant 0 : i32
      %lt3A_78 = arith.cmpi slt, %select_n3A_71, %lt3A_77 : i32
      %ne3A_79 = arith.xori %lt3A_76, %lt3A_78 : i1
      %and3A_80 = arith.andi %ne3A_79, %ne3A_74 : i1
      %add3A_81 = arith.addi %rem3A_72, %select_n3A_71 : i32
      %select_n3A_82 = arith.select %and3A_80, %add3A_81, %rem3A_72 : i32
      %eq3A_83 = arith.constant 1 : i32
      %eq3A_84 = arith.cmpi eq, %select_n3A_82, %eq3A_83 : i32
      %convert_element_type3A_85 = arith.extui %eq3A_84 : i1 to i32
      %cond3A_86 = arith.constant 0 : i32
      %cond3A_87 = arith.cmpi ne, %convert_element_type3A_85, %cond3A_86 : i32
      scf.if %cond3A_87 {
        %dma_wait3A = arith.constant 0 : i32
        %dma_wait3A_88 = tpu.memref_slice %arg6[%while3A_49, %dma_wait3A] : memref<56x128xi32, #tpu.memory_space<vmem>> -> memref<1x128xi32, #tpu.memory_space<vmem>>
        %dma_wait3A_89 = tpu.memref_squeeze %dma_wait3A_88 : memref<1x128xi32, #tpu.memory_space<vmem>> -> memref<128xi32, #tpu.memory_space<vmem>>
        %dma_wait3A_90 = arith.constant 0 : i32
        %dma_wait3A_91 = arith.constant 0 : i32
        %dma_wait3A_92 = tpu.memref_slice %arg2[%dma_wait3A_90, %dma_wait3A_91] : memref<10240x128xf32, #tpu.memory_space<hbm>> -> memref<10240x128xf32, #tpu.memory_space<hbm>>
        tpu.wait_indirect_dma semaphore(%arg12 : memref<!tpu.dma_semaphore, #tpu.memory_space<semaphore_mem>>) src(%dma_wait3A_92 : memref<10240x128xf32, #tpu.memory_space<hbm>>) dst(%arg9 : memref<128x128xf32, #tpu.memory_space<vmem>>)
        "tpu.region"() ({
          %run_scoped3A = tpu.sem_alloc : memref<!tpu.dma_semaphore, #tpu.memory_space<semaphore_mem>>
          %dma_start3A = arith.constant 0 : i32
          %dma_start3A_99 = tpu.memref_slice %arg7[%while3A_49, %dma_start3A] : memref<56x128xi32, #tpu.memory_space<vmem>> -> memref<1x128xi32, #tpu.memory_space<vmem>>
          %dma_start3A_100 = tpu.memref_squeeze %dma_start3A_99 : memref<1x128xi32, #tpu.memory_space<vmem>> -> memref<128xi32, #tpu.memory_space<vmem>>
          %dma_start3A_101 = arith.constant 0 : i32
          %dma_start3A_102 = arith.constant 0 : i32
          %dma_start3A_103 = tpu.memref_slice %arg10[%dma_start3A_101, %dma_start3A_102] : memref<10240x128xf32, #tpu.memory_space<vmem_shared>> -> memref<10240x128xf32, #tpu.memory_space<vmem_shared>>
          tpu.enqueue_indirect_dma source(%arg9 : memref<128x128xf32, #tpu.memory_space<vmem>>) target(%dma_start3A_103 : memref<10240x128xf32, #tpu.memory_space<vmem_shared>>) offsets(%dma_start3A_100 : memref<128xi32, #tpu.memory_space<vmem>>) semaphore(%run_scoped3A : memref<!tpu.dma_semaphore, #tpu.memory_space<semaphore_mem>>) {add = true}
          %dma_wait3A_104 = arith.constant 0 : i32
          %dma_wait3A_105 = tpu.memref_slice %arg7[%while3A_49, %dma_wait3A_104] : memref<56x128xi32, #tpu.memory_space<vmem>> -> memref<1x128xi32, #tpu.memory_space<vmem>>
          %dma_wait3A_106 = tpu.memref_squeeze %dma_wait3A_105 : memref<1x128xi32, #tpu.memory_space<vmem>> -> memref<128xi32, #tpu.memory_space<vmem>>
          %dma_wait3A_107 = arith.constant 0 : i32
          %dma_wait3A_108 = arith.constant 0 : i32
          %dma_wait3A_109 = tpu.memref_slice %arg10[%dma_wait3A_107, %dma_wait3A_108] : memref<10240x128xf32, #tpu.memory_space<vmem_shared>> -> memref<10240x128xf32, #tpu.memory_space<vmem_shared>>
          tpu.wait_indirect_dma semaphore(%run_scoped3A : memref<!tpu.dma_semaphore, #tpu.memory_space<semaphore_mem>>) src(%arg9 : memref<128x128xf32, #tpu.memory_space<vmem>>) dst(%dma_wait3A_109 : memref<10240x128xf32, #tpu.memory_space<vmem_shared>>)
          tpu.yield
        }) : () -> ()
        %add3A_93 = arith.constant 2 : i32
        %add3A_94 = arith.addi %while3A_49, %add3A_93 : i32
        %lt3A_95 = arith.cmpi slt, %add3A_94, %min3A_7 : i32
        %convert_element_type3A_96 = arith.extui %lt3A_95 : i1 to i32
        %cond3A_97 = arith.constant 0 : i32
        %cond3A_98 = arith.cmpi ne, %convert_element_type3A_96, %cond3A_97 : i32
        scf.if %cond3A_98 {
          %add3A_99 = arith.constant 2 : i32
          %add3A_100 = arith.addi %while3A_49, %add3A_99 : i32
          %dma_start3A = arith.constant 0 : i32
          %dma_start3A_101 = tpu.memref_slice %arg6[%add3A_100, %dma_start3A] : memref<56x128xi32, #tpu.memory_space<vmem>> -> memref<1x128xi32, #tpu.memory_space<vmem>>
          %dma_start3A_102 = tpu.memref_squeeze %dma_start3A_101 : memref<1x128xi32, #tpu.memory_space<vmem>> -> memref<128xi32, #tpu.memory_space<vmem>>
          %dma_start3A_103 = arith.constant 0 : i32
          %dma_start3A_104 = arith.constant 0 : i32
          %dma_start3A_105 = tpu.memref_slice %arg2[%dma_start3A_103, %dma_start3A_104] : memref<10240x128xf32, #tpu.memory_space<hbm>> -> memref<10240x128xf32, #tpu.memory_space<hbm>>
          tpu.enqueue_indirect_dma source(%dma_start3A_105 : memref<10240x128xf32, #tpu.memory_space<hbm>>) target(%arg9 : memref<128x128xf32, #tpu.memory_space<vmem>>) offsets(%dma_start3A_102 : memref<128xi32, #tpu.memory_space<vmem>>) semaphore(%arg12 : memref<!tpu.dma_semaphore, #tpu.memory_space<semaphore_mem>>)
        } else {
        }
      } else {
      }
    }
    %sub3A = arith.subi %select_n3A, %min3A_7 : i32
    "tpu.region"() ({
      %run_scoped3A = tpu.sem_alloc : memref<!tpu.dma_semaphore, #tpu.memory_space<semaphore_mem>>
      %dma_start3A = arith.constant 56 : i32
      %dma_start3A_49 = arith.constant 0 : i32
      %dma_start3A_50 = tpu.memref_slice %arg3[%add3A, %dma_start3A, %dma_start3A_49] : memref<32x112x128xi32, #tpu.memory_space<hbm>> -> memref<1x56x128xi32, #tpu.memory_space<hbm>>
      %dma_start3A_51 = tpu.memref_squeeze %dma_start3A_50 : memref<1x56x128xi32, #tpu.memory_space<hbm>> -> memref<56x128xi32, #tpu.memory_space<hbm>>
      %dma_start3A_52 = arith.constant 56 : i32
      %dma_start3A_53 = arith.constant 0 : i32
      %dma_start3A_54 = tpu.memref_slice %arg3[%add3A, %dma_start3A_52, %dma_start3A_53] : memref<32x112x128xi32, #tpu.memory_space<hbm>> -> memref<1x56x128xi32, #tpu.memory_space<hbm>>
      %dma_start3A_55 = tpu.memref_squeeze %dma_start3A_54 : memref<1x56x128xi32, #tpu.memory_space<hbm>> -> memref<56x128xi32, #tpu.memory_space<hbm>>
      tpu.enqueue_dma source(%dma_start3A_55 : memref<56x128xi32, #tpu.memory_space<hbm>>) target(%arg6 : memref<56x128xi32, #tpu.memory_space<vmem>>) target_semaphore(%run_scoped3A : memref<!tpu.dma_semaphore, #tpu.memory_space<semaphore_mem>>)
      %dma_wait3A = arith.constant 56 : i32
      %dma_wait3A_56 = arith.constant 0 : i32
      %dma_wait3A_57 = tpu.memref_slice %arg3[%add3A, %dma_wait3A, %dma_wait3A_56] : memref<32x112x128xi32, #tpu.memory_space<hbm>> -> memref<1x56x128xi32, #tpu.memory_space<hbm>>
      %dma_wait3A_58 = tpu.memref_squeeze %dma_wait3A_57 : memref<1x56x128xi32, #tpu.memory_space<hbm>> -> memref<56x128xi32, #tpu.memory_space<hbm>>
      %dma_wait3A_59 = arith.constant 56 : i32
      %dma_wait3A_60 = arith.constant 0 : i32
      %dma_wait3A_61 = tpu.memref_slice %arg3[%add3A, %dma_wait3A_59, %dma_wait3A_60] : memref<32x112x128xi32, #tpu.memory_space<hbm>> -> memref<1x56x128xi32, #tpu.memory_space<hbm>>
      %dma_wait3A_62 = tpu.memref_squeeze %dma_wait3A_61 : memref<1x56x128xi32, #tpu.memory_space<hbm>> -> memref<56x128xi32, #tpu.memory_space<hbm>>
      tpu.wait_dma2 semaphore(%run_scoped3A : memref<!tpu.dma_semaphore, #tpu.memory_space<semaphore_mem>>) src(%dma_wait3A_62 : memref<56x128xi32, #tpu.memory_space<hbm>>) dst(%arg6 : memref<56x128xi32, #tpu.memory_space<vmem>>)
      tpu.yield
    }) : () -> ()
    "tpu.region"() ({
      %run_scoped3A = tpu.sem_alloc : memref<!tpu.dma_semaphore, #tpu.memory_space<semaphore_mem>>
      %dma_start3A = arith.constant 56 : i32
      %dma_start3A_49 = arith.constant 0 : i32
      %dma_start3A_50 = tpu.memref_slice %arg4[%add3A, %dma_start3A, %dma_start3A_49] : memref<32x112x128xi32, #tpu.memory_space<hbm>> -> memref<1x56x128xi32, #tpu.memory_space<hbm>>
      %dma_start3A_51 = tpu.memref_squeeze %dma_start3A_50 : memref<1x56x128xi32, #tpu.memory_space<hbm>> -> memref<56x128xi32, #tpu.memory_space<hbm>>
      %dma_start3A_52 = arith.constant 56 : i32
      %dma_start3A_53 = arith.constant 0 : i32
      %dma_start3A_54 = tpu.memref_slice %arg4[%add3A, %dma_start3A_52, %dma_start3A_53] : memref<32x112x128xi32, #tpu.memory_space<hbm>> -> memref<1x56x128xi32, #tpu.memory_space<hbm>>
      %dma_start3A_55 = tpu.memref_squeeze %dma_start3A_54 : memref<1x56x128xi32, #tpu.memory_space<hbm>> -> memref<56x128xi32, #tpu.memory_space<hbm>>
      tpu.enqueue_dma source(%dma_start3A_55 : memref<56x128xi32, #tpu.memory_space<hbm>>) target(%arg7 : memref<56x128xi32, #tpu.memory_space<vmem>>) target_semaphore(%run_scoped3A : memref<!tpu.dma_semaphore, #tpu.memory_space<semaphore_mem>>)
      %dma_wait3A = arith.constant 56 : i32
      %dma_wait3A_56 = arith.constant 0 : i32
      %dma_wait3A_57 = tpu.memref_slice %arg4[%add3A, %dma_wait3A, %dma_wait3A_56] : memref<32x112x128xi32, #tpu.memory_space<hbm>> -> memref<1x56x128xi32, #tpu.memory_space<hbm>>
      %dma_wait3A_58 = tpu.memref_squeeze %dma_wait3A_57 : memref<1x56x128xi32, #tpu.memory_space<hbm>> -> memref<56x128xi32, #tpu.memory_space<hbm>>
      %dma_wait3A_59 = arith.constant 56 : i32
      %dma_wait3A_60 = arith.constant 0 : i32
      %dma_wait3A_61 = tpu.memref_slice %arg4[%add3A, %dma_wait3A_59, %dma_wait3A_60] : memref<32x112x128xi32, #tpu.memory_space<hbm>> -> memref<1x56x128xi32, #tpu.memory_space<hbm>>
      %dma_wait3A_62 = tpu.memref_squeeze %dma_wait3A_61 : memref<1x56x128xi32, #tpu.memory_space<hbm>> -> memref<56x128xi32, #tpu.memory_space<hbm>>
      tpu.wait_dma2 semaphore(%run_scoped3A : memref<!tpu.dma_semaphore, #tpu.memory_space<semaphore_mem>>) src(%dma_wait3A_62 : memref<56x128xi32, #tpu.memory_space<hbm>>) dst(%arg7 : memref<56x128xi32, #tpu.memory_space<vmem>>)
      tpu.yield
    }) : () -> ()
    %gt3A_24 = arith.constant 0 : i32
    %gt3A_25 = arith.cmpi sgt, %sub3A, %gt3A_24 : i32
    %convert_element_type3A_26 = arith.extui %gt3A_25 : i1 to i32
    %cond3A_27 = arith.constant 0 : i32
    %cond3A_28 = arith.cmpi ne, %convert_element_type3A_26, %cond3A_27 : i32
    scf.if %cond3A_28 {
      %dma_start3A = arith.constant 0 : i32
      %dma_start3A_49 = arith.constant 0 : i32
      %dma_start3A_50 = tpu.memref_slice %arg6[%dma_start3A, %dma_start3A_49] : memref<56x128xi32, #tpu.memory_space<vmem>> -> memref<1x128xi32, #tpu.memory_space<vmem>>
      %dma_start3A_51 = tpu.memref_squeeze %dma_start3A_50 : memref<1x128xi32, #tpu.memory_space<vmem>> -> memref<128xi32, #tpu.memory_space<vmem>>
      %dma_start3A_52 = arith.constant 0 : i32
      %dma_start3A_53 = arith.constant 0 : i32
      %dma_start3A_54 = tpu.memref_slice %arg2[%dma_start3A_52, %dma_start3A_53] : memref<10240x128xf32, #tpu.memory_space<hbm>> -> memref<10240x128xf32, #tpu.memory_space<hbm>>
      tpu.enqueue_indirect_dma source(%dma_start3A_54 : memref<10240x128xf32, #tpu.memory_space<hbm>>) target(%arg8 : memref<128x128xf32, #tpu.memory_space<vmem>>) offsets(%dma_start3A_51 : memref<128xi32, #tpu.memory_space<vmem>>) semaphore(%arg11 : memref<!tpu.dma_semaphore, #tpu.memory_space<semaphore_mem>>)
    } else {
    }
    %gt3A_29 = arith.constant 1 : i32
    %gt3A_30 = arith.cmpi sgt, %sub3A, %gt3A_29 : i32
    %convert_element_type3A_31 = arith.extui %gt3A_30 : i1 to i32
    %cond3A_32 = arith.constant 0 : i32
    %cond3A_33 = arith.cmpi ne, %convert_element_type3A_31, %cond3A_32 : i32
    scf.if %cond3A_33 {
      %dma_start3A = arith.constant 1 : i32
      %dma_start3A_49 = arith.constant 0 : i32
      %dma_start3A_50 = tpu.memref_slice %arg6[%dma_start3A, %dma_start3A_49] : memref<56x128xi32, #tpu.memory_space<vmem>> -> memref<1x128xi32, #tpu.memory_space<vmem>>
      %dma_start3A_51 = tpu.memref_squeeze %dma_start3A_50 : memref<1x128xi32, #tpu.memory_space<vmem>> -> memref<128xi32, #tpu.memory_space<vmem>>
      %dma_start3A_52 = arith.constant 0 : i32
      %dma_start3A_53 = arith.constant 0 : i32
      %dma_start3A_54 = tpu.memref_slice %arg2[%dma_start3A_52, %dma_start3A_53] : memref<10240x128xf32, #tpu.memory_space<hbm>> -> memref<10240x128xf32, #tpu.memory_space<hbm>>
      tpu.enqueue_indirect_dma source(%dma_start3A_54 : memref<10240x128xf32, #tpu.memory_space<hbm>>) target(%arg9 : memref<128x128xf32, #tpu.memory_space<vmem>>) offsets(%dma_start3A_51 : memref<128xi32, #tpu.memory_space<vmem>>) semaphore(%arg12 : memref<!tpu.dma_semaphore, #tpu.memory_space<semaphore_mem>>)
    } else {
    }
    %while3A_34 = arith.constant 0 : i32
    %while3A_35 = arith.constant 0 : i32
    %while3A_36 = arith.subi %sub3A, %while3A_35 : i32
    %while3A_37 = arith.addi %while3A_35, %while3A_36 : i32
    %while3A_38 = arith.constant 1 : i32
    %while3A_39 = arith.divsi %while3A_36, %while3A_38 : i32
    %while3A_40 = arith.muli %while3A_39, %while3A_38 : i32
    %while3A_41 = arith.addi %while3A_35, %while3A_40 : i32
    %while3A_42 = arith.constant 1 : i32
    scf.for %while3A_49 = %while3A_35 to %while3A_41 step %while3A_42  : i32 {
      %jit3A_50 = arith.constant 2 : i32
      %eq3A_51 = arith.constant 0 : i32
      %eq3A_52 = arith.cmpi eq, %jit3A_50, %eq3A_51 : i32
      %jit3A_53 = arith.constant 1 : i32
      %select_n3A_54 = arith.select %eq3A_52, %jit3A_53, %jit3A_50 : i32
      %rem3A = arith.remsi %while3A_49, %select_n3A_54 : i32
      %ne3A = arith.constant 0 : i32
      %ne3A_55 = arith.cmpi ne, %rem3A, %ne3A : i32
      %lt3A = arith.constant 0 : i32
      %lt3A_56 = arith.cmpi slt, %rem3A, %lt3A : i32
      %lt3A_57 = arith.constant 0 : i32
      %lt3A_58 = arith.cmpi slt, %select_n3A_54, %lt3A_57 : i32
      %ne3A_59 = arith.xori %lt3A_56, %lt3A_58 : i1
      %and3A = arith.andi %ne3A_59, %ne3A_55 : i1
      %add3A_60 = arith.addi %rem3A, %select_n3A_54 : i32
      %select_n3A_61 = arith.select %and3A, %add3A_60, %rem3A : i32
      %eq3A_62 = arith.constant 0 : i32
      %eq3A_63 = arith.cmpi eq, %select_n3A_61, %eq3A_62 : i32
      %convert_element_type3A_64 = arith.extui %eq3A_63 : i1 to i32
      %cond3A_65 = arith.constant 0 : i32
      %cond3A_66 = arith.cmpi ne, %convert_element_type3A_64, %cond3A_65 : i32
      scf.if %cond3A_66 {
        %dma_wait3A = arith.constant 0 : i32
        %dma_wait3A_88 = tpu.memref_slice %arg6[%while3A_49, %dma_wait3A] : memref<56x128xi32, #tpu.memory_space<vmem>> -> memref<1x128xi32, #tpu.memory_space<vmem>>
        %dma_wait3A_89 = tpu.memref_squeeze %dma_wait3A_88 : memref<1x128xi32, #tpu.memory_space<vmem>> -> memref<128xi32, #tpu.memory_space<vmem>>
        %dma_wait3A_90 = arith.constant 0 : i32
        %dma_wait3A_91 = arith.constant 0 : i32
        %dma_wait3A_92 = tpu.memref_slice %arg2[%dma_wait3A_90, %dma_wait3A_91] : memref<10240x128xf32, #tpu.memory_space<hbm>> -> memref<10240x128xf32, #tpu.memory_space<hbm>>
        tpu.wait_indirect_dma semaphore(%arg11 : memref<!tpu.dma_semaphore, #tpu.memory_space<semaphore_mem>>) src(%dma_wait3A_92 : memref<10240x128xf32, #tpu.memory_space<hbm>>) dst(%arg8 : memref<128x128xf32, #tpu.memory_space<vmem>>)
        "tpu.region"() ({
          %run_scoped3A = tpu.sem_alloc : memref<!tpu.dma_semaphore, #tpu.memory_space<semaphore_mem>>
          %dma_start3A = arith.constant 0 : i32
          %dma_start3A_99 = tpu.memref_slice %arg7[%while3A_49, %dma_start3A] : memref<56x128xi32, #tpu.memory_space<vmem>> -> memref<1x128xi32, #tpu.memory_space<vmem>>
          %dma_start3A_100 = tpu.memref_squeeze %dma_start3A_99 : memref<1x128xi32, #tpu.memory_space<vmem>> -> memref<128xi32, #tpu.memory_space<vmem>>
          %dma_start3A_101 = arith.constant 0 : i32
          %dma_start3A_102 = arith.constant 0 : i32
          %dma_start3A_103 = tpu.memref_slice %arg10[%dma_start3A_101, %dma_start3A_102] : memref<10240x128xf32, #tpu.memory_space<vmem_shared>> -> memref<10240x128xf32, #tpu.memory_space<vmem_shared>>
          tpu.enqueue_indirect_dma source(%arg8 : memref<128x128xf32, #tpu.memory_space<vmem>>) target(%dma_start3A_103 : memref<10240x128xf32, #tpu.memory_space<vmem_shared>>) offsets(%dma_start3A_100 : memref<128xi32, #tpu.memory_space<vmem>>) semaphore(%run_scoped3A : memref<!tpu.dma_semaphore, #tpu.memory_space<semaphore_mem>>) {add = true}
          %dma_wait3A_104 = arith.constant 0 : i32
          %dma_wait3A_105 = tpu.memref_slice %arg7[%while3A_49, %dma_wait3A_104] : memref<56x128xi32, #tpu.memory_space<vmem>> -> memref<1x128xi32, #tpu.memory_space<vmem>>
          %dma_wait3A_106 = tpu.memref_squeeze %dma_wait3A_105 : memref<1x128xi32, #tpu.memory_space<vmem>> -> memref<128xi32, #tpu.memory_space<vmem>>
          %dma_wait3A_107 = arith.constant 0 : i32
          %dma_wait3A_108 = arith.constant 0 : i32
          %dma_wait3A_109 = tpu.memref_slice %arg10[%dma_wait3A_107, %dma_wait3A_108] : memref<10240x128xf32, #tpu.memory_space<vmem_shared>> -> memref<10240x128xf32, #tpu.memory_space<vmem_shared>>
          tpu.wait_indirect_dma semaphore(%run_scoped3A : memref<!tpu.dma_semaphore, #tpu.memory_space<semaphore_mem>>) src(%arg8 : memref<128x128xf32, #tpu.memory_space<vmem>>) dst(%dma_wait3A_109 : memref<10240x128xf32, #tpu.memory_space<vmem_shared>>)
          tpu.yield
        }) : () -> ()
        %add3A_93 = arith.constant 2 : i32
        %add3A_94 = arith.addi %while3A_49, %add3A_93 : i32
        %lt3A_95 = arith.cmpi slt, %add3A_94, %sub3A : i32
        %convert_element_type3A_96 = arith.extui %lt3A_95 : i1 to i32
        %cond3A_97 = arith.constant 0 : i32
        %cond3A_98 = arith.cmpi ne, %convert_element_type3A_96, %cond3A_97 : i32
        scf.if %cond3A_98 {
          %add3A_99 = arith.constant 2 : i32
          %add3A_100 = arith.addi %while3A_49, %add3A_99 : i32
          %dma_start3A = arith.constant 0 : i32
          %dma_start3A_101 = tpu.memref_slice %arg6[%add3A_100, %dma_start3A] : memref<56x128xi32, #tpu.memory_space<vmem>> -> memref<1x128xi32, #tpu.memory_space<vmem>>
          %dma_start3A_102 = tpu.memref_squeeze %dma_start3A_101 : memref<1x128xi32, #tpu.memory_space<vmem>> -> memref<128xi32, #tpu.memory_space<vmem>>
          %dma_start3A_103 = arith.constant 0 : i32
          %dma_start3A_104 = arith.constant 0 : i32
          %dma_start3A_105 = tpu.memref_slice %arg2[%dma_start3A_103, %dma_start3A_104] : memref<10240x128xf32, #tpu.memory_space<hbm>> -> memref<10240x128xf32, #tpu.memory_space<hbm>>
          tpu.enqueue_indirect_dma source(%dma_start3A_105 : memref<10240x128xf32, #tpu.memory_space<hbm>>) target(%arg8 : memref<128x128xf32, #tpu.memory_space<vmem>>) offsets(%dma_start3A_102 : memref<128xi32, #tpu.memory_space<vmem>>) semaphore(%arg11 : memref<!tpu.dma_semaphore, #tpu.memory_space<semaphore_mem>>)
        } else {
        }
      } else {
      }
      %jit3A_67 = arith.constant 2 : i32
      %eq3A_68 = arith.constant 0 : i32
      %eq3A_69 = arith.cmpi eq, %jit3A_67, %eq3A_68 : i32
      %jit3A_70 = arith.constant 1 : i32
      %select_n3A_71 = arith.select %eq3A_69, %jit3A_70, %jit3A_67 : i32
      %rem3A_72 = arith.remsi %while3A_49, %select_n3A_71 : i32
      %ne3A_73 = arith.constant 0 : i32
      %ne3A_74 = arith.cmpi ne, %rem3A_72, %ne3A_73 : i32
      %lt3A_75 = arith.constant 0 : i32
      %lt3A_76 = arith.cmpi slt, %rem3A_72, %lt3A_75 : i32
      %lt3A_77 = arith.constant 0 : i32
      %lt3A_78 = arith.cmpi slt, %select_n3A_71, %lt3A_77 : i32
      %ne3A_79 = arith.xori %lt3A_76, %lt3A_78 : i1
      %and3A_80 = arith.andi %ne3A_79, %ne3A_74 : i1
      %add3A_81 = arith.addi %rem3A_72, %select_n3A_71 : i32
      %select_n3A_82 = arith.select %and3A_80, %add3A_81, %rem3A_72 : i32
      %eq3A_83 = arith.constant 1 : i32
      %eq3A_84 = arith.cmpi eq, %select_n3A_82, %eq3A_83 : i32
      %convert_element_type3A_85 = arith.extui %eq3A_84 : i1 to i32
      %cond3A_86 = arith.constant 0 : i32
      %cond3A_87 = arith.cmpi ne, %convert_element_type3A_85, %cond3A_86 : i32
      scf.if %cond3A_87 {
        %dma_wait3A = arith.constant 0 : i32
        %dma_wait3A_88 = tpu.memref_slice %arg6[%while3A_49, %dma_wait3A] : memref<56x128xi32, #tpu.memory_space<vmem>> -> memref<1x128xi32, #tpu.memory_space<vmem>>
        %dma_wait3A_89 = tpu.memref_squeeze %dma_wait3A_88 : memref<1x128xi32, #tpu.memory_space<vmem>> -> memref<128xi32, #tpu.memory_space<vmem>>
        %dma_wait3A_90 = arith.constant 0 : i32
        %dma_wait3A_91 = arith.constant 0 : i32
        %dma_wait3A_92 = tpu.memref_slice %arg2[%dma_wait3A_90, %dma_wait3A_91] : memref<10240x128xf32, #tpu.memory_space<hbm>> -> memref<10240x128xf32, #tpu.memory_space<hbm>>
        tpu.wait_indirect_dma semaphore(%arg12 : memref<!tpu.dma_semaphore, #tpu.memory_space<semaphore_mem>>) src(%dma_wait3A_92 : memref<10240x128xf32, #tpu.memory_space<hbm>>) dst(%arg9 : memref<128x128xf32, #tpu.memory_space<vmem>>)
        "tpu.region"() ({
          %run_scoped3A = tpu.sem_alloc : memref<!tpu.dma_semaphore, #tpu.memory_space<semaphore_mem>>
          %dma_start3A = arith.constant 0 : i32
          %dma_start3A_99 = tpu.memref_slice %arg7[%while3A_49, %dma_start3A] : memref<56x128xi32, #tpu.memory_space<vmem>> -> memref<1x128xi32, #tpu.memory_space<vmem>>
          %dma_start3A_100 = tpu.memref_squeeze %dma_start3A_99 : memref<1x128xi32, #tpu.memory_space<vmem>> -> memref<128xi32, #tpu.memory_space<vmem>>
          %dma_start3A_101 = arith.constant 0 : i32
          %dma_start3A_102 = arith.constant 0 : i32
          %dma_start3A_103 = tpu.memref_slice %arg10[%dma_start3A_101, %dma_start3A_102] : memref<10240x128xf32, #tpu.memory_space<vmem_shared>> -> memref<10240x128xf32, #tpu.memory_space<vmem_shared>>
          tpu.enqueue_indirect_dma source(%arg9 : memref<128x128xf32, #tpu.memory_space<vmem>>) target(%dma_start3A_103 : memref<10240x128xf32, #tpu.memory_space<vmem_shared>>) offsets(%dma_start3A_100 : memref<128xi32, #tpu.memory_space<vmem>>) semaphore(%run_scoped3A : memref<!tpu.dma_semaphore, #tpu.memory_space<semaphore_mem>>) {add = true}
          %dma_wait3A_104 = arith.constant 0 : i32
          %dma_wait3A_105 = tpu.memref_slice %arg7[%while3A_49, %dma_wait3A_104] : memref<56x128xi32, #tpu.memory_space<vmem>> -> memref<1x128xi32, #tpu.memory_space<vmem>>
          %dma_wait3A_106 = tpu.memref_squeeze %dma_wait3A_105 : memref<1x128xi32, #tpu.memory_space<vmem>> -> memref<128xi32, #tpu.memory_space<vmem>>
          %dma_wait3A_107 = arith.constant 0 : i32
          %dma_wait3A_108 = arith.constant 0 : i32
          %dma_wait3A_109 = tpu.memref_slice %arg10[%dma_wait3A_107, %dma_wait3A_108] : memref<10240x128xf32, #tpu.memory_space<vmem_shared>> -> memref<10240x128xf32, #tpu.memory_space<vmem_shared>>
          tpu.wait_indirect_dma semaphore(%run_scoped3A : memref<!tpu.dma_semaphore, #tpu.memory_space<semaphore_mem>>) src(%arg9 : memref<128x128xf32, #tpu.memory_space<vmem>>) dst(%dma_wait3A_109 : memref<10240x128xf32, #tpu.memory_space<vmem_shared>>)
          tpu.yield
        }) : () -> ()
        %add3A_93 = arith.constant 2 : i32
        %add3A_94 = arith.addi %while3A_49, %add3A_93 : i32
        %lt3A_95 = arith.cmpi slt, %add3A_94, %sub3A : i32
        %convert_element_type3A_96 = arith.extui %lt3A_95 : i1 to i32
        %cond3A_97 = arith.constant 0 : i32
        %cond3A_98 = arith.cmpi ne, %convert_element_type3A_96, %cond3A_97 : i32
        scf.if %cond3A_98 {
          %add3A_99 = arith.constant 2 : i32
          %add3A_100 = arith.addi %while3A_49, %add3A_99 : i32
          %dma_start3A = arith.constant 0 : i32
          %dma_start3A_101 = tpu.memref_slice %arg6[%add3A_100, %dma_start3A] : memref<56x128xi32, #tpu.memory_space<vmem>> -> memref<1x128xi32, #tpu.memory_space<vmem>>
          %dma_start3A_102 = tpu.memref_squeeze %dma_start3A_101 : memref<1x128xi32, #tpu.memory_space<vmem>> -> memref<128xi32, #tpu.memory_space<vmem>>
          %dma_start3A_103 = arith.constant 0 : i32
          %dma_start3A_104 = arith.constant 0 : i32
          %dma_start3A_105 = tpu.memref_slice %arg2[%dma_start3A_103, %dma_start3A_104] : memref<10240x128xf32, #tpu.memory_space<hbm>> -> memref<10240x128xf32, #tpu.memory_space<hbm>>
          tpu.enqueue_indirect_dma source(%dma_start3A_105 : memref<10240x128xf32, #tpu.memory_space<hbm>>) target(%arg9 : memref<128x128xf32, #tpu.memory_space<vmem>>) offsets(%dma_start3A_102 : memref<128xi32, #tpu.memory_space<vmem>>) semaphore(%arg12 : memref<!tpu.dma_semaphore, #tpu.memory_space<semaphore_mem>>)
        } else {
        }
      } else {
      }
    }
    %while3A_43 = arith.constant 1 : i32
    scf.for %while3A_49 = %while3A_41 to %while3A_37 step %while3A_43  : i32 {
      %jit3A_50 = arith.constant 2 : i32
      %eq3A_51 = arith.constant 0 : i32
      %eq3A_52 = arith.cmpi eq, %jit3A_50, %eq3A_51 : i32
      %jit3A_53 = arith.constant 1 : i32
      %select_n3A_54 = arith.select %eq3A_52, %jit3A_53, %jit3A_50 : i32
      %rem3A = arith.remsi %while3A_49, %select_n3A_54 : i32
      %ne3A = arith.constant 0 : i32
      %ne3A_55 = arith.cmpi ne, %rem3A, %ne3A : i32
      %lt3A = arith.constant 0 : i32
      %lt3A_56 = arith.cmpi slt, %rem3A, %lt3A : i32
      %lt3A_57 = arith.constant 0 : i32
      %lt3A_58 = arith.cmpi slt, %select_n3A_54, %lt3A_57 : i32
      %ne3A_59 = arith.xori %lt3A_56, %lt3A_58 : i1
      %and3A = arith.andi %ne3A_59, %ne3A_55 : i1
      %add3A_60 = arith.addi %rem3A, %select_n3A_54 : i32
      %select_n3A_61 = arith.select %and3A, %add3A_60, %rem3A : i32
      %eq3A_62 = arith.constant 0 : i32
      %eq3A_63 = arith.cmpi eq, %select_n3A_61, %eq3A_62 : i32
      %convert_element_type3A_64 = arith.extui %eq3A_63 : i1 to i32
      %cond3A_65 = arith.constant 0 : i32
      %cond3A_66 = arith.cmpi ne, %convert_element_type3A_64, %cond3A_65 : i32
      scf.if %cond3A_66 {
        %dma_wait3A = arith.constant 0 : i32
        %dma_wait3A_88 = tpu.memref_slice %arg6[%while3A_49, %dma_wait3A] : memref<56x128xi32, #tpu.memory_space<vmem>> -> memref<1x128xi32, #tpu.memory_space<vmem>>
        %dma_wait3A_89 = tpu.memref_squeeze %dma_wait3A_88 : memref<1x128xi32, #tpu.memory_space<vmem>> -> memref<128xi32, #tpu.memory_space<vmem>>
        %dma_wait3A_90 = arith.constant 0 : i32
        %dma_wait3A_91 = arith.constant 0 : i32
        %dma_wait3A_92 = tpu.memref_slice %arg2[%dma_wait3A_90, %dma_wait3A_91] : memref<10240x128xf32, #tpu.memory_space<hbm>> -> memref<10240x128xf32, #tpu.memory_space<hbm>>
        tpu.wait_indirect_dma semaphore(%arg11 : memref<!tpu.dma_semaphore, #tpu.memory_space<semaphore_mem>>) src(%dma_wait3A_92 : memref<10240x128xf32, #tpu.memory_space<hbm>>) dst(%arg8 : memref<128x128xf32, #tpu.memory_space<vmem>>)
        "tpu.region"() ({
          %run_scoped3A = tpu.sem_alloc : memref<!tpu.dma_semaphore, #tpu.memory_space<semaphore_mem>>
          %dma_start3A = arith.constant 0 : i32
          %dma_start3A_99 = tpu.memref_slice %arg7[%while3A_49, %dma_start3A] : memref<56x128xi32, #tpu.memory_space<vmem>> -> memref<1x128xi32, #tpu.memory_space<vmem>>
          %dma_start3A_100 = tpu.memref_squeeze %dma_start3A_99 : memref<1x128xi32, #tpu.memory_space<vmem>> -> memref<128xi32, #tpu.memory_space<vmem>>
          %dma_start3A_101 = arith.constant 0 : i32
          %dma_start3A_102 = arith.constant 0 : i32
          %dma_start3A_103 = tpu.memref_slice %arg10[%dma_start3A_101, %dma_start3A_102] : memref<10240x128xf32, #tpu.memory_space<vmem_shared>> -> memref<10240x128xf32, #tpu.memory_space<vmem_shared>>
          tpu.enqueue_indirect_dma source(%arg8 : memref<128x128xf32, #tpu.memory_space<vmem>>) target(%dma_start3A_103 : memref<10240x128xf32, #tpu.memory_space<vmem_shared>>) offsets(%dma_start3A_100 : memref<128xi32, #tpu.memory_space<vmem>>) semaphore(%run_scoped3A : memref<!tpu.dma_semaphore, #tpu.memory_space<semaphore_mem>>) {add = true}
          %dma_wait3A_104 = arith.constant 0 : i32
          %dma_wait3A_105 = tpu.memref_slice %arg7[%while3A_49, %dma_wait3A_104] : memref<56x128xi32, #tpu.memory_space<vmem>> -> memref<1x128xi32, #tpu.memory_space<vmem>>
          %dma_wait3A_106 = tpu.memref_squeeze %dma_wait3A_105 : memref<1x128xi32, #tpu.memory_space<vmem>> -> memref<128xi32, #tpu.memory_space<vmem>>
          %dma_wait3A_107 = arith.constant 0 : i32
          %dma_wait3A_108 = arith.constant 0 : i32
          %dma_wait3A_109 = tpu.memref_slice %arg10[%dma_wait3A_107, %dma_wait3A_108] : memref<10240x128xf32, #tpu.memory_space<vmem_shared>> -> memref<10240x128xf32, #tpu.memory_space<vmem_shared>>
          tpu.wait_indirect_dma semaphore(%run_scoped3A : memref<!tpu.dma_semaphore, #tpu.memory_space<semaphore_mem>>) src(%arg8 : memref<128x128xf32, #tpu.memory_space<vmem>>) dst(%dma_wait3A_109 : memref<10240x128xf32, #tpu.memory_space<vmem_shared>>)
          tpu.yield
        }) : () -> ()
        %add3A_93 = arith.constant 2 : i32
        %add3A_94 = arith.addi %while3A_49, %add3A_93 : i32
        %lt3A_95 = arith.cmpi slt, %add3A_94, %sub3A : i32
        %convert_element_type3A_96 = arith.extui %lt3A_95 : i1 to i32
        %cond3A_97 = arith.constant 0 : i32
        %cond3A_98 = arith.cmpi ne, %convert_element_type3A_96, %cond3A_97 : i32
        scf.if %cond3A_98 {
          %add3A_99 = arith.constant 2 : i32
          %add3A_100 = arith.addi %while3A_49, %add3A_99 : i32
          %dma_start3A = arith.constant 0 : i32
          %dma_start3A_101 = tpu.memref_slice %arg6[%add3A_100, %dma_start3A] : memref<56x128xi32, #tpu.memory_space<vmem>> -> memref<1x128xi32, #tpu.memory_space<vmem>>
          %dma_start3A_102 = tpu.memref_squeeze %dma_start3A_101 : memref<1x128xi32, #tpu.memory_space<vmem>> -> memref<128xi32, #tpu.memory_space<vmem>>
          %dma_start3A_103 = arith.constant 0 : i32
          %dma_start3A_104 = arith.constant 0 : i32
          %dma_start3A_105 = tpu.memref_slice %arg2[%dma_start3A_103, %dma_start3A_104] : memref<10240x128xf32, #tpu.memory_space<hbm>> -> memref<10240x128xf32, #tpu.memory_space<hbm>>
          tpu.enqueue_indirect_dma source(%dma_start3A_105 : memref<10240x128xf32, #tpu.memory_space<hbm>>) target(%arg8 : memref<128x128xf32, #tpu.memory_space<vmem>>) offsets(%dma_start3A_102 : memref<128xi32, #tpu.memory_space<vmem>>) semaphore(%arg11 : memref<!tpu.dma_semaphore, #tpu.memory_space<semaphore_mem>>)
        } else {
        }
      } else {
      }
      %jit3A_67 = arith.constant 2 : i32
      %eq3A_68 = arith.constant 0 : i32
      %eq3A_69 = arith.cmpi eq, %jit3A_67, %eq3A_68 : i32
      %jit3A_70 = arith.constant 1 : i32
      %select_n3A_71 = arith.select %eq3A_69, %jit3A_70, %jit3A_67 : i32
      %rem3A_72 = arith.remsi %while3A_49, %select_n3A_71 : i32
      %ne3A_73 = arith.constant 0 : i32
      %ne3A_74 = arith.cmpi ne, %rem3A_72, %ne3A_73 : i32
      %lt3A_75 = arith.constant 0 : i32
      %lt3A_76 = arith.cmpi slt, %rem3A_72, %lt3A_75 : i32
      %lt3A_77 = arith.constant 0 : i32
      %lt3A_78 = arith.cmpi slt, %select_n3A_71, %lt3A_77 : i32
      %ne3A_79 = arith.xori %lt3A_76, %lt3A_78 : i1
      %and3A_80 = arith.andi %ne3A_79, %ne3A_74 : i1
      %add3A_81 = arith.addi %rem3A_72, %select_n3A_71 : i32
      %select_n3A_82 = arith.select %and3A_80, %add3A_81, %rem3A_72 : i32
      %eq3A_83 = arith.constant 1 : i32
      %eq3A_84 = arith.cmpi eq, %select_n3A_82, %eq3A_83 : i32
      %convert_element_type3A_85 = arith.extui %eq3A_84 : i1 to i32
      %cond3A_86 = arith.constant 0 : i32
      %cond3A_87 = arith.cmpi ne, %convert_element_type3A_85, %cond3A_86 : i32
      scf.if %cond3A_87 {
        %dma_wait3A = arith.constant 0 : i32
        %dma_wait3A_88 = tpu.memref_slice %arg6[%while3A_49, %dma_wait3A] : memref<56x128xi32, #tpu.memory_space<vmem>> -> memref<1x128xi32, #tpu.memory_space<vmem>>
        %dma_wait3A_89 = tpu.memref_squeeze %dma_wait3A_88 : memref<1x128xi32, #tpu.memory_space<vmem>> -> memref<128xi32, #tpu.memory_space<vmem>>
        %dma_wait3A_90 = arith.constant 0 : i32
        %dma_wait3A_91 = arith.constant 0 : i32
        %dma_wait3A_92 = tpu.memref_slice %arg2[%dma_wait3A_90, %dma_wait3A_91] : memref<10240x128xf32, #tpu.memory_space<hbm>> -> memref<10240x128xf32, #tpu.memory_space<hbm>>
        tpu.wait_indirect_dma semaphore(%arg12 : memref<!tpu.dma_semaphore, #tpu.memory_space<semaphore_mem>>) src(%dma_wait3A_92 : memref<10240x128xf32, #tpu.memory_space<hbm>>) dst(%arg9 : memref<128x128xf32, #tpu.memory_space<vmem>>)
        "tpu.region"() ({
          %run_scoped3A = tpu.sem_alloc : memref<!tpu.dma_semaphore, #tpu.memory_space<semaphore_mem>>
          %dma_start3A = arith.constant 0 : i32
          %dma_start3A_99 = tpu.memref_slice %arg7[%while3A_49, %dma_start3A] : memref<56x128xi32, #tpu.memory_space<vmem>> -> memref<1x128xi32, #tpu.memory_space<vmem>>
          %dma_start3A_100 = tpu.memref_squeeze %dma_start3A_99 : memref<1x128xi32, #tpu.memory_space<vmem>> -> memref<128xi32, #tpu.memory_space<vmem>>
          %dma_start3A_101 = arith.constant 0 : i32
          %dma_start3A_102 = arith.constant 0 : i32
          %dma_start3A_103 = tpu.memref_slice %arg10[%dma_start3A_101, %dma_start3A_102] : memref<10240x128xf32, #tpu.memory_space<vmem_shared>> -> memref<10240x128xf32, #tpu.memory_space<vmem_shared>>
          tpu.enqueue_indirect_dma source(%arg9 : memref<128x128xf32, #tpu.memory_space<vmem>>) target(%dma_start3A_103 : memref<10240x128xf32, #tpu.memory_space<vmem_shared>>) offsets(%dma_start3A_100 : memref<128xi32, #tpu.memory_space<vmem>>) semaphore(%run_scoped3A : memref<!tpu.dma_semaphore, #tpu.memory_space<semaphore_mem>>) {add = true}
          %dma_wait3A_104 = arith.constant 0 : i32
          %dma_wait3A_105 = tpu.memref_slice %arg7[%while3A_49, %dma_wait3A_104] : memref<56x128xi32, #tpu.memory_space<vmem>> -> memref<1x128xi32, #tpu.memory_space<vmem>>
          %dma_wait3A_106 = tpu.memref_squeeze %dma_wait3A_105 : memref<1x128xi32, #tpu.memory_space<vmem>> -> memref<128xi32, #tpu.memory_space<vmem>>
          %dma_wait3A_107 = arith.constant 0 : i32
          %dma_wait3A_108 = arith.constant 0 : i32
          %dma_wait3A_109 = tpu.memref_slice %arg10[%dma_wait3A_107, %dma_wait3A_108] : memref<10240x128xf32, #tpu.memory_space<vmem_shared>> -> memref<10240x128xf32, #tpu.memory_space<vmem_shared>>
          tpu.wait_indirect_dma semaphore(%run_scoped3A : memref<!tpu.dma_semaphore, #tpu.memory_space<semaphore_mem>>) src(%arg9 : memref<128x128xf32, #tpu.memory_space<vmem>>) dst(%dma_wait3A_109 : memref<10240x128xf32, #tpu.memory_space<vmem_shared>>)
          tpu.yield
        }) : () -> ()
        %add3A_93 = arith.constant 2 : i32
        %add3A_94 = arith.addi %while3A_49, %add3A_93 : i32
        %lt3A_95 = arith.cmpi slt, %add3A_94, %sub3A : i32
        %convert_element_type3A_96 = arith.extui %lt3A_95 : i1 to i32
        %cond3A_97 = arith.constant 0 : i32
        %cond3A_98 = arith.cmpi ne, %convert_element_type3A_96, %cond3A_97 : i32
        scf.if %cond3A_98 {
          %add3A_99 = arith.constant 2 : i32
          %add3A_100 = arith.addi %while3A_49, %add3A_99 : i32
          %dma_start3A = arith.constant 0 : i32
          %dma_start3A_101 = tpu.memref_slice %arg6[%add3A_100, %dma_start3A] : memref<56x128xi32, #tpu.memory_space<vmem>> -> memref<1x128xi32, #tpu.memory_space<vmem>>
          %dma_start3A_102 = tpu.memref_squeeze %dma_start3A_101 : memref<1x128xi32, #tpu.memory_space<vmem>> -> memref<128xi32, #tpu.memory_space<vmem>>
          %dma_start3A_103 = arith.constant 0 : i32
          %dma_start3A_104 = arith.constant 0 : i32
          %dma_start3A_105 = tpu.memref_slice %arg2[%dma_start3A_103, %dma_start3A_104] : memref<10240x128xf32, #tpu.memory_space<hbm>> -> memref<10240x128xf32, #tpu.memory_space<hbm>>
          tpu.enqueue_indirect_dma source(%dma_start3A_105 : memref<10240x128xf32, #tpu.memory_space<hbm>>) target(%arg9 : memref<128x128xf32, #tpu.memory_space<vmem>>) offsets(%dma_start3A_102 : memref<128xi32, #tpu.memory_space<vmem>>) semaphore(%arg12 : memref<!tpu.dma_semaphore, #tpu.memory_space<semaphore_mem>>)
        } else {
        }
      } else {
      }
    }
    %barrier3A_44 = arith.constant 0 : index
    tpu.barrier barrier_id(%barrier3A_44)
    %mul3A_45 = arith.constant 640 : i32
    %mul3A_46 = arith.muli %arg1, %mul3A_45 : i32
    %mul3A_47 = arith.constant 640 : i32
    %mul3A_48 = arith.muli %arg1, %mul3A_47 : i32
    "tpu.region"() ({
      %run_scoped3A = tpu.sem_alloc : memref<!tpu.dma_semaphore, #tpu.memory_space<semaphore_mem>>
      %dma_start3A = arith.constant 0 : i32
      %dma_start3A_49 = tpu.memref_slice %arg5[%arg0, %mul3A_48, %dma_start3A] : memref<2x10240x128xf32, #tpu.memory_space<hbm>> -> memref<1x640x128xf32, #tpu.memory_space<hbm>>
      %dma_start3A_50 = tpu.memref_squeeze %dma_start3A_49 : memref<1x640x128xf32, #tpu.memory_space<hbm>> -> memref<640x128xf32, #tpu.memory_space<hbm>>
      %dma_start3A_51 = arith.constant 0 : i32
      %dma_start3A_52 = tpu.memref_slice %arg10[%mul3A_46, %dma_start3A_51] : memref<10240x128xf32, #tpu.memory_space<vmem_shared>> -> memref<640x128xf32, #tpu.memory_space<vmem_shared>>
      tpu.enqueue_dma source(%dma_start3A_52 : memref<640x128xf32, #tpu.memory_space<vmem_shared>>) target(%dma_start3A_50 : memref<640x128xf32, #tpu.memory_space<hbm>>) target_semaphore(%run_scoped3A : memref<!tpu.dma_semaphore, #tpu.memory_space<semaphore_mem>>)
      %dma_wait3A = arith.constant 0 : i32
      %dma_wait3A_53 = tpu.memref_slice %arg5[%arg0, %mul3A_48, %dma_wait3A] : memref<2x10240x128xf32, #tpu.memory_space<hbm>> -> memref<1x640x128xf32, #tpu.memory_space<hbm>>
      %dma_wait3A_54 = tpu.memref_squeeze %dma_wait3A_53 : memref<1x640x128xf32, #tpu.memory_space<hbm>> -> memref<640x128xf32, #tpu.memory_space<hbm>>
      %dma_wait3A_55 = arith.constant 0 : i32
      %dma_wait3A_56 = tpu.memref_slice %arg10[%mul3A_46, %dma_wait3A_55] : memref<10240x128xf32, #tpu.memory_space<vmem_shared>> -> memref<640x128xf32, #tpu.memory_space<vmem_shared>>
      tpu.wait_dma2 semaphore(%run_scoped3A : memref<!tpu.dma_semaphore, #tpu.memory_space<semaphore_mem>>) src(%dma_wait3A_56 : memref<640x128xf32, #tpu.memory_space<vmem_shared>>) dst(%dma_wait3A_54 : memref<640x128xf32, #tpu.memory_space<hbm>>)
      tpu.yield
    }) : () -> ()
    return
  }
}

#map = affine_map<(d0, d1) -> (0, 0)>
#map1 = affine_map<(d0, d1) -> (0, 0, 0)>
module attributes {stable_mosaic.version = 14 : i64} {
  func.func @body(%arg0: i32, %arg1: i32, %arg2: memref<10240x128xf32, #tpu.memory_space<hbm>>, %arg3: memref<32x112x128xi32, #tpu.memory_space<hbm>>, %arg4: memref<32x112x128xi32, #tpu.memory_space<hbm>>, %arg5: memref<2x10240x128xf32, #tpu.memory_space<hbm>>, %arg6: memref<56x128xi32, #tpu.memory_space<vmem>>, %arg7: memref<56x128xi32, #tpu.memory_space<vmem>>, %arg8: memref<128x128xf32, #tpu.memory_space<vmem>>, %arg9: memref<128x128xf32, #tpu.memory_space<vmem>>, %arg10: memref<10240x128xf32, #tpu.memory_space<vmem_shared>>, %arg11: memref<!tpu.dma_semaphore, #tpu.memory_space<semaphore_mem>>, %arg12: memref<!tpu.dma_semaphore, #tpu.memory_space<semaphore_mem>>) attributes {dimension_semantics = [#tpu.dimension_semantics<core_parallel>, #tpu.dimension_semantics<subcore_parallel>], iteration_bounds = array<i64: 2, 16>, scalar_prefetch = 0 : i64, scratch_operands = 7 : i64, tpu.core_type = #tpu.core_type<sc_vector_subcore>, window_params = [{transform_indices = #map}, {transform_indices = #map1}, {transform_indices = #map1}, {transform_indices = #map1}]} {
    %mul3A = arith.constant 16 : i32
    %mul3A_0 = arith.muli %arg0, %mul3A : i32
    %add3A = arith.addi %mul3A_0, %arg1 : i32
    %eq3A = arith.constant 0 : i32
    %eq3A_1 = arith.cmpi eq, %arg0, %eq3A : i32
    %jit3A = arith.constant 97 : i32
    %jit3A_2 = arith.constant 60 : i32
    %select_n3A = arith.select %eq3A_1, %jit3A, %jit3A_2 : i32
    %mul3A_3 = arith.constant 640 : i32
    %mul3A_4 = arith.muli %arg1, %mul3A_3 : i32
    %mul3A_5 = arith.constant 640 : i32
    %mul3A_6 = arith.muli %arg1, %mul3A_5 : i32
    "tpu.region"() ({
      %run_scoped3A = tpu.sem_alloc : memref<!tpu.dma_semaphore, #tpu.memory_space<semaphore_mem>>
      %dma_start3A = arith.constant 0 : i32
      %dma_start3A_49 = tpu.memref_slice %arg10[%mul3A_6, %dma_start3A] : memref<10240x128xf32, #tpu.memory_space<vmem_shared>> -> memref<640x128xf32, #tpu.memory_space<vmem_shared>>
      %dma_start3A_50 = arith.constant 0 : i32
      %dma_start3A_51 = tpu.memref_slice %arg2[%mul3A_4, %dma_start3A_50] : memref<10240x128xf32, #tpu.memory_space<hbm>> -> memref<640x128xf32, #tpu.memory_space<hbm>>
      tpu.enqueue_dma source(%dma_start3A_51 : memref<640x128xf32, #tpu.memory_space<hbm>>) target(%dma_start3A_49 : memref<640x128xf32, #tpu.memory_space<vmem_shared>>) target_semaphore(%run_scoped3A : memref<!tpu.dma_semaphore, #tpu.memory_space<semaphore_mem>>)
      %dma_wait3A = arith.constant 0 : i32
      %dma_wait3A_52 = tpu.memref_slice %arg10[%mul3A_6, %dma_wait3A] : memref<10240x128xf32, #tpu.memory_space<vmem_shared>> -> memref<640x128xf32, #tpu.memory_space<vmem_shared>>
      %dma_wait3A_53 = arith.constant 0 : i32
      %dma_wait3A_54 = tpu.memref_slice %arg2[%mul3A_4, %dma_wait3A_53] : memref<10240x128xf32, #tpu.memory_space<hbm>> -> memref<640x128xf32, #tpu.memory_space<hbm>>
      tpu.wait_dma2 semaphore(%run_scoped3A : memref<!tpu.dma_semaphore, #tpu.memory_space<semaphore_mem>>) src(%dma_wait3A_54 : memref<640x128xf32, #tpu.memory_space<hbm>>) dst(%dma_wait3A_52 : memref<640x128xf32, #tpu.memory_space<vmem_shared>>)
      tpu.yield
    }) : () -> ()
    %barrier3A = arith.constant 0 : index
    tpu.barrier barrier_id(%barrier3A)
    %min3A = arith.constant 56 : i32
    %min3A_7 = arith.minsi %select_n3A, %min3A : i32
    "tpu.region"() ({
      %run_scoped3A = tpu.sem_alloc : memref<!tpu.dma_semaphore, #tpu.memory_space<semaphore_mem>>
      %dma_start3A = arith.constant 0 : i32
      %dma_start3A_49 = arith.constant 0 : i32
      %dma_start3A_50 = tpu.memref_slice %arg3[%add3A, %dma_start3A, %dma_start3A_49] : memref<32x112x128xi32, #tpu.memory_space<hbm>> -> memref<1x56x128xi32, #tpu.memory_space<hbm>>
      %dma_start3A_51 = tpu.memref_squeeze %dma_start3A_50 : memref<1x56x128xi32, #tpu.memory_space<hbm>> -> memref<56x128xi32, #tpu.memory_space<hbm>>
      %dma_start3A_52 = arith.constant 0 : i32
      %dma_start3A_53 = arith.constant 0 : i32
      %dma_start3A_54 = tpu.memref_slice %arg3[%add3A, %dma_start3A_52, %dma_start3A_53] : memref<32x112x128xi32, #tpu.memory_space<hbm>> -> memref<1x56x128xi32, #tpu.memory_space<hbm>>
      %dma_start3A_55 = tpu.memref_squeeze %dma_start3A_54 : memref<1x56x128xi32, #tpu.memory_space<hbm>> -> memref<56x128xi32, #tpu.memory_space<hbm>>
      tpu.enqueue_dma source(%dma_start3A_55 : memref<56x128xi32, #tpu.memory_space<hbm>>) target(%arg6 : memref<56x128xi32, #tpu.memory_space<vmem>>) target_semaphore(%run_scoped3A : memref<!tpu.dma_semaphore, #tpu.memory_space<semaphore_mem>>)
      %dma_wait3A = arith.constant 0 : i32
      %dma_wait3A_56 = arith.constant 0 : i32
      %dma_wait3A_57 = tpu.memref_slice %arg3[%add3A, %dma_wait3A, %dma_wait3A_56] : memref<32x112x128xi32, #tpu.memory_space<hbm>> -> memref<1x56x128xi32, #tpu.memory_space<hbm>>
      %dma_wait3A_58 = tpu.memref_squeeze %dma_wait3A_57 : memref<1x56x128xi32, #tpu.memory_space<hbm>> -> memref<56x128xi32, #tpu.memory_space<hbm>>
      %dma_wait3A_59 = arith.constant 0 : i32
      %dma_wait3A_60 = arith.constant 0 : i32
      %dma_wait3A_61 = tpu.memref_slice %arg3[%add3A, %dma_wait3A_59, %dma_wait3A_60] : memref<32x112x128xi32, #tpu.memory_space<hbm>> -> memref<1x56x128xi32, #tpu.memory_space<hbm>>
      %dma_wait3A_62 = tpu.memref_squeeze %dma_wait3A_61 : memref<1x56x128xi32, #tpu.memory_space<hbm>> -> memref<56x128xi32, #tpu.memory_space<hbm>>
      tpu.wait_dma2 semaphore(%run_scoped3A : memref<!tpu.dma_semaphore, #tpu.memory_space<semaphore_mem>>) src(%dma_wait3A_62 : memref<56x128xi32, #tpu.memory_space<hbm>>) dst(%arg6 : memref<56x128xi32, #tpu.memory_space<vmem>>)
      tpu.yield
    }) : () -> ()
    "tpu.region"() ({
      %run_scoped3A = tpu.sem_alloc : memref<!tpu.dma_semaphore, #tpu.memory_space<semaphore_mem>>
      %dma_start3A = arith.constant 0 : i32
      %dma_start3A_49 = arith.constant 0 : i32
      %dma_start3A_50 = tpu.memref_slice %arg4[%add3A, %dma_start3A, %dma_start3A_49] : memref<32x112x128xi32, #tpu.memory_space<hbm>> -> memref<1x56x128xi32, #tpu.memory_space<hbm>>
      %dma_start3A_51 = tpu.memref_squeeze %dma_start3A_50 : memref<1x56x128xi32, #tpu.memory_space<hbm>> -> memref<56x128xi32, #tpu.memory_space<hbm>>
      %dma_start3A_52 = arith.constant 0 : i32
      %dma_start3A_53 = arith.constant 0 : i32
      %dma_start3A_54 = tpu.memref_slice %arg4[%add3A, %dma_start3A_52, %dma_start3A_53] : memref<32x112x128xi32, #tpu.memory_space<hbm>> -> memref<1x56x128xi32, #tpu.memory_space<hbm>>
      %dma_start3A_55 = tpu.memref_squeeze %dma_start3A_54 : memref<1x56x128xi32, #tpu.memory_space<hbm>> -> memref<56x128xi32, #tpu.memory_space<hbm>>
      tpu.enqueue_dma source(%dma_start3A_55 : memref<56x128xi32, #tpu.memory_space<hbm>>) target(%arg7 : memref<56x128xi32, #tpu.memory_space<vmem>>) target_semaphore(%run_scoped3A : memref<!tpu.dma_semaphore, #tpu.memory_space<semaphore_mem>>)
      %dma_wait3A = arith.constant 0 : i32
      %dma_wait3A_56 = arith.constant 0 : i32
      %dma_wait3A_57 = tpu.memref_slice %arg4[%add3A, %dma_wait3A, %dma_wait3A_56] : memref<32x112x128xi32, #tpu.memory_space<hbm>> -> memref<1x56x128xi32, #tpu.memory_space<hbm>>
      %dma_wait3A_58 = tpu.memref_squeeze %dma_wait3A_57 : memref<1x56x128xi32, #tpu.memory_space<hbm>> -> memref<56x128xi32, #tpu.memory_space<hbm>>
      %dma_wait3A_59 = arith.constant 0 : i32
      %dma_wait3A_60 = arith.constant 0 : i32
      %dma_wait3A_61 = tpu.memref_slice %arg4[%add3A, %dma_wait3A_59, %dma_wait3A_60] : memref<32x112x128xi32, #tpu.memory_space<hbm>> -> memref<1x56x128xi32, #tpu.memory_space<hbm>>
      %dma_wait3A_62 = tpu.memref_squeeze %dma_wait3A_61 : memref<1x56x128xi32, #tpu.memory_space<hbm>> -> memref<56x128xi32, #tpu.memory_space<hbm>>
      tpu.wait_dma2 semaphore(%run_scoped3A : memref<!tpu.dma_semaphore, #tpu.memory_space<semaphore_mem>>) src(%dma_wait3A_62 : memref<56x128xi32, #tpu.memory_space<hbm>>) dst(%arg7 : memref<56x128xi32, #tpu.memory_space<vmem>>)
      tpu.yield
    }) : () -> ()
    %gt3A = arith.constant 0 : i32
    %gt3A_8 = arith.cmpi sgt, %min3A_7, %gt3A : i32
    %convert_element_type3A = arith.extui %gt3A_8 : i1 to i32
    %cond3A = arith.constant 0 : i32
    %cond3A_9 = arith.cmpi ne, %convert_element_type3A, %cond3A : i32
    scf.if %cond3A_9 {
      %dma_start3A = arith.constant 0 : i32
      %dma_start3A_49 = arith.constant 0 : i32
      %dma_start3A_50 = tpu.memref_slice %arg6[%dma_start3A, %dma_start3A_49] : memref<56x128xi32, #tpu.memory_space<vmem>> -> memref<1x128xi32, #tpu.memory_space<vmem>>
      %dma_start3A_51 = tpu.memref_squeeze %dma_start3A_50 : memref<1x128xi32, #tpu.memory_space<vmem>> -> memref<128xi32, #tpu.memory_space<vmem>>
      %dma_start3A_52 = arith.constant 0 : i32
      %dma_start3A_53 = arith.constant 0 : i32
      %dma_start3A_54 = tpu.memref_slice %arg2[%dma_start3A_52, %dma_start3A_53] : memref<10240x128xf32, #tpu.memory_space<hbm>> -> memref<10240x128xf32, #tpu.memory_space<hbm>>
      tpu.enqueue_indirect_dma source(%dma_start3A_54 : memref<10240x128xf32, #tpu.memory_space<hbm>>) target(%arg8 : memref<128x128xf32, #tpu.memory_space<vmem>>) offsets(%dma_start3A_51 : memref<128xi32, #tpu.memory_space<vmem>>) semaphore(%arg11 : memref<!tpu.dma_semaphore, #tpu.memory_space<semaphore_mem>>)
    } else {
    }
    %gt3A_10 = arith.constant 1 : i32
    %gt3A_11 = arith.cmpi sgt, %min3A_7, %gt3A_10 : i32
    %convert_element_type3A_12 = arith.extui %gt3A_11 : i1 to i32
    %cond3A_13 = arith.constant 0 : i32
    %cond3A_14 = arith.cmpi ne, %convert_element_type3A_12, %cond3A_13 : i32
    scf.if %cond3A_14 {
      %dma_start3A = arith.constant 1 : i32
      %dma_start3A_49 = arith.constant 0 : i32
      %dma_start3A_50 = tpu.memref_slice %arg6[%dma_start3A, %dma_start3A_49] : memref<56x128xi32, #tpu.memory_space<vmem>> -> memref<1x128xi32, #tpu.memory_space<vmem>>
      %dma_start3A_51 = tpu.memref_squeeze %dma_start3A_50 : memref<1x128xi32, #tpu.memory_space<vmem>> -> memref<128xi32, #tpu.memory_space<vmem>>
      %dma_start3A_52 = arith.constant 0 : i32
      %dma_start3A_53 = arith.constant 0 : i32
      %dma_start3A_54 = tpu.memref_slice %arg2[%dma_start3A_52, %dma_start3A_53] : memref<10240x128xf32, #tpu.memory_space<hbm>> -> memref<10240x128xf32, #tpu.memory_space<hbm>>
      tpu.enqueue_indirect_dma source(%dma_start3A_54 : memref<10240x128xf32, #tpu.memory_space<hbm>>) target(%arg9 : memref<128x128xf32, #tpu.memory_space<vmem>>) offsets(%dma_start3A_51 : memref<128xi32, #tpu.memory_space<vmem>>) semaphore(%arg12 : memref<!tpu.dma_semaphore, #tpu.memory_space<semaphore_mem>>)
    } else {
    }
    %while3A = arith.constant 0 : i32
    %while3A_15 = arith.constant 0 : i32
    %while3A_16 = arith.subi %min3A_7, %while3A_15 : i32
    %while3A_17 = arith.addi %while3A_15, %while3A_16 : i32
    %while3A_18 = arith.constant 1 : i32
    %while3A_19 = arith.divsi %while3A_16, %while3A_18 : i32
    %while3A_20 = arith.muli %while3A_19, %while3A_18 : i32
    %while3A_21 = arith.addi %while3A_15, %while3A_20 : i32
    %while3A_22 = arith.constant 1 : i32
    scf.for %while3A_49 = %while3A_15 to %while3A_21 step %while3A_22  : i32 {
      %jit3A_50 = arith.constant 2 : i32
      %eq3A_51 = arith.constant 0 : i32
      %eq3A_52 = arith.cmpi eq, %jit3A_50, %eq3A_51 : i32
      %jit3A_53 = arith.constant 1 : i32
      %select_n3A_54 = arith.select %eq3A_52, %jit3A_53, %jit3A_50 : i32
      %rem3A = arith.remsi %while3A_49, %select_n3A_54 : i32
      %ne3A = arith.constant 0 : i32
      %ne3A_55 = arith.cmpi ne, %rem3A, %ne3A : i32
      %lt3A = arith.constant 0 : i32
      %lt3A_56 = arith.cmpi slt, %rem3A, %lt3A : i32
      %lt3A_57 = arith.constant 0 : i32
      %lt3A_58 = arith.cmpi slt, %select_n3A_54, %lt3A_57 : i32
      %ne3A_59 = arith.xori %lt3A_56, %lt3A_58 : i1
      %and3A = arith.andi %ne3A_59, %ne3A_55 : i1
      %add3A_60 = arith.addi %rem3A, %select_n3A_54 : i32
      %select_n3A_61 = arith.select %and3A, %add3A_60, %rem3A : i32
      %eq3A_62 = arith.constant 0 : i32
      %eq3A_63 = arith.cmpi eq, %select_n3A_61, %eq3A_62 : i32
      %convert_element_type3A_64 = arith.extui %eq3A_63 : i1 to i32
      %cond3A_65 = arith.constant 0 : i32
      %cond3A_66 = arith.cmpi ne, %convert_element_type3A_64, %cond3A_65 : i32
      scf.if %cond3A_66 {
        %dma_wait3A = arith.constant 0 : i32
        %dma_wait3A_88 = tpu.memref_slice %arg6[%while3A_49, %dma_wait3A] : memref<56x128xi32, #tpu.memory_space<vmem>> -> memref<1x128xi32, #tpu.memory_space<vmem>>
        %dma_wait3A_89 = tpu.memref_squeeze %dma_wait3A_88 : memref<1x128xi32, #tpu.memory_space<vmem>> -> memref<128xi32, #tpu.memory_space<vmem>>
        %dma_wait3A_90 = arith.constant 0 : i32
        %dma_wait3A_91 = arith.constant 0 : i32
        %dma_wait3A_92 = tpu.memref_slice %arg2[%dma_wait3A_90, %dma_wait3A_91] : memref<10240x128xf32, #tpu.memory_space<hbm>> -> memref<10240x128xf32, #tpu.memory_space<hbm>>
        tpu.wait_indirect_dma semaphore(%arg11 : memref<!tpu.dma_semaphore, #tpu.memory_space<semaphore_mem>>) src(%dma_wait3A_92 : memref<10240x128xf32, #tpu.memory_space<hbm>>) dst(%arg8 : memref<128x128xf32, #tpu.memory_space<vmem>>)
        "tpu.region"() ({
          %run_scoped3A = tpu.sem_alloc : memref<!tpu.dma_semaphore, #tpu.memory_space<semaphore_mem>>
          %dma_start3A = arith.constant 0 : i32
          %dma_start3A_99 = tpu.memref_slice %arg7[%while3A_49, %dma_start3A] : memref<56x128xi32, #tpu.memory_space<vmem>> -> memref<1x128xi32, #tpu.memory_space<vmem>>
          %dma_start3A_100 = tpu.memref_squeeze %dma_start3A_99 : memref<1x128xi32, #tpu.memory_space<vmem>> -> memref<128xi32, #tpu.memory_space<vmem>>
          %dma_start3A_101 = arith.constant 0 : i32
          %dma_start3A_102 = arith.constant 0 : i32
          %dma_start3A_103 = tpu.memref_slice %arg10[%dma_start3A_101, %dma_start3A_102] : memref<10240x128xf32, #tpu.memory_space<vmem_shared>> -> memref<10240x128xf32, #tpu.memory_space<vmem_shared>>
          tpu.enqueue_indirect_dma source(%arg8 : memref<128x128xf32, #tpu.memory_space<vmem>>) target(%dma_start3A_103 : memref<10240x128xf32, #tpu.memory_space<vmem_shared>>) offsets(%dma_start3A_100 : memref<128xi32, #tpu.memory_space<vmem>>) semaphore(%run_scoped3A : memref<!tpu.dma_semaphore, #tpu.memory_space<semaphore_mem>>) {add = true}
          %dma_wait3A_104 = arith.constant 0 : i32
          %dma_wait3A_105 = tpu.memref_slice %arg7[%while3A_49, %dma_wait3A_104] : memref<56x128xi32, #tpu.memory_space<vmem>> -> memref<1x128xi32, #tpu.memory_space<vmem>>
          %dma_wait3A_106 = tpu.memref_squeeze %dma_wait3A_105 : memref<1x128xi32, #tpu.memory_space<vmem>> -> memref<128xi32, #tpu.memory_space<vmem>>
          %dma_wait3A_107 = arith.constant 0 : i32
          %dma_wait3A_108 = arith.constant 0 : i32
          %dma_wait3A_109 = tpu.memref_slice %arg10[%dma_wait3A_107, %dma_wait3A_108] : memref<10240x128xf32, #tpu.memory_space<vmem_shared>> -> memref<10240x128xf32, #tpu.memory_space<vmem_shared>>
          tpu.wait_indirect_dma semaphore(%run_scoped3A : memref<!tpu.dma_semaphore, #tpu.memory_space<semaphore_mem>>) src(%arg8 : memref<128x128xf32, #tpu.memory_space<vmem>>) dst(%dma_wait3A_109 : memref<10240x128xf32, #tpu.memory_space<vmem_shared>>)
          tpu.yield
        }) : () -> ()
        %add3A_93 = arith.constant 2 : i32
        %add3A_94 = arith.addi %while3A_49, %add3A_93 : i32
        %lt3A_95 = arith.cmpi slt, %add3A_94, %min3A_7 : i32
        %convert_element_type3A_96 = arith.extui %lt3A_95 : i1 to i32
        %cond3A_97 = arith.constant 0 : i32
        %cond3A_98 = arith.cmpi ne, %convert_element_type3A_96, %cond3A_97 : i32
        scf.if %cond3A_98 {
          %add3A_99 = arith.constant 2 : i32
          %add3A_100 = arith.addi %while3A_49, %add3A_99 : i32
          %dma_start3A = arith.constant 0 : i32
          %dma_start3A_101 = tpu.memref_slice %arg6[%add3A_100, %dma_start3A] : memref<56x128xi32, #tpu.memory_space<vmem>> -> memref<1x128xi32, #tpu.memory_space<vmem>>
          %dma_start3A_102 = tpu.memref_squeeze %dma_start3A_101 : memref<1x128xi32, #tpu.memory_space<vmem>> -> memref<128xi32, #tpu.memory_space<vmem>>
          %dma_start3A_103 = arith.constant 0 : i32
          %dma_start3A_104 = arith.constant 0 : i32
          %dma_start3A_105 = tpu.memref_slice %arg2[%dma_start3A_103, %dma_start3A_104] : memref<10240x128xf32, #tpu.memory_space<hbm>> -> memref<10240x128xf32, #tpu.memory_space<hbm>>
          tpu.enqueue_indirect_dma source(%dma_start3A_105 : memref<10240x128xf32, #tpu.memory_space<hbm>>) target(%arg8 : memref<128x128xf32, #tpu.memory_space<vmem>>) offsets(%dma_start3A_102 : memref<128xi32, #tpu.memory_space<vmem>>) semaphore(%arg11 : memref<!tpu.dma_semaphore, #tpu.memory_space<semaphore_mem>>)
        } else {
        }
      } else {
      }
      %jit3A_67 = arith.constant 2 : i32
      %eq3A_68 = arith.constant 0 : i32
      %eq3A_69 = arith.cmpi eq, %jit3A_67, %eq3A_68 : i32
      %jit3A_70 = arith.constant 1 : i32
      %select_n3A_71 = arith.select %eq3A_69, %jit3A_70, %jit3A_67 : i32
      %rem3A_72 = arith.remsi %while3A_49, %select_n3A_71 : i32
      %ne3A_73 = arith.constant 0 : i32
      %ne3A_74 = arith.cmpi ne, %rem3A_72, %ne3A_73 : i32
      %lt3A_75 = arith.constant 0 : i32
      %lt3A_76 = arith.cmpi slt, %rem3A_72, %lt3A_75 : i32
      %lt3A_77 = arith.constant 0 : i32
      %lt3A_78 = arith.cmpi slt, %select_n3A_71, %lt3A_77 : i32
      %ne3A_79 = arith.xori %lt3A_76, %lt3A_78 : i1
      %and3A_80 = arith.andi %ne3A_79, %ne3A_74 : i1
      %add3A_81 = arith.addi %rem3A_72, %select_n3A_71 : i32
      %select_n3A_82 = arith.select %and3A_80, %add3A_81, %rem3A_72 : i32
      %eq3A_83 = arith.constant 1 : i32
      %eq3A_84 = arith.cmpi eq, %select_n3A_82, %eq3A_83 : i32
      %convert_element_type3A_85 = arith.extui %eq3A_84 : i1 to i32
      %cond3A_86 = arith.constant 0 : i32
      %cond3A_87 = arith.cmpi ne, %convert_element_type3A_85, %cond3A_86 : i32
      scf.if %cond3A_87 {
        %dma_wait3A = arith.constant 0 : i32
        %dma_wait3A_88 = tpu.memref_slice %arg6[%while3A_49, %dma_wait3A] : memref<56x128xi32, #tpu.memory_space<vmem>> -> memref<1x128xi32, #tpu.memory_space<vmem>>
        %dma_wait3A_89 = tpu.memref_squeeze %dma_wait3A_88 : memref<1x128xi32, #tpu.memory_space<vmem>> -> memref<128xi32, #tpu.memory_space<vmem>>
        %dma_wait3A_90 = arith.constant 0 : i32
        %dma_wait3A_91 = arith.constant 0 : i32
        %dma_wait3A_92 = tpu.memref_slice %arg2[%dma_wait3A_90, %dma_wait3A_91] : memref<10240x128xf32, #tpu.memory_space<hbm>> -> memref<10240x128xf32, #tpu.memory_space<hbm>>
        tpu.wait_indirect_dma semaphore(%arg12 : memref<!tpu.dma_semaphore, #tpu.memory_space<semaphore_mem>>) src(%dma_wait3A_92 : memref<10240x128xf32, #tpu.memory_space<hbm>>) dst(%arg9 : memref<128x128xf32, #tpu.memory_space<vmem>>)
        "tpu.region"() ({
          %run_scoped3A = tpu.sem_alloc : memref<!tpu.dma_semaphore, #tpu.memory_space<semaphore_mem>>
          %dma_start3A = arith.constant 0 : i32
          %dma_start3A_99 = tpu.memref_slice %arg7[%while3A_49, %dma_start3A] : memref<56x128xi32, #tpu.memory_space<vmem>> -> memref<1x128xi32, #tpu.memory_space<vmem>>
          %dma_start3A_100 = tpu.memref_squeeze %dma_start3A_99 : memref<1x128xi32, #tpu.memory_space<vmem>> -> memref<128xi32, #tpu.memory_space<vmem>>
          %dma_start3A_101 = arith.constant 0 : i32
          %dma_start3A_102 = arith.constant 0 : i32
          %dma_start3A_103 = tpu.memref_slice %arg10[%dma_start3A_101, %dma_start3A_102] : memref<10240x128xf32, #tpu.memory_space<vmem_shared>> -> memref<10240x128xf32, #tpu.memory_space<vmem_shared>>
          tpu.enqueue_indirect_dma source(%arg9 : memref<128x128xf32, #tpu.memory_space<vmem>>) target(%dma_start3A_103 : memref<10240x128xf32, #tpu.memory_space<vmem_shared>>) offsets(%dma_start3A_100 : memref<128xi32, #tpu.memory_space<vmem>>) semaphore(%run_scoped3A : memref<!tpu.dma_semaphore, #tpu.memory_space<semaphore_mem>>) {add = true}
          %dma_wait3A_104 = arith.constant 0 : i32
          %dma_wait3A_105 = tpu.memref_slice %arg7[%while3A_49, %dma_wait3A_104] : memref<56x128xi32, #tpu.memory_space<vmem>> -> memref<1x128xi32, #tpu.memory_space<vmem>>
          %dma_wait3A_106 = tpu.memref_squeeze %dma_wait3A_105 : memref<1x128xi32, #tpu.memory_space<vmem>> -> memref<128xi32, #tpu.memory_space<vmem>>
          %dma_wait3A_107 = arith.constant 0 : i32
          %dma_wait3A_108 = arith.constant 0 : i32
          %dma_wait3A_109 = tpu.memref_slice %arg10[%dma_wait3A_107, %dma_wait3A_108] : memref<10240x128xf32, #tpu.memory_space<vmem_shared>> -> memref<10240x128xf32, #tpu.memory_space<vmem_shared>>
          tpu.wait_indirect_dma semaphore(%run_scoped3A : memref<!tpu.dma_semaphore, #tpu.memory_space<semaphore_mem>>) src(%arg9 : memref<128x128xf32, #tpu.memory_space<vmem>>) dst(%dma_wait3A_109 : memref<10240x128xf32, #tpu.memory_space<vmem_shared>>)
          tpu.yield
        }) : () -> ()
        %add3A_93 = arith.constant 2 : i32
        %add3A_94 = arith.addi %while3A_49, %add3A_93 : i32
        %lt3A_95 = arith.cmpi slt, %add3A_94, %min3A_7 : i32
        %convert_element_type3A_96 = arith.extui %lt3A_95 : i1 to i32
        %cond3A_97 = arith.constant 0 : i32
        %cond3A_98 = arith.cmpi ne, %convert_element_type3A_96, %cond3A_97 : i32
        scf.if %cond3A_98 {
          %add3A_99 = arith.constant 2 : i32
          %add3A_100 = arith.addi %while3A_49, %add3A_99 : i32
          %dma_start3A = arith.constant 0 : i32
          %dma_start3A_101 = tpu.memref_slice %arg6[%add3A_100, %dma_start3A] : memref<56x128xi32, #tpu.memory_space<vmem>> -> memref<1x128xi32, #tpu.memory_space<vmem>>
          %dma_start3A_102 = tpu.memref_squeeze %dma_start3A_101 : memref<1x128xi32, #tpu.memory_space<vmem>> -> memref<128xi32, #tpu.memory_space<vmem>>
          %dma_start3A_103 = arith.constant 0 : i32
          %dma_start3A_104 = arith.constant 0 : i32
          %dma_start3A_105 = tpu.memref_slice %arg2[%dma_start3A_103, %dma_start3A_104] : memref<10240x128xf32, #tpu.memory_space<hbm>> -> memref<10240x128xf32, #tpu.memory_space<hbm>>
          tpu.enqueue_indirect_dma source(%dma_start3A_105 : memref<10240x128xf32, #tpu.memory_space<hbm>>) target(%arg9 : memref<128x128xf32, #tpu.memory_space<vmem>>) offsets(%dma_start3A_102 : memref<128xi32, #tpu.memory_space<vmem>>) semaphore(%arg12 : memref<!tpu.dma_semaphore, #tpu.memory_space<semaphore_mem>>)
        } else {
        }
      } else {
      }
    }
    %while3A_23 = arith.constant 1 : i32
    scf.for %while3A_49 = %while3A_21 to %while3A_17 step %while3A_23  : i32 {
      %jit3A_50 = arith.constant 2 : i32
      %eq3A_51 = arith.constant 0 : i32
      %eq3A_52 = arith.cmpi eq, %jit3A_50, %eq3A_51 : i32
      %jit3A_53 = arith.constant 1 : i32
      %select_n3A_54 = arith.select %eq3A_52, %jit3A_53, %jit3A_50 : i32
      %rem3A = arith.remsi %while3A_49, %select_n3A_54 : i32
      %ne3A = arith.constant 0 : i32
      %ne3A_55 = arith.cmpi ne, %rem3A, %ne3A : i32
      %lt3A = arith.constant 0 : i32
      %lt3A_56 = arith.cmpi slt, %rem3A, %lt3A : i32
      %lt3A_57 = arith.constant 0 : i32
      %lt3A_58 = arith.cmpi slt, %select_n3A_54, %lt3A_57 : i32
      %ne3A_59 = arith.xori %lt3A_56, %lt3A_58 : i1
      %and3A = arith.andi %ne3A_59, %ne3A_55 : i1
      %add3A_60 = arith.addi %rem3A, %select_n3A_54 : i32
      %select_n3A_61 = arith.select %and3A, %add3A_60, %rem3A : i32
      %eq3A_62 = arith.constant 0 : i32
      %eq3A_63 = arith.cmpi eq, %select_n3A_61, %eq3A_62 : i32
      %convert_element_type3A_64 = arith.extui %eq3A_63 : i1 to i32
      %cond3A_65 = arith.constant 0 : i32
      %cond3A_66 = arith.cmpi ne, %convert_element_type3A_64, %cond3A_65 : i32
      scf.if %cond3A_66 {
        %dma_wait3A = arith.constant 0 : i32
        %dma_wait3A_88 = tpu.memref_slice %arg6[%while3A_49, %dma_wait3A] : memref<56x128xi32, #tpu.memory_space<vmem>> -> memref<1x128xi32, #tpu.memory_space<vmem>>
        %dma_wait3A_89 = tpu.memref_squeeze %dma_wait3A_88 : memref<1x128xi32, #tpu.memory_space<vmem>> -> memref<128xi32, #tpu.memory_space<vmem>>
        %dma_wait3A_90 = arith.constant 0 : i32
        %dma_wait3A_91 = arith.constant 0 : i32
        %dma_wait3A_92 = tpu.memref_slice %arg2[%dma_wait3A_90, %dma_wait3A_91] : memref<10240x128xf32, #tpu.memory_space<hbm>> -> memref<10240x128xf32, #tpu.memory_space<hbm>>
        tpu.wait_indirect_dma semaphore(%arg11 : memref<!tpu.dma_semaphore, #tpu.memory_space<semaphore_mem>>) src(%dma_wait3A_92 : memref<10240x128xf32, #tpu.memory_space<hbm>>) dst(%arg8 : memref<128x128xf32, #tpu.memory_space<vmem>>)
        "tpu.region"() ({
          %run_scoped3A = tpu.sem_alloc : memref<!tpu.dma_semaphore, #tpu.memory_space<semaphore_mem>>
          %dma_start3A = arith.constant 0 : i32
          %dma_start3A_99 = tpu.memref_slice %arg7[%while3A_49, %dma_start3A] : memref<56x128xi32, #tpu.memory_space<vmem>> -> memref<1x128xi32, #tpu.memory_space<vmem>>
          %dma_start3A_100 = tpu.memref_squeeze %dma_start3A_99 : memref<1x128xi32, #tpu.memory_space<vmem>> -> memref<128xi32, #tpu.memory_space<vmem>>
          %dma_start3A_101 = arith.constant 0 : i32
          %dma_start3A_102 = arith.constant 0 : i32
          %dma_start3A_103 = tpu.memref_slice %arg10[%dma_start3A_101, %dma_start3A_102] : memref<10240x128xf32, #tpu.memory_space<vmem_shared>> -> memref<10240x128xf32, #tpu.memory_space<vmem_shared>>
          tpu.enqueue_indirect_dma source(%arg8 : memref<128x128xf32, #tpu.memory_space<vmem>>) target(%dma_start3A_103 : memref<10240x128xf32, #tpu.memory_space<vmem_shared>>) offsets(%dma_start3A_100 : memref<128xi32, #tpu.memory_space<vmem>>) semaphore(%run_scoped3A : memref<!tpu.dma_semaphore, #tpu.memory_space<semaphore_mem>>) {add = true}
          %dma_wait3A_104 = arith.constant 0 : i32
          %dma_wait3A_105 = tpu.memref_slice %arg7[%while3A_49, %dma_wait3A_104] : memref<56x128xi32, #tpu.memory_space<vmem>> -> memref<1x128xi32, #tpu.memory_space<vmem>>
          %dma_wait3A_106 = tpu.memref_squeeze %dma_wait3A_105 : memref<1x128xi32, #tpu.memory_space<vmem>> -> memref<128xi32, #tpu.memory_space<vmem>>
          %dma_wait3A_107 = arith.constant 0 : i32
          %dma_wait3A_108 = arith.constant 0 : i32
          %dma_wait3A_109 = tpu.memref_slice %arg10[%dma_wait3A_107, %dma_wait3A_108] : memref<10240x128xf32, #tpu.memory_space<vmem_shared>> -> memref<10240x128xf32, #tpu.memory_space<vmem_shared>>
          tpu.wait_indirect_dma semaphore(%run_scoped3A : memref<!tpu.dma_semaphore, #tpu.memory_space<semaphore_mem>>) src(%arg8 : memref<128x128xf32, #tpu.memory_space<vmem>>) dst(%dma_wait3A_109 : memref<10240x128xf32, #tpu.memory_space<vmem_shared>>)
          tpu.yield
        }) : () -> ()
        %add3A_93 = arith.constant 2 : i32
        %add3A_94 = arith.addi %while3A_49, %add3A_93 : i32
        %lt3A_95 = arith.cmpi slt, %add3A_94, %min3A_7 : i32
        %convert_element_type3A_96 = arith.extui %lt3A_95 : i1 to i32
        %cond3A_97 = arith.constant 0 : i32
        %cond3A_98 = arith.cmpi ne, %convert_element_type3A_96, %cond3A_97 : i32
        scf.if %cond3A_98 {
          %add3A_99 = arith.constant 2 : i32
          %add3A_100 = arith.addi %while3A_49, %add3A_99 : i32
          %dma_start3A = arith.constant 0 : i32
          %dma_start3A_101 = tpu.memref_slice %arg6[%add3A_100, %dma_start3A] : memref<56x128xi32, #tpu.memory_space<vmem>> -> memref<1x128xi32, #tpu.memory_space<vmem>>
          %dma_start3A_102 = tpu.memref_squeeze %dma_start3A_101 : memref<1x128xi32, #tpu.memory_space<vmem>> -> memref<128xi32, #tpu.memory_space<vmem>>
          %dma_start3A_103 = arith.constant 0 : i32
          %dma_start3A_104 = arith.constant 0 : i32
          %dma_start3A_105 = tpu.memref_slice %arg2[%dma_start3A_103, %dma_start3A_104] : memref<10240x128xf32, #tpu.memory_space<hbm>> -> memref<10240x128xf32, #tpu.memory_space<hbm>>
          tpu.enqueue_indirect_dma source(%dma_start3A_105 : memref<10240x128xf32, #tpu.memory_space<hbm>>) target(%arg8 : memref<128x128xf32, #tpu.memory_space<vmem>>) offsets(%dma_start3A_102 : memref<128xi32, #tpu.memory_space<vmem>>) semaphore(%arg11 : memref<!tpu.dma_semaphore, #tpu.memory_space<semaphore_mem>>)
        } else {
        }
      } else {
      }
      %jit3A_67 = arith.constant 2 : i32
      %eq3A_68 = arith.constant 0 : i32
      %eq3A_69 = arith.cmpi eq, %jit3A_67, %eq3A_68 : i32
      %jit3A_70 = arith.constant 1 : i32
      %select_n3A_71 = arith.select %eq3A_69, %jit3A_70, %jit3A_67 : i32
      %rem3A_72 = arith.remsi %while3A_49, %select_n3A_71 : i32
      %ne3A_73 = arith.constant 0 : i32
      %ne3A_74 = arith.cmpi ne, %rem3A_72, %ne3A_73 : i32
      %lt3A_75 = arith.constant 0 : i32
      %lt3A_76 = arith.cmpi slt, %rem3A_72, %lt3A_75 : i32
      %lt3A_77 = arith.constant 0 : i32
      %lt3A_78 = arith.cmpi slt, %select_n3A_71, %lt3A_77 : i32
      %ne3A_79 = arith.xori %lt3A_76, %lt3A_78 : i1
      %and3A_80 = arith.andi %ne3A_79, %ne3A_74 : i1
      %add3A_81 = arith.addi %rem3A_72, %select_n3A_71 : i32
      %select_n3A_82 = arith.select %and3A_80, %add3A_81, %rem3A_72 : i32
      %eq3A_83 = arith.constant 1 : i32
      %eq3A_84 = arith.cmpi eq, %select_n3A_82, %eq3A_83 : i32
      %convert_element_type3A_85 = arith.extui %eq3A_84 : i1 to i32
      %cond3A_86 = arith.constant 0 : i32
      %cond3A_87 = arith.cmpi ne, %convert_element_type3A_85, %cond3A_86 : i32
      scf.if %cond3A_87 {
        %dma_wait3A = arith.constant 0 : i32
        %dma_wait3A_88 = tpu.memref_slice %arg6[%while3A_49, %dma_wait3A] : memref<56x128xi32, #tpu.memory_space<vmem>> -> memref<1x128xi32, #tpu.memory_space<vmem>>
        %dma_wait3A_89 = tpu.memref_squeeze %dma_wait3A_88 : memref<1x128xi32, #tpu.memory_space<vmem>> -> memref<128xi32, #tpu.memory_space<vmem>>
        %dma_wait3A_90 = arith.constant 0 : i32
        %dma_wait3A_91 = arith.constant 0 : i32
        %dma_wait3A_92 = tpu.memref_slice %arg2[%dma_wait3A_90, %dma_wait3A_91] : memref<10240x128xf32, #tpu.memory_space<hbm>> -> memref<10240x128xf32, #tpu.memory_space<hbm>>
        tpu.wait_indirect_dma semaphore(%arg12 : memref<!tpu.dma_semaphore, #tpu.memory_space<semaphore_mem>>) src(%dma_wait3A_92 : memref<10240x128xf32, #tpu.memory_space<hbm>>) dst(%arg9 : memref<128x128xf32, #tpu.memory_space<vmem>>)
        "tpu.region"() ({
          %run_scoped3A = tpu.sem_alloc : memref<!tpu.dma_semaphore, #tpu.memory_space<semaphore_mem>>
          %dma_start3A = arith.constant 0 : i32
          %dma_start3A_99 = tpu.memref_slice %arg7[%while3A_49, %dma_start3A] : memref<56x128xi32, #tpu.memory_space<vmem>> -> memref<1x128xi32, #tpu.memory_space<vmem>>
          %dma_start3A_100 = tpu.memref_squeeze %dma_start3A_99 : memref<1x128xi32, #tpu.memory_space<vmem>> -> memref<128xi32, #tpu.memory_space<vmem>>
          %dma_start3A_101 = arith.constant 0 : i32
          %dma_start3A_102 = arith.constant 0 : i32
          %dma_start3A_103 = tpu.memref_slice %arg10[%dma_start3A_101, %dma_start3A_102] : memref<10240x128xf32, #tpu.memory_space<vmem_shared>> -> memref<10240x128xf32, #tpu.memory_space<vmem_shared>>
          tpu.enqueue_indirect_dma source(%arg9 : memref<128x128xf32, #tpu.memory_space<vmem>>) target(%dma_start3A_103 : memref<10240x128xf32, #tpu.memory_space<vmem_shared>>) offsets(%dma_start3A_100 : memref<128xi32, #tpu.memory_space<vmem>>) semaphore(%run_scoped3A : memref<!tpu.dma_semaphore, #tpu.memory_space<semaphore_mem>>) {add = true}
          %dma_wait3A_104 = arith.constant 0 : i32
          %dma_wait3A_105 = tpu.memref_slice %arg7[%while3A_49, %dma_wait3A_104] : memref<56x128xi32, #tpu.memory_space<vmem>> -> memref<1x128xi32, #tpu.memory_space<vmem>>
          %dma_wait3A_106 = tpu.memref_squeeze %dma_wait3A_105 : memref<1x128xi32, #tpu.memory_space<vmem>> -> memref<128xi32, #tpu.memory_space<vmem>>
          %dma_wait3A_107 = arith.constant 0 : i32
          %dma_wait3A_108 = arith.constant 0 : i32
          %dma_wait3A_109 = tpu.memref_slice %arg10[%dma_wait3A_107, %dma_wait3A_108] : memref<10240x128xf32, #tpu.memory_space<vmem_shared>> -> memref<10240x128xf32, #tpu.memory_space<vmem_shared>>
          tpu.wait_indirect_dma semaphore(%run_scoped3A : memref<!tpu.dma_semaphore, #tpu.memory_space<semaphore_mem>>) src(%arg9 : memref<128x128xf32, #tpu.memory_space<vmem>>) dst(%dma_wait3A_109 : memref<10240x128xf32, #tpu.memory_space<vmem_shared>>)
          tpu.yield
        }) : () -> ()
        %add3A_93 = arith.constant 2 : i32
        %add3A_94 = arith.addi %while3A_49, %add3A_93 : i32
        %lt3A_95 = arith.cmpi slt, %add3A_94, %min3A_7 : i32
        %convert_element_type3A_96 = arith.extui %lt3A_95 : i1 to i32
        %cond3A_97 = arith.constant 0 : i32
        %cond3A_98 = arith.cmpi ne, %convert_element_type3A_96, %cond3A_97 : i32
        scf.if %cond3A_98 {
          %add3A_99 = arith.constant 2 : i32
          %add3A_100 = arith.addi %while3A_49, %add3A_99 : i32
          %dma_start3A = arith.constant 0 : i32
          %dma_start3A_101 = tpu.memref_slice %arg6[%add3A_100, %dma_start3A] : memref<56x128xi32, #tpu.memory_space<vmem>> -> memref<1x128xi32, #tpu.memory_space<vmem>>
          %dma_start3A_102 = tpu.memref_squeeze %dma_start3A_101 : memref<1x128xi32, #tpu.memory_space<vmem>> -> memref<128xi32, #tpu.memory_space<vmem>>
          %dma_start3A_103 = arith.constant 0 : i32
          %dma_start3A_104 = arith.constant 0 : i32
          %dma_start3A_105 = tpu.memref_slice %arg2[%dma_start3A_103, %dma_start3A_104] : memref<10240x128xf32, #tpu.memory_space<hbm>> -> memref<10240x128xf32, #tpu.memory_space<hbm>>
          tpu.enqueue_indirect_dma source(%dma_start3A_105 : memref<10240x128xf32, #tpu.memory_space<hbm>>) target(%arg9 : memref<128x128xf32, #tpu.memory_space<vmem>>) offsets(%dma_start3A_102 : memref<128xi32, #tpu.memory_space<vmem>>) semaphore(%arg12 : memref<!tpu.dma_semaphore, #tpu.memory_space<semaphore_mem>>)
        } else {
        }
      } else {
      }
    }
    %sub3A = arith.subi %select_n3A, %min3A_7 : i32
    "tpu.region"() ({
      %run_scoped3A = tpu.sem_alloc : memref<!tpu.dma_semaphore, #tpu.memory_space<semaphore_mem>>
      %dma_start3A = arith.constant 56 : i32
      %dma_start3A_49 = arith.constant 0 : i32
      %dma_start3A_50 = tpu.memref_slice %arg3[%add3A, %dma_start3A, %dma_start3A_49] : memref<32x112x128xi32, #tpu.memory_space<hbm>> -> memref<1x56x128xi32, #tpu.memory_space<hbm>>
      %dma_start3A_51 = tpu.memref_squeeze %dma_start3A_50 : memref<1x56x128xi32, #tpu.memory_space<hbm>> -> memref<56x128xi32, #tpu.memory_space<hbm>>
      %dma_start3A_52 = arith.constant 56 : i32
      %dma_start3A_53 = arith.constant 0 : i32
      %dma_start3A_54 = tpu.memref_slice %arg3[%add3A, %dma_start3A_52, %dma_start3A_53] : memref<32x112x128xi32, #tpu.memory_space<hbm>> -> memref<1x56x128xi32, #tpu.memory_space<hbm>>
      %dma_start3A_55 = tpu.memref_squeeze %dma_start3A_54 : memref<1x56x128xi32, #tpu.memory_space<hbm>> -> memref<56x128xi32, #tpu.memory_space<hbm>>
      tpu.enqueue_dma source(%dma_start3A_55 : memref<56x128xi32, #tpu.memory_space<hbm>>) target(%arg6 : memref<56x128xi32, #tpu.memory_space<vmem>>) target_semaphore(%run_scoped3A : memref<!tpu.dma_semaphore, #tpu.memory_space<semaphore_mem>>)
      %dma_wait3A = arith.constant 56 : i32
      %dma_wait3A_56 = arith.constant 0 : i32
      %dma_wait3A_57 = tpu.memref_slice %arg3[%add3A, %dma_wait3A, %dma_wait3A_56] : memref<32x112x128xi32, #tpu.memory_space<hbm>> -> memref<1x56x128xi32, #tpu.memory_space<hbm>>
      %dma_wait3A_58 = tpu.memref_squeeze %dma_wait3A_57 : memref<1x56x128xi32, #tpu.memory_space<hbm>> -> memref<56x128xi32, #tpu.memory_space<hbm>>
      %dma_wait3A_59 = arith.constant 56 : i32
      %dma_wait3A_60 = arith.constant 0 : i32
      %dma_wait3A_61 = tpu.memref_slice %arg3[%add3A, %dma_wait3A_59, %dma_wait3A_60] : memref<32x112x128xi32, #tpu.memory_space<hbm>> -> memref<1x56x128xi32, #tpu.memory_space<hbm>>
      %dma_wait3A_62 = tpu.memref_squeeze %dma_wait3A_61 : memref<1x56x128xi32, #tpu.memory_space<hbm>> -> memref<56x128xi32, #tpu.memory_space<hbm>>
      tpu.wait_dma2 semaphore(%run_scoped3A : memref<!tpu.dma_semaphore, #tpu.memory_space<semaphore_mem>>) src(%dma_wait3A_62 : memref<56x128xi32, #tpu.memory_space<hbm>>) dst(%arg6 : memref<56x128xi32, #tpu.memory_space<vmem>>)
      tpu.yield
    }) : () -> ()
    "tpu.region"() ({
      %run_scoped3A = tpu.sem_alloc : memref<!tpu.dma_semaphore, #tpu.memory_space<semaphore_mem>>
      %dma_start3A = arith.constant 56 : i32
      %dma_start3A_49 = arith.constant 0 : i32
      %dma_start3A_50 = tpu.memref_slice %arg4[%add3A, %dma_start3A, %dma_start3A_49] : memref<32x112x128xi32, #tpu.memory_space<hbm>> -> memref<1x56x128xi32, #tpu.memory_space<hbm>>
      %dma_start3A_51 = tpu.memref_squeeze %dma_start3A_50 : memref<1x56x128xi32, #tpu.memory_space<hbm>> -> memref<56x128xi32, #tpu.memory_space<hbm>>
      %dma_start3A_52 = arith.constant 56 : i32
      %dma_start3A_53 = arith.constant 0 : i32
      %dma_start3A_54 = tpu.memref_slice %arg4[%add3A, %dma_start3A_52, %dma_start3A_53] : memref<32x112x128xi32, #tpu.memory_space<hbm>> -> memref<1x56x128xi32, #tpu.memory_space<hbm>>
      %dma_start3A_55 = tpu.memref_squeeze %dma_start3A_54 : memref<1x56x128xi32, #tpu.memory_space<hbm>> -> memref<56x128xi32, #tpu.memory_space<hbm>>
      tpu.enqueue_dma source(%dma_start3A_55 : memref<56x128xi32, #tpu.memory_space<hbm>>) target(%arg7 : memref<56x128xi32, #tpu.memory_space<vmem>>) target_semaphore(%run_scoped3A : memref<!tpu.dma_semaphore, #tpu.memory_space<semaphore_mem>>)
      %dma_wait3A = arith.constant 56 : i32
      %dma_wait3A_56 = arith.constant 0 : i32
      %dma_wait3A_57 = tpu.memref_slice %arg4[%add3A, %dma_wait3A, %dma_wait3A_56] : memref<32x112x128xi32, #tpu.memory_space<hbm>> -> memref<1x56x128xi32, #tpu.memory_space<hbm>>
      %dma_wait3A_58 = tpu.memref_squeeze %dma_wait3A_57 : memref<1x56x128xi32, #tpu.memory_space<hbm>> -> memref<56x128xi32, #tpu.memory_space<hbm>>
      %dma_wait3A_59 = arith.constant 56 : i32
      %dma_wait3A_60 = arith.constant 0 : i32
      %dma_wait3A_61 = tpu.memref_slice %arg4[%add3A, %dma_wait3A_59, %dma_wait3A_60] : memref<32x112x128xi32, #tpu.memory_space<hbm>> -> memref<1x56x128xi32, #tpu.memory_space<hbm>>
      %dma_wait3A_62 = tpu.memref_squeeze %dma_wait3A_61 : memref<1x56x128xi32, #tpu.memory_space<hbm>> -> memref<56x128xi32, #tpu.memory_space<hbm>>
      tpu.wait_dma2 semaphore(%run_scoped3A : memref<!tpu.dma_semaphore, #tpu.memory_space<semaphore_mem>>) src(%dma_wait3A_62 : memref<56x128xi32, #tpu.memory_space<hbm>>) dst(%arg7 : memref<56x128xi32, #tpu.memory_space<vmem>>)
      tpu.yield
    }) : () -> ()
    %gt3A_24 = arith.constant 0 : i32
    %gt3A_25 = arith.cmpi sgt, %sub3A, %gt3A_24 : i32
    %convert_element_type3A_26 = arith.extui %gt3A_25 : i1 to i32
    %cond3A_27 = arith.constant 0 : i32
    %cond3A_28 = arith.cmpi ne, %convert_element_type3A_26, %cond3A_27 : i32
    scf.if %cond3A_28 {
      %dma_start3A = arith.constant 0 : i32
      %dma_start3A_49 = arith.constant 0 : i32
      %dma_start3A_50 = tpu.memref_slice %arg6[%dma_start3A, %dma_start3A_49] : memref<56x128xi32, #tpu.memory_space<vmem>> -> memref<1x128xi32, #tpu.memory_space<vmem>>
      %dma_start3A_51 = tpu.memref_squeeze %dma_start3A_50 : memref<1x128xi32, #tpu.memory_space<vmem>> -> memref<128xi32, #tpu.memory_space<vmem>>
      %dma_start3A_52 = arith.constant 0 : i32
      %dma_start3A_53 = arith.constant 0 : i32
      %dma_start3A_54 = tpu.memref_slice %arg2[%dma_start3A_52, %dma_start3A_53] : memref<10240x128xf32, #tpu.memory_space<hbm>> -> memref<10240x128xf32, #tpu.memory_space<hbm>>
      tpu.enqueue_indirect_dma source(%dma_start3A_54 : memref<10240x128xf32, #tpu.memory_space<hbm>>) target(%arg8 : memref<128x128xf32, #tpu.memory_space<vmem>>) offsets(%dma_start3A_51 : memref<128xi32, #tpu.memory_space<vmem>>) semaphore(%arg11 : memref<!tpu.dma_semaphore, #tpu.memory_space<semaphore_mem>>)
    } else {
    }
    %gt3A_29 = arith.constant 1 : i32
    %gt3A_30 = arith.cmpi sgt, %sub3A, %gt3A_29 : i32
    %convert_element_type3A_31 = arith.extui %gt3A_30 : i1 to i32
    %cond3A_32 = arith.constant 0 : i32
    %cond3A_33 = arith.cmpi ne, %convert_element_type3A_31, %cond3A_32 : i32
    scf.if %cond3A_33 {
      %dma_start3A = arith.constant 1 : i32
      %dma_start3A_49 = arith.constant 0 : i32
      %dma_start3A_50 = tpu.memref_slice %arg6[%dma_start3A, %dma_start3A_49] : memref<56x128xi32, #tpu.memory_space<vmem>> -> memref<1x128xi32, #tpu.memory_space<vmem>>
      %dma_start3A_51 = tpu.memref_squeeze %dma_start3A_50 : memref<1x128xi32, #tpu.memory_space<vmem>> -> memref<128xi32, #tpu.memory_space<vmem>>
      %dma_start3A_52 = arith.constant 0 : i32
      %dma_start3A_53 = arith.constant 0 : i32
      %dma_start3A_54 = tpu.memref_slice %arg2[%dma_start3A_52, %dma_start3A_53] : memref<10240x128xf32, #tpu.memory_space<hbm>> -> memref<10240x128xf32, #tpu.memory_space<hbm>>
      tpu.enqueue_indirect_dma source(%dma_start3A_54 : memref<10240x128xf32, #tpu.memory_space<hbm>>) target(%arg9 : memref<128x128xf32, #tpu.memory_space<vmem>>) offsets(%dma_start3A_51 : memref<128xi32, #tpu.memory_space<vmem>>) semaphore(%arg12 : memref<!tpu.dma_semaphore, #tpu.memory_space<semaphore_mem>>)
    } else {
    }
    %while3A_34 = arith.constant 0 : i32
    %while3A_35 = arith.constant 0 : i32
    %while3A_36 = arith.subi %sub3A, %while3A_35 : i32
    %while3A_37 = arith.addi %while3A_35, %while3A_36 : i32
    %while3A_38 = arith.constant 1 : i32
    %while3A_39 = arith.divsi %while3A_36, %while3A_38 : i32
    %while3A_40 = arith.muli %while3A_39, %while3A_38 : i32
    %while3A_41 = arith.addi %while3A_35, %while3A_40 : i32
    %while3A_42 = arith.constant 1 : i32
    scf.for %while3A_49 = %while3A_35 to %while3A_41 step %while3A_42  : i32 {
      %jit3A_50 = arith.constant 2 : i32
      %eq3A_51 = arith.constant 0 : i32
      %eq3A_52 = arith.cmpi eq, %jit3A_50, %eq3A_51 : i32
      %jit3A_53 = arith.constant 1 : i32
      %select_n3A_54 = arith.select %eq3A_52, %jit3A_53, %jit3A_50 : i32
      %rem3A = arith.remsi %while3A_49, %select_n3A_54 : i32
      %ne3A = arith.constant 0 : i32
      %ne3A_55 = arith.cmpi ne, %rem3A, %ne3A : i32
      %lt3A = arith.constant 0 : i32
      %lt3A_56 = arith.cmpi slt, %rem3A, %lt3A : i32
      %lt3A_57 = arith.constant 0 : i32
      %lt3A_58 = arith.cmpi slt, %select_n3A_54, %lt3A_57 : i32
      %ne3A_59 = arith.xori %lt3A_56, %lt3A_58 : i1
      %and3A = arith.andi %ne3A_59, %ne3A_55 : i1
      %add3A_60 = arith.addi %rem3A, %select_n3A_54 : i32
      %select_n3A_61 = arith.select %and3A, %add3A_60, %rem3A : i32
      %eq3A_62 = arith.constant 0 : i32
      %eq3A_63 = arith.cmpi eq, %select_n3A_61, %eq3A_62 : i32
      %convert_element_type3A_64 = arith.extui %eq3A_63 : i1 to i32
      %cond3A_65 = arith.constant 0 : i32
      %cond3A_66 = arith.cmpi ne, %convert_element_type3A_64, %cond3A_65 : i32
      scf.if %cond3A_66 {
        %dma_wait3A = arith.constant 0 : i32
        %dma_wait3A_88 = tpu.memref_slice %arg6[%while3A_49, %dma_wait3A] : memref<56x128xi32, #tpu.memory_space<vmem>> -> memref<1x128xi32, #tpu.memory_space<vmem>>
        %dma_wait3A_89 = tpu.memref_squeeze %dma_wait3A_88 : memref<1x128xi32, #tpu.memory_space<vmem>> -> memref<128xi32, #tpu.memory_space<vmem>>
        %dma_wait3A_90 = arith.constant 0 : i32
        %dma_wait3A_91 = arith.constant 0 : i32
        %dma_wait3A_92 = tpu.memref_slice %arg2[%dma_wait3A_90, %dma_wait3A_91] : memref<10240x128xf32, #tpu.memory_space<hbm>> -> memref<10240x128xf32, #tpu.memory_space<hbm>>
        tpu.wait_indirect_dma semaphore(%arg11 : memref<!tpu.dma_semaphore, #tpu.memory_space<semaphore_mem>>) src(%dma_wait3A_92 : memref<10240x128xf32, #tpu.memory_space<hbm>>) dst(%arg8 : memref<128x128xf32, #tpu.memory_space<vmem>>)
        "tpu.region"() ({
          %run_scoped3A = tpu.sem_alloc : memref<!tpu.dma_semaphore, #tpu.memory_space<semaphore_mem>>
          %dma_start3A = arith.constant 0 : i32
          %dma_start3A_99 = tpu.memref_slice %arg7[%while3A_49, %dma_start3A] : memref<56x128xi32, #tpu.memory_space<vmem>> -> memref<1x128xi32, #tpu.memory_space<vmem>>
          %dma_start3A_100 = tpu.memref_squeeze %dma_start3A_99 : memref<1x128xi32, #tpu.memory_space<vmem>> -> memref<128xi32, #tpu.memory_space<vmem>>
          %dma_start3A_101 = arith.constant 0 : i32
          %dma_start3A_102 = arith.constant 0 : i32
          %dma_start3A_103 = tpu.memref_slice %arg10[%dma_start3A_101, %dma_start3A_102] : memref<10240x128xf32, #tpu.memory_space<vmem_shared>> -> memref<10240x128xf32, #tpu.memory_space<vmem_shared>>
          tpu.enqueue_indirect_dma source(%arg8 : memref<128x128xf32, #tpu.memory_space<vmem>>) target(%dma_start3A_103 : memref<10240x128xf32, #tpu.memory_space<vmem_shared>>) offsets(%dma_start3A_100 : memref<128xi32, #tpu.memory_space<vmem>>) semaphore(%run_scoped3A : memref<!tpu.dma_semaphore, #tpu.memory_space<semaphore_mem>>) {add = true}
          %dma_wait3A_104 = arith.constant 0 : i32
          %dma_wait3A_105 = tpu.memref_slice %arg7[%while3A_49, %dma_wait3A_104] : memref<56x128xi32, #tpu.memory_space<vmem>> -> memref<1x128xi32, #tpu.memory_space<vmem>>
          %dma_wait3A_106 = tpu.memref_squeeze %dma_wait3A_105 : memref<1x128xi32, #tpu.memory_space<vmem>> -> memref<128xi32, #tpu.memory_space<vmem>>
          %dma_wait3A_107 = arith.constant 0 : i32
          %dma_wait3A_108 = arith.constant 0 : i32
          %dma_wait3A_109 = tpu.memref_slice %arg10[%dma_wait3A_107, %dma_wait3A_108] : memref<10240x128xf32, #tpu.memory_space<vmem_shared>> -> memref<10240x128xf32, #tpu.memory_space<vmem_shared>>
          tpu.wait_indirect_dma semaphore(%run_scoped3A : memref<!tpu.dma_semaphore, #tpu.memory_space<semaphore_mem>>) src(%arg8 : memref<128x128xf32, #tpu.memory_space<vmem>>) dst(%dma_wait3A_109 : memref<10240x128xf32, #tpu.memory_space<vmem_shared>>)
          tpu.yield
        }) : () -> ()
        %add3A_93 = arith.constant 2 : i32
        %add3A_94 = arith.addi %while3A_49, %add3A_93 : i32
        %lt3A_95 = arith.cmpi slt, %add3A_94, %sub3A : i32
        %convert_element_type3A_96 = arith.extui %lt3A_95 : i1 to i32
        %cond3A_97 = arith.constant 0 : i32
        %cond3A_98 = arith.cmpi ne, %convert_element_type3A_96, %cond3A_97 : i32
        scf.if %cond3A_98 {
          %add3A_99 = arith.constant 2 : i32
          %add3A_100 = arith.addi %while3A_49, %add3A_99 : i32
          %dma_start3A = arith.constant 0 : i32
          %dma_start3A_101 = tpu.memref_slice %arg6[%add3A_100, %dma_start3A] : memref<56x128xi32, #tpu.memory_space<vmem>> -> memref<1x128xi32, #tpu.memory_space<vmem>>
          %dma_start3A_102 = tpu.memref_squeeze %dma_start3A_101 : memref<1x128xi32, #tpu.memory_space<vmem>> -> memref<128xi32, #tpu.memory_space<vmem>>
          %dma_start3A_103 = arith.constant 0 : i32
          %dma_start3A_104 = arith.constant 0 : i32
          %dma_start3A_105 = tpu.memref_slice %arg2[%dma_start3A_103, %dma_start3A_104] : memref<10240x128xf32, #tpu.memory_space<hbm>> -> memref<10240x128xf32, #tpu.memory_space<hbm>>
          tpu.enqueue_indirect_dma source(%dma_start3A_105 : memref<10240x128xf32, #tpu.memory_space<hbm>>) target(%arg8 : memref<128x128xf32, #tpu.memory_space<vmem>>) offsets(%dma_start3A_102 : memref<128xi32, #tpu.memory_space<vmem>>) semaphore(%arg11 : memref<!tpu.dma_semaphore, #tpu.memory_space<semaphore_mem>>)
        } else {
        }
      } else {
      }
      %jit3A_67 = arith.constant 2 : i32
      %eq3A_68 = arith.constant 0 : i32
      %eq3A_69 = arith.cmpi eq, %jit3A_67, %eq3A_68 : i32
      %jit3A_70 = arith.constant 1 : i32
      %select_n3A_71 = arith.select %eq3A_69, %jit3A_70, %jit3A_67 : i32
      %rem3A_72 = arith.remsi %while3A_49, %select_n3A_71 : i32
      %ne3A_73 = arith.constant 0 : i32
      %ne3A_74 = arith.cmpi ne, %rem3A_72, %ne3A_73 : i32
      %lt3A_75 = arith.constant 0 : i32
      %lt3A_76 = arith.cmpi slt, %rem3A_72, %lt3A_75 : i32
      %lt3A_77 = arith.constant 0 : i32
      %lt3A_78 = arith.cmpi slt, %select_n3A_71, %lt3A_77 : i32
      %ne3A_79 = arith.xori %lt3A_76, %lt3A_78 : i1
      %and3A_80 = arith.andi %ne3A_79, %ne3A_74 : i1
      %add3A_81 = arith.addi %rem3A_72, %select_n3A_71 : i32
      %select_n3A_82 = arith.select %and3A_80, %add3A_81, %rem3A_72 : i32
      %eq3A_83 = arith.constant 1 : i32
      %eq3A_84 = arith.cmpi eq, %select_n3A_82, %eq3A_83 : i32
      %convert_element_type3A_85 = arith.extui %eq3A_84 : i1 to i32
      %cond3A_86 = arith.constant 0 : i32
      %cond3A_87 = arith.cmpi ne, %convert_element_type3A_85, %cond3A_86 : i32
      scf.if %cond3A_87 {
        %dma_wait3A = arith.constant 0 : i32
        %dma_wait3A_88 = tpu.memref_slice %arg6[%while3A_49, %dma_wait3A] : memref<56x128xi32, #tpu.memory_space<vmem>> -> memref<1x128xi32, #tpu.memory_space<vmem>>
        %dma_wait3A_89 = tpu.memref_squeeze %dma_wait3A_88 : memref<1x128xi32, #tpu.memory_space<vmem>> -> memref<128xi32, #tpu.memory_space<vmem>>
        %dma_wait3A_90 = arith.constant 0 : i32
        %dma_wait3A_91 = arith.constant 0 : i32
        %dma_wait3A_92 = tpu.memref_slice %arg2[%dma_wait3A_90, %dma_wait3A_91] : memref<10240x128xf32, #tpu.memory_space<hbm>> -> memref<10240x128xf32, #tpu.memory_space<hbm>>
        tpu.wait_indirect_dma semaphore(%arg12 : memref<!tpu.dma_semaphore, #tpu.memory_space<semaphore_mem>>) src(%dma_wait3A_92 : memref<10240x128xf32, #tpu.memory_space<hbm>>) dst(%arg9 : memref<128x128xf32, #tpu.memory_space<vmem>>)
        "tpu.region"() ({
          %run_scoped3A = tpu.sem_alloc : memref<!tpu.dma_semaphore, #tpu.memory_space<semaphore_mem>>
          %dma_start3A = arith.constant 0 : i32
          %dma_start3A_99 = tpu.memref_slice %arg7[%while3A_49, %dma_start3A] : memref<56x128xi32, #tpu.memory_space<vmem>> -> memref<1x128xi32, #tpu.memory_space<vmem>>
          %dma_start3A_100 = tpu.memref_squeeze %dma_start3A_99 : memref<1x128xi32, #tpu.memory_space<vmem>> -> memref<128xi32, #tpu.memory_space<vmem>>
          %dma_start3A_101 = arith.constant 0 : i32
          %dma_start3A_102 = arith.constant 0 : i32
          %dma_start3A_103 = tpu.memref_slice %arg10[%dma_start3A_101, %dma_start3A_102] : memref<10240x128xf32, #tpu.memory_space<vmem_shared>> -> memref<10240x128xf32, #tpu.memory_space<vmem_shared>>
          tpu.enqueue_indirect_dma source(%arg9 : memref<128x128xf32, #tpu.memory_space<vmem>>) target(%dma_start3A_103 : memref<10240x128xf32, #tpu.memory_space<vmem_shared>>) offsets(%dma_start3A_100 : memref<128xi32, #tpu.memory_space<vmem>>) semaphore(%run_scoped3A : memref<!tpu.dma_semaphore, #tpu.memory_space<semaphore_mem>>) {add = true}
          %dma_wait3A_104 = arith.constant 0 : i32
          %dma_wait3A_105 = tpu.memref_slice %arg7[%while3A_49, %dma_wait3A_104] : memref<56x128xi32, #tpu.memory_space<vmem>> -> memref<1x128xi32, #tpu.memory_space<vmem>>
          %dma_wait3A_106 = tpu.memref_squeeze %dma_wait3A_105 : memref<1x128xi32, #tpu.memory_space<vmem>> -> memref<128xi32, #tpu.memory_space<vmem>>
          %dma_wait3A_107 = arith.constant 0 : i32
          %dma_wait3A_108 = arith.constant 0 : i32
          %dma_wait3A_109 = tpu.memref_slice %arg10[%dma_wait3A_107, %dma_wait3A_108] : memref<10240x128xf32, #tpu.memory_space<vmem_shared>> -> memref<10240x128xf32, #tpu.memory_space<vmem_shared>>
          tpu.wait_indirect_dma semaphore(%run_scoped3A : memref<!tpu.dma_semaphore, #tpu.memory_space<semaphore_mem>>) src(%arg9 : memref<128x128xf32, #tpu.memory_space<vmem>>) dst(%dma_wait3A_109 : memref<10240x128xf32, #tpu.memory_space<vmem_shared>>)
          tpu.yield
        }) : () -> ()
        %add3A_93 = arith.constant 2 : i32
        %add3A_94 = arith.addi %while3A_49, %add3A_93 : i32
        %lt3A_95 = arith.cmpi slt, %add3A_94, %sub3A : i32
        %convert_element_type3A_96 = arith.extui %lt3A_95 : i1 to i32
        %cond3A_97 = arith.constant 0 : i32
        %cond3A_98 = arith.cmpi ne, %convert_element_type3A_96, %cond3A_97 : i32
        scf.if %cond3A_98 {
          %add3A_99 = arith.constant 2 : i32
          %add3A_100 = arith.addi %while3A_49, %add3A_99 : i32
          %dma_start3A = arith.constant 0 : i32
          %dma_start3A_101 = tpu.memref_slice %arg6[%add3A_100, %dma_start3A] : memref<56x128xi32, #tpu.memory_space<vmem>> -> memref<1x128xi32, #tpu.memory_space<vmem>>
          %dma_start3A_102 = tpu.memref_squeeze %dma_start3A_101 : memref<1x128xi32, #tpu.memory_space<vmem>> -> memref<128xi32, #tpu.memory_space<vmem>>
          %dma_start3A_103 = arith.constant 0 : i32
          %dma_start3A_104 = arith.constant 0 : i32
          %dma_start3A_105 = tpu.memref_slice %arg2[%dma_start3A_103, %dma_start3A_104] : memref<10240x128xf32, #tpu.memory_space<hbm>> -> memref<10240x128xf32, #tpu.memory_space<hbm>>
          tpu.enqueue_indirect_dma source(%dma_start3A_105 : memref<10240x128xf32, #tpu.memory_space<hbm>>) target(%arg9 : memref<128x128xf32, #tpu.memory_space<vmem>>) offsets(%dma_start3A_102 : memref<128xi32, #tpu.memory_space<vmem>>) semaphore(%arg12 : memref<!tpu.dma_semaphore, #tpu.memory_space<semaphore_mem>>)
        } else {
        }
      } else {
      }
    }
    %while3A_43 = arith.constant 1 : i32
    scf.for %while3A_49 = %while3A_41 to %while3A_37 step %while3A_43  : i32 {
      %jit3A_50 = arith.constant 2 : i32
      %eq3A_51 = arith.constant 0 : i32
      %eq3A_52 = arith.cmpi eq, %jit3A_50, %eq3A_51 : i32
      %jit3A_53 = arith.constant 1 : i32
      %select_n3A_54 = arith.select %eq3A_52, %jit3A_53, %jit3A_50 : i32
      %rem3A = arith.remsi %while3A_49, %select_n3A_54 : i32
      %ne3A = arith.constant 0 : i32
      %ne3A_55 = arith.cmpi ne, %rem3A, %ne3A : i32
      %lt3A = arith.constant 0 : i32
      %lt3A_56 = arith.cmpi slt, %rem3A, %lt3A : i32
      %lt3A_57 = arith.constant 0 : i32
      %lt3A_58 = arith.cmpi slt, %select_n3A_54, %lt3A_57 : i32
      %ne3A_59 = arith.xori %lt3A_56, %lt3A_58 : i1
      %and3A = arith.andi %ne3A_59, %ne3A_55 : i1
      %add3A_60 = arith.addi %rem3A, %select_n3A_54 : i32
      %select_n3A_61 = arith.select %and3A, %add3A_60, %rem3A : i32
      %eq3A_62 = arith.constant 0 : i32
      %eq3A_63 = arith.cmpi eq, %select_n3A_61, %eq3A_62 : i32
      %convert_element_type3A_64 = arith.extui %eq3A_63 : i1 to i32
      %cond3A_65 = arith.constant 0 : i32
      %cond3A_66 = arith.cmpi ne, %convert_element_type3A_64, %cond3A_65 : i32
      scf.if %cond3A_66 {
        %dma_wait3A = arith.constant 0 : i32
        %dma_wait3A_88 = tpu.memref_slice %arg6[%while3A_49, %dma_wait3A] : memref<56x128xi32, #tpu.memory_space<vmem>> -> memref<1x128xi32, #tpu.memory_space<vmem>>
        %dma_wait3A_89 = tpu.memref_squeeze %dma_wait3A_88 : memref<1x128xi32, #tpu.memory_space<vmem>> -> memref<128xi32, #tpu.memory_space<vmem>>
        %dma_wait3A_90 = arith.constant 0 : i32
        %dma_wait3A_91 = arith.constant 0 : i32
        %dma_wait3A_92 = tpu.memref_slice %arg2[%dma_wait3A_90, %dma_wait3A_91] : memref<10240x128xf32, #tpu.memory_space<hbm>> -> memref<10240x128xf32, #tpu.memory_space<hbm>>
        tpu.wait_indirect_dma semaphore(%arg11 : memref<!tpu.dma_semaphore, #tpu.memory_space<semaphore_mem>>) src(%dma_wait3A_92 : memref<10240x128xf32, #tpu.memory_space<hbm>>) dst(%arg8 : memref<128x128xf32, #tpu.memory_space<vmem>>)
        "tpu.region"() ({
          %run_scoped3A = tpu.sem_alloc : memref<!tpu.dma_semaphore, #tpu.memory_space<semaphore_mem>>
          %dma_start3A = arith.constant 0 : i32
          %dma_start3A_99 = tpu.memref_slice %arg7[%while3A_49, %dma_start3A] : memref<56x128xi32, #tpu.memory_space<vmem>> -> memref<1x128xi32, #tpu.memory_space<vmem>>
          %dma_start3A_100 = tpu.memref_squeeze %dma_start3A_99 : memref<1x128xi32, #tpu.memory_space<vmem>> -> memref<128xi32, #tpu.memory_space<vmem>>
          %dma_start3A_101 = arith.constant 0 : i32
          %dma_start3A_102 = arith.constant 0 : i32
          %dma_start3A_103 = tpu.memref_slice %arg10[%dma_start3A_101, %dma_start3A_102] : memref<10240x128xf32, #tpu.memory_space<vmem_shared>> -> memref<10240x128xf32, #tpu.memory_space<vmem_shared>>
          tpu.enqueue_indirect_dma source(%arg8 : memref<128x128xf32, #tpu.memory_space<vmem>>) target(%dma_start3A_103 : memref<10240x128xf32, #tpu.memory_space<vmem_shared>>) offsets(%dma_start3A_100 : memref<128xi32, #tpu.memory_space<vmem>>) semaphore(%run_scoped3A : memref<!tpu.dma_semaphore, #tpu.memory_space<semaphore_mem>>) {add = true}
          %dma_wait3A_104 = arith.constant 0 : i32
          %dma_wait3A_105 = tpu.memref_slice %arg7[%while3A_49, %dma_wait3A_104] : memref<56x128xi32, #tpu.memory_space<vmem>> -> memref<1x128xi32, #tpu.memory_space<vmem>>
          %dma_wait3A_106 = tpu.memref_squeeze %dma_wait3A_105 : memref<1x128xi32, #tpu.memory_space<vmem>> -> memref<128xi32, #tpu.memory_space<vmem>>
          %dma_wait3A_107 = arith.constant 0 : i32
          %dma_wait3A_108 = arith.constant 0 : i32
          %dma_wait3A_109 = tpu.memref_slice %arg10[%dma_wait3A_107, %dma_wait3A_108] : memref<10240x128xf32, #tpu.memory_space<vmem_shared>> -> memref<10240x128xf32, #tpu.memory_space<vmem_shared>>
          tpu.wait_indirect_dma semaphore(%run_scoped3A : memref<!tpu.dma_semaphore, #tpu.memory_space<semaphore_mem>>) src(%arg8 : memref<128x128xf32, #tpu.memory_space<vmem>>) dst(%dma_wait3A_109 : memref<10240x128xf32, #tpu.memory_space<vmem_shared>>)
          tpu.yield
        }) : () -> ()
        %add3A_93 = arith.constant 2 : i32
        %add3A_94 = arith.addi %while3A_49, %add3A_93 : i32
        %lt3A_95 = arith.cmpi slt, %add3A_94, %sub3A : i32
        %convert_element_type3A_96 = arith.extui %lt3A_95 : i1 to i32
        %cond3A_97 = arith.constant 0 : i32
        %cond3A_98 = arith.cmpi ne, %convert_element_type3A_96, %cond3A_97 : i32
        scf.if %cond3A_98 {
          %add3A_99 = arith.constant 2 : i32
          %add3A_100 = arith.addi %while3A_49, %add3A_99 : i32
          %dma_start3A = arith.constant 0 : i32
          %dma_start3A_101 = tpu.memref_slice %arg6[%add3A_100, %dma_start3A] : memref<56x128xi32, #tpu.memory_space<vmem>> -> memref<1x128xi32, #tpu.memory_space<vmem>>
          %dma_start3A_102 = tpu.memref_squeeze %dma_start3A_101 : memref<1x128xi32, #tpu.memory_space<vmem>> -> memref<128xi32, #tpu.memory_space<vmem>>
          %dma_start3A_103 = arith.constant 0 : i32
          %dma_start3A_104 = arith.constant 0 : i32
          %dma_start3A_105 = tpu.memref_slice %arg2[%dma_start3A_103, %dma_start3A_104] : memref<10240x128xf32, #tpu.memory_space<hbm>> -> memref<10240x128xf32, #tpu.memory_space<hbm>>
          tpu.enqueue_indirect_dma source(%dma_start3A_105 : memref<10240x128xf32, #tpu.memory_space<hbm>>) target(%arg8 : memref<128x128xf32, #tpu.memory_space<vmem>>) offsets(%dma_start3A_102 : memref<128xi32, #tpu.memory_space<vmem>>) semaphore(%arg11 : memref<!tpu.dma_semaphore, #tpu.memory_space<semaphore_mem>>)
        } else {
        }
      } else {
      }
      %jit3A_67 = arith.constant 2 : i32
      %eq3A_68 = arith.constant 0 : i32
      %eq3A_69 = arith.cmpi eq, %jit3A_67, %eq3A_68 : i32
      %jit3A_70 = arith.constant 1 : i32
      %select_n3A_71 = arith.select %eq3A_69, %jit3A_70, %jit3A_67 : i32
      %rem3A_72 = arith.remsi %while3A_49, %select_n3A_71 : i32
      %ne3A_73 = arith.constant 0 : i32
      %ne3A_74 = arith.cmpi ne, %rem3A_72, %ne3A_73 : i32
      %lt3A_75 = arith.constant 0 : i32
      %lt3A_76 = arith.cmpi slt, %rem3A_72, %lt3A_75 : i32
      %lt3A_77 = arith.constant 0 : i32
      %lt3A_78 = arith.cmpi slt, %select_n3A_71, %lt3A_77 : i32
      %ne3A_79 = arith.xori %lt3A_76, %lt3A_78 : i1
      %and3A_80 = arith.andi %ne3A_79, %ne3A_74 : i1
      %add3A_81 = arith.addi %rem3A_72, %select_n3A_71 : i32
      %select_n3A_82 = arith.select %and3A_80, %add3A_81, %rem3A_72 : i32
      %eq3A_83 = arith.constant 1 : i32
      %eq3A_84 = arith.cmpi eq, %select_n3A_82, %eq3A_83 : i32
      %convert_element_type3A_85 = arith.extui %eq3A_84 : i1 to i32
      %cond3A_86 = arith.constant 0 : i32
      %cond3A_87 = arith.cmpi ne, %convert_element_type3A_85, %cond3A_86 : i32
      scf.if %cond3A_87 {
        %dma_wait3A = arith.constant 0 : i32
        %dma_wait3A_88 = tpu.memref_slice %arg6[%while3A_49, %dma_wait3A] : memref<56x128xi32, #tpu.memory_space<vmem>> -> memref<1x128xi32, #tpu.memory_space<vmem>>
        %dma_wait3A_89 = tpu.memref_squeeze %dma_wait3A_88 : memref<1x128xi32, #tpu.memory_space<vmem>> -> memref<128xi32, #tpu.memory_space<vmem>>
        %dma_wait3A_90 = arith.constant 0 : i32
        %dma_wait3A_91 = arith.constant 0 : i32
        %dma_wait3A_92 = tpu.memref_slice %arg2[%dma_wait3A_90, %dma_wait3A_91] : memref<10240x128xf32, #tpu.memory_space<hbm>> -> memref<10240x128xf32, #tpu.memory_space<hbm>>
        tpu.wait_indirect_dma semaphore(%arg12 : memref<!tpu.dma_semaphore, #tpu.memory_space<semaphore_mem>>) src(%dma_wait3A_92 : memref<10240x128xf32, #tpu.memory_space<hbm>>) dst(%arg9 : memref<128x128xf32, #tpu.memory_space<vmem>>)
        "tpu.region"() ({
          %run_scoped3A = tpu.sem_alloc : memref<!tpu.dma_semaphore, #tpu.memory_space<semaphore_mem>>
          %dma_start3A = arith.constant 0 : i32
          %dma_start3A_99 = tpu.memref_slice %arg7[%while3A_49, %dma_start3A] : memref<56x128xi32, #tpu.memory_space<vmem>> -> memref<1x128xi32, #tpu.memory_space<vmem>>
          %dma_start3A_100 = tpu.memref_squeeze %dma_start3A_99 : memref<1x128xi32, #tpu.memory_space<vmem>> -> memref<128xi32, #tpu.memory_space<vmem>>
          %dma_start3A_101 = arith.constant 0 : i32
          %dma_start3A_102 = arith.constant 0 : i32
          %dma_start3A_103 = tpu.memref_slice %arg10[%dma_start3A_101, %dma_start3A_102] : memref<10240x128xf32, #tpu.memory_space<vmem_shared>> -> memref<10240x128xf32, #tpu.memory_space<vmem_shared>>
          tpu.enqueue_indirect_dma source(%arg9 : memref<128x128xf32, #tpu.memory_space<vmem>>) target(%dma_start3A_103 : memref<10240x128xf32, #tpu.memory_space<vmem_shared>>) offsets(%dma_start3A_100 : memref<128xi32, #tpu.memory_space<vmem>>) semaphore(%run_scoped3A : memref<!tpu.dma_semaphore, #tpu.memory_space<semaphore_mem>>) {add = true}
          %dma_wait3A_104 = arith.constant 0 : i32
          %dma_wait3A_105 = tpu.memref_slice %arg7[%while3A_49, %dma_wait3A_104] : memref<56x128xi32, #tpu.memory_space<vmem>> -> memref<1x128xi32, #tpu.memory_space<vmem>>
          %dma_wait3A_106 = tpu.memref_squeeze %dma_wait3A_105 : memref<1x128xi32, #tpu.memory_space<vmem>> -> memref<128xi32, #tpu.memory_space<vmem>>
          %dma_wait3A_107 = arith.constant 0 : i32
          %dma_wait3A_108 = arith.constant 0 : i32
          %dma_wait3A_109 = tpu.memref_slice %arg10[%dma_wait3A_107, %dma_wait3A_108] : memref<10240x128xf32, #tpu.memory_space<vmem_shared>> -> memref<10240x128xf32, #tpu.memory_space<vmem_shared>>
          tpu.wait_indirect_dma semaphore(%run_scoped3A : memref<!tpu.dma_semaphore, #tpu.memory_space<semaphore_mem>>) src(%arg9 : memref<128x128xf32, #tpu.memory_space<vmem>>) dst(%dma_wait3A_109 : memref<10240x128xf32, #tpu.memory_space<vmem_shared>>)
          tpu.yield
        }) : () -> ()
        %add3A_93 = arith.constant 2 : i32
        %add3A_94 = arith.addi %while3A_49, %add3A_93 : i32
        %lt3A_95 = arith.cmpi slt, %add3A_94, %sub3A : i32
        %convert_element_type3A_96 = arith.extui %lt3A_95 : i1 to i32
        %cond3A_97 = arith.constant 0 : i32
        %cond3A_98 = arith.cmpi ne, %convert_element_type3A_96, %cond3A_97 : i32
        scf.if %cond3A_98 {
          %add3A_99 = arith.constant 2 : i32
          %add3A_100 = arith.addi %while3A_49, %add3A_99 : i32
          %dma_start3A = arith.constant 0 : i32
          %dma_start3A_101 = tpu.memref_slice %arg6[%add3A_100, %dma_start3A] : memref<56x128xi32, #tpu.memory_space<vmem>> -> memref<1x128xi32, #tpu.memory_space<vmem>>
          %dma_start3A_102 = tpu.memref_squeeze %dma_start3A_101 : memref<1x128xi32, #tpu.memory_space<vmem>> -> memref<128xi32, #tpu.memory_space<vmem>>
          %dma_start3A_103 = arith.constant 0 : i32
          %dma_start3A_104 = arith.constant 0 : i32
          %dma_start3A_105 = tpu.memref_slice %arg2[%dma_start3A_103, %dma_start3A_104] : memref<10240x128xf32, #tpu.memory_space<hbm>> -> memref<10240x128xf32, #tpu.memory_space<hbm>>
          tpu.enqueue_indirect_dma source(%dma_start3A_105 : memref<10240x128xf32, #tpu.memory_space<hbm>>) target(%arg9 : memref<128x128xf32, #tpu.memory_space<vmem>>) offsets(%dma_start3A_102 : memref<128xi32, #tpu.memory_space<vmem>>) semaphore(%arg12 : memref<!tpu.dma_semaphore, #tpu.memory_space<semaphore_mem>>)
        } else {
        }
      } else {
      }
    }
    %barrier3A_44 = arith.constant 0 : index
    tpu.barrier barrier_id(%barrier3A_44)
    %mul3A_45 = arith.constant 640 : i32
    %mul3A_46 = arith.muli %arg1, %mul3A_45 : i32
    %mul3A_47 = arith.constant 640 : i32
    %mul3A_48 = arith.muli %arg1, %mul3A_47 : i32
    "tpu.region"() ({
      %run_scoped3A = tpu.sem_alloc : memref<!tpu.dma_semaphore, #tpu.memory_space<semaphore_mem>>
      %dma_start3A = arith.constant 0 : i32
      %dma_start3A_49 = tpu.memref_slice %arg5[%arg0, %mul3A_48, %dma_start3A] : memref<2x10240x128xf32, #tpu.memory_space<hbm>> -> memref<1x640x128xf32, #tpu.memory_space<hbm>>
      %dma_start3A_50 = tpu.memref_squeeze %dma_start3A_49 : memref<1x640x128xf32, #tpu.memory_space<hbm>> -> memref<640x128xf32, #tpu.memory_space<hbm>>
      %dma_start3A_51 = arith.constant 0 : i32
      %dma_start3A_52 = tpu.memref_slice %arg10[%mul3A_46, %dma_start3A_51] : memref<10240x128xf32, #tpu.memory_space<vmem_shared>> -> memref<640x128xf32, #tpu.memory_space<vmem_shared>>
      tpu.enqueue_dma source(%dma_start3A_52 : memref<640x128xf32, #tpu.memory_space<vmem_shared>>) target(%dma_start3A_50 : memref<640x128xf32, #tpu.memory_space<hbm>>) target_semaphore(%run_scoped3A : memref<!tpu.dma_semaphore, #tpu.memory_space<semaphore_mem>>)
      %dma_wait3A = arith.constant 0 : i32
      %dma_wait3A_53 = tpu.memref_slice %arg5[%arg0, %mul3A_48, %dma_wait3A] : memref<2x10240x128xf32, #tpu.memory_space<hbm>> -> memref<1x640x128xf32, #tpu.memory_space<hbm>>
      %dma_wait3A_54 = tpu.memref_squeeze %dma_wait3A_53 : memref<1x640x128xf32, #tpu.memory_space<hbm>> -> memref<640x128xf32, #tpu.memory_space<hbm>>
      %dma_wait3A_55 = arith.constant 0 : i32
      %dma_wait3A_56 = tpu.memref_slice %arg10[%mul3A_46, %dma_wait3A_55] : memref<10240x128xf32, #tpu.memory_space<vmem_shared>> -> memref<640x128xf32, #tpu.memory_space<vmem_shared>>
      tpu.wait_dma2 semaphore(%run_scoped3A : memref<!tpu.dma_semaphore, #tpu.memory_space<semaphore_mem>>) src(%dma_wait3A_56 : memref<640x128xf32, #tpu.memory_space<vmem_shared>>) dst(%dma_wait3A_54 : memref<640x128xf32, #tpu.memory_space<hbm>>)
      tpu.yield
    }) : () -> ()
    return
  }
}

#map = affine_map<(d0, d1) -> (0, 0)>
#map1 = affine_map<(d0, d1) -> (0, 0, 0)>
module attributes {stable_mosaic.version = 14 : i64} {
  func.func @body(%arg0: i32, %arg1: i32, %arg2: memref<10240x128xf32, #tpu.memory_space<hbm>>, %arg3: memref<32x112x128xi32, #tpu.memory_space<hbm>>, %arg4: memref<32x112x128xi32, #tpu.memory_space<hbm>>, %arg5: memref<2x10240x128xf32, #tpu.memory_space<hbm>>, %arg6: memref<56x128xi32, #tpu.memory_space<vmem>>, %arg7: memref<56x128xi32, #tpu.memory_space<vmem>>, %arg8: memref<128x128xf32, #tpu.memory_space<vmem>>, %arg9: memref<128x128xf32, #tpu.memory_space<vmem>>, %arg10: memref<10240x128xf32, #tpu.memory_space<vmem_shared>>, %arg11: memref<!tpu.dma_semaphore, #tpu.memory_space<semaphore_mem>>, %arg12: memref<!tpu.dma_semaphore, #tpu.memory_space<semaphore_mem>>) attributes {dimension_semantics = [#tpu.dimension_semantics<core_parallel>, #tpu.dimension_semantics<subcore_parallel>], iteration_bounds = array<i64: 2, 16>, scalar_prefetch = 0 : i64, scratch_operands = 7 : i64, tpu.core_type = #tpu.core_type<sc_vector_subcore>, window_params = [{transform_indices = #map}, {transform_indices = #map1}, {transform_indices = #map1}, {transform_indices = #map1}]} {
    %mul3A = arith.constant 16 : i32
    %mul3A_0 = arith.muli %arg0, %mul3A : i32
    %add3A = arith.addi %mul3A_0, %arg1 : i32
    %eq3A = arith.constant 0 : i32
    %eq3A_1 = arith.cmpi eq, %arg0, %eq3A : i32
    %jit3A = arith.constant 97 : i32
    %jit3A_2 = arith.constant 60 : i32
    %select_n3A = arith.select %eq3A_1, %jit3A, %jit3A_2 : i32
    %mul3A_3 = arith.constant 640 : i32
    %mul3A_4 = arith.muli %arg1, %mul3A_3 : i32
    %mul3A_5 = arith.constant 640 : i32
    %mul3A_6 = arith.muli %arg1, %mul3A_5 : i32
    "tpu.region"() ({
      %run_scoped3A = tpu.sem_alloc : memref<!tpu.dma_semaphore, #tpu.memory_space<semaphore_mem>>
      %dma_start3A = arith.constant 0 : i32
      %dma_start3A_49 = tpu.memref_slice %arg10[%mul3A_6, %dma_start3A] : memref<10240x128xf32, #tpu.memory_space<vmem_shared>> -> memref<640x128xf32, #tpu.memory_space<vmem_shared>>
      %dma_start3A_50 = arith.constant 0 : i32
      %dma_start3A_51 = tpu.memref_slice %arg2[%mul3A_4, %dma_start3A_50] : memref<10240x128xf32, #tpu.memory_space<hbm>> -> memref<640x128xf32, #tpu.memory_space<hbm>>
      tpu.enqueue_dma source(%dma_start3A_51 : memref<640x128xf32, #tpu.memory_space<hbm>>) target(%dma_start3A_49 : memref<640x128xf32, #tpu.memory_space<vmem_shared>>) target_semaphore(%run_scoped3A : memref<!tpu.dma_semaphore, #tpu.memory_space<semaphore_mem>>)
      %dma_wait3A = arith.constant 0 : i32
      %dma_wait3A_52 = tpu.memref_slice %arg10[%mul3A_6, %dma_wait3A] : memref<10240x128xf32, #tpu.memory_space<vmem_shared>> -> memref<640x128xf32, #tpu.memory_space<vmem_shared>>
      %dma_wait3A_53 = arith.constant 0 : i32
      %dma_wait3A_54 = tpu.memref_slice %arg2[%mul3A_4, %dma_wait3A_53] : memref<10240x128xf32, #tpu.memory_space<hbm>> -> memref<640x128xf32, #tpu.memory_space<hbm>>
      tpu.wait_dma2 semaphore(%run_scoped3A : memref<!tpu.dma_semaphore, #tpu.memory_space<semaphore_mem>>) src(%dma_wait3A_54 : memref<640x128xf32, #tpu.memory_space<hbm>>) dst(%dma_wait3A_52 : memref<640x128xf32, #tpu.memory_space<vmem_shared>>)
      tpu.yield
    }) : () -> ()
    %barrier3A = arith.constant 0 : index
    tpu.barrier barrier_id(%barrier3A)
    %min3A = arith.constant 56 : i32
    %min3A_7 = arith.minsi %select_n3A, %min3A : i32
    "tpu.region"() ({
      %run_scoped3A = tpu.sem_alloc : memref<!tpu.dma_semaphore, #tpu.memory_space<semaphore_mem>>
      %dma_start3A = arith.constant 0 : i32
      %dma_start3A_49 = arith.constant 0 : i32
      %dma_start3A_50 = tpu.memref_slice %arg3[%add3A, %dma_start3A, %dma_start3A_49] : memref<32x112x128xi32, #tpu.memory_space<hbm>> -> memref<1x56x128xi32, #tpu.memory_space<hbm>>
      %dma_start3A_51 = tpu.memref_squeeze %dma_start3A_50 : memref<1x56x128xi32, #tpu.memory_space<hbm>> -> memref<56x128xi32, #tpu.memory_space<hbm>>
      %dma_start3A_52 = arith.constant 0 : i32
      %dma_start3A_53 = arith.constant 0 : i32
      %dma_start3A_54 = tpu.memref_slice %arg3[%add3A, %dma_start3A_52, %dma_start3A_53] : memref<32x112x128xi32, #tpu.memory_space<hbm>> -> memref<1x56x128xi32, #tpu.memory_space<hbm>>
      %dma_start3A_55 = tpu.memref_squeeze %dma_start3A_54 : memref<1x56x128xi32, #tpu.memory_space<hbm>> -> memref<56x128xi32, #tpu.memory_space<hbm>>
      tpu.enqueue_dma source(%dma_start3A_55 : memref<56x128xi32, #tpu.memory_space<hbm>>) target(%arg6 : memref<56x128xi32, #tpu.memory_space<vmem>>) target_semaphore(%run_scoped3A : memref<!tpu.dma_semaphore, #tpu.memory_space<semaphore_mem>>)
      %dma_wait3A = arith.constant 0 : i32
      %dma_wait3A_56 = arith.constant 0 : i32
      %dma_wait3A_57 = tpu.memref_slice %arg3[%add3A, %dma_wait3A, %dma_wait3A_56] : memref<32x112x128xi32, #tpu.memory_space<hbm>> -> memref<1x56x128xi32, #tpu.memory_space<hbm>>
      %dma_wait3A_58 = tpu.memref_squeeze %dma_wait3A_57 : memref<1x56x128xi32, #tpu.memory_space<hbm>> -> memref<56x128xi32, #tpu.memory_space<hbm>>
      %dma_wait3A_59 = arith.constant 0 : i32
      %dma_wait3A_60 = arith.constant 0 : i32
      %dma_wait3A_61 = tpu.memref_slice %arg3[%add3A, %dma_wait3A_59, %dma_wait3A_60] : memref<32x112x128xi32, #tpu.memory_space<hbm>> -> memref<1x56x128xi32, #tpu.memory_space<hbm>>
      %dma_wait3A_62 = tpu.memref_squeeze %dma_wait3A_61 : memref<1x56x128xi32, #tpu.memory_space<hbm>> -> memref<56x128xi32, #tpu.memory_space<hbm>>
      tpu.wait_dma2 semaphore(%run_scoped3A : memref<!tpu.dma_semaphore, #tpu.memory_space<semaphore_mem>>) src(%dma_wait3A_62 : memref<56x128xi32, #tpu.memory_space<hbm>>) dst(%arg6 : memref<56x128xi32, #tpu.memory_space<vmem>>)
      tpu.yield
    }) : () -> ()
    "tpu.region"() ({
      %run_scoped3A = tpu.sem_alloc : memref<!tpu.dma_semaphore, #tpu.memory_space<semaphore_mem>>
      %dma_start3A = arith.constant 0 : i32
      %dma_start3A_49 = arith.constant 0 : i32
      %dma_start3A_50 = tpu.memref_slice %arg4[%add3A, %dma_start3A, %dma_start3A_49] : memref<32x112x128xi32, #tpu.memory_space<hbm>> -> memref<1x56x128xi32, #tpu.memory_space<hbm>>
      %dma_start3A_51 = tpu.memref_squeeze %dma_start3A_50 : memref<1x56x128xi32, #tpu.memory_space<hbm>> -> memref<56x128xi32, #tpu.memory_space<hbm>>
      %dma_start3A_52 = arith.constant 0 : i32
      %dma_start3A_53 = arith.constant 0 : i32
      %dma_start3A_54 = tpu.memref_slice %arg4[%add3A, %dma_start3A_52, %dma_start3A_53] : memref<32x112x128xi32, #tpu.memory_space<hbm>> -> memref<1x56x128xi32, #tpu.memory_space<hbm>>
      %dma_start3A_55 = tpu.memref_squeeze %dma_start3A_54 : memref<1x56x128xi32, #tpu.memory_space<hbm>> -> memref<56x128xi32, #tpu.memory_space<hbm>>
      tpu.enqueue_dma source(%dma_start3A_55 : memref<56x128xi32, #tpu.memory_space<hbm>>) target(%arg7 : memref<56x128xi32, #tpu.memory_space<vmem>>) target_semaphore(%run_scoped3A : memref<!tpu.dma_semaphore, #tpu.memory_space<semaphore_mem>>)
      %dma_wait3A = arith.constant 0 : i32
      %dma_wait3A_56 = arith.constant 0 : i32
      %dma_wait3A_57 = tpu.memref_slice %arg4[%add3A, %dma_wait3A, %dma_wait3A_56] : memref<32x112x128xi32, #tpu.memory_space<hbm>> -> memref<1x56x128xi32, #tpu.memory_space<hbm>>
      %dma_wait3A_58 = tpu.memref_squeeze %dma_wait3A_57 : memref<1x56x128xi32, #tpu.memory_space<hbm>> -> memref<56x128xi32, #tpu.memory_space<hbm>>
      %dma_wait3A_59 = arith.constant 0 : i32
      %dma_wait3A_60 = arith.constant 0 : i32
      %dma_wait3A_61 = tpu.memref_slice %arg4[%add3A, %dma_wait3A_59, %dma_wait3A_60] : memref<32x112x128xi32, #tpu.memory_space<hbm>> -> memref<1x56x128xi32, #tpu.memory_space<hbm>>
      %dma_wait3A_62 = tpu.memref_squeeze %dma_wait3A_61 : memref<1x56x128xi32, #tpu.memory_space<hbm>> -> memref<56x128xi32, #tpu.memory_space<hbm>>
      tpu.wait_dma2 semaphore(%run_scoped3A : memref<!tpu.dma_semaphore, #tpu.memory_space<semaphore_mem>>) src(%dma_wait3A_62 : memref<56x128xi32, #tpu.memory_space<hbm>>) dst(%arg7 : memref<56x128xi32, #tpu.memory_space<vmem>>)
      tpu.yield
    }) : () -> ()
    %gt3A = arith.constant 0 : i32
    %gt3A_8 = arith.cmpi sgt, %min3A_7, %gt3A : i32
    %convert_element_type3A = arith.extui %gt3A_8 : i1 to i32
    %cond3A = arith.constant 0 : i32
    %cond3A_9 = arith.cmpi ne, %convert_element_type3A, %cond3A : i32
    scf.if %cond3A_9 {
      %dma_start3A = arith.constant 0 : i32
      %dma_start3A_49 = arith.constant 0 : i32
      %dma_start3A_50 = tpu.memref_slice %arg6[%dma_start3A, %dma_start3A_49] : memref<56x128xi32, #tpu.memory_space<vmem>> -> memref<1x128xi32, #tpu.memory_space<vmem>>
      %dma_start3A_51 = tpu.memref_squeeze %dma_start3A_50 : memref<1x128xi32, #tpu.memory_space<vmem>> -> memref<128xi32, #tpu.memory_space<vmem>>
      %dma_start3A_52 = arith.constant 0 : i32
      %dma_start3A_53 = arith.constant 0 : i32
      %dma_start3A_54 = tpu.memref_slice %arg2[%dma_start3A_52, %dma_start3A_53] : memref<10240x128xf32, #tpu.memory_space<hbm>> -> memref<10240x128xf32, #tpu.memory_space<hbm>>
      tpu.enqueue_indirect_dma source(%dma_start3A_54 : memref<10240x128xf32, #tpu.memory_space<hbm>>) target(%arg8 : memref<128x128xf32, #tpu.memory_space<vmem>>) offsets(%dma_start3A_51 : memref<128xi32, #tpu.memory_space<vmem>>) semaphore(%arg11 : memref<!tpu.dma_semaphore, #tpu.memory_space<semaphore_mem>>)
    } else {
    }
    %gt3A_10 = arith.constant 1 : i32
    %gt3A_11 = arith.cmpi sgt, %min3A_7, %gt3A_10 : i32
    %convert_element_type3A_12 = arith.extui %gt3A_11 : i1 to i32
    %cond3A_13 = arith.constant 0 : i32
    %cond3A_14 = arith.cmpi ne, %convert_element_type3A_12, %cond3A_13 : i32
    scf.if %cond3A_14 {
      %dma_start3A = arith.constant 1 : i32
      %dma_start3A_49 = arith.constant 0 : i32
      %dma_start3A_50 = tpu.memref_slice %arg6[%dma_start3A, %dma_start3A_49] : memref<56x128xi32, #tpu.memory_space<vmem>> -> memref<1x128xi32, #tpu.memory_space<vmem>>
      %dma_start3A_51 = tpu.memref_squeeze %dma_start3A_50 : memref<1x128xi32, #tpu.memory_space<vmem>> -> memref<128xi32, #tpu.memory_space<vmem>>
      %dma_start3A_52 = arith.constant 0 : i32
      %dma_start3A_53 = arith.constant 0 : i32
      %dma_start3A_54 = tpu.memref_slice %arg2[%dma_start3A_52, %dma_start3A_53] : memref<10240x128xf32, #tpu.memory_space<hbm>> -> memref<10240x128xf32, #tpu.memory_space<hbm>>
      tpu.enqueue_indirect_dma source(%dma_start3A_54 : memref<10240x128xf32, #tpu.memory_space<hbm>>) target(%arg9 : memref<128x128xf32, #tpu.memory_space<vmem>>) offsets(%dma_start3A_51 : memref<128xi32, #tpu.memory_space<vmem>>) semaphore(%arg12 : memref<!tpu.dma_semaphore, #tpu.memory_space<semaphore_mem>>)
    } else {
    }
    %while3A = arith.constant 0 : i32
    %while3A_15 = arith.constant 0 : i32
    %while3A_16 = arith.subi %min3A_7, %while3A_15 : i32
    %while3A_17 = arith.addi %while3A_15, %while3A_16 : i32
    %while3A_18 = arith.constant 1 : i32
    %while3A_19 = arith.divsi %while3A_16, %while3A_18 : i32
    %while3A_20 = arith.muli %while3A_19, %while3A_18 : i32
    %while3A_21 = arith.addi %while3A_15, %while3A_20 : i32
    %while3A_22 = arith.constant 1 : i32
    scf.for %while3A_49 = %while3A_15 to %while3A_21 step %while3A_22  : i32 {
      %jit3A_50 = arith.constant 2 : i32
      %eq3A_51 = arith.constant 0 : i32
      %eq3A_52 = arith.cmpi eq, %jit3A_50, %eq3A_51 : i32
      %jit3A_53 = arith.constant 1 : i32
      %select_n3A_54 = arith.select %eq3A_52, %jit3A_53, %jit3A_50 : i32
      %rem3A = arith.remsi %while3A_49, %select_n3A_54 : i32
      %ne3A = arith.constant 0 : i32
      %ne3A_55 = arith.cmpi ne, %rem3A, %ne3A : i32
      %lt3A = arith.constant 0 : i32
      %lt3A_56 = arith.cmpi slt, %rem3A, %lt3A : i32
      %lt3A_57 = arith.constant 0 : i32
      %lt3A_58 = arith.cmpi slt, %select_n3A_54, %lt3A_57 : i32
      %ne3A_59 = arith.xori %lt3A_56, %lt3A_58 : i1
      %and3A = arith.andi %ne3A_59, %ne3A_55 : i1
      %add3A_60 = arith.addi %rem3A, %select_n3A_54 : i32
      %select_n3A_61 = arith.select %and3A, %add3A_60, %rem3A : i32
      %eq3A_62 = arith.constant 0 : i32
      %eq3A_63 = arith.cmpi eq, %select_n3A_61, %eq3A_62 : i32
      %convert_element_type3A_64 = arith.extui %eq3A_63 : i1 to i32
      %cond3A_65 = arith.constant 0 : i32
      %cond3A_66 = arith.cmpi ne, %convert_element_type3A_64, %cond3A_65 : i32
      scf.if %cond3A_66 {
        %dma_wait3A = arith.constant 0 : i32
        %dma_wait3A_88 = tpu.memref_slice %arg6[%while3A_49, %dma_wait3A] : memref<56x128xi32, #tpu.memory_space<vmem>> -> memref<1x128xi32, #tpu.memory_space<vmem>>
        %dma_wait3A_89 = tpu.memref_squeeze %dma_wait3A_88 : memref<1x128xi32, #tpu.memory_space<vmem>> -> memref<128xi32, #tpu.memory_space<vmem>>
        %dma_wait3A_90 = arith.constant 0 : i32
        %dma_wait3A_91 = arith.constant 0 : i32
        %dma_wait3A_92 = tpu.memref_slice %arg2[%dma_wait3A_90, %dma_wait3A_91] : memref<10240x128xf32, #tpu.memory_space<hbm>> -> memref<10240x128xf32, #tpu.memory_space<hbm>>
        tpu.wait_indirect_dma semaphore(%arg11 : memref<!tpu.dma_semaphore, #tpu.memory_space<semaphore_mem>>) src(%dma_wait3A_92 : memref<10240x128xf32, #tpu.memory_space<hbm>>) dst(%arg8 : memref<128x128xf32, #tpu.memory_space<vmem>>)
        "tpu.region"() ({
          %run_scoped3A = tpu.sem_alloc : memref<!tpu.dma_semaphore, #tpu.memory_space<semaphore_mem>>
          %dma_start3A = arith.constant 0 : i32
          %dma_start3A_99 = tpu.memref_slice %arg7[%while3A_49, %dma_start3A] : memref<56x128xi32, #tpu.memory_space<vmem>> -> memref<1x128xi32, #tpu.memory_space<vmem>>
          %dma_start3A_100 = tpu.memref_squeeze %dma_start3A_99 : memref<1x128xi32, #tpu.memory_space<vmem>> -> memref<128xi32, #tpu.memory_space<vmem>>
          %dma_start3A_101 = arith.constant 0 : i32
          %dma_start3A_102 = arith.constant 0 : i32
          %dma_start3A_103 = tpu.memref_slice %arg10[%dma_start3A_101, %dma_start3A_102] : memref<10240x128xf32, #tpu.memory_space<vmem_shared>> -> memref<10240x128xf32, #tpu.memory_space<vmem_shared>>
          tpu.enqueue_indirect_dma source(%arg8 : memref<128x128xf32, #tpu.memory_space<vmem>>) target(%dma_start3A_103 : memref<10240x128xf32, #tpu.memory_space<vmem_shared>>) offsets(%dma_start3A_100 : memref<128xi32, #tpu.memory_space<vmem>>) semaphore(%run_scoped3A : memref<!tpu.dma_semaphore, #tpu.memory_space<semaphore_mem>>) {add = true}
          %dma_wait3A_104 = arith.constant 0 : i32
          %dma_wait3A_105 = tpu.memref_slice %arg7[%while3A_49, %dma_wait3A_104] : memref<56x128xi32, #tpu.memory_space<vmem>> -> memref<1x128xi32, #tpu.memory_space<vmem>>
          %dma_wait3A_106 = tpu.memref_squeeze %dma_wait3A_105 : memref<1x128xi32, #tpu.memory_space<vmem>> -> memref<128xi32, #tpu.memory_space<vmem>>
          %dma_wait3A_107 = arith.constant 0 : i32
          %dma_wait3A_108 = arith.constant 0 : i32
          %dma_wait3A_109 = tpu.memref_slice %arg10[%dma_wait3A_107, %dma_wait3A_108] : memref<10240x128xf32, #tpu.memory_space<vmem_shared>> -> memref<10240x128xf32, #tpu.memory_space<vmem_shared>>
          tpu.wait_indirect_dma semaphore(%run_scoped3A : memref<!tpu.dma_semaphore, #tpu.memory_space<semaphore_mem>>) src(%arg8 : memref<128x128xf32, #tpu.memory_space<vmem>>) dst(%dma_wait3A_109 : memref<10240x128xf32, #tpu.memory_space<vmem_shared>>)
          tpu.yield
        }) : () -> ()
        %add3A_93 = arith.constant 2 : i32
        %add3A_94 = arith.addi %while3A_49, %add3A_93 : i32
        %lt3A_95 = arith.cmpi slt, %add3A_94, %min3A_7 : i32
        %convert_element_type3A_96 = arith.extui %lt3A_95 : i1 to i32
        %cond3A_97 = arith.constant 0 : i32
        %cond3A_98 = arith.cmpi ne, %convert_element_type3A_96, %cond3A_97 : i32
        scf.if %cond3A_98 {
          %add3A_99 = arith.constant 2 : i32
          %add3A_100 = arith.addi %while3A_49, %add3A_99 : i32
          %dma_start3A = arith.constant 0 : i32
          %dma_start3A_101 = tpu.memref_slice %arg6[%add3A_100, %dma_start3A] : memref<56x128xi32, #tpu.memory_space<vmem>> -> memref<1x128xi32, #tpu.memory_space<vmem>>
          %dma_start3A_102 = tpu.memref_squeeze %dma_start3A_101 : memref<1x128xi32, #tpu.memory_space<vmem>> -> memref<128xi32, #tpu.memory_space<vmem>>
          %dma_start3A_103 = arith.constant 0 : i32
          %dma_start3A_104 = arith.constant 0 : i32
          %dma_start3A_105 = tpu.memref_slice %arg2[%dma_start3A_103, %dma_start3A_104] : memref<10240x128xf32, #tpu.memory_space<hbm>> -> memref<10240x128xf32, #tpu.memory_space<hbm>>
          tpu.enqueue_indirect_dma source(%dma_start3A_105 : memref<10240x128xf32, #tpu.memory_space<hbm>>) target(%arg8 : memref<128x128xf32, #tpu.memory_space<vmem>>) offsets(%dma_start3A_102 : memref<128xi32, #tpu.memory_space<vmem>>) semaphore(%arg11 : memref<!tpu.dma_semaphore, #tpu.memory_space<semaphore_mem>>)
        } else {
        }
      } else {
      }
      %jit3A_67 = arith.constant 2 : i32
      %eq3A_68 = arith.constant 0 : i32
      %eq3A_69 = arith.cmpi eq, %jit3A_67, %eq3A_68 : i32
      %jit3A_70 = arith.constant 1 : i32
      %select_n3A_71 = arith.select %eq3A_69, %jit3A_70, %jit3A_67 : i32
      %rem3A_72 = arith.remsi %while3A_49, %select_n3A_71 : i32
      %ne3A_73 = arith.constant 0 : i32
      %ne3A_74 = arith.cmpi ne, %rem3A_72, %ne3A_73 : i32
      %lt3A_75 = arith.constant 0 : i32
      %lt3A_76 = arith.cmpi slt, %rem3A_72, %lt3A_75 : i32
      %lt3A_77 = arith.constant 0 : i32
      %lt3A_78 = arith.cmpi slt, %select_n3A_71, %lt3A_77 : i32
      %ne3A_79 = arith.xori %lt3A_76, %lt3A_78 : i1
      %and3A_80 = arith.andi %ne3A_79, %ne3A_74 : i1
      %add3A_81 = arith.addi %rem3A_72, %select_n3A_71 : i32
      %select_n3A_82 = arith.select %and3A_80, %add3A_81, %rem3A_72 : i32
      %eq3A_83 = arith.constant 1 : i32
      %eq3A_84 = arith.cmpi eq, %select_n3A_82, %eq3A_83 : i32
      %convert_element_type3A_85 = arith.extui %eq3A_84 : i1 to i32
      %cond3A_86 = arith.constant 0 : i32
      %cond3A_87 = arith.cmpi ne, %convert_element_type3A_85, %cond3A_86 : i32
      scf.if %cond3A_87 {
        %dma_wait3A = arith.constant 0 : i32
        %dma_wait3A_88 = tpu.memref_slice %arg6[%while3A_49, %dma_wait3A] : memref<56x128xi32, #tpu.memory_space<vmem>> -> memref<1x128xi32, #tpu.memory_space<vmem>>
        %dma_wait3A_89 = tpu.memref_squeeze %dma_wait3A_88 : memref<1x128xi32, #tpu.memory_space<vmem>> -> memref<128xi32, #tpu.memory_space<vmem>>
        %dma_wait3A_90 = arith.constant 0 : i32
        %dma_wait3A_91 = arith.constant 0 : i32
        %dma_wait3A_92 = tpu.memref_slice %arg2[%dma_wait3A_90, %dma_wait3A_91] : memref<10240x128xf32, #tpu.memory_space<hbm>> -> memref<10240x128xf32, #tpu.memory_space<hbm>>
        tpu.wait_indirect_dma semaphore(%arg12 : memref<!tpu.dma_semaphore, #tpu.memory_space<semaphore_mem>>) src(%dma_wait3A_92 : memref<10240x128xf32, #tpu.memory_space<hbm>>) dst(%arg9 : memref<128x128xf32, #tpu.memory_space<vmem>>)
        "tpu.region"() ({
          %run_scoped3A = tpu.sem_alloc : memref<!tpu.dma_semaphore, #tpu.memory_space<semaphore_mem>>
          %dma_start3A = arith.constant 0 : i32
          %dma_start3A_99 = tpu.memref_slice %arg7[%while3A_49, %dma_start3A] : memref<56x128xi32, #tpu.memory_space<vmem>> -> memref<1x128xi32, #tpu.memory_space<vmem>>
          %dma_start3A_100 = tpu.memref_squeeze %dma_start3A_99 : memref<1x128xi32, #tpu.memory_space<vmem>> -> memref<128xi32, #tpu.memory_space<vmem>>
          %dma_start3A_101 = arith.constant 0 : i32
          %dma_start3A_102 = arith.constant 0 : i32
          %dma_start3A_103 = tpu.memref_slice %arg10[%dma_start3A_101, %dma_start3A_102] : memref<10240x128xf32, #tpu.memory_space<vmem_shared>> -> memref<10240x128xf32, #tpu.memory_space<vmem_shared>>
          tpu.enqueue_indirect_dma source(%arg9 : memref<128x128xf32, #tpu.memory_space<vmem>>) target(%dma_start3A_103 : memref<10240x128xf32, #tpu.memory_space<vmem_shared>>) offsets(%dma_start3A_100 : memref<128xi32, #tpu.memory_space<vmem>>) semaphore(%run_scoped3A : memref<!tpu.dma_semaphore, #tpu.memory_space<semaphore_mem>>) {add = true}
          %dma_wait3A_104 = arith.constant 0 : i32
          %dma_wait3A_105 = tpu.memref_slice %arg7[%while3A_49, %dma_wait3A_104] : memref<56x128xi32, #tpu.memory_space<vmem>> -> memref<1x128xi32, #tpu.memory_space<vmem>>
          %dma_wait3A_106 = tpu.memref_squeeze %dma_wait3A_105 : memref<1x128xi32, #tpu.memory_space<vmem>> -> memref<128xi32, #tpu.memory_space<vmem>>
          %dma_wait3A_107 = arith.constant 0 : i32
          %dma_wait3A_108 = arith.constant 0 : i32
          %dma_wait3A_109 = tpu.memref_slice %arg10[%dma_wait3A_107, %dma_wait3A_108] : memref<10240x128xf32, #tpu.memory_space<vmem_shared>> -> memref<10240x128xf32, #tpu.memory_space<vmem_shared>>
          tpu.wait_indirect_dma semaphore(%run_scoped3A : memref<!tpu.dma_semaphore, #tpu.memory_space<semaphore_mem>>) src(%arg9 : memref<128x128xf32, #tpu.memory_space<vmem>>) dst(%dma_wait3A_109 : memref<10240x128xf32, #tpu.memory_space<vmem_shared>>)
          tpu.yield
        }) : () -> ()
        %add3A_93 = arith.constant 2 : i32
        %add3A_94 = arith.addi %while3A_49, %add3A_93 : i32
        %lt3A_95 = arith.cmpi slt, %add3A_94, %min3A_7 : i32
        %convert_element_type3A_96 = arith.extui %lt3A_95 : i1 to i32
        %cond3A_97 = arith.constant 0 : i32
        %cond3A_98 = arith.cmpi ne, %convert_element_type3A_96, %cond3A_97 : i32
        scf.if %cond3A_98 {
          %add3A_99 = arith.constant 2 : i32
          %add3A_100 = arith.addi %while3A_49, %add3A_99 : i32
          %dma_start3A = arith.constant 0 : i32
          %dma_start3A_101 = tpu.memref_slice %arg6[%add3A_100, %dma_start3A] : memref<56x128xi32, #tpu.memory_space<vmem>> -> memref<1x128xi32, #tpu.memory_space<vmem>>
          %dma_start3A_102 = tpu.memref_squeeze %dma_start3A_101 : memref<1x128xi32, #tpu.memory_space<vmem>> -> memref<128xi32, #tpu.memory_space<vmem>>
          %dma_start3A_103 = arith.constant 0 : i32
          %dma_start3A_104 = arith.constant 0 : i32
          %dma_start3A_105 = tpu.memref_slice %arg2[%dma_start3A_103, %dma_start3A_104] : memref<10240x128xf32, #tpu.memory_space<hbm>> -> memref<10240x128xf32, #tpu.memory_space<hbm>>
          tpu.enqueue_indirect_dma source(%dma_start3A_105 : memref<10240x128xf32, #tpu.memory_space<hbm>>) target(%arg9 : memref<128x128xf32, #tpu.memory_space<vmem>>) offsets(%dma_start3A_102 : memref<128xi32, #tpu.memory_space<vmem>>) semaphore(%arg12 : memref<!tpu.dma_semaphore, #tpu.memory_space<semaphore_mem>>)
        } else {
        }
      } else {
      }
    }
    %while3A_23 = arith.constant 1 : i32
    scf.for %while3A_49 = %while3A_21 to %while3A_17 step %while3A_23  : i32 {
      %jit3A_50 = arith.constant 2 : i32
      %eq3A_51 = arith.constant 0 : i32
      %eq3A_52 = arith.cmpi eq, %jit3A_50, %eq3A_51 : i32
      %jit3A_53 = arith.constant 1 : i32
      %select_n3A_54 = arith.select %eq3A_52, %jit3A_53, %jit3A_50 : i32
      %rem3A = arith.remsi %while3A_49, %select_n3A_54 : i32
      %ne3A = arith.constant 0 : i32
      %ne3A_55 = arith.cmpi ne, %rem3A, %ne3A : i32
      %lt3A = arith.constant 0 : i32
      %lt3A_56 = arith.cmpi slt, %rem3A, %lt3A : i32
      %lt3A_57 = arith.constant 0 : i32
      %lt3A_58 = arith.cmpi slt, %select_n3A_54, %lt3A_57 : i32
      %ne3A_59 = arith.xori %lt3A_56, %lt3A_58 : i1
      %and3A = arith.andi %ne3A_59, %ne3A_55 : i1
      %add3A_60 = arith.addi %rem3A, %select_n3A_54 : i32
      %select_n3A_61 = arith.select %and3A, %add3A_60, %rem3A : i32
      %eq3A_62 = arith.constant 0 : i32
      %eq3A_63 = arith.cmpi eq, %select_n3A_61, %eq3A_62 : i32
      %convert_element_type3A_64 = arith.extui %eq3A_63 : i1 to i32
      %cond3A_65 = arith.constant 0 : i32
      %cond3A_66 = arith.cmpi ne, %convert_element_type3A_64, %cond3A_65 : i32
      scf.if %cond3A_66 {
        %dma_wait3A = arith.constant 0 : i32
        %dma_wait3A_88 = tpu.memref_slice %arg6[%while3A_49, %dma_wait3A] : memref<56x128xi32, #tpu.memory_space<vmem>> -> memref<1x128xi32, #tpu.memory_space<vmem>>
        %dma_wait3A_89 = tpu.memref_squeeze %dma_wait3A_88 : memref<1x128xi32, #tpu.memory_space<vmem>> -> memref<128xi32, #tpu.memory_space<vmem>>
        %dma_wait3A_90 = arith.constant 0 : i32
        %dma_wait3A_91 = arith.constant 0 : i32
        %dma_wait3A_92 = tpu.memref_slice %arg2[%dma_wait3A_90, %dma_wait3A_91] : memref<10240x128xf32, #tpu.memory_space<hbm>> -> memref<10240x128xf32, #tpu.memory_space<hbm>>
        tpu.wait_indirect_dma semaphore(%arg11 : memref<!tpu.dma_semaphore, #tpu.memory_space<semaphore_mem>>) src(%dma_wait3A_92 : memref<10240x128xf32, #tpu.memory_space<hbm>>) dst(%arg8 : memref<128x128xf32, #tpu.memory_space<vmem>>)
        "tpu.region"() ({
          %run_scoped3A = tpu.sem_alloc : memref<!tpu.dma_semaphore, #tpu.memory_space<semaphore_mem>>
          %dma_start3A = arith.constant 0 : i32
          %dma_start3A_99 = tpu.memref_slice %arg7[%while3A_49, %dma_start3A] : memref<56x128xi32, #tpu.memory_space<vmem>> -> memref<1x128xi32, #tpu.memory_space<vmem>>
          %dma_start3A_100 = tpu.memref_squeeze %dma_start3A_99 : memref<1x128xi32, #tpu.memory_space<vmem>> -> memref<128xi32, #tpu.memory_space<vmem>>
          %dma_start3A_101 = arith.constant 0 : i32
          %dma_start3A_102 = arith.constant 0 : i32
          %dma_start3A_103 = tpu.memref_slice %arg10[%dma_start3A_101, %dma_start3A_102] : memref<10240x128xf32, #tpu.memory_space<vmem_shared>> -> memref<10240x128xf32, #tpu.memory_space<vmem_shared>>
          tpu.enqueue_indirect_dma source(%arg8 : memref<128x128xf32, #tpu.memory_space<vmem>>) target(%dma_start3A_103 : memref<10240x128xf32, #tpu.memory_space<vmem_shared>>) offsets(%dma_start3A_100 : memref<128xi32, #tpu.memory_space<vmem>>) semaphore(%run_scoped3A : memref<!tpu.dma_semaphore, #tpu.memory_space<semaphore_mem>>) {add = true}
          %dma_wait3A_104 = arith.constant 0 : i32
          %dma_wait3A_105 = tpu.memref_slice %arg7[%while3A_49, %dma_wait3A_104] : memref<56x128xi32, #tpu.memory_space<vmem>> -> memref<1x128xi32, #tpu.memory_space<vmem>>
          %dma_wait3A_106 = tpu.memref_squeeze %dma_wait3A_105 : memref<1x128xi32, #tpu.memory_space<vmem>> -> memref<128xi32, #tpu.memory_space<vmem>>
          %dma_wait3A_107 = arith.constant 0 : i32
          %dma_wait3A_108 = arith.constant 0 : i32
          %dma_wait3A_109 = tpu.memref_slice %arg10[%dma_wait3A_107, %dma_wait3A_108] : memref<10240x128xf32, #tpu.memory_space<vmem_shared>> -> memref<10240x128xf32, #tpu.memory_space<vmem_shared>>
          tpu.wait_indirect_dma semaphore(%run_scoped3A : memref<!tpu.dma_semaphore, #tpu.memory_space<semaphore_mem>>) src(%arg8 : memref<128x128xf32, #tpu.memory_space<vmem>>) dst(%dma_wait3A_109 : memref<10240x128xf32, #tpu.memory_space<vmem_shared>>)
          tpu.yield
        }) : () -> ()
        %add3A_93 = arith.constant 2 : i32
        %add3A_94 = arith.addi %while3A_49, %add3A_93 : i32
        %lt3A_95 = arith.cmpi slt, %add3A_94, %min3A_7 : i32
        %convert_element_type3A_96 = arith.extui %lt3A_95 : i1 to i32
        %cond3A_97 = arith.constant 0 : i32
        %cond3A_98 = arith.cmpi ne, %convert_element_type3A_96, %cond3A_97 : i32
        scf.if %cond3A_98 {
          %add3A_99 = arith.constant 2 : i32
          %add3A_100 = arith.addi %while3A_49, %add3A_99 : i32
          %dma_start3A = arith.constant 0 : i32
          %dma_start3A_101 = tpu.memref_slice %arg6[%add3A_100, %dma_start3A] : memref<56x128xi32, #tpu.memory_space<vmem>> -> memref<1x128xi32, #tpu.memory_space<vmem>>
          %dma_start3A_102 = tpu.memref_squeeze %dma_start3A_101 : memref<1x128xi32, #tpu.memory_space<vmem>> -> memref<128xi32, #tpu.memory_space<vmem>>
          %dma_start3A_103 = arith.constant 0 : i32
          %dma_start3A_104 = arith.constant 0 : i32
          %dma_start3A_105 = tpu.memref_slice %arg2[%dma_start3A_103, %dma_start3A_104] : memref<10240x128xf32, #tpu.memory_space<hbm>> -> memref<10240x128xf32, #tpu.memory_space<hbm>>
          tpu.enqueue_indirect_dma source(%dma_start3A_105 : memref<10240x128xf32, #tpu.memory_space<hbm>>) target(%arg8 : memref<128x128xf32, #tpu.memory_space<vmem>>) offsets(%dma_start3A_102 : memref<128xi32, #tpu.memory_space<vmem>>) semaphore(%arg11 : memref<!tpu.dma_semaphore, #tpu.memory_space<semaphore_mem>>)
        } else {
        }
      } else {
      }
      %jit3A_67 = arith.constant 2 : i32
      %eq3A_68 = arith.constant 0 : i32
      %eq3A_69 = arith.cmpi eq, %jit3A_67, %eq3A_68 : i32
      %jit3A_70 = arith.constant 1 : i32
      %select_n3A_71 = arith.select %eq3A_69, %jit3A_70, %jit3A_67 : i32
      %rem3A_72 = arith.remsi %while3A_49, %select_n3A_71 : i32
      %ne3A_73 = arith.constant 0 : i32
      %ne3A_74 = arith.cmpi ne, %rem3A_72, %ne3A_73 : i32
      %lt3A_75 = arith.constant 0 : i32
      %lt3A_76 = arith.cmpi slt, %rem3A_72, %lt3A_75 : i32
      %lt3A_77 = arith.constant 0 : i32
      %lt3A_78 = arith.cmpi slt, %select_n3A_71, %lt3A_77 : i32
      %ne3A_79 = arith.xori %lt3A_76, %lt3A_78 : i1
      %and3A_80 = arith.andi %ne3A_79, %ne3A_74 : i1
      %add3A_81 = arith.addi %rem3A_72, %select_n3A_71 : i32
      %select_n3A_82 = arith.select %and3A_80, %add3A_81, %rem3A_72 : i32
      %eq3A_83 = arith.constant 1 : i32
      %eq3A_84 = arith.cmpi eq, %select_n3A_82, %eq3A_83 : i32
      %convert_element_type3A_85 = arith.extui %eq3A_84 : i1 to i32
      %cond3A_86 = arith.constant 0 : i32
      %cond3A_87 = arith.cmpi ne, %convert_element_type3A_85, %cond3A_86 : i32
      scf.if %cond3A_87 {
        %dma_wait3A = arith.constant 0 : i32
        %dma_wait3A_88 = tpu.memref_slice %arg6[%while3A_49, %dma_wait3A] : memref<56x128xi32, #tpu.memory_space<vmem>> -> memref<1x128xi32, #tpu.memory_space<vmem>>
        %dma_wait3A_89 = tpu.memref_squeeze %dma_wait3A_88 : memref<1x128xi32, #tpu.memory_space<vmem>> -> memref<128xi32, #tpu.memory_space<vmem>>
        %dma_wait3A_90 = arith.constant 0 : i32
        %dma_wait3A_91 = arith.constant 0 : i32
        %dma_wait3A_92 = tpu.memref_slice %arg2[%dma_wait3A_90, %dma_wait3A_91] : memref<10240x128xf32, #tpu.memory_space<hbm>> -> memref<10240x128xf32, #tpu.memory_space<hbm>>
        tpu.wait_indirect_dma semaphore(%arg12 : memref<!tpu.dma_semaphore, #tpu.memory_space<semaphore_mem>>) src(%dma_wait3A_92 : memref<10240x128xf32, #tpu.memory_space<hbm>>) dst(%arg9 : memref<128x128xf32, #tpu.memory_space<vmem>>)
        "tpu.region"() ({
          %run_scoped3A = tpu.sem_alloc : memref<!tpu.dma_semaphore, #tpu.memory_space<semaphore_mem>>
          %dma_start3A = arith.constant 0 : i32
          %dma_start3A_99 = tpu.memref_slice %arg7[%while3A_49, %dma_start3A] : memref<56x128xi32, #tpu.memory_space<vmem>> -> memref<1x128xi32, #tpu.memory_space<vmem>>
          %dma_start3A_100 = tpu.memref_squeeze %dma_start3A_99 : memref<1x128xi32, #tpu.memory_space<vmem>> -> memref<128xi32, #tpu.memory_space<vmem>>
          %dma_start3A_101 = arith.constant 0 : i32
          %dma_start3A_102 = arith.constant 0 : i32
          %dma_start3A_103 = tpu.memref_slice %arg10[%dma_start3A_101, %dma_start3A_102] : memref<10240x128xf32, #tpu.memory_space<vmem_shared>> -> memref<10240x128xf32, #tpu.memory_space<vmem_shared>>
          tpu.enqueue_indirect_dma source(%arg9 : memref<128x128xf32, #tpu.memory_space<vmem>>) target(%dma_start3A_103 : memref<10240x128xf32, #tpu.memory_space<vmem_shared>>) offsets(%dma_start3A_100 : memref<128xi32, #tpu.memory_space<vmem>>) semaphore(%run_scoped3A : memref<!tpu.dma_semaphore, #tpu.memory_space<semaphore_mem>>) {add = true}
          %dma_wait3A_104 = arith.constant 0 : i32
          %dma_wait3A_105 = tpu.memref_slice %arg7[%while3A_49, %dma_wait3A_104] : memref<56x128xi32, #tpu.memory_space<vmem>> -> memref<1x128xi32, #tpu.memory_space<vmem>>
          %dma_wait3A_106 = tpu.memref_squeeze %dma_wait3A_105 : memref<1x128xi32, #tpu.memory_space<vmem>> -> memref<128xi32, #tpu.memory_space<vmem>>
          %dma_wait3A_107 = arith.constant 0 : i32
          %dma_wait3A_108 = arith.constant 0 : i32
          %dma_wait3A_109 = tpu.memref_slice %arg10[%dma_wait3A_107, %dma_wait3A_108] : memref<10240x128xf32, #tpu.memory_space<vmem_shared>> -> memref<10240x128xf32, #tpu.memory_space<vmem_shared>>
          tpu.wait_indirect_dma semaphore(%run_scoped3A : memref<!tpu.dma_semaphore, #tpu.memory_space<semaphore_mem>>) src(%arg9 : memref<128x128xf32, #tpu.memory_space<vmem>>) dst(%dma_wait3A_109 : memref<10240x128xf32, #tpu.memory_space<vmem_shared>>)
          tpu.yield
        }) : () -> ()
        %add3A_93 = arith.constant 2 : i32
        %add3A_94 = arith.addi %while3A_49, %add3A_93 : i32
        %lt3A_95 = arith.cmpi slt, %add3A_94, %min3A_7 : i32
        %convert_element_type3A_96 = arith.extui %lt3A_95 : i1 to i32
        %cond3A_97 = arith.constant 0 : i32
        %cond3A_98 = arith.cmpi ne, %convert_element_type3A_96, %cond3A_97 : i32
        scf.if %cond3A_98 {
          %add3A_99 = arith.constant 2 : i32
          %add3A_100 = arith.addi %while3A_49, %add3A_99 : i32
          %dma_start3A = arith.constant 0 : i32
          %dma_start3A_101 = tpu.memref_slice %arg6[%add3A_100, %dma_start3A] : memref<56x128xi32, #tpu.memory_space<vmem>> -> memref<1x128xi32, #tpu.memory_space<vmem>>
          %dma_start3A_102 = tpu.memref_squeeze %dma_start3A_101 : memref<1x128xi32, #tpu.memory_space<vmem>> -> memref<128xi32, #tpu.memory_space<vmem>>
          %dma_start3A_103 = arith.constant 0 : i32
          %dma_start3A_104 = arith.constant 0 : i32
          %dma_start3A_105 = tpu.memref_slice %arg2[%dma_start3A_103, %dma_start3A_104] : memref<10240x128xf32, #tpu.memory_space<hbm>> -> memref<10240x128xf32, #tpu.memory_space<hbm>>
          tpu.enqueue_indirect_dma source(%dma_start3A_105 : memref<10240x128xf32, #tpu.memory_space<hbm>>) target(%arg9 : memref<128x128xf32, #tpu.memory_space<vmem>>) offsets(%dma_start3A_102 : memref<128xi32, #tpu.memory_space<vmem>>) semaphore(%arg12 : memref<!tpu.dma_semaphore, #tpu.memory_space<semaphore_mem>>)
        } else {
        }
      } else {
      }
    }
    %sub3A = arith.subi %select_n3A, %min3A_7 : i32
    "tpu.region"() ({
      %run_scoped3A = tpu.sem_alloc : memref<!tpu.dma_semaphore, #tpu.memory_space<semaphore_mem>>
      %dma_start3A = arith.constant 56 : i32
      %dma_start3A_49 = arith.constant 0 : i32
      %dma_start3A_50 = tpu.memref_slice %arg3[%add3A, %dma_start3A, %dma_start3A_49] : memref<32x112x128xi32, #tpu.memory_space<hbm>> -> memref<1x56x128xi32, #tpu.memory_space<hbm>>
      %dma_start3A_51 = tpu.memref_squeeze %dma_start3A_50 : memref<1x56x128xi32, #tpu.memory_space<hbm>> -> memref<56x128xi32, #tpu.memory_space<hbm>>
      %dma_start3A_52 = arith.constant 56 : i32
      %dma_start3A_53 = arith.constant 0 : i32
      %dma_start3A_54 = tpu.memref_slice %arg3[%add3A, %dma_start3A_52, %dma_start3A_53] : memref<32x112x128xi32, #tpu.memory_space<hbm>> -> memref<1x56x128xi32, #tpu.memory_space<hbm>>
      %dma_start3A_55 = tpu.memref_squeeze %dma_start3A_54 : memref<1x56x128xi32, #tpu.memory_space<hbm>> -> memref<56x128xi32, #tpu.memory_space<hbm>>
      tpu.enqueue_dma source(%dma_start3A_55 : memref<56x128xi32, #tpu.memory_space<hbm>>) target(%arg6 : memref<56x128xi32, #tpu.memory_space<vmem>>) target_semaphore(%run_scoped3A : memref<!tpu.dma_semaphore, #tpu.memory_space<semaphore_mem>>)
      %dma_wait3A = arith.constant 56 : i32
      %dma_wait3A_56 = arith.constant 0 : i32
      %dma_wait3A_57 = tpu.memref_slice %arg3[%add3A, %dma_wait3A, %dma_wait3A_56] : memref<32x112x128xi32, #tpu.memory_space<hbm>> -> memref<1x56x128xi32, #tpu.memory_space<hbm>>
      %dma_wait3A_58 = tpu.memref_squeeze %dma_wait3A_57 : memref<1x56x128xi32, #tpu.memory_space<hbm>> -> memref<56x128xi32, #tpu.memory_space<hbm>>
      %dma_wait3A_59 = arith.constant 56 : i32
      %dma_wait3A_60 = arith.constant 0 : i32
      %dma_wait3A_61 = tpu.memref_slice %arg3[%add3A, %dma_wait3A_59, %dma_wait3A_60] : memref<32x112x128xi32, #tpu.memory_space<hbm>> -> memref<1x56x128xi32, #tpu.memory_space<hbm>>
      %dma_wait3A_62 = tpu.memref_squeeze %dma_wait3A_61 : memref<1x56x128xi32, #tpu.memory_space<hbm>> -> memref<56x128xi32, #tpu.memory_space<hbm>>
      tpu.wait_dma2 semaphore(%run_scoped3A : memref<!tpu.dma_semaphore, #tpu.memory_space<semaphore_mem>>) src(%dma_wait3A_62 : memref<56x128xi32, #tpu.memory_space<hbm>>) dst(%arg6 : memref<56x128xi32, #tpu.memory_space<vmem>>)
      tpu.yield
    }) : () -> ()
    "tpu.region"() ({
      %run_scoped3A = tpu.sem_alloc : memref<!tpu.dma_semaphore, #tpu.memory_space<semaphore_mem>>
      %dma_start3A = arith.constant 56 : i32
      %dma_start3A_49 = arith.constant 0 : i32
      %dma_start3A_50 = tpu.memref_slice %arg4[%add3A, %dma_start3A, %dma_start3A_49] : memref<32x112x128xi32, #tpu.memory_space<hbm>> -> memref<1x56x128xi32, #tpu.memory_space<hbm>>
      %dma_start3A_51 = tpu.memref_squeeze %dma_start3A_50 : memref<1x56x128xi32, #tpu.memory_space<hbm>> -> memref<56x128xi32, #tpu.memory_space<hbm>>
      %dma_start3A_52 = arith.constant 56 : i32
      %dma_start3A_53 = arith.constant 0 : i32
      %dma_start3A_54 = tpu.memref_slice %arg4[%add3A, %dma_start3A_52, %dma_start3A_53] : memref<32x112x128xi32, #tpu.memory_space<hbm>> -> memref<1x56x128xi32, #tpu.memory_space<hbm>>
      %dma_start3A_55 = tpu.memref_squeeze %dma_start3A_54 : memref<1x56x128xi32, #tpu.memory_space<hbm>> -> memref<56x128xi32, #tpu.memory_space<hbm>>
      tpu.enqueue_dma source(%dma_start3A_55 : memref<56x128xi32, #tpu.memory_space<hbm>>) target(%arg7 : memref<56x128xi32, #tpu.memory_space<vmem>>) target_semaphore(%run_scoped3A : memref<!tpu.dma_semaphore, #tpu.memory_space<semaphore_mem>>)
      %dma_wait3A = arith.constant 56 : i32
      %dma_wait3A_56 = arith.constant 0 : i32
      %dma_wait3A_57 = tpu.memref_slice %arg4[%add3A, %dma_wait3A, %dma_wait3A_56] : memref<32x112x128xi32, #tpu.memory_space<hbm>> -> memref<1x56x128xi32, #tpu.memory_space<hbm>>
      %dma_wait3A_58 = tpu.memref_squeeze %dma_wait3A_57 : memref<1x56x128xi32, #tpu.memory_space<hbm>> -> memref<56x128xi32, #tpu.memory_space<hbm>>
      %dma_wait3A_59 = arith.constant 56 : i32
      %dma_wait3A_60 = arith.constant 0 : i32
      %dma_wait3A_61 = tpu.memref_slice %arg4[%add3A, %dma_wait3A_59, %dma_wait3A_60] : memref<32x112x128xi32, #tpu.memory_space<hbm>> -> memref<1x56x128xi32, #tpu.memory_space<hbm>>
      %dma_wait3A_62 = tpu.memref_squeeze %dma_wait3A_61 : memref<1x56x128xi32, #tpu.memory_space<hbm>> -> memref<56x128xi32, #tpu.memory_space<hbm>>
      tpu.wait_dma2 semaphore(%run_scoped3A : memref<!tpu.dma_semaphore, #tpu.memory_space<semaphore_mem>>) src(%dma_wait3A_62 : memref<56x128xi32, #tpu.memory_space<hbm>>) dst(%arg7 : memref<56x128xi32, #tpu.memory_space<vmem>>)
      tpu.yield
    }) : () -> ()
    %gt3A_24 = arith.constant 0 : i32
    %gt3A_25 = arith.cmpi sgt, %sub3A, %gt3A_24 : i32
    %convert_element_type3A_26 = arith.extui %gt3A_25 : i1 to i32
    %cond3A_27 = arith.constant 0 : i32
    %cond3A_28 = arith.cmpi ne, %convert_element_type3A_26, %cond3A_27 : i32
    scf.if %cond3A_28 {
      %dma_start3A = arith.constant 0 : i32
      %dma_start3A_49 = arith.constant 0 : i32
      %dma_start3A_50 = tpu.memref_slice %arg6[%dma_start3A, %dma_start3A_49] : memref<56x128xi32, #tpu.memory_space<vmem>> -> memref<1x128xi32, #tpu.memory_space<vmem>>
      %dma_start3A_51 = tpu.memref_squeeze %dma_start3A_50 : memref<1x128xi32, #tpu.memory_space<vmem>> -> memref<128xi32, #tpu.memory_space<vmem>>
      %dma_start3A_52 = arith.constant 0 : i32
      %dma_start3A_53 = arith.constant 0 : i32
      %dma_start3A_54 = tpu.memref_slice %arg2[%dma_start3A_52, %dma_start3A_53] : memref<10240x128xf32, #tpu.memory_space<hbm>> -> memref<10240x128xf32, #tpu.memory_space<hbm>>
      tpu.enqueue_indirect_dma source(%dma_start3A_54 : memref<10240x128xf32, #tpu.memory_space<hbm>>) target(%arg8 : memref<128x128xf32, #tpu.memory_space<vmem>>) offsets(%dma_start3A_51 : memref<128xi32, #tpu.memory_space<vmem>>) semaphore(%arg11 : memref<!tpu.dma_semaphore, #tpu.memory_space<semaphore_mem>>)
    } else {
    }
    %gt3A_29 = arith.constant 1 : i32
    %gt3A_30 = arith.cmpi sgt, %sub3A, %gt3A_29 : i32
    %convert_element_type3A_31 = arith.extui %gt3A_30 : i1 to i32
    %cond3A_32 = arith.constant 0 : i32
    %cond3A_33 = arith.cmpi ne, %convert_element_type3A_31, %cond3A_32 : i32
    scf.if %cond3A_33 {
      %dma_start3A = arith.constant 1 : i32
      %dma_start3A_49 = arith.constant 0 : i32
      %dma_start3A_50 = tpu.memref_slice %arg6[%dma_start3A, %dma_start3A_49] : memref<56x128xi32, #tpu.memory_space<vmem>> -> memref<1x128xi32, #tpu.memory_space<vmem>>
      %dma_start3A_51 = tpu.memref_squeeze %dma_start3A_50 : memref<1x128xi32, #tpu.memory_space<vmem>> -> memref<128xi32, #tpu.memory_space<vmem>>
      %dma_start3A_52 = arith.constant 0 : i32
      %dma_start3A_53 = arith.constant 0 : i32
      %dma_start3A_54 = tpu.memref_slice %arg2[%dma_start3A_52, %dma_start3A_53] : memref<10240x128xf32, #tpu.memory_space<hbm>> -> memref<10240x128xf32, #tpu.memory_space<hbm>>
      tpu.enqueue_indirect_dma source(%dma_start3A_54 : memref<10240x128xf32, #tpu.memory_space<hbm>>) target(%arg9 : memref<128x128xf32, #tpu.memory_space<vmem>>) offsets(%dma_start3A_51 : memref<128xi32, #tpu.memory_space<vmem>>) semaphore(%arg12 : memref<!tpu.dma_semaphore, #tpu.memory_space<semaphore_mem>>)
    } else {
    }
    %while3A_34 = arith.constant 0 : i32
    %while3A_35 = arith.constant 0 : i32
    %while3A_36 = arith.subi %sub3A, %while3A_35 : i32
    %while3A_37 = arith.addi %while3A_35, %while3A_36 : i32
    %while3A_38 = arith.constant 1 : i32
    %while3A_39 = arith.divsi %while3A_36, %while3A_38 : i32
    %while3A_40 = arith.muli %while3A_39, %while3A_38 : i32
    %while3A_41 = arith.addi %while3A_35, %while3A_40 : i32
    %while3A_42 = arith.constant 1 : i32
    scf.for %while3A_49 = %while3A_35 to %while3A_41 step %while3A_42  : i32 {
      %jit3A_50 = arith.constant 2 : i32
      %eq3A_51 = arith.constant 0 : i32
      %eq3A_52 = arith.cmpi eq, %jit3A_50, %eq3A_51 : i32
      %jit3A_53 = arith.constant 1 : i32
      %select_n3A_54 = arith.select %eq3A_52, %jit3A_53, %jit3A_50 : i32
      %rem3A = arith.remsi %while3A_49, %select_n3A_54 : i32
      %ne3A = arith.constant 0 : i32
      %ne3A_55 = arith.cmpi ne, %rem3A, %ne3A : i32
      %lt3A = arith.constant 0 : i32
      %lt3A_56 = arith.cmpi slt, %rem3A, %lt3A : i32
      %lt3A_57 = arith.constant 0 : i32
      %lt3A_58 = arith.cmpi slt, %select_n3A_54, %lt3A_57 : i32
      %ne3A_59 = arith.xori %lt3A_56, %lt3A_58 : i1
      %and3A = arith.andi %ne3A_59, %ne3A_55 : i1
      %add3A_60 = arith.addi %rem3A, %select_n3A_54 : i32
      %select_n3A_61 = arith.select %and3A, %add3A_60, %rem3A : i32
      %eq3A_62 = arith.constant 0 : i32
      %eq3A_63 = arith.cmpi eq, %select_n3A_61, %eq3A_62 : i32
      %convert_element_type3A_64 = arith.extui %eq3A_63 : i1 to i32
      %cond3A_65 = arith.constant 0 : i32
      %cond3A_66 = arith.cmpi ne, %convert_element_type3A_64, %cond3A_65 : i32
      scf.if %cond3A_66 {
        %dma_wait3A = arith.constant 0 : i32
        %dma_wait3A_88 = tpu.memref_slice %arg6[%while3A_49, %dma_wait3A] : memref<56x128xi32, #tpu.memory_space<vmem>> -> memref<1x128xi32, #tpu.memory_space<vmem>>
        %dma_wait3A_89 = tpu.memref_squeeze %dma_wait3A_88 : memref<1x128xi32, #tpu.memory_space<vmem>> -> memref<128xi32, #tpu.memory_space<vmem>>
        %dma_wait3A_90 = arith.constant 0 : i32
        %dma_wait3A_91 = arith.constant 0 : i32
        %dma_wait3A_92 = tpu.memref_slice %arg2[%dma_wait3A_90, %dma_wait3A_91] : memref<10240x128xf32, #tpu.memory_space<hbm>> -> memref<10240x128xf32, #tpu.memory_space<hbm>>
        tpu.wait_indirect_dma semaphore(%arg11 : memref<!tpu.dma_semaphore, #tpu.memory_space<semaphore_mem>>) src(%dma_wait3A_92 : memref<10240x128xf32, #tpu.memory_space<hbm>>) dst(%arg8 : memref<128x128xf32, #tpu.memory_space<vmem>>)
        "tpu.region"() ({
          %run_scoped3A = tpu.sem_alloc : memref<!tpu.dma_semaphore, #tpu.memory_space<semaphore_mem>>
          %dma_start3A = arith.constant 0 : i32
          %dma_start3A_99 = tpu.memref_slice %arg7[%while3A_49, %dma_start3A] : memref<56x128xi32, #tpu.memory_space<vmem>> -> memref<1x128xi32, #tpu.memory_space<vmem>>
          %dma_start3A_100 = tpu.memref_squeeze %dma_start3A_99 : memref<1x128xi32, #tpu.memory_space<vmem>> -> memref<128xi32, #tpu.memory_space<vmem>>
          %dma_start3A_101 = arith.constant 0 : i32
          %dma_start3A_102 = arith.constant 0 : i32
          %dma_start3A_103 = tpu.memref_slice %arg10[%dma_start3A_101, %dma_start3A_102] : memref<10240x128xf32, #tpu.memory_space<vmem_shared>> -> memref<10240x128xf32, #tpu.memory_space<vmem_shared>>
          tpu.enqueue_indirect_dma source(%arg8 : memref<128x128xf32, #tpu.memory_space<vmem>>) target(%dma_start3A_103 : memref<10240x128xf32, #tpu.memory_space<vmem_shared>>) offsets(%dma_start3A_100 : memref<128xi32, #tpu.memory_space<vmem>>) semaphore(%run_scoped3A : memref<!tpu.dma_semaphore, #tpu.memory_space<semaphore_mem>>) {add = true}
          %dma_wait3A_104 = arith.constant 0 : i32
          %dma_wait3A_105 = tpu.memref_slice %arg7[%while3A_49, %dma_wait3A_104] : memref<56x128xi32, #tpu.memory_space<vmem>> -> memref<1x128xi32, #tpu.memory_space<vmem>>
          %dma_wait3A_106 = tpu.memref_squeeze %dma_wait3A_105 : memref<1x128xi32, #tpu.memory_space<vmem>> -> memref<128xi32, #tpu.memory_space<vmem>>
          %dma_wait3A_107 = arith.constant 0 : i32
          %dma_wait3A_108 = arith.constant 0 : i32
          %dma_wait3A_109 = tpu.memref_slice %arg10[%dma_wait3A_107, %dma_wait3A_108] : memref<10240x128xf32, #tpu.memory_space<vmem_shared>> -> memref<10240x128xf32, #tpu.memory_space<vmem_shared>>
          tpu.wait_indirect_dma semaphore(%run_scoped3A : memref<!tpu.dma_semaphore, #tpu.memory_space<semaphore_mem>>) src(%arg8 : memref<128x128xf32, #tpu.memory_space<vmem>>) dst(%dma_wait3A_109 : memref<10240x128xf32, #tpu.memory_space<vmem_shared>>)
          tpu.yield
        }) : () -> ()
        %add3A_93 = arith.constant 2 : i32
        %add3A_94 = arith.addi %while3A_49, %add3A_93 : i32
        %lt3A_95 = arith.cmpi slt, %add3A_94, %sub3A : i32
        %convert_element_type3A_96 = arith.extui %lt3A_95 : i1 to i32
        %cond3A_97 = arith.constant 0 : i32
        %cond3A_98 = arith.cmpi ne, %convert_element_type3A_96, %cond3A_97 : i32
        scf.if %cond3A_98 {
          %add3A_99 = arith.constant 2 : i32
          %add3A_100 = arith.addi %while3A_49, %add3A_99 : i32
          %dma_start3A = arith.constant 0 : i32
          %dma_start3A_101 = tpu.memref_slice %arg6[%add3A_100, %dma_start3A] : memref<56x128xi32, #tpu.memory_space<vmem>> -> memref<1x128xi32, #tpu.memory_space<vmem>>
          %dma_start3A_102 = tpu.memref_squeeze %dma_start3A_101 : memref<1x128xi32, #tpu.memory_space<vmem>> -> memref<128xi32, #tpu.memory_space<vmem>>
          %dma_start3A_103 = arith.constant 0 : i32
          %dma_start3A_104 = arith.constant 0 : i32
          %dma_start3A_105 = tpu.memref_slice %arg2[%dma_start3A_103, %dma_start3A_104] : memref<10240x128xf32, #tpu.memory_space<hbm>> -> memref<10240x128xf32, #tpu.memory_space<hbm>>
          tpu.enqueue_indirect_dma source(%dma_start3A_105 : memref<10240x128xf32, #tpu.memory_space<hbm>>) target(%arg8 : memref<128x128xf32, #tpu.memory_space<vmem>>) offsets(%dma_start3A_102 : memref<128xi32, #tpu.memory_space<vmem>>) semaphore(%arg11 : memref<!tpu.dma_semaphore, #tpu.memory_space<semaphore_mem>>)
        } else {
        }
      } else {
      }
      %jit3A_67 = arith.constant 2 : i32
      %eq3A_68 = arith.constant 0 : i32
      %eq3A_69 = arith.cmpi eq, %jit3A_67, %eq3A_68 : i32
      %jit3A_70 = arith.constant 1 : i32
      %select_n3A_71 = arith.select %eq3A_69, %jit3A_70, %jit3A_67 : i32
      %rem3A_72 = arith.remsi %while3A_49, %select_n3A_71 : i32
      %ne3A_73 = arith.constant 0 : i32
      %ne3A_74 = arith.cmpi ne, %rem3A_72, %ne3A_73 : i32
      %lt3A_75 = arith.constant 0 : i32
      %lt3A_76 = arith.cmpi slt, %rem3A_72, %lt3A_75 : i32
      %lt3A_77 = arith.constant 0 : i32
      %lt3A_78 = arith.cmpi slt, %select_n3A_71, %lt3A_77 : i32
      %ne3A_79 = arith.xori %lt3A_76, %lt3A_78 : i1
      %and3A_80 = arith.andi %ne3A_79, %ne3A_74 : i1
      %add3A_81 = arith.addi %rem3A_72, %select_n3A_71 : i32
      %select_n3A_82 = arith.select %and3A_80, %add3A_81, %rem3A_72 : i32
      %eq3A_83 = arith.constant 1 : i32
      %eq3A_84 = arith.cmpi eq, %select_n3A_82, %eq3A_83 : i32
      %convert_element_type3A_85 = arith.extui %eq3A_84 : i1 to i32
      %cond3A_86 = arith.constant 0 : i32
      %cond3A_87 = arith.cmpi ne, %convert_element_type3A_85, %cond3A_86 : i32
      scf.if %cond3A_87 {
        %dma_wait3A = arith.constant 0 : i32
        %dma_wait3A_88 = tpu.memref_slice %arg6[%while3A_49, %dma_wait3A] : memref<56x128xi32, #tpu.memory_space<vmem>> -> memref<1x128xi32, #tpu.memory_space<vmem>>
        %dma_wait3A_89 = tpu.memref_squeeze %dma_wait3A_88 : memref<1x128xi32, #tpu.memory_space<vmem>> -> memref<128xi32, #tpu.memory_space<vmem>>
        %dma_wait3A_90 = arith.constant 0 : i32
        %dma_wait3A_91 = arith.constant 0 : i32
        %dma_wait3A_92 = tpu.memref_slice %arg2[%dma_wait3A_90, %dma_wait3A_91] : memref<10240x128xf32, #tpu.memory_space<hbm>> -> memref<10240x128xf32, #tpu.memory_space<hbm>>
        tpu.wait_indirect_dma semaphore(%arg12 : memref<!tpu.dma_semaphore, #tpu.memory_space<semaphore_mem>>) src(%dma_wait3A_92 : memref<10240x128xf32, #tpu.memory_space<hbm>>) dst(%arg9 : memref<128x128xf32, #tpu.memory_space<vmem>>)
        "tpu.region"() ({
          %run_scoped3A = tpu.sem_alloc : memref<!tpu.dma_semaphore, #tpu.memory_space<semaphore_mem>>
          %dma_start3A = arith.constant 0 : i32
          %dma_start3A_99 = tpu.memref_slice %arg7[%while3A_49, %dma_start3A] : memref<56x128xi32, #tpu.memory_space<vmem>> -> memref<1x128xi32, #tpu.memory_space<vmem>>
          %dma_start3A_100 = tpu.memref_squeeze %dma_start3A_99 : memref<1x128xi32, #tpu.memory_space<vmem>> -> memref<128xi32, #tpu.memory_space<vmem>>
          %dma_start3A_101 = arith.constant 0 : i32
          %dma_start3A_102 = arith.constant 0 : i32
          %dma_start3A_103 = tpu.memref_slice %arg10[%dma_start3A_101, %dma_start3A_102] : memref<10240x128xf32, #tpu.memory_space<vmem_shared>> -> memref<10240x128xf32, #tpu.memory_space<vmem_shared>>
          tpu.enqueue_indirect_dma source(%arg9 : memref<128x128xf32, #tpu.memory_space<vmem>>) target(%dma_start3A_103 : memref<10240x128xf32, #tpu.memory_space<vmem_shared>>) offsets(%dma_start3A_100 : memref<128xi32, #tpu.memory_space<vmem>>) semaphore(%run_scoped3A : memref<!tpu.dma_semaphore, #tpu.memory_space<semaphore_mem>>) {add = true}
          %dma_wait3A_104 = arith.constant 0 : i32
          %dma_wait3A_105 = tpu.memref_slice %arg7[%while3A_49, %dma_wait3A_104] : memref<56x128xi32, #tpu.memory_space<vmem>> -> memref<1x128xi32, #tpu.memory_space<vmem>>
          %dma_wait3A_106 = tpu.memref_squeeze %dma_wait3A_105 : memref<1x128xi32, #tpu.memory_space<vmem>> -> memref<128xi32, #tpu.memory_space<vmem>>
          %dma_wait3A_107 = arith.constant 0 : i32
          %dma_wait3A_108 = arith.constant 0 : i32
          %dma_wait3A_109 = tpu.memref_slice %arg10[%dma_wait3A_107, %dma_wait3A_108] : memref<10240x128xf32, #tpu.memory_space<vmem_shared>> -> memref<10240x128xf32, #tpu.memory_space<vmem_shared>>
          tpu.wait_indirect_dma semaphore(%run_scoped3A : memref<!tpu.dma_semaphore, #tpu.memory_space<semaphore_mem>>) src(%arg9 : memref<128x128xf32, #tpu.memory_space<vmem>>) dst(%dma_wait3A_109 : memref<10240x128xf32, #tpu.memory_space<vmem_shared>>)
          tpu.yield
        }) : () -> ()
        %add3A_93 = arith.constant 2 : i32
        %add3A_94 = arith.addi %while3A_49, %add3A_93 : i32
        %lt3A_95 = arith.cmpi slt, %add3A_94, %sub3A : i32
        %convert_element_type3A_96 = arith.extui %lt3A_95 : i1 to i32
        %cond3A_97 = arith.constant 0 : i32
        %cond3A_98 = arith.cmpi ne, %convert_element_type3A_96, %cond3A_97 : i32
        scf.if %cond3A_98 {
          %add3A_99 = arith.constant 2 : i32
          %add3A_100 = arith.addi %while3A_49, %add3A_99 : i32
          %dma_start3A = arith.constant 0 : i32
          %dma_start3A_101 = tpu.memref_slice %arg6[%add3A_100, %dma_start3A] : memref<56x128xi32, #tpu.memory_space<vmem>> -> memref<1x128xi32, #tpu.memory_space<vmem>>
          %dma_start3A_102 = tpu.memref_squeeze %dma_start3A_101 : memref<1x128xi32, #tpu.memory_space<vmem>> -> memref<128xi32, #tpu.memory_space<vmem>>
          %dma_start3A_103 = arith.constant 0 : i32
          %dma_start3A_104 = arith.constant 0 : i32
          %dma_start3A_105 = tpu.memref_slice %arg2[%dma_start3A_103, %dma_start3A_104] : memref<10240x128xf32, #tpu.memory_space<hbm>> -> memref<10240x128xf32, #tpu.memory_space<hbm>>
          tpu.enqueue_indirect_dma source(%dma_start3A_105 : memref<10240x128xf32, #tpu.memory_space<hbm>>) target(%arg9 : memref<128x128xf32, #tpu.memory_space<vmem>>) offsets(%dma_start3A_102 : memref<128xi32, #tpu.memory_space<vmem>>) semaphore(%arg12 : memref<!tpu.dma_semaphore, #tpu.memory_space<semaphore_mem>>)
        } else {
        }
      } else {
      }
    }
    %while3A_43 = arith.constant 1 : i32
    scf.for %while3A_49 = %while3A_41 to %while3A_37 step %while3A_43  : i32 {
      %jit3A_50 = arith.constant 2 : i32
      %eq3A_51 = arith.constant 0 : i32
      %eq3A_52 = arith.cmpi eq, %jit3A_50, %eq3A_51 : i32
      %jit3A_53 = arith.constant 1 : i32
      %select_n3A_54 = arith.select %eq3A_52, %jit3A_53, %jit3A_50 : i32
      %rem3A = arith.remsi %while3A_49, %select_n3A_54 : i32
      %ne3A = arith.constant 0 : i32
      %ne3A_55 = arith.cmpi ne, %rem3A, %ne3A : i32
      %lt3A = arith.constant 0 : i32
      %lt3A_56 = arith.cmpi slt, %rem3A, %lt3A : i32
      %lt3A_57 = arith.constant 0 : i32
      %lt3A_58 = arith.cmpi slt, %select_n3A_54, %lt3A_57 : i32
      %ne3A_59 = arith.xori %lt3A_56, %lt3A_58 : i1
      %and3A = arith.andi %ne3A_59, %ne3A_55 : i1
      %add3A_60 = arith.addi %rem3A, %select_n3A_54 : i32
      %select_n3A_61 = arith.select %and3A, %add3A_60, %rem3A : i32
      %eq3A_62 = arith.constant 0 : i32
      %eq3A_63 = arith.cmpi eq, %select_n3A_61, %eq3A_62 : i32
      %convert_element_type3A_64 = arith.extui %eq3A_63 : i1 to i32
      %cond3A_65 = arith.constant 0 : i32
      %cond3A_66 = arith.cmpi ne, %convert_element_type3A_64, %cond3A_65 : i32
      scf.if %cond3A_66 {
        %dma_wait3A = arith.constant 0 : i32
        %dma_wait3A_88 = tpu.memref_slice %arg6[%while3A_49, %dma_wait3A] : memref<56x128xi32, #tpu.memory_space<vmem>> -> memref<1x128xi32, #tpu.memory_space<vmem>>
        %dma_wait3A_89 = tpu.memref_squeeze %dma_wait3A_88 : memref<1x128xi32, #tpu.memory_space<vmem>> -> memref<128xi32, #tpu.memory_space<vmem>>
        %dma_wait3A_90 = arith.constant 0 : i32
        %dma_wait3A_91 = arith.constant 0 : i32
        %dma_wait3A_92 = tpu.memref_slice %arg2[%dma_wait3A_90, %dma_wait3A_91] : memref<10240x128xf32, #tpu.memory_space<hbm>> -> memref<10240x128xf32, #tpu.memory_space<hbm>>
        tpu.wait_indirect_dma semaphore(%arg11 : memref<!tpu.dma_semaphore, #tpu.memory_space<semaphore_mem>>) src(%dma_wait3A_92 : memref<10240x128xf32, #tpu.memory_space<hbm>>) dst(%arg8 : memref<128x128xf32, #tpu.memory_space<vmem>>)
        "tpu.region"() ({
          %run_scoped3A = tpu.sem_alloc : memref<!tpu.dma_semaphore, #tpu.memory_space<semaphore_mem>>
          %dma_start3A = arith.constant 0 : i32
          %dma_start3A_99 = tpu.memref_slice %arg7[%while3A_49, %dma_start3A] : memref<56x128xi32, #tpu.memory_space<vmem>> -> memref<1x128xi32, #tpu.memory_space<vmem>>
          %dma_start3A_100 = tpu.memref_squeeze %dma_start3A_99 : memref<1x128xi32, #tpu.memory_space<vmem>> -> memref<128xi32, #tpu.memory_space<vmem>>
          %dma_start3A_101 = arith.constant 0 : i32
          %dma_start3A_102 = arith.constant 0 : i32
          %dma_start3A_103 = tpu.memref_slice %arg10[%dma_start3A_101, %dma_start3A_102] : memref<10240x128xf32, #tpu.memory_space<vmem_shared>> -> memref<10240x128xf32, #tpu.memory_space<vmem_shared>>
          tpu.enqueue_indirect_dma source(%arg8 : memref<128x128xf32, #tpu.memory_space<vmem>>) target(%dma_start3A_103 : memref<10240x128xf32, #tpu.memory_space<vmem_shared>>) offsets(%dma_start3A_100 : memref<128xi32, #tpu.memory_space<vmem>>) semaphore(%run_scoped3A : memref<!tpu.dma_semaphore, #tpu.memory_space<semaphore_mem>>) {add = true}
          %dma_wait3A_104 = arith.constant 0 : i32
          %dma_wait3A_105 = tpu.memref_slice %arg7[%while3A_49, %dma_wait3A_104] : memref<56x128xi32, #tpu.memory_space<vmem>> -> memref<1x128xi32, #tpu.memory_space<vmem>>
          %dma_wait3A_106 = tpu.memref_squeeze %dma_wait3A_105 : memref<1x128xi32, #tpu.memory_space<vmem>> -> memref<128xi32, #tpu.memory_space<vmem>>
          %dma_wait3A_107 = arith.constant 0 : i32
          %dma_wait3A_108 = arith.constant 0 : i32
          %dma_wait3A_109 = tpu.memref_slice %arg10[%dma_wait3A_107, %dma_wait3A_108] : memref<10240x128xf32, #tpu.memory_space<vmem_shared>> -> memref<10240x128xf32, #tpu.memory_space<vmem_shared>>
          tpu.wait_indirect_dma semaphore(%run_scoped3A : memref<!tpu.dma_semaphore, #tpu.memory_space<semaphore_mem>>) src(%arg8 : memref<128x128xf32, #tpu.memory_space<vmem>>) dst(%dma_wait3A_109 : memref<10240x128xf32, #tpu.memory_space<vmem_shared>>)
          tpu.yield
        }) : () -> ()
        %add3A_93 = arith.constant 2 : i32
        %add3A_94 = arith.addi %while3A_49, %add3A_93 : i32
        %lt3A_95 = arith.cmpi slt, %add3A_94, %sub3A : i32
        %convert_element_type3A_96 = arith.extui %lt3A_95 : i1 to i32
        %cond3A_97 = arith.constant 0 : i32
        %cond3A_98 = arith.cmpi ne, %convert_element_type3A_96, %cond3A_97 : i32
        scf.if %cond3A_98 {
          %add3A_99 = arith.constant 2 : i32
          %add3A_100 = arith.addi %while3A_49, %add3A_99 : i32
          %dma_start3A = arith.constant 0 : i32
          %dma_start3A_101 = tpu.memref_slice %arg6[%add3A_100, %dma_start3A] : memref<56x128xi32, #tpu.memory_space<vmem>> -> memref<1x128xi32, #tpu.memory_space<vmem>>
          %dma_start3A_102 = tpu.memref_squeeze %dma_start3A_101 : memref<1x128xi32, #tpu.memory_space<vmem>> -> memref<128xi32, #tpu.memory_space<vmem>>
          %dma_start3A_103 = arith.constant 0 : i32
          %dma_start3A_104 = arith.constant 0 : i32
          %dma_start3A_105 = tpu.memref_slice %arg2[%dma_start3A_103, %dma_start3A_104] : memref<10240x128xf32, #tpu.memory_space<hbm>> -> memref<10240x128xf32, #tpu.memory_space<hbm>>
          tpu.enqueue_indirect_dma source(%dma_start3A_105 : memref<10240x128xf32, #tpu.memory_space<hbm>>) target(%arg8 : memref<128x128xf32, #tpu.memory_space<vmem>>) offsets(%dma_start3A_102 : memref<128xi32, #tpu.memory_space<vmem>>) semaphore(%arg11 : memref<!tpu.dma_semaphore, #tpu.memory_space<semaphore_mem>>)
        } else {
        }
      } else {
      }
      %jit3A_67 = arith.constant 2 : i32
      %eq3A_68 = arith.constant 0 : i32
      %eq3A_69 = arith.cmpi eq, %jit3A_67, %eq3A_68 : i32
      %jit3A_70 = arith.constant 1 : i32
      %select_n3A_71 = arith.select %eq3A_69, %jit3A_70, %jit3A_67 : i32
      %rem3A_72 = arith.remsi %while3A_49, %select_n3A_71 : i32
      %ne3A_73 = arith.constant 0 : i32
      %ne3A_74 = arith.cmpi ne, %rem3A_72, %ne3A_73 : i32
      %lt3A_75 = arith.constant 0 : i32
      %lt3A_76 = arith.cmpi slt, %rem3A_72, %lt3A_75 : i32
      %lt3A_77 = arith.constant 0 : i32
      %lt3A_78 = arith.cmpi slt, %select_n3A_71, %lt3A_77 : i32
      %ne3A_79 = arith.xori %lt3A_76, %lt3A_78 : i1
      %and3A_80 = arith.andi %ne3A_79, %ne3A_74 : i1
      %add3A_81 = arith.addi %rem3A_72, %select_n3A_71 : i32
      %select_n3A_82 = arith.select %and3A_80, %add3A_81, %rem3A_72 : i32
      %eq3A_83 = arith.constant 1 : i32
      %eq3A_84 = arith.cmpi eq, %select_n3A_82, %eq3A_83 : i32
      %convert_element_type3A_85 = arith.extui %eq3A_84 : i1 to i32
      %cond3A_86 = arith.constant 0 : i32
      %cond3A_87 = arith.cmpi ne, %convert_element_type3A_85, %cond3A_86 : i32
      scf.if %cond3A_87 {
        %dma_wait3A = arith.constant 0 : i32
        %dma_wait3A_88 = tpu.memref_slice %arg6[%while3A_49, %dma_wait3A] : memref<56x128xi32, #tpu.memory_space<vmem>> -> memref<1x128xi32, #tpu.memory_space<vmem>>
        %dma_wait3A_89 = tpu.memref_squeeze %dma_wait3A_88 : memref<1x128xi32, #tpu.memory_space<vmem>> -> memref<128xi32, #tpu.memory_space<vmem>>
        %dma_wait3A_90 = arith.constant 0 : i32
        %dma_wait3A_91 = arith.constant 0 : i32
        %dma_wait3A_92 = tpu.memref_slice %arg2[%dma_wait3A_90, %dma_wait3A_91] : memref<10240x128xf32, #tpu.memory_space<hbm>> -> memref<10240x128xf32, #tpu.memory_space<hbm>>
        tpu.wait_indirect_dma semaphore(%arg12 : memref<!tpu.dma_semaphore, #tpu.memory_space<semaphore_mem>>) src(%dma_wait3A_92 : memref<10240x128xf32, #tpu.memory_space<hbm>>) dst(%arg9 : memref<128x128xf32, #tpu.memory_space<vmem>>)
        "tpu.region"() ({
          %run_scoped3A = tpu.sem_alloc : memref<!tpu.dma_semaphore, #tpu.memory_space<semaphore_mem>>
          %dma_start3A = arith.constant 0 : i32
          %dma_start3A_99 = tpu.memref_slice %arg7[%while3A_49, %dma_start3A] : memref<56x128xi32, #tpu.memory_space<vmem>> -> memref<1x128xi32, #tpu.memory_space<vmem>>
          %dma_start3A_100 = tpu.memref_squeeze %dma_start3A_99 : memref<1x128xi32, #tpu.memory_space<vmem>> -> memref<128xi32, #tpu.memory_space<vmem>>
          %dma_start3A_101 = arith.constant 0 : i32
          %dma_start3A_102 = arith.constant 0 : i32
          %dma_start3A_103 = tpu.memref_slice %arg10[%dma_start3A_101, %dma_start3A_102] : memref<10240x128xf32, #tpu.memory_space<vmem_shared>> -> memref<10240x128xf32, #tpu.memory_space<vmem_shared>>
          tpu.enqueue_indirect_dma source(%arg9 : memref<128x128xf32, #tpu.memory_space<vmem>>) target(%dma_start3A_103 : memref<10240x128xf32, #tpu.memory_space<vmem_shared>>) offsets(%dma_start3A_100 : memref<128xi32, #tpu.memory_space<vmem>>) semaphore(%run_scoped3A : memref<!tpu.dma_semaphore, #tpu.memory_space<semaphore_mem>>) {add = true}
          %dma_wait3A_104 = arith.constant 0 : i32
          %dma_wait3A_105 = tpu.memref_slice %arg7[%while3A_49, %dma_wait3A_104] : memref<56x128xi32, #tpu.memory_space<vmem>> -> memref<1x128xi32, #tpu.memory_space<vmem>>
          %dma_wait3A_106 = tpu.memref_squeeze %dma_wait3A_105 : memref<1x128xi32, #tpu.memory_space<vmem>> -> memref<128xi32, #tpu.memory_space<vmem>>
          %dma_wait3A_107 = arith.constant 0 : i32
          %dma_wait3A_108 = arith.constant 0 : i32
          %dma_wait3A_109 = tpu.memref_slice %arg10[%dma_wait3A_107, %dma_wait3A_108] : memref<10240x128xf32, #tpu.memory_space<vmem_shared>> -> memref<10240x128xf32, #tpu.memory_space<vmem_shared>>
          tpu.wait_indirect_dma semaphore(%run_scoped3A : memref<!tpu.dma_semaphore, #tpu.memory_space<semaphore_mem>>) src(%arg9 : memref<128x128xf32, #tpu.memory_space<vmem>>) dst(%dma_wait3A_109 : memref<10240x128xf32, #tpu.memory_space<vmem_shared>>)
          tpu.yield
        }) : () -> ()
        %add3A_93 = arith.constant 2 : i32
        %add3A_94 = arith.addi %while3A_49, %add3A_93 : i32
        %lt3A_95 = arith.cmpi slt, %add3A_94, %sub3A : i32
        %convert_element_type3A_96 = arith.extui %lt3A_95 : i1 to i32
        %cond3A_97 = arith.constant 0 : i32
        %cond3A_98 = arith.cmpi ne, %convert_element_type3A_96, %cond3A_97 : i32
        scf.if %cond3A_98 {
          %add3A_99 = arith.constant 2 : i32
          %add3A_100 = arith.addi %while3A_49, %add3A_99 : i32
          %dma_start3A = arith.constant 0 : i32
          %dma_start3A_101 = tpu.memref_slice %arg6[%add3A_100, %dma_start3A] : memref<56x128xi32, #tpu.memory_space<vmem>> -> memref<1x128xi32, #tpu.memory_space<vmem>>
          %dma_start3A_102 = tpu.memref_squeeze %dma_start3A_101 : memref<1x128xi32, #tpu.memory_space<vmem>> -> memref<128xi32, #tpu.memory_space<vmem>>
          %dma_start3A_103 = arith.constant 0 : i32
          %dma_start3A_104 = arith.constant 0 : i32
          %dma_start3A_105 = tpu.memref_slice %arg2[%dma_start3A_103, %dma_start3A_104] : memref<10240x128xf32, #tpu.memory_space<hbm>> -> memref<10240x128xf32, #tpu.memory_space<hbm>>
          tpu.enqueue_indirect_dma source(%dma_start3A_105 : memref<10240x128xf32, #tpu.memory_space<hbm>>) target(%arg9 : memref<128x128xf32, #tpu.memory_space<vmem>>) offsets(%dma_start3A_102 : memref<128xi32, #tpu.memory_space<vmem>>) semaphore(%arg12 : memref<!tpu.dma_semaphore, #tpu.memory_space<semaphore_mem>>)
        } else {
        }
      } else {
      }
    }
    %barrier3A_44 = arith.constant 0 : index
    tpu.barrier barrier_id(%barrier3A_44)
    %mul3A_45 = arith.constant 640 : i32
    %mul3A_46 = arith.muli %arg1, %mul3A_45 : i32
    %mul3A_47 = arith.constant 640 : i32
    %mul3A_48 = arith.muli %arg1, %mul3A_47 : i32
    "tpu.region"() ({
      %run_scoped3A = tpu.sem_alloc : memref<!tpu.dma_semaphore, #tpu.memory_space<semaphore_mem>>
      %dma_start3A = arith.constant 0 : i32
      %dma_start3A_49 = tpu.memref_slice %arg5[%arg0, %mul3A_48, %dma_start3A] : memref<2x10240x128xf32, #tpu.memory_space<hbm>> -> memref<1x640x128xf32, #tpu.memory_space<hbm>>
      %dma_start3A_50 = tpu.memref_squeeze %dma_start3A_49 : memref<1x640x128xf32, #tpu.memory_space<hbm>> -> memref<640x128xf32, #tpu.memory_space<hbm>>
      %dma_start3A_51 = arith.constant 0 : i32
      %dma_start3A_52 = tpu.memref_slice %arg10[%mul3A_46, %dma_start3A_51] : memref<10240x128xf32, #tpu.memory_space<vmem_shared>> -> memref<640x128xf32, #tpu.memory_space<vmem_shared>>
      tpu.enqueue_dma source(%dma_start3A_52 : memref<640x128xf32, #tpu.memory_space<vmem_shared>>) target(%dma_start3A_50 : memref<640x128xf32, #tpu.memory_space<hbm>>) target_semaphore(%run_scoped3A : memref<!tpu.dma_semaphore, #tpu.memory_space<semaphore_mem>>)
      %dma_wait3A = arith.constant 0 : i32
      %dma_wait3A_53 = tpu.memref_slice %arg5[%arg0, %mul3A_48, %dma_wait3A] : memref<2x10240x128xf32, #tpu.memory_space<hbm>> -> memref<1x640x128xf32, #tpu.memory_space<hbm>>
      %dma_wait3A_54 = tpu.memref_squeeze %dma_wait3A_53 : memref<1x640x128xf32, #tpu.memory_space<hbm>> -> memref<640x128xf32, #tpu.memory_space<hbm>>
      %dma_wait3A_55 = arith.constant 0 : i32
      %dma_wait3A_56 = tpu.memref_slice %arg10[%mul3A_46, %dma_wait3A_55] : memref<10240x128xf32, #tpu.memory_space<vmem_shared>> -> memref<640x128xf32, #tpu.memory_space<vmem_shared>>
      tpu.wait_dma2 semaphore(%run_scoped3A : memref<!tpu.dma_semaphore, #tpu.memory_space<semaphore_mem>>) src(%dma_wait3A_56 : memref<640x128xf32, #tpu.memory_space<vmem_shared>>) dst(%dma_wait3A_54 : memref<640x128xf32, #tpu.memory_space<hbm>>)
      tpu.yield
    }) : () -> ()
    return
  }
}

module attributes {stable_mosaic.version = 14 : i64} {
  func.func @body(%arg0: memref<10240x1xf32, #tpu.memory_space<vmem>>, %arg1: memref<10240x1xf32, #tpu.memory_space<vmem>>, %arg2: memref<10240x128xf32, #tpu.memory_space<vmem>>, %arg3: memref<128x128xf32, #tpu.memory_space<vmem>>, %arg4: memref<10240x1xf32, #tpu.memory_space<vmem>>, %arg5: memref<10240x128xf32, #tpu.memory_space<vmem>>) attributes {dimension_semantics = [], scalar_prefetch = 0 : i64, scratch_operands = 0 : i64, tpu.core_type = #tpu.core_type<tc>} {
    %get3A = arith.constant 0 : index
    %get3A_0 = arith.constant 0 : index
    %get3A_1 = vector.load %arg0[%get3A, %get3A_0] : memref<10240x1xf32, #tpu.memory_space<vmem>>, vector<10240x1xf32>
    %get3A_2 = arith.constant 0 : index
    %get3A_3 = arith.constant 0 : index
    %get3A_4 = vector.load %arg1[%get3A_2, %get3A_3] : memref<10240x1xf32, #tpu.memory_space<vmem>>, vector<10240x1xf32>
    %add3A = arith.addf %get3A_1, %get3A_4 : vector<10240x1xf32>
    %add3A_5 = arith.constant 1.000000e+00 : f32
    %add3A_6 = vector.broadcast %add3A_5 : f32 to vector<10240x1xf32>
    %add3A_7 = arith.addf %add3A, %add3A_6 : vector<10240x1xf32>
    %iota3A = tpu.iota {dimensions = array<i32: 0>} : vector<10240x1xi32>
    %lt3A = arith.constant 10000 : i32
    %lt3A_8 = vector.broadcast %lt3A : i32 to vector<10240x1xi32>
    %lt3A_9 = arith.cmpi slt, %iota3A, %lt3A_8 : vector<10240x1xi32>
    %max3A = arith.constant 9.99999996E-13 : f32
    %max3A_10 = vector.broadcast %max3A : f32 to vector<10240x1xf32>
    %max3A_11 = arith.maximumf %add3A_7, %max3A_10 : vector<10240x1xf32>
    %rsqrt3A = math.rsqrt %max3A_11 : vector<10240x1xf32>
    %jit3A = arith.constant 0.000000e+00 : f32
    %broadcast_in_dim3A = vector.broadcast %jit3A : f32 to vector<10240x1xf32>
    %select_n3A = arith.select %lt3A_9, %rsqrt3A, %broadcast_in_dim3A : vector<10240x1xi1>, vector<10240x1xf32>
    %swap3A = arith.constant 0 : index
    %swap3A_12 = arith.constant 0 : index
    %swap3A_13 = vector.load %arg4[%swap3A, %swap3A_12] : memref<10240x1xf32, #tpu.memory_space<vmem>>, vector<10240x1xf32>
    tpu.vector_store %arg4[%swap3A, %swap3A_12], %select_n3A {strides = array<i32>} : memref<10240x1xf32, #tpu.memory_space<vmem>>, vector<10240x1xf32>,
    %get3A_14 = arith.constant 0 : index
    %get3A_15 = arith.constant 0 : index
    %get3A_16 = vector.load %arg2[%get3A_14, %get3A_15] : memref<10240x128xf32, #tpu.memory_space<vmem>>, vector<10240x128xf32>
    %get3A_17 = arith.constant 0 : index
    %get3A_18 = arith.constant 0 : index
    %get3A_19 = vector.load %arg3[%get3A_17, %get3A_18] : memref<128x128xf32, #tpu.memory_space<vmem>>, vector<128x128xf32>
    %dot_general3A = arith.constant dense<0.000000e+00> : vector<10240x128xf32>
    %dot_general3A_20 = tpu.matmul %get3A_16, %get3A_19, %dot_general3A {dimension_numbers = #tpu.dot_dimension_numbers<[1], [0], [0], [1], [0, 0, 1, 1], [], []>, transpose_lhs_hint = false} : vector<10240x128xf32>, vector<128x128xf32>, vector<10240x128xf32> -> vector<10240x128xf32>
    %mul3A = vector.broadcast %select_n3A : vector<10240x1xf32> to vector<10240x128xf32>
    %mul3A_21 = arith.mulf %dot_general3A_20, %mul3A : vector<10240x128xf32>
    %swap3A_22 = arith.constant 0 : index
    %swap3A_23 = arith.constant 0 : index
    %swap3A_24 = vector.load %arg5[%swap3A_22, %swap3A_23] : memref<10240x128xf32, #tpu.memory_space<vmem>>, vector<10240x128xf32>
    tpu.vector_store %arg5[%swap3A_22, %swap3A_23], %mul3A_21 {strides = array<i32>} : memref<10240x128xf32, #tpu.memory_space<vmem>>, vector<10240x128xf32>,
    return
  }
}

module attributes {stable_mosaic.version = 14 : i64} {
  func.func @body(%arg0: memref<10240x128xf32, #tpu.memory_space<vmem>>, %arg1: memref<10240x128xf32, #tpu.memory_space<vmem>>, %arg2: memref<10240x128xf32, #tpu.memory_space<vmem>>, %arg3: memref<10240x1xf32, #tpu.memory_space<vmem>>, %arg4: memref<1x128xf32, #tpu.memory_space<vmem>>, %arg5: memref<1x128xf32, #tpu.memory_space<vmem>>, %arg6: memref<1x128xf32, #tpu.memory_space<vmem>>, %arg7: memref<128x128xf32, #tpu.memory_space<vmem>>, %arg8: memref<1x128xf32, #tpu.memory_space<vmem>>, %arg9: memref<10240x128xf32, #tpu.memory_space<vmem>>) attributes {dimension_semantics = [], scalar_prefetch = 0 : i64, scratch_operands = 0 : i64, tpu.core_type = #tpu.core_type<tc>} {
    %get3A = arith.constant 0 : index
    %get3A_0 = arith.constant 0 : index
    %get3A_1 = vector.load %arg0[%get3A, %get3A_0] : memref<10240x128xf32, #tpu.memory_space<vmem>>, vector<10240x128xf32>
    %get3A_2 = arith.constant 0 : index
    %get3A_3 = arith.constant 0 : index
    %get3A_4 = vector.load %arg1[%get3A_2, %get3A_3] : memref<10240x128xf32, #tpu.memory_space<vmem>>, vector<10240x128xf32>
    %add3A = arith.addf %get3A_1, %get3A_4 : vector<10240x128xf32>
    %get3A_5 = arith.constant 0 : index
    %get3A_6 = arith.constant 0 : index
    %get3A_7 = vector.load %arg2[%get3A_5, %get3A_6] : memref<10240x128xf32, #tpu.memory_space<vmem>>, vector<10240x128xf32>
    %sub3A = arith.subf %add3A, %get3A_7 : vector<10240x128xf32>
    %get3A_8 = arith.constant 0 : index
    %get3A_9 = arith.constant 0 : index
    %get3A_10 = vector.load %arg3[%get3A_8, %get3A_9] : memref<10240x1xf32, #tpu.memory_space<vmem>>, vector<10240x1xf32>
    %mul3A = vector.broadcast %get3A_10 : vector<10240x1xf32> to vector<10240x128xf32>
    %mul3A_11 = arith.mulf %sub3A, %mul3A : vector<10240x128xf32>
    %get3A_12 = arith.constant 0 : index
    %get3A_13 = arith.constant 0 : index
    %get3A_14 = vector.load %arg4[%get3A_12, %get3A_13] : memref<1x128xf32, #tpu.memory_space<vmem>>, vector<1x128xf32>
    %add3A_15 = vector.broadcast %get3A_14 : vector<1x128xf32> to vector<10240x128xf32>
    %add3A_16 = arith.addf %mul3A_11, %add3A_15 : vector<10240x128xf32>
    %max3A = arith.constant 0.000000e+00 : f32
    %max3A_17 = vector.broadcast %max3A : f32 to vector<10240x128xf32>
    %max3A_18 = arith.maximumf %add3A_16, %max3A_17 : vector<10240x128xf32>
    %iota3A = tpu.iota {dimensions = array<i32: 0>} : vector<10240x1xi32>
    %lt3A = arith.constant 10000 : i32
    %lt3A_19 = vector.broadcast %lt3A : i32 to vector<10240x1xi32>
    %lt3A_20 = arith.cmpi slt, %iota3A, %lt3A_19 : vector<10240x1xi32>
    %convert_element_type3A = arith.extui %lt3A_20 : vector<10240x1xi1> to vector<10240x1xi32>
    %convert_element_type3A_21 = arith.sitofp %convert_element_type3A : vector<10240x1xi32> to vector<10240x1xf32>
    %mul3A_22 = vector.broadcast %convert_element_type3A_21 : vector<10240x1xf32> to vector<10240x128xf32>
    %mul3A_23 = arith.mulf %max3A_18, %mul3A_22 : vector<10240x128xf32>
    %reduce_sum3A = arith.constant dense<0.000000e+00> : vector<128xf32>
    %reduce_sum3A_24 = vector.multi_reduction <add>, %mul3A_23, %reduce_sum3A [0] : vector<10240x128xf32> to vector<128xf32>
    %broadcast_in_dim3A = vector.shape_cast %reduce_sum3A_24 : vector<128xf32> to vector<1x128xf32>
    %mul3A_25 = arith.constant 9.99999974E-5 : f32
    %mul3A_26 = vector.broadcast %mul3A_25 : f32 to vector<1x128xf32>
    %mul3A_27 = arith.mulf %broadcast_in_dim3A, %mul3A_26 : vector<1x128xf32>
    %sub3A_28 = vector.broadcast %mul3A_27 : vector<1x128xf32> to vector<10240x128xf32>
    %sub3A_29 = arith.subf %max3A_18, %sub3A_28 : vector<10240x128xf32>
    %mul3A_30 = vector.broadcast %convert_element_type3A_21 : vector<10240x1xf32> to vector<10240x128xf32>
    %mul3A_31 = arith.mulf %sub3A_29, %mul3A_30 : vector<10240x128xf32>
    %mul3A_32 = arith.mulf %mul3A_31, %mul3A_31 : vector<10240x128xf32>
    %reduce_sum3A_33 = arith.constant dense<0.000000e+00> : vector<128xf32>
    %reduce_sum3A_34 = vector.multi_reduction <add>, %mul3A_32, %reduce_sum3A_33 [0] : vector<10240x128xf32> to vector<128xf32>
    %broadcast_in_dim3A_35 = vector.shape_cast %reduce_sum3A_34 : vector<128xf32> to vector<1x128xf32>
    %mul3A_36 = arith.constant 9.99999974E-5 : f32
    %mul3A_37 = vector.broadcast %mul3A_36 : f32 to vector<1x128xf32>
    %mul3A_38 = arith.mulf %broadcast_in_dim3A_35, %mul3A_37 : vector<1x128xf32>
    %sub3A_39 = vector.broadcast %mul3A_27 : vector<1x128xf32> to vector<10240x128xf32>
    %sub3A_40 = arith.subf %max3A_18, %sub3A_39 : vector<10240x128xf32>
    %add3A_41 = arith.constant 9.99999974E-6 : f32
    %add3A_42 = vector.broadcast %add3A_41 : f32 to vector<1x128xf32>
    %add3A_43 = arith.addf %mul3A_38, %add3A_42 : vector<1x128xf32>
    %rsqrt3A = math.rsqrt %add3A_43 : vector<1x128xf32>
    %mul3A_44 = vector.broadcast %rsqrt3A : vector<1x128xf32> to vector<10240x128xf32>
    %mul3A_45 = arith.mulf %sub3A_40, %mul3A_44 : vector<10240x128xf32>
    %get3A_46 = arith.constant 0 : index
    %get3A_47 = arith.constant 0 : index
    %get3A_48 = vector.load %arg5[%get3A_46, %get3A_47] : memref<1x128xf32, #tpu.memory_space<vmem>>, vector<1x128xf32>
    %mul3A_49 = vector.broadcast %get3A_48 : vector<1x128xf32> to vector<10240x128xf32>
    %mul3A_50 = arith.mulf %mul3A_45, %mul3A_49 : vector<10240x128xf32>
    %get3A_51 = arith.constant 0 : index
    %get3A_52 = arith.constant 0 : index
    %get3A_53 = vector.load %arg6[%get3A_51, %get3A_52] : memref<1x128xf32, #tpu.memory_space<vmem>>, vector<1x128xf32>
    %add3A_54 = vector.broadcast %get3A_53 : vector<1x128xf32> to vector<10240x128xf32>
    %add3A_55 = arith.addf %mul3A_50, %add3A_54 : vector<10240x128xf32>
    %get3A_56 = arith.constant 0 : index
    %get3A_57 = arith.constant 0 : index
    %get3A_58 = vector.load %arg7[%get3A_56, %get3A_57] : memref<128x128xf32, #tpu.memory_space<vmem>>, vector<128x128xf32>
    %dot_general3A = arith.constant dense<0.000000e+00> : vector<10240x128xf32>
    %dot_general3A_59 = tpu.matmul %add3A_55, %get3A_58, %dot_general3A {dimension_numbers = #tpu.dot_dimension_numbers<[1], [0], [0], [1], [0, 0, 1, 1], [], []>, transpose_lhs_hint = false} : vector<10240x128xf32>, vector<128x128xf32>, vector<10240x128xf32> -> vector<10240x128xf32>
    %get3A_60 = arith.constant 0 : index
    %get3A_61 = arith.constant 0 : index
    %get3A_62 = vector.load %arg8[%get3A_60, %get3A_61] : memref<1x128xf32, #tpu.memory_space<vmem>>, vector<1x128xf32>
    %add3A_63 = vector.broadcast %get3A_62 : vector<1x128xf32> to vector<10240x128xf32>
    %add3A_64 = arith.addf %dot_general3A_59, %add3A_63 : vector<10240x128xf32>
    %get3A_65 = arith.constant 0 : index
    %get3A_66 = arith.constant 0 : index
    %get3A_67 = vector.load %arg3[%get3A_65, %get3A_66] : memref<10240x1xf32, #tpu.memory_space<vmem>>, vector<10240x1xf32>
    %mul3A_68 = vector.broadcast %get3A_67 : vector<10240x1xf32> to vector<10240x128xf32>
    %mul3A_69 = arith.mulf %add3A_64, %mul3A_68 : vector<10240x128xf32>
    %swap3A = arith.constant 0 : index
    %swap3A_70 = arith.constant 0 : index
    %swap3A_71 = vector.load %arg9[%swap3A, %swap3A_70] : memref<10240x128xf32, #tpu.memory_space<vmem>>, vector<10240x128xf32>
    tpu.vector_store %arg9[%swap3A, %swap3A_70], %mul3A_69 {strides = array<i32>} : memref<10240x128xf32, #tpu.memory_space<vmem>>, vector<10240x128xf32>,
    return
  }
}

module attributes {stable_mosaic.version = 14 : i64} {
  func.func @body(%arg0: memref<10240x128xf32, #tpu.memory_space<vmem>>, %arg1: memref<10240x128xf32, #tpu.memory_space<vmem>>, %arg2: memref<10240x128xf32, #tpu.memory_space<vmem>>, %arg3: memref<10240x1xf32, #tpu.memory_space<vmem>>, %arg4: memref<1x128xf32, #tpu.memory_space<vmem>>, %arg5: memref<1x128xf32, #tpu.memory_space<vmem>>, %arg6: memref<1x128xf32, #tpu.memory_space<vmem>>, %arg7: memref<128x128xf32, #tpu.memory_space<vmem>>, %arg8: memref<1x128xf32, #tpu.memory_space<vmem>>, %arg9: memref<10240x128xf32, #tpu.memory_space<vmem>>) attributes {dimension_semantics = [], scalar_prefetch = 0 : i64, scratch_operands = 0 : i64, tpu.core_type = #tpu.core_type<tc>} {
    %get3A = arith.constant 0 : index
    %get3A_0 = arith.constant 0 : index
    %get3A_1 = vector.load %arg0[%get3A, %get3A_0] : memref<10240x128xf32, #tpu.memory_space<vmem>>, vector<10240x128xf32>
    %get3A_2 = arith.constant 0 : index
    %get3A_3 = arith.constant 0 : index
    %get3A_4 = vector.load %arg1[%get3A_2, %get3A_3] : memref<10240x128xf32, #tpu.memory_space<vmem>>, vector<10240x128xf32>
    %add3A = arith.addf %get3A_1, %get3A_4 : vector<10240x128xf32>
    %get3A_5 = arith.constant 0 : index
    %get3A_6 = arith.constant 0 : index
    %get3A_7 = vector.load %arg2[%get3A_5, %get3A_6] : memref<10240x128xf32, #tpu.memory_space<vmem>>, vector<10240x128xf32>
    %sub3A = arith.subf %add3A, %get3A_7 : vector<10240x128xf32>
    %get3A_8 = arith.constant 0 : index
    %get3A_9 = arith.constant 0 : index
    %get3A_10 = vector.load %arg3[%get3A_8, %get3A_9] : memref<10240x1xf32, #tpu.memory_space<vmem>>, vector<10240x1xf32>
    %mul3A = vector.broadcast %get3A_10 : vector<10240x1xf32> to vector<10240x128xf32>
    %mul3A_11 = arith.mulf %sub3A, %mul3A : vector<10240x128xf32>
    %get3A_12 = arith.constant 0 : index
    %get3A_13 = arith.constant 0 : index
    %get3A_14 = vector.load %arg4[%get3A_12, %get3A_13] : memref<1x128xf32, #tpu.memory_space<vmem>>, vector<1x128xf32>
    %add3A_15 = vector.broadcast %get3A_14 : vector<1x128xf32> to vector<10240x128xf32>
    %add3A_16 = arith.addf %mul3A_11, %add3A_15 : vector<10240x128xf32>
    %max3A = arith.constant 0.000000e+00 : f32
    %max3A_17 = vector.broadcast %max3A : f32 to vector<10240x128xf32>
    %max3A_18 = arith.maximumf %add3A_16, %max3A_17 : vector<10240x128xf32>
    %iota3A = tpu.iota {dimensions = array<i32: 0>} : vector<10240x1xi32>
    %lt3A = arith.constant 10000 : i32
    %lt3A_19 = vector.broadcast %lt3A : i32 to vector<10240x1xi32>
    %lt3A_20 = arith.cmpi slt, %iota3A, %lt3A_19 : vector<10240x1xi32>
    %convert_element_type3A = arith.extui %lt3A_20 : vector<10240x1xi1> to vector<10240x1xi32>
    %convert_element_type3A_21 = arith.sitofp %convert_element_type3A : vector<10240x1xi32> to vector<10240x1xf32>
    %mul3A_22 = vector.broadcast %convert_element_type3A_21 : vector<10240x1xf32> to vector<10240x128xf32>
    %mul3A_23 = arith.mulf %max3A_18, %mul3A_22 : vector<10240x128xf32>
    %reduce_sum3A = arith.constant dense<0.000000e+00> : vector<128xf32>
    %reduce_sum3A_24 = vector.multi_reduction <add>, %mul3A_23, %reduce_sum3A [0] : vector<10240x128xf32> to vector<128xf32>
    %broadcast_in_dim3A = vector.shape_cast %reduce_sum3A_24 : vector<128xf32> to vector<1x128xf32>
    %mul3A_25 = arith.constant 9.99999974E-5 : f32
    %mul3A_26 = vector.broadcast %mul3A_25 : f32 to vector<1x128xf32>
    %mul3A_27 = arith.mulf %broadcast_in_dim3A, %mul3A_26 : vector<1x128xf32>
    %sub3A_28 = vector.broadcast %mul3A_27 : vector<1x128xf32> to vector<10240x128xf32>
    %sub3A_29 = arith.subf %max3A_18, %sub3A_28 : vector<10240x128xf32>
    %mul3A_30 = vector.broadcast %convert_element_type3A_21 : vector<10240x1xf32> to vector<10240x128xf32>
    %mul3A_31 = arith.mulf %sub3A_29, %mul3A_30 : vector<10240x128xf32>
    %mul3A_32 = arith.mulf %mul3A_31, %mul3A_31 : vector<10240x128xf32>
    %reduce_sum3A_33 = arith.constant dense<0.000000e+00> : vector<128xf32>
    %reduce_sum3A_34 = vector.multi_reduction <add>, %mul3A_32, %reduce_sum3A_33 [0] : vector<10240x128xf32> to vector<128xf32>
    %broadcast_in_dim3A_35 = vector.shape_cast %reduce_sum3A_34 : vector<128xf32> to vector<1x128xf32>
    %mul3A_36 = arith.constant 9.99999974E-5 : f32
    %mul3A_37 = vector.broadcast %mul3A_36 : f32 to vector<1x128xf32>
    %mul3A_38 = arith.mulf %broadcast_in_dim3A_35, %mul3A_37 : vector<1x128xf32>
    %sub3A_39 = vector.broadcast %mul3A_27 : vector<1x128xf32> to vector<10240x128xf32>
    %sub3A_40 = arith.subf %max3A_18, %sub3A_39 : vector<10240x128xf32>
    %add3A_41 = arith.constant 9.99999974E-6 : f32
    %add3A_42 = vector.broadcast %add3A_41 : f32 to vector<1x128xf32>
    %add3A_43 = arith.addf %mul3A_38, %add3A_42 : vector<1x128xf32>
    %rsqrt3A = math.rsqrt %add3A_43 : vector<1x128xf32>
    %mul3A_44 = vector.broadcast %rsqrt3A : vector<1x128xf32> to vector<10240x128xf32>
    %mul3A_45 = arith.mulf %sub3A_40, %mul3A_44 : vector<10240x128xf32>
    %get3A_46 = arith.constant 0 : index
    %get3A_47 = arith.constant 0 : index
    %get3A_48 = vector.load %arg5[%get3A_46, %get3A_47] : memref<1x128xf32, #tpu.memory_space<vmem>>, vector<1x128xf32>
    %mul3A_49 = vector.broadcast %get3A_48 : vector<1x128xf32> to vector<10240x128xf32>
    %mul3A_50 = arith.mulf %mul3A_45, %mul3A_49 : vector<10240x128xf32>
    %get3A_51 = arith.constant 0 : index
    %get3A_52 = arith.constant 0 : index
    %get3A_53 = vector.load %arg6[%get3A_51, %get3A_52] : memref<1x128xf32, #tpu.memory_space<vmem>>, vector<1x128xf32>
    %add3A_54 = vector.broadcast %get3A_53 : vector<1x128xf32> to vector<10240x128xf32>
    %add3A_55 = arith.addf %mul3A_50, %add3A_54 : vector<10240x128xf32>
    %get3A_56 = arith.constant 0 : index
    %get3A_57 = arith.constant 0 : index
    %get3A_58 = vector.load %arg7[%get3A_56, %get3A_57] : memref<128x128xf32, #tpu.memory_space<vmem>>, vector<128x128xf32>
    %dot_general3A = arith.constant dense<0.000000e+00> : vector<10240x128xf32>
    %dot_general3A_59 = tpu.matmul %add3A_55, %get3A_58, %dot_general3A {dimension_numbers = #tpu.dot_dimension_numbers<[1], [0], [0], [1], [0, 0, 1, 1], [], []>, transpose_lhs_hint = false} : vector<10240x128xf32>, vector<128x128xf32>, vector<10240x128xf32> -> vector<10240x128xf32>
    %get3A_60 = arith.constant 0 : index
    %get3A_61 = arith.constant 0 : index
    %get3A_62 = vector.load %arg8[%get3A_60, %get3A_61] : memref<1x128xf32, #tpu.memory_space<vmem>>, vector<1x128xf32>
    %add3A_63 = vector.broadcast %get3A_62 : vector<1x128xf32> to vector<10240x128xf32>
    %add3A_64 = arith.addf %dot_general3A_59, %add3A_63 : vector<10240x128xf32>
    %swap3A = arith.constant 0 : index
    %swap3A_65 = arith.constant 0 : index
    %swap3A_66 = vector.load %arg9[%swap3A, %swap3A_65] : memref<10240x128xf32, #tpu.memory_space<vmem>>, vector<10240x128xf32>
    tpu.vector_store %arg9[%swap3A, %swap3A_65], %add3A_64 {strides = array<i32>} : memref<10240x128xf32, #tpu.memory_space<vmem>>, vector<10240x128xf32>,
    return
  }
}

</mosaic_0001>

<sc_bundles>
// kernel: kernel.10.cloned.1.call-start
scs
__scs_entry_jumppad:
0x0: {  	(pc) =	sbr.rel $0x88, $3  }
0x1: {  	(tag) =	ssettag $0x0;
	lr =	simm.s32 $0x1  }
0x2: {  	[smem:$0x3F91] =	sst lr;
	_ =	strace $0xD0000000  }
0x3: {  	_ = 	snop  }
0x4: {  	_ = 	snop  }
0x5: {  	_ = 	snop  }
0x6: {  	_ = 	snop  }
0x7: {  	_ = 	snop  }
__scs_overlays_trampoline_lowered:
0x8: {  	[smem:$0x3FA0] =	sst s0  }
0x9: {  	[smem:$0x3FA1] =	sst s1  }
0xa: {  	[smem:$0x3FA2] =	sst s2  }
0xb: {  	[smem:$0x3FA3] =	sst s3  }
0xc: {  	[smem:$0x3FA4] =	sst s4  }
0xd: {  	[smem:$0x3FA5] =	sst s5  }
0xe: {  	[smem:$0x3FA6] =	sst s6  }
0xf: {  	[smem:$0x3FA7] =	sst s7  }
0x10: {  	[smem:$0x3FA8] =	sst s8  }
0x11: {  	[smem:$0x3FA9] =	sst s9;
	s0 =	simm.s32 @!p0 $0x0  }
0x12: {  	s1 =	sld [smem:$0x3F8F];
	s0 =	simm.s32 @p0 $0x1  }
0x13: {  	[smem:$0x3FAA] =	sst s0;
	s0 =	simm.s32 @!p1 $0x0  }
0x14: {  	s2 =	sld [smem:$0x3F8E];
	s0 =	simm.s32 @p1 $0x1  }
0x15: {  	[smem:$0x3FAB] =	sst s0;
	s0 =	simm.s32 @!p2 $0x0  }
0x16: {  	s3 =	sld [smem:$0x3FDB];
	s0 =	simm.s32 @p2 $0x1  }
0x17: {  	s4 =	simm.s32 $0x1BF5;
	[smem:$0x3FAD] =	sst s0  }
0x18: {  	s0 =	sld [smem:$0x3F90];
	_ =	swait.ge [sflag:s4], $0x0  }
0x19: {  	s7 =	sld [smem:$0x3F91]  }
0x1a: {  	s8 =	sadd.s32 $0xFFFFE003, lr  }
0x1b: {  	s9 =	sadd.s32 $0xFFFFFEF7, lr;
	s5 =	simm.s32 $0xFFFFFFFF;
	p2 =	slt.u32 s8, $0xFFFFF086  }
0x1c: {  	p1 =	slt.u32 s9, $0xF7A;
	s5 =	simm.s32 @!p2 $0x0  }
0x1d: {  	s5 =	simm.s32 @p1 $0x1;
	p0 =	seq.s32 s7, s2  }
0x1e: {  	s7 =	smul.u32 @!p0 $0xF7A, s2;
	p2 =	seq.s32 @!p0 s5, $0x0  }
0x1f: {  	s9 =	smul.u32 $0xF7A, s1;
	s8 =	simm.s32 @!p0 $0x1BF5;
	p2 =	por !p2, p0  }
0x20: {  	[sflag:s8] =	ssyncset.s32 @!p0 $0xFFFFF086;
	s6 =	sadd.s32 @!p0 s3, s7;
	s7 =	simm.s32 @!p0 $0x108  }
0x21: {  	s3 =	sadd.s32 s3, s9;
	s6 =	sadd.s32 @!p0 $0x88, s6;
	s7 =	simm.s32 @p2 $0x1082  }
0x22: {  	[simem:s7], [sflag:s8] =	dma.local @!p0 [hbm:s6], $0xF7A  }
0x23: {  	s9 =	sor.u32 $0xD0000000, s2;
	s6 =	simm.s32 $0x108;
	_ =	swait.ge @!p0 [sflag:s8], $0x0  }
0x24: {  	s3 =	sadd.s32 $0x88, s3;
	s6 =	simm.s32 @!p1 $0x1082;
	[sflag:s4] =	ssyncset.s32 $0xFFFFF086  }
0x25: {  	[simem:s6], [sflag:s4] =	dma.local [hbm:s3], $0xF7A  }
0x26: {  	[smem:$0x3F91] =	sst s1;
	(tag) =	ssettag s2;
	_ =	strace s9  }
0x27: {  	s1 =	sld [smem:$0x3FA1]  }
0x28: {  	s2 =	sld [smem:$0x3FA2]  }
0x29: {  	s4 =	sld [smem:$0x3FA4]  }
0x2a: {  	p0 =	seq.s32 s5, $0x0;
	s5 =	sld [smem:$0x3FA5]  }
0x2b: {  	s6 =	sld [smem:$0x3FA6]  }
0x2c: {  	s7 =	sld [smem:$0x3FA7]  }
0x2d: {  	s3 =	simm.s32 $0x108;
	s8 =	sld [smem:$0x3FA8]  }
0x2e: {  	s3 =	simm.s32 @!p0 $0x1082;
	s9 =	sld [smem:$0x3FA9]  }
0x2f: {  	lr =	sadd.s32 s0, s3;
	s0 =	sld [smem:$0x3FA0]  }
0x30: {  	s3 =	sld [smem:$0x3FA3]  }
0x31: {  	[smem:$0x3FAC] =	sst s10  }
0x32: {  	s10 =	sld [smem:$0x3FAA];
	_ =	sdelay $0x3  }
0x33: {  	p0 =	seq.s32 s10, $0x1;
	s10 =	sld [smem:$0x3FAC];
	_ =	sdelay $0x3  }
0x34: {  	[smem:$0x3FAC] =	sst s10  }
0x35: {  	s10 =	sld [smem:$0x3FAB];
	_ =	sdelay $0x3  }
0x36: {  	p1 =	seq.s32 s10, $0x1;
	s10 =	sld [smem:$0x3FAC];
	_ =	sdelay $0x3  }
0x37: {  	[smem:$0x3FAC] =	sst s10  }
0x38: {  	s10 =	sld [smem:$0x3FAD]  }
0x39: {  	_ = 	snop;
	(pc) =	sbr.ind lr, $3  }
0x3a: {  	_ = 	snop  }
0x3b: {  	_ = 	snop  }
0x3c: {  	p2 =	seq.s32 s10, $0x1;
	s10 =	sld [smem:$0x3FAC]  }
0x3d: {  	_ =	shalt  }
0x3e: {  	_ =	shalt  }
0x3f: {  	_ =	shalt  }
0x40: {  	_ =	shalt  }
0x41: {  	_ =	shalt  }
0x42: {  	_ =	shalt  }
0x43: {  	_ =	shalt  }
0x44: {  	_ =	shalt  }
0x45: {  	_ =	shalt  }
0x46: {  	_ =	shalt  }
0x47: {  	_ =	shalt  }
0x48: {  	_ =	shalt  }
0x49: {  	_ =	shalt  }
0x4a: {  	_ =	shalt  }
0x4b: {  	_ =	shalt  }
0x4c: {  	_ =	shalt  }
0x4d: {  	_ =	shalt  }
0x4e: {  	_ =	shalt  }
0x4f: {  	_ =	shalt  }
0x50: {  	_ =	shalt  }
0x51: {  	_ =	shalt  }
0x52: {  	_ =	shalt  }
0x53: {  	_ =	shalt  }
0x54: {  	_ =	shalt  }
0x55: {  	_ =	shalt  }
0x56: {  	_ =	shalt  }
0x57: {  	_ =	shalt  }
0x58: {  	_ =	shalt  }
0x59: {  	_ =	shalt  }
0x5a: {  	_ =	shalt  }
0x5b: {  	_ =	shalt  }
0x5c: {  	_ =	shalt  }
0x5d: {  	_ =	shalt  }
0x5e: {  	_ =	shalt  }
0x5f: {  	_ =	shalt  }
0x60: {  	_ =	shalt  }
0x61: {  	_ =	shalt  }
0x62: {  	_ =	shalt  }
0x63: {  	_ =	shalt  }
0x64: {  	_ =	shalt  }
0x65: {  	_ =	shalt  }
0x66: {  	_ =	shalt  }
0x67: {  	_ =	shalt  }
0x68: {  	_ =	shalt  }
0x69: {  	_ =	shalt  }
0x6a: {  	_ =	shalt  }
0x6b: {  	_ =	shalt  }
0x6c: {  	_ =	shalt  }
0x6d: {  	_ =	shalt  }
0x6e: {  	_ =	shalt  }
0x6f: {  	_ =	shalt  }
0x70: {  	_ =	shalt  }
0x71: {  	_ =	shalt  }
0x72: {  	_ =	shalt  }
0x73: {  	_ =	shalt  }
0x74: {  	_ =	shalt  }
0x75: {  	_ =	shalt  }
0x76: {  	_ =	shalt  }
0x77: {  	_ =	shalt  }
0x78: {  	_ =	shalt  }
0x79: {  	_ =	shalt  }
0x7a: {  	_ =	shalt  }
0x7b: {  	_ =	shalt  }
0x7c: {  	_ =	shalt  }
0x7d: {  	_ =	shalt  }
0x7e: {  	_ =	shalt  }
0x7f: {  	_ =	shalt  }
0x80: {  	_ =	shalt  }
0x81: {  	_ =	shalt  }
0x82: {  	_ =	shalt  }
0x83: {  	_ =	shalt  }
0x84: {  	_ =	shalt  }
0x85: {  	_ =	shalt  }
0x86: {  	_ =	shalt  }
0x87: {  	_ =	shalt  }
.Lfunc_end0:
.L_simem_size_0:
called_computation_lowered:
.L_overlay_start_0:
0x88: {  	s2 =	sld [smem:$0x3FD9]  }
0x89: {  	s3 =	sld [smem:$0x3FFE];
	_ =	sdelay $0x1  }
0x8a: {  	s1 =	srdreg.scid  }
0x8b: {  	s0 =	sand.u32 $0x1, s1  }
0x8c: {  	s16 =	sshll.u32 s0, $0xA;
	s2 =	sadd.s32 s3, s2  }
0x8d: {  	s2 =	sadd.s32 s2, s16  }
0x8e: {  	[smem:$0x3FB8] =	sst s2  }
0x8f: {  	_ = 	snop  }
0x90: {  	(tm) =	ssettm $0x1  }
0x91: {  	s17 =	sld [smem:$0x3FFB];
	_ =	sdelay $0x3  }
0x92: {  	_ =	strace s17  }
0x93: {  	s2 =	sld [smem:$0x3FFC];
	_ =	sdelay $0x3  }
0x94: {  	_ =	strace s2  }
0x95: {  	s2 =	sld [smem:$0x3FFD];
	_ =	sdelay $0x3  }
0x96: {  	_ =	strace s2  }
0x97: {  	_ =	strace $0x8FFFFFFF  }
0x98: {  	s18 =	sld [smem:$0x3FDB];
	_ =	sdelay $0x1  }
0x99: {  	s19 =	simm.s32 $_scs_section_size  }
0x9a: {  	s4 =	simm.s32 $_size__tile_overlayer_lowered;
	s5 =	simm.s32 $_tile_overlayer_lowered  }
0x9b: {  	s22 =	simm.s32 $0x1BFF;
	s21 =	sshll.u32 s5, $0x1;
	s2 =	sadd.s32 s19, s18  }
0x9c: {  	s6 =	simm.s32 $0x0;
	s20 =	sshll.u32 s4, $0x1;
	s4 =	sadd.s32 s21, s2  }
0x9d: {  	[timem:s6], [sflag:s22] =	dma.local [hbm:s4], s20  }
0x9e: {  	_ =	swait.ge [sflag:s22], s20  }
0x9f: {  	s3 =	ssub.s32 $0x0, s20;
	[sflag:s22] =	ssyncset.done $0x0  }
0xa0: {  	[sflag:s22] =	ssyncadd.s32 s3;
	_ =	sdelay $0x1  }
0xa1: {  	s23 =	simm.s32 $0x1B8B  }
0xa2: {  	_ =	swait.ge [sflag:s23], $0x1  }
0xa3: {  	[sflag:s23] =	ssyncset.done $0x0  }
0xa4: {  	s25 =	simm.s32 $0x1B8E;
	s24 =	sld [smem:$0x3FFE];
	[sflag:s23] =	ssyncadd.s32 $0xFFFFFFFF  }
0xa5: {  	s26 =	simm.s32 $execute0_lowered;
	[smem:$0x3FD2] =	sst s25  }
0xa6: {  	s4 =	sshll.u32 s26, $0x1;
	_ =	strace $0x80000046;
	[dreg:$0x1] =	wrdreg $0xFFFFFFFF  }
0xa7: {  	s28 =	simm.s32 $_size_execute0_lowered;
	s2 =	sadd.s32 s2, s4;
	[dreg:$0x0] =	wrdreg $0x0  }
0xa8: {  	s4 =	sshll.u32 s28, $0x1;
	[dreg:$0x2] =	wrdreg s2  }
0xa9: {  	[dreg:$0x3] =	wrdreg s4  }
0xaa: {  	[dreg:$0x4] =	wrdreg $0xC0  }
0xab: {  	_ =	task [dreg:s6], $0x5FFFF  }
0xac: {  	[dreg:$0x1] =	wrdreg $0xFFFFFFFF  }
0xad: {  	[dreg:$0x0] =	wrdreg $0x60  }
0xae: {  	[dreg:$0x2] =	wrdreg s24  }
0xaf: {  	[dreg:$0x3] =	wrdreg $0x3B000  }
0xb0: {  	[dreg:$0x4] =	wrdreg $0x9  }
0xb1: {  	_ =	task.clear_ibuf [dreg:s6], $0x5FFFF;
	_ =	strace $0x90000046  }
0xb2: {  	s29 =	simm.s32 $0x9;
	_ =	strace $0x80000048  }
0xb3: {  	_ =	swait.ge [sflag:s29], $0x1  }
0xb4: {  	[sflag:s29] =	ssyncadd.s32 $0xFFFFFFFF  }
0xb5: {  	_ =	strace $0x90000048  }
0xb6: {  	_ =	sfence  }
0xb7: {  	s30 =	sld [smem:$0x0];
	_ =	sdelay $0x2  }
0xb8: {  	s31 =	sshll.u32 s1, $0xD;
	s1 =	sshrl.u32 s1, $0x2  }
0xb9: {  	s3 =	sand.u32 $0x4000, s31;
	s1 =	sadd.s32 s1, s30  }
0xba: {  	s0 =	sor.u32 s3, s0;
	s1 =	sshll.u32 s1, $0x11  }
0xbb: {  	s0 =	sor.u32 s1, s0  }
0xbc: {  	s0 =	sadd.s32 $0x8F2B, s0  }
0xbd: {  	[sflag:s0] =	ssyncadd.remote.s32 $0x1  }
0xbe: {  	_ =	sfence.sel $0xFFFF  }
0xbf: {  	[dreg:$0x0] =	wrdreg $0xFFFFFFFF;
	(pc) =	sbr.abs _section_cstart, $3  }
0xc0: {  	[dreg:$0x1] =	wrdreg $0xFFFFFFFF  }
0xc1: {  	_ =	task.clear_ibuf [dreg:s6], $0x2FFFF;
	_ =	strace $0x9FFFFFFF  }
0xc2: {  	(tm) =	ssettm $0x7FFFFFFF  }
0xc3: {  	_ =	shalt  }
tec
execute0_lowered:
.L_overlay_start_1:
0x0: {  	(tag) =	ssettag $0x1  }
0x1: {  	s4 =	rddreg [dreg:$0x0]  }
0x2: {  	s2 =	rddreg [dreg:$0x1]  }
0x3: {  	s0 =	rddreg [dreg:$0x2];
	s5 =	srdreg.scid  }
0x4: {  	s3 =	simm.s32 $0x0;
	s1 =	stileid.u32;
	s11 =	simm.s32 $0x80  }
0x5: {  	s12 =	simm.s32 $0x3800;
	s15 =	simm.s32 $0x20;
	s16 =	simm.s32 $0x10  }
0x6: {  	s17 =	simm.s32 $0x0;
	s5 =	sand.u32 $0x1, s5;
	s7 =	smul.u32 $0x500, s1  }
0x7: {  	[smem:$0x7FF] =	sst s3;
	s10 =	smul.u32 $0xA00, s1;
	s13 =	sshll.u32 s1, $0x6  }
0x8: {  	s6 =	sshll.u32 s5, $0x4;
	_ =	strace $0x80000047;
	s8 =	sshll.u32 s5, $0x7  }
0x9: {  	s30 =	ssub.s32 $0x2, s5;
	p0 =	seq.s32 s5, $0x0;
	s13 =	sor.u32 $0x1C01, s13  }
0xa: {  	s6 =	sor.u32 s1, s6;
	s7 =	sor.u32 s8, s7;
	s9 =	sshrl.u32 s30, $0x1  }
0xb: {  	s31 =	sshrl.u32 s10, $0x2;
	s10 =	simm.s32 $0x3880;
	s6 =	smul.u32 $0x700, s6  }
0xc: {  	s7 =	sshrl.u32 s7, $0x3;
	s8 =	ssub.s32 s30, s9;
	s9 =	simm.s32 $0x1  }
0xd: {  	s7 =	sadd.s32 s7, s4;
	s8 =	smax.u32 s8, $0x1;
	s6 =	sadd.s32 s6, s4  }
0xe: {  	s4 =	simm.s32 $0x61;
	s5 =	sadd.s32 $0x4A00, s6;
	s6 =	sadd.s32 s31, s2  }
0xf: {  	v0 =	vimm.f32 $1.000000000e+00;
	v1 =	vimm.f32 $0.0e+00;
	s7 =	sadd.s32 $0x12A00, s7;
	s4 =	simm.s32 @!p0 $0x3C;
	s14 =	sshrl.u32 s6, $0x3  }
.LBB2_1:
0x10: {  	[tilespmem:s3], [sflag:$0x1] =	stream.linear.gather [hbm4b:s5+s3], $0x3800, $0x38;
	[tilespmem:$0x3D80] =	vst v63  }
0x11: {  	_ =	swait.ge [sflag:s9], $0x3800  }
0x12: {  	[sflag:s9] =	ssyncset.done $0x0  }
0x13: {  	[sflag:s9] =	ssyncadd.s32 $0xFFFFC800  }
0x14: {  	[tilespmem:$0x3800] =	vst v0  }
0x15: {  	[tilespmem:$0x3810] =	vst v0  }
0x16: {  	[tilespmem:$0x3820] =	vst v0  }
0x17: {  	[tilespmem:$0x3830] =	vst v0  }
0x18: {  	[tilespmem:$0x3840] =	vst v0  }
0x19: {  	[tilespmem:$0x3850] =	vst v0  }
0x1a: {  	[tilespmem:$0x3860] =	vst v0  }
0x1b: {  	[tilespmem:$0x3870] =	vst v0  }
0x1c: {  	[tilespmem:$0x3880] =	vst v1  }
0x1d: {  	[tilespmem:$0x3890] =	vst v1  }
0x1e: {  	[tilespmem:$0x38A0] =	vst v1  }
0x1f: {  	[tilespmem:$0x38B0] =	vst v1  }
0x20: {  	[tilespmem:$0x38C0] =	vst v1  }
0x21: {  	[tilespmem:$0x38D0] =	vst v1  }
0x22: {  	[tilespmem:$0x38E0] =	vst v1  }
0x23: {  	[tilespmem:$0x38F0] =	vst v1  }
0x24: {  	[tilespmem:$0x3900] =	vst v1  }
0x25: {  	[tilespmem:$0x3910] =	vst v1  }
0x26: {  	[tilespmem:$0x3920] =	vst v1  }
0x27: {  	[tilespmem:$0x3930] =	vst v1  }
0x28: {  	[tilespmem:$0x3940] =	vst v1  }
0x29: {  	[tilespmem:$0x3950] =	vst v1  }
0x2a: {  	[tilespmem:$0x3960] =	vst v1  }
0x2b: {  	[tilespmem:$0x3970] =	vst v1  }
0x2c: {  	[tilespmem:$0x3980] =	vst v1  }
0x2d: {  	[tilespmem:$0x3990] =	vst v1  }
0x2e: {  	[tilespmem:$0x39A0] =	vst v1  }
0x2f: {  	[tilespmem:$0x39B0] =	vst v1  }
0x30: {  	[tilespmem:$0x39C0] =	vst v1  }
0x31: {  	[tilespmem:$0x39D0] =	vst v1  }
0x32: {  	[tilespmem:$0x39E0] =	vst v1  }
0x33: {  	[tilespmem:$0x39F0] =	vst v1  }
0x34: {  	[tilespmem:$0x3A00] =	vst v1  }
0x35: {  	[tilespmem:$0x3A10] =	vst v1  }
0x36: {  	[tilespmem:$0x3A20] =	vst v1  }
0x37: {  	[tilespmem:$0x3A30] =	vst v1  }
0x38: {  	[tilespmem:$0x3A40] =	vst v1  }
0x39: {  	[tilespmem:$0x3A50] =	vst v1  }
0x3a: {  	[tilespmem:$0x3A60] =	vst v1  }
0x3b: {  	[tilespmem:$0x3A70] =	vst v1  }
0x3c: {  	[tilespmem:$0x3A80] =	vst v1  }
0x3d: {  	[tilespmem:$0x3A90] =	vst v1  }
0x3e: {  	[tilespmem:$0x3AA0] =	vst v1  }
0x3f: {  	[tilespmem:$0x3AB0] =	vst v1  }
0x40: {  	[tilespmem:$0x3AC0] =	vst v1  }
0x41: {  	[tilespmem:$0x3AD0] =	vst v1  }
0x42: {  	[tilespmem:$0x3AE0] =	vst v1  }
0x43: {  	[tilespmem:$0x3AF0] =	vst v1  }
0x44: {  	[spmem:s6] =	stream.linear.scatter [tilespmem:s10], [sflag:$0x1], $0x280, $0x38;
	[tilespmem:$0x3D80] =	vst v63  }
0x45: {  	_ =	swait.ge [sflag:s9], $0x280  }
0x46: {  	p0 =	sne.s32 s4, $0x1;
	[sflag:s9] =	ssyncset.done $0x0  }
.Ltmp0:
0x47: {  	[sflag:s9] =	ssyncadd.s32 $0xFFFFFD80;
	(pc) =	sbr.rel @!p0 .LBB2_3-.Ltmp0, $4  }
0x48: {  	[bflag:$0x0] =	sbarrier.arrive $0xFFFF  }
0x49: {  	[spmem:s2] =	stream.indirect.scatter.add.f32 [tilespmem:s12], [sflag:$0x1], $0x1, s3, s11, $0xb8;
	[tilespmem:$0x3D80] =	vst v63  }
0x4a: {  	_ =	swait.ge [sflag:s9], $0x80  }
0x4b: {  	s18 =	sadd.s32 $0xFFFFFFFF, s4;
	s19 =	simm.s32 $0x0;
	[sflag:s9] =	ssyncset.done $0x0  }
.LBB2_2:
0x4c: {  	p0 =	sne.s32 s18, $0x1;
	[sflag:s9] =	ssyncadd.s32 $0xFFFFFF80;
	s19 =	sadd.s32 $0x80, s19  }
.Ltmp1:
0x4d: {  	s18 =	sadd.s32 $0xFFFFFFFF, s18;
	(pc) =	sbr.rel @p0 .LBB2_2-.Ltmp1, $4  }
0x4e: {  	_ = 	snop  }
0x4f: {  	[spmem:s2] =	stream.indirect.scatter.add.f32 [tilespmem:s12], [sflag:$0x1], $0x1, s19, s11, $0xb8;
	[tilespmem:$0x3D80] =	vst v63  }
0x50: {  	_ =	swait.ge [sflag:s9], $0x80  }
0x51: {  	[sflag:s9] =	ssyncset.done $0x0  }
.LBB2_3:
0x52: {  	s17 =	sadd.s32 $0x1, s17  }
0x53: {  	[sflag:s9] =	ssyncadd.s32 $0xFFFFFF80;
	p0 =	sne.s32 s17, s8  }
.Ltmp2:
0x54: {  	[bflag:$0x0] =	sbarrier.arrive $0xFFFF;
	(pc) =	sbr.rel @p0 .LBB2_1-.Ltmp2, $4  }
0x55: {  	[hbm:s7@s15], [sflag:s13] =	dma.strided [spmem:s14@s16], $0x50, s9, $0x10   }
0x56: {  	_ =	swait.ge [sflag:s9], $0x50  }
0x57: {  	[sflag:s9] =	ssyncset.done $0x0  }
0x58: {  	[sflag:s9] =	ssyncadd.s32 $0xFFFFFFB0  }
0x59: {  	_ =	sfence.sel $0x180000  }
0x5a: {  	[bflag:$0x0] =	sbarrier.arrive $0xFFFF  }
0x5b: {  	p0 =	sne.s32 s1, $0x0;
	_ =	strace $0x90000047  }
0x5c: {  	s0 =	sadd.s32 @!p0 $0x100000, s0;
	[bflag:$0x2] =	sbarrier.arrive $0xFFFF  }
0x5d: {  	[sflag:s0] =	ssyncadd.tile.s32 @!p0 $0x1;
	_ =	shalt  }
.Lfunc_end2:
_tile_overlayer_lowered:
.L_overlay_start_2:
0x5e: {  	(tag) =	ssettag $0x2  }
0x5f: {  	s0 =	rddreg [dreg:$0x0];
	s2 =	stileid.u32  }
0x60: {  	s1 =	rddreg [dreg:$0x1];
	p0 =	sne.s32 s2, $0x0  }
0x61: {  	s3 =	rddreg [dreg:$0x2];
	[bflag:$0x3] =	sbarrier.arrive $0xFFFF;
	s2 =	simm.s32 @!p0 $0x1C01  }
0x62: {  	[timem:s3], [sflag:s2] =	dma.local @!p0 [hbm:s0], s1  }
0x63: {  	s0 =	simm.s32 @!p0 $0x1  }
0x64: {  	_ =	swait.ge @!p0 [sflag:s0], s1  }
0x65: {  	s1 =	ssub.s32 @!p0 $0x0, s1;
	[sflag:s0] =	ssyncset.done @!p0 $0x0  }
0x66: {  	[sflag:s0] =	ssyncadd.s32 @!p0 s1  }
0x67: {  	[bflag:$0x3] =	sbarrier.arrive $0xFFFF  }
0x68: {  	_ =	shalt  }

// kernel: kernel.13.cloned.1.call-start
scs
__scs_entry_jumppad:
0x0: {  	(pc) =	sbr.rel $0x88, $3  }
0x1: {  	(tag) =	ssettag $0x0;
	lr =	simm.s32 $0x1  }
0x2: {  	[smem:$0x3F91] =	sst lr;
	_ =	strace $0xD0000000  }
0x3: {  	_ = 	snop  }
0x4: {  	_ = 	snop  }
0x5: {  	_ = 	snop  }
0x6: {  	_ = 	snop  }
0x7: {  	_ = 	snop  }
__scs_overlays_trampoline_lowered:
0x8: {  	[smem:$0x3FA0] =	sst s0  }
0x9: {  	[smem:$0x3FA1] =	sst s1  }
0xa: {  	[smem:$0x3FA2] =	sst s2  }
0xb: {  	[smem:$0x3FA3] =	sst s3  }
0xc: {  	[smem:$0x3FA4] =	sst s4  }
0xd: {  	[smem:$0x3FA5] =	sst s5  }
0xe: {  	[smem:$0x3FA6] =	sst s6  }
0xf: {  	[smem:$0x3FA7] =	sst s7  }
0x10: {  	[smem:$0x3FA8] =	sst s8  }
0x11: {  	[smem:$0x3FA9] =	sst s9;
	s0 =	simm.s32 @!p0 $0x0  }
0x12: {  	s1 =	sld [smem:$0x3F8F];
	s0 =	simm.s32 @p0 $0x1  }
0x13: {  	[smem:$0x3FAA] =	sst s0;
	s0 =	simm.s32 @!p1 $0x0  }
0x14: {  	s2 =	sld [smem:$0x3F8E];
	s0 =	simm.s32 @p1 $0x1  }
0x15: {  	[smem:$0x3FAB] =	sst s0;
	s0 =	simm.s32 @!p2 $0x0  }
0x16: {  	s3 =	sld [smem:$0x3FDB];
	s0 =	simm.s32 @p2 $0x1  }
0x17: {  	s4 =	simm.s32 $0x1BF5;
	[smem:$0x3FAD] =	sst s0  }
0x18: {  	s0 =	sld [smem:$0x3F90];
	_ =	swait.ge [sflag:s4], $0x0  }
0x19: {  	s7 =	sld [smem:$0x3F91]  }
0x1a: {  	s8 =	sadd.s32 $0xFFFFE003, lr  }
0x1b: {  	s9 =	sadd.s32 $0xFFFFFEF7, lr;
	s5 =	simm.s32 $0xFFFFFFFF;
	p2 =	slt.u32 s8, $0xFFFFF086  }
0x1c: {  	p1 =	slt.u32 s9, $0xF7A;
	s5 =	simm.s32 @!p2 $0x0  }
0x1d: {  	s5 =	simm.s32 @p1 $0x1;
	p0 =	seq.s32 s7, s2  }
0x1e: {  	s7 =	smul.u32 @!p0 $0xF7A, s2;
	p2 =	seq.s32 @!p0 s5, $0x0  }
0x1f: {  	s9 =	smul.u32 $0xF7A, s1;
	s8 =	simm.s32 @!p0 $0x1BF5;
	p2 =	por !p2, p0  }
0x20: {  	[sflag:s8] =	ssyncset.s32 @!p0 $0xFFFFF086;
	s6 =	sadd.s32 @!p0 s3, s7;
	s7 =	simm.s32 @!p0 $0x108  }
0x21: {  	s3 =	sadd.s32 s3, s9;
	s6 =	sadd.s32 @!p0 $0x88, s6;
	s7 =	simm.s32 @p2 $0x1082  }
0x22: {  	[simem:s7], [sflag:s8] =	dma.local @!p0 [hbm:s6], $0xF7A  }
0x23: {  	s9 =	sor.u32 $0xD0000000, s2;
	s6 =	simm.s32 $0x108;
	_ =	swait.ge @!p0 [sflag:s8], $0x0  }
0x24: {  	s3 =	sadd.s32 $0x88, s3;
	s6 =	simm.s32 @!p1 $0x1082;
	[sflag:s4] =	ssyncset.s32 $0xFFFFF086  }
0x25: {  	[simem:s6], [sflag:s4] =	dma.local [hbm:s3], $0xF7A  }
0x26: {  	[smem:$0x3F91] =	sst s1;
	(tag) =	ssettag s2;
	_ =	strace s9  }
0x27: {  	s1 =	sld [smem:$0x3FA1]  }
0x28: {  	s2 =	sld [smem:$0x3FA2]  }
0x29: {  	s4 =	sld [smem:$0x3FA4]  }
0x2a: {  	p0 =	seq.s32 s5, $0x0;
	s5 =	sld [smem:$0x3FA5]  }
0x2b: {  	s6 =	sld [smem:$0x3FA6]  }
0x2c: {  	s7 =	sld [smem:$0x3FA7]  }
0x2d: {  	s3 =	simm.s32 $0x108;
	s8 =	sld [smem:$0x3FA8]  }
0x2e: {  	s3 =	simm.s32 @!p0 $0x1082;
	s9 =	sld [smem:$0x3FA9]  }
0x2f: {  	lr =	sadd.s32 s0, s3;
	s0 =	sld [smem:$0x3FA0]  }
0x30: {  	s3 =	sld [smem:$0x3FA3]  }
0x31: {  	[smem:$0x3FAC] =	sst s10  }
0x32: {  	s10 =	sld [smem:$0x3FAA];
	_ =	sdelay $0x3  }
0x33: {  	p0 =	seq.s32 s10, $0x1;
	s10 =	sld [smem:$0x3FAC];
	_ =	sdelay $0x3  }
0x34: {  	[smem:$0x3FAC] =	sst s10  }
0x35: {  	s10 =	sld [smem:$0x3FAB];
	_ =	sdelay $0x3  }
0x36: {  	p1 =	seq.s32 s10, $0x1;
	s10 =	sld [smem:$0x3FAC];
	_ =	sdelay $0x3  }
0x37: {  	[smem:$0x3FAC] =	sst s10  }
0x38: {  	s10 =	sld [smem:$0x3FAD]  }
0x39: {  	_ = 	snop;
	(pc) =	sbr.ind lr, $3  }
0x3a: {  	_ = 	snop  }
0x3b: {  	_ = 	snop  }
0x3c: {  	p2 =	seq.s32 s10, $0x1;
	s10 =	sld [smem:$0x3FAC]  }
0x3d: {  	_ =	shalt  }
0x3e: {  	_ =	shalt  }
0x3f: {  	_ =	shalt  }
0x40: {  	_ =	shalt  }
0x41: {  	_ =	shalt  }
0x42: {  	_ =	shalt  }
0x43: {  	_ =	shalt  }
0x44: {  	_ =	shalt  }
0x45: {  	_ =	shalt  }
0x46: {  	_ =	shalt  }
0x47: {  	_ =	shalt  }
0x48: {  	_ =	shalt  }
0x49: {  	_ =	shalt  }
0x4a: {  	_ =	shalt  }
0x4b: {  	_ =	shalt  }
0x4c: {  	_ =	shalt  }
0x4d: {  	_ =	shalt  }
0x4e: {  	_ =	shalt  }
0x4f: {  	_ =	shalt  }
0x50: {  	_ =	shalt  }
0x51: {  	_ =	shalt  }
0x52: {  	_ =	shalt  }
0x53: {  	_ =	shalt  }
0x54: {  	_ =	shalt  }
0x55: {  	_ =	shalt  }
0x56: {  	_ =	shalt  }
0x57: {  	_ =	shalt  }
0x58: {  	_ =	shalt  }
0x59: {  	_ =	shalt  }
0x5a: {  	_ =	shalt  }
0x5b: {  	_ =	shalt  }
0x5c: {  	_ =	shalt  }
0x5d: {  	_ =	shalt  }
0x5e: {  	_ =	shalt  }
0x5f: {  	_ =	shalt  }
0x60: {  	_ =	shalt  }
0x61: {  	_ =	shalt  }
0x62: {  	_ =	shalt  }
0x63: {  	_ =	shalt  }
0x64: {  	_ =	shalt  }
0x65: {  	_ =	shalt  }
0x66: {  	_ =	shalt  }
0x67: {  	_ =	shalt  }
0x68: {  	_ =	shalt  }
0x69: {  	_ =	shalt  }
0x6a: {  	_ =	shalt  }
0x6b: {  	_ =	shalt  }
0x6c: {  	_ =	shalt  }
0x6d: {  	_ =	shalt  }
0x6e: {  	_ =	shalt  }
0x6f: {  	_ =	shalt  }
0x70: {  	_ =	shalt  }
0x71: {  	_ =	shalt  }
0x72: {  	_ =	shalt  }
0x73: {  	_ =	shalt  }
0x74: {  	_ =	shalt  }
0x75: {  	_ =	shalt  }
0x76: {  	_ =	shalt  }
0x77: {  	_ =	shalt  }
0x78: {  	_ =	shalt  }
0x79: {  	_ =	shalt  }
0x7a: {  	_ =	shalt  }
0x7b: {  	_ =	shalt  }
0x7c: {  	_ =	shalt  }
0x7d: {  	_ =	shalt  }
0x7e: {  	_ =	shalt  }
0x7f: {  	_ =	shalt  }
0x80: {  	_ =	shalt  }
0x81: {  	_ =	shalt  }
0x82: {  	_ =	shalt  }
0x83: {  	_ =	shalt  }
0x84: {  	_ =	shalt  }
0x85: {  	_ =	shalt  }
0x86: {  	_ =	shalt  }
0x87: {  	_ =	shalt  }
.Lfunc_end0:
.L_simem_size_0:
called_computation.1_lowered:
.L_overlay_start_0:
0x88: {  	s2 =	sld [smem:$0x3FD9]  }
0x89: {  	s3 =	sld [smem:$0x3FFE];
	_ =	sdelay $0x1  }
0x8a: {  	s1 =	srdreg.scid  }
0x8b: {  	s0 =	sand.u32 $0x1, s1  }
0x8c: {  	s16 =	sshll.u32 s0, $0xA;
	s2 =	sadd.s32 s3, s2  }
0x8d: {  	s2 =	sadd.s32 s2, s16  }
0x8e: {  	[smem:$0x3FB8] =	sst s2  }
0x8f: {  	_ = 	snop  }
0x90: {  	(tm) =	ssettm $0x1  }
0x91: {  	s17 =	sld [smem:$0x3FFB];
	_ =	sdelay $0x3  }
0x92: {  	_ =	strace s17  }
0x93: {  	s2 =	sld [smem:$0x3FFC];
	_ =	sdelay $0x3  }
0x94: {  	_ =	strace s2  }
0x95: {  	s2 =	sld [smem:$0x3FFD];
	_ =	sdelay $0x3  }
0x96: {  	_ =	strace s2  }
0x97: {  	_ =	strace $0x8FFFFFFF  }
0x98: {  	s18 =	sld [smem:$0x3FDB];
	_ =	sdelay $0x1  }
0x99: {  	s19 =	simm.s32 $_scs_section_size  }
0x9a: {  	s4 =	simm.s32 $_size__tile_overlayer_lowered;
	s5 =	simm.s32 $_tile_overlayer_lowered  }
0x9b: {  	s22 =	simm.s32 $0x1BFF;
	s21 =	sshll.u32 s5, $0x1;
	s2 =	sadd.s32 s19, s18  }
0x9c: {  	s6 =	simm.s32 $0x0;
	s20 =	sshll.u32 s4, $0x1;
	s4 =	sadd.s32 s21, s2  }
0x9d: {  	[timem:s6], [sflag:s22] =	dma.local [hbm:s4], s20  }
0x9e: {  	_ =	swait.ge [sflag:s22], s20  }
0x9f: {  	s3 =	ssub.s32 $0x0, s20;
	[sflag:s22] =	ssyncset.done $0x0  }
0xa0: {  	[sflag:s22] =	ssyncadd.s32 s3;
	_ =	sdelay $0x1  }
0xa1: {  	s23 =	simm.s32 $0x1B8B  }
0xa2: {  	_ =	swait.ge [sflag:s23], $0x1  }
0xa3: {  	[sflag:s23] =	ssyncset.done $0x0  }
0xa4: {  	s25 =	simm.s32 $0x1B8E;
	s24 =	sld [smem:$0x3FFE];
	[sflag:s23] =	ssyncadd.s32 $0xFFFFFFFF  }
0xa5: {  	s26 =	simm.s32 $execute0_lowered;
	[smem:$0x3FD2] =	sst s25  }
0xa6: {  	s4 =	sshll.u32 s26, $0x1;
	_ =	strace $0x80000049;
	[dreg:$0x1] =	wrdreg $0xFFFFFFFF  }
0xa7: {  	s28 =	simm.s32 $_size_execute0_lowered;
	s2 =	sadd.s32 s2, s4;
	[dreg:$0x0] =	wrdreg $0x0  }
0xa8: {  	s4 =	sshll.u32 s28, $0x1;
	[dreg:$0x2] =	wrdreg s2  }
0xa9: {  	[dreg:$0x3] =	wrdreg s4  }
0xaa: {  	[dreg:$0x4] =	wrdreg $0xC0  }
0xab: {  	_ =	task [dreg:s6], $0x5FFFF  }
0xac: {  	[dreg:$0x1] =	wrdreg $0xFFFFFFFF  }
0xad: {  	[dreg:$0x0] =	wrdreg $0x60  }
0xae: {  	[dreg:$0x2] =	wrdreg s24  }
0xaf: {  	[dreg:$0x3] =	wrdreg $0xB8000  }
0xb0: {  	[dreg:$0x4] =	wrdreg $0x9  }
0xb1: {  	_ =	task.clear_ibuf [dreg:s6], $0x5FFFF;
	_ =	strace $0x90000049  }
0xb2: {  	s29 =	simm.s32 $0x9;
	_ =	strace $0x8000004B  }
0xb3: {  	_ =	swait.ge [sflag:s29], $0x1  }
0xb4: {  	[sflag:s29] =	ssyncadd.s32 $0xFFFFFFFF  }
0xb5: {  	_ =	strace $0x9000004B  }
0xb6: {  	_ =	sfence  }
0xb7: {  	s30 =	sld [smem:$0x0];
	_ =	sdelay $0x2  }
0xb8: {  	s31 =	sshll.u32 s1, $0xD;
	s1 =	sshrl.u32 s1, $0x2  }
0xb9: {  	s3 =	sand.u32 $0x4000, s31;
	s1 =	sadd.s32 s1, s30  }
0xba: {  	s0 =	sor.u32 s3, s0;
	s1 =	sshll.u32 s1, $0x11  }
0xbb: {  	s0 =	sor.u32 s1, s0  }
0xbc: {  	s0 =	sadd.s32 $0x8F2B, s0  }
0xbd: {  	[sflag:s0] =	ssyncadd.remote.s32 $0x1  }
0xbe: {  	_ =	sfence.sel $0xFFFF  }
0xbf: {  	[dreg:$0x0] =	wrdreg $0xFFFFFFFF;
	(pc) =	sbr.abs _section_cstart, $3  }
0xc0: {  	[dreg:$0x1] =	wrdreg $0xFFFFFFFF  }
0xc1: {  	_ =	task.clear_ibuf [dreg:s6], $0x2FFFF;
	_ =	strace $0x9FFFFFFF  }
0xc2: {  	(tm) =	ssettm $0x7FFFFFFF  }
0xc3: {  	_ =	shalt  }
tec
execute0_lowered:
.L_overlay_start_1:
0x0: {  	(tag) =	ssettag $0x1  }
0x1: {  	s5 =	rddreg [dreg:$0x0]  }
0x2: {  	s2 =	rddreg [dreg:$0x1]  }
0x3: {  	s0 =	rddreg [dreg:$0x2];
	s4 =	srdreg.scid  }
0x4: {  	s1 =	stileid.u32;
	s3 =	simm.s32 $0x0;
	s16 =	simm.s32 $0x80  }
0x5: {  	s17 =	simm.s32 $0x3800;
	s18 =	simm.s32 $0x7800;
	s19 =	simm.s32 $0x2  }
0x6: {  	s20 =	simm.s32 $0x0;
	s6 =	sand.u32 $0x1, s4;
	s7 =	smul.u32 $0x14000, s1  }
0x7: {  	[smem:$0x7FF] =	sst s3;
	s4 =	sadd.s32 $0x12A00, s5;
	s10 =	sadd.s32 $0x3B400, s5  }
0x8: {  	s11 =	sadd.s32 $0x4A00, s5;
	s9 =	smul.u32 $0x50000, s1;
	s30 =	sshll.u32 s1, $0x6  }
0x9: {  	s8 =	smul.u32 $0x140000, s6;
	_ =	strace $0x8000004A;
	s12 =	sshll.u32 s6, $0x4  }
0xa: {  	s25 =	ssub.s32 $0x2, s6;
	p0 =	seq.s32 s6, $0x0;
	s6 =	sor.u32 $0x1C03, s30  }
0xb: {  	s26 =	sor.u32 s1, s12;
	s28 =	sshrl.u32 s25, $0x1;
	s8 =	sadd.s32 s7, s8  }
0xc: {  	s9 =	sshrl.u32 s9, $0x2;
	s29 =	sshrl.u32 s7, $0x3;
	s8 =	sshrl.u32 s8, $0x3  }
0xd: {  	s14 =	ssub.s32 s25, s28;
	s13 =	sadd.s32 s8, s5;
	s8 =	smul.u32 $0x3800, s26  }
.Ltmp0:
0xe: {  	s15 =	sadd.s32 s9, s2;
	s9 =	simm.s32 $0x29;
	(pc) =	sbr.rel .LBB2_1-.Ltmp0, $4  }
0xf: {  	s9 =	simm.s32 @!p0 $0x4;
	s5 =	sadd.s32 s4, s29;
	s31 =	sshrl.u32 s8, $0x3  }
0x10: {  	s7 =	sadd.s32 s10, s31;
	s8 =	sadd.s32 s11, s31;
	s12 =	sadd.s32 $0x380, s31  }
0x11: {  	s10 =	sadd.s32 s10, s12;
	s11 =	sadd.s32 s11, s12;
	s12 =	sadd.s32 $0x71400, s13  }
0x12: {  	s13 =	smax.u32 s14, $0x1;
	s14 =	sshrl.u32 s15, $0x3;
	s15 =	simm.s32 $0x3  }
.LBB2_9:
0x13: {  	s20 =	sadd.s32 $0x1, s20  }
0x14: {  	p0 =	sne.s32 s20, s13  }
.Ltmp1:
0x15: {  	[bflag:$0x0] =	sbarrier.arrive $0xFFFF;
	(pc) =	sbr.rel @!p0 .LBB2_10-.Ltmp1, $4  }
0x16: {  	[hbm:s12], [sflag:s6] =	dma.local [spmem:s14], $0x2800  }
0x17: {  	_ =	swait.ge [sflag:s15], $0x2800  }
0x18: {  	[sflag:s15] =	ssyncset.done $0x0  }
0x19: {  	[sflag:s15] =	ssyncadd.s32 $0xFFFFD800  }
.LBB2_1:
0x1a: {  	[spmem:s14], [sflag:s6] =	dma.local [hbm:s5], $0x2800  }
0x1b: {  	_ =	swait.ge [sflag:s15], $0x2800  }
0x1c: {  	[sflag:s15] =	ssyncset.done $0x0  }
0x1d: {  	[sflag:s15] =	ssyncadd.s32 $0xFFFFD800  }
0x1e: {  	[bflag:$0x0] =	sbarrier.arrive $0xFFFF  }
0x1f: {  	[tilespmem:s3], [sflag:$0x3] =	stream.linear.gather [hbm4b:s7+s3], $0x1C00, $0x38;
	[tilespmem:$0x1F800] =	vst v63  }
0x20: {  	_ =	swait.ge [sflag:s15], $0x1C00  }
0x21: {  	[sflag:s15] =	ssyncset.done $0x0  }
0x22: {  	s21 =	simm.s32 $0x1C00;
	[sflag:s15] =	ssyncadd.s32 $0xFFFFE400  }
0x23: {  	[tilespmem:s21], [sflag:$0x3] =	stream.linear.gather [hbm4b:s8+s3], $0x1C00, $0x38;
	[tilespmem:$0x1F800] =	vst v63  }
0x24: {  	_ =	swait.ge [sflag:s15], $0x1C00  }
.Ltmp2:
0x25: {  	[sflag:s15] =	ssyncset.done $0x0;
	(pc) =	sbr.rel .LBB2_2-.Ltmp2, $4  }
0x26: {  	[sflag:s15] =	ssyncadd.s32 $0xFFFFE400  }
0x27: {  	[tilespmem:s17], [sflag:$0x1] =	stream.indirect.gather [hbm4b:s4+s16], $0x80, s3, s16, $0xb8;
	[tilespmem:$0x1F800] =	vst v63  }
0x28: {  	s22 =	simm.s32 $0x100;
	s23 =	simm.s32 $0x0  }
0x29: {  	[tilespmem:s18], [sflag:$0x2] =	stream.indirect.gather [hbm4b:s4+s16], $0x80, s16, s16, $0xb8;
	[tilespmem:$0x1F800] =	vst v63  }
.LBB2_4:
0x2a: {  	s23 =	sadd.s32 $0x1, s23  }
0x2b: {  	p0 =	sne.s32 s23, $0x38  }
.Ltmp3:
0x2c: {  	_ = 	snop;
	(pc) =	sbr.rel @!p0 .LBB2_5-.Ltmp3, $2  }
0x2d: {  	_ =	sdelay $0x2  }
0x2e: {  	s21 =	sadd.s32 $0x80, s21;
	s22 =	sadd.s32 $0x80, s22  }
.LBB2_2:
0x2f: {  	s24 =	sand.u32 $0x1, s23  }
0x30: {  	p0 =	seq.s32 s24, $0x1  }
0x31: {  	s25 =	simm.s32 @!p0 $0x1  }
0x32: {  	_ =	swait.ge @!p0 [sflag:s25], $0x4000  }
0x33: {  	[sflag:s25] =	ssyncset.done @!p0 $0x0  }
0x34: {  	s26 =	simm.s32 @!p0 $0x3800;
	[sflag:s25] =	ssyncadd.s32 @!p0 $0xFFFFC000;
	s25 =	simm.s32 @!p0 $0x80  }
0x35: {  	[spmem:s2] =	stream.indirect.scatter.add.f32 @!p0 [tilespmem:s26], [sflag:$0x3], $0x80, s21, s25, $0xb8;
	[tilespmem:$0x1F800] =	vst v63  }
0x36: {  	s25 =	simm.s32 @!p0 $0x3  }
0x37: {  	p1 =	sgt.u32 @!p0 s23, $0x35;
	_ =	swait.ge @!p0 [sflag:s25], $0x4000  }
0x38: {  	p1 =	por p1, p0;
	[sflag:s25] =	ssyncset.done @!p0 $0x0  }
0x39: {  	s26 =	simm.s32 @!p1 $0x3800;
	[sflag:s25] =	ssyncadd.s32 @!p0 $0xFFFFC000;
	s25 =	simm.s32 @!p1 $0x80  }
0x3a: {  	[tilespmem:s26], [sflag:$0x1] =	stream.indirect.gather @!p1 [hbm4b:s4+s25], $0x80, s22, s25, $0xb8;
	[tilespmem:$0x1F800] =	vst v63  }
0x3b: {  	p1 =	seq.s32 @!p0 s24, $0x0  }
0x3c: {  	p0 =	por p0, !p1  }
.Ltmp4:
0x3d: {  	_ = 	snop;
	(pc) =	sbr.rel @!p0 .LBB2_4-.Ltmp4, $1  }
0x3e: {  	_ =	sdelay $0x3  }
0x3f: {  	_ =	swait.ge [sflag:s19], $0x4000  }
0x40: {  	[sflag:s19] =	ssyncset.done $0x0  }
0x41: {  	[sflag:s19] =	ssyncadd.s32 $0xFFFFC000  }
0x42: {  	[spmem:s2] =	stream.indirect.scatter.add.f32 [tilespmem:s18], [sflag:$0x3], $0x80, s21, s16, $0xb8;
	[tilespmem:$0x1F800] =	vst v63  }
.Ltmp5:
0x43: {  	_ = 	snop;
	(pc) =	sbr.rel .LBB2_4-.Ltmp5, $4  }
0x44: {  	_ =	swait.ge [sflag:s15], $0x4000  }
0x45: {  	p0 =	sgt.u32 s23, $0x35;
	[sflag:s15] =	ssyncset.done $0x0  }
0x46: {  	s24 =	simm.s32 @!p0 $0x80;
	s25 =	simm.s32 @!p0 $0x7800;
	[sflag:s15] =	ssyncadd.s32 $0xFFFFC000  }
0x47: {  	[tilespmem:s25], [sflag:$0x2] =	stream.indirect.gather @!p0 [hbm4b:s4+s24], $0x80, s22, s24, $0xb8;
	[tilespmem:$0x1F800] =	vst v63  }
.LBB2_5:
0x48: {  	s21 =	simm.s32 $0x0  }
0x49: {  	[tilespmem:s21], [sflag:$0x3] =	stream.linear.gather [hbm4b:s10+s21], $0x1C00, $0x38;
	[tilespmem:$0x1F800] =	vst v63  }
0x4a: {  	_ =	swait.ge [sflag:s15], $0x1C00  }
0x4b: {  	[sflag:s15] =	ssyncset.done $0x0  }
0x4c: {  	s22 =	simm.s32 $0x1C00;
	[sflag:s15] =	ssyncadd.s32 $0xFFFFE400  }
0x4d: {  	[tilespmem:s22], [sflag:$0x3] =	stream.linear.gather [hbm4b:s11+s21], $0x1C00, $0x38;
	[tilespmem:$0x1F800] =	vst v63  }
0x4e: {  	_ =	swait.ge [sflag:s15], $0x1C00  }
.Ltmp6:
0x4f: {  	[sflag:s15] =	ssyncset.done $0x0;
	(pc) =	sbr.rel .LBB2_6-.Ltmp6, $4  }
0x50: {  	[sflag:s15] =	ssyncadd.s32 $0xFFFFE400  }
0x51: {  	[tilespmem:s17], [sflag:$0x1] =	stream.indirect.gather [hbm4b:s4+s16], $0x80, s21, s16, $0xb8;
	[tilespmem:$0x1F800] =	vst v63  }
0x52: {  	s23 =	simm.s32 $0x100  }
0x53: {  	[tilespmem:s18], [sflag:$0x2] =	stream.indirect.gather [hbm4b:s4+s16], $0x80, s16, s16, $0xb8;
	[tilespmem:$0x1F800] =	vst v63  }
.LBB2_8:
0x54: {  	s21 =	sadd.s32 $0x1, s21  }
0x55: {  	p0 =	sne.s32 s9, s21  }
.Ltmp7:
0x56: {  	_ = 	snop;
	(pc) =	sbr.rel @!p0 .LBB2_9-.Ltmp7, $2  }
0x57: {  	_ =	sdelay $0x2  }
0x58: {  	s23 =	sadd.s32 $0x80, s23;
	s22 =	sadd.s32 $0x80, s22  }
.LBB2_6:
0x59: {  	s24 =	sand.u32 $0x1, s21  }
0x5a: {  	p0 =	seq.s32 s24, $0x1  }
0x5b: {  	s25 =	simm.s32 @!p0 $0x1  }
0x5c: {  	_ =	swait.ge @!p0 [sflag:s25], $0x4000  }
0x5d: {  	[sflag:s25] =	ssyncset.done @!p0 $0x0  }
0x5e: {  	s26 =	simm.s32 @!p0 $0x3800;
	[sflag:s25] =	ssyncadd.s32 @!p0 $0xFFFFC000;
	s25 =	simm.s32 @!p0 $0x80  }
0x5f: {  	[spmem:s2] =	stream.indirect.scatter.add.f32 @!p0 [tilespmem:s26], [sflag:$0x3], $0x80, s22, s25, $0xb8;
	[tilespmem:$0x1F800] =	vst v63  }
0x60: {  	s25 =	simm.s32 @!p0 $0x3;
	s26 =	sadd.s32 @!p0 $0x2, s21  }
0x61: {  	_ =	swait.ge @!p0 [sflag:s25], $0x4000;
	p1 =	sge.u32 @!p0 s26, s9  }
0x62: {  	[sflag:s25] =	ssyncset.done @!p0 $0x0;
	p1 =	por p1, p0  }
0x63: {  	[sflag:s25] =	ssyncadd.s32 @!p0 $0xFFFFC000;
	s25 =	simm.s32 @!p1 $0x80;
	s26 =	simm.s32 @!p1 $0x3800  }
0x64: {  	[tilespmem:s26], [sflag:$0x1] =	stream.indirect.gather @!p1 [hbm4b:s4+s25], $0x80, s23, s25, $0xb8;
	[tilespmem:$0x1F800] =	vst v63  }
0x65: {  	p1 =	seq.s32 @!p0 s24, $0x0  }
0x66: {  	p0 =	por p0, !p1  }
.Ltmp8:
0x67: {  	_ = 	snop;
	(pc) =	sbr.rel @!p0 .LBB2_8-.Ltmp8, $1  }
0x68: {  	_ =	sdelay $0x3  }
0x69: {  	_ =	swait.ge [sflag:s19], $0x4000  }
0x6a: {  	[sflag:s19] =	ssyncset.done $0x0  }
0x6b: {  	[sflag:s19] =	ssyncadd.s32 $0xFFFFC000  }
0x6c: {  	[spmem:s2] =	stream.indirect.scatter.add.f32 [tilespmem:s18], [sflag:$0x3], $0x80, s22, s16, $0xb8;
	[tilespmem:$0x1F800] =	vst v63  }
.Ltmp9:
0x6d: {  	_ = 	snop;
	(pc) =	sbr.rel .LBB2_8-.Ltmp9, $4  }
0x6e: {  	s24 =	sadd.s32 $0x2, s21;
	_ =	swait.ge [sflag:s15], $0x4000  }
0x6f: {  	p0 =	sge.u32 s24, s9;
	[sflag:s15] =	ssyncset.done $0x0  }
0x70: {  	s24 =	simm.s32 @!p0 $0x80;
	s25 =	simm.s32 @!p0 $0x7800;
	[sflag:s15] =	ssyncadd.s32 $0xFFFFC000  }
0x71: {  	[tilespmem:s25], [sflag:$0x2] =	stream.indirect.gather @!p0 [hbm4b:s4+s24], $0x80, s23, s24, $0xb8;
	[tilespmem:$0x1F800] =	vst v63  }
.LBB2_10:
0x72: {  	_ =	sfence.sel $0x180000  }
0x73: {  	[bflag:$0x0] =	sbarrier.arrive $0xFFFF  }
0x74: {  	p0 =	sne.s32 s1, $0x0;
	_ =	strace $0x9000004A  }
0x75: {  	s0 =	sadd.s32 @!p0 $0x100000, s0;
	[bflag:$0x2] =	sbarrier.arrive $0xFFFF  }
0x76: {  	[sflag:s0] =	ssyncadd.tile.s32 @!p0 $0x1;
	_ =	shalt  }
.Lfunc_end2:
_tile_overlayer_lowered:
.L_overlay_start_2:
0x77: {  	(tag) =	ssettag $0x2  }
0x78: {  	s0 =	rddreg [dreg:$0x0];
	s2 =	stileid.u32  }
0x79: {  	s1 =	rddreg [dreg:$0x1];
	p0 =	sne.s32 s2, $0x0  }
0x7a: {  	s3 =	rddreg [dreg:$0x2];
	[bflag:$0x3] =	sbarrier.arrive $0xFFFF;
	s2 =	simm.s32 @!p0 $0x1C03  }
0x7b: {  	[timem:s3], [sflag:s2] =	dma.local @!p0 [hbm:s0], s1  }
0x7c: {  	s0 =	simm.s32 @!p0 $0x3  }
0x7d: {  	_ =	swait.ge @!p0 [sflag:s0], s1  }
0x7e: {  	s1 =	ssub.s32 @!p0 $0x0, s1;
	[sflag:s0] =	ssyncset.done @!p0 $0x0  }
0x7f: {  	[sflag:s0] =	ssyncadd.s32 @!p0 s1  }
0x80: {  	[bflag:$0x3] =	sbarrier.arrive $0xFFFF  }
0x81: {  	_ =	shalt  }

// kernel: kernel.16.cloned.1.call-start
scs
__scs_entry_jumppad:
0x0: {  	(pc) =	sbr.rel $0x88, $3  }
0x1: {  	(tag) =	ssettag $0x0;
	lr =	simm.s32 $0x1  }
0x2: {  	[smem:$0x3F91] =	sst lr;
	_ =	strace $0xD0000000  }
0x3: {  	_ = 	snop  }
0x4: {  	_ = 	snop  }
0x5: {  	_ = 	snop  }
0x6: {  	_ = 	snop  }
0x7: {  	_ = 	snop  }
__scs_overlays_trampoline_lowered:
0x8: {  	[smem:$0x3FA0] =	sst s0  }
0x9: {  	[smem:$0x3FA1] =	sst s1  }
0xa: {  	[smem:$0x3FA2] =	sst s2  }
0xb: {  	[smem:$0x3FA3] =	sst s3  }
0xc: {  	[smem:$0x3FA4] =	sst s4  }
0xd: {  	[smem:$0x3FA5] =	sst s5  }
0xe: {  	[smem:$0x3FA6] =	sst s6  }
0xf: {  	[smem:$0x3FA7] =	sst s7  }
0x10: {  	[smem:$0x3FA8] =	sst s8  }
0x11: {  	[smem:$0x3FA9] =	sst s9;
	s0 =	simm.s32 @!p0 $0x0  }
0x12: {  	s1 =	sld [smem:$0x3F8F];
	s0 =	simm.s32 @p0 $0x1  }
0x13: {  	[smem:$0x3FAA] =	sst s0;
	s0 =	simm.s32 @!p1 $0x0  }
0x14: {  	s2 =	sld [smem:$0x3F8E];
	s0 =	simm.s32 @p1 $0x1  }
0x15: {  	[smem:$0x3FAB] =	sst s0;
	s0 =	simm.s32 @!p2 $0x0  }
0x16: {  	s3 =	sld [smem:$0x3FDB];
	s0 =	simm.s32 @p2 $0x1  }
0x17: {  	s4 =	simm.s32 $0x1BF5;
	[smem:$0x3FAD] =	sst s0  }
0x18: {  	s0 =	sld [smem:$0x3F90];
	_ =	swait.ge [sflag:s4], $0x0  }
0x19: {  	s7 =	sld [smem:$0x3F91]  }
0x1a: {  	s8 =	sadd.s32 $0xFFFFE003, lr  }
0x1b: {  	s9 =	sadd.s32 $0xFFFFFEF7, lr;
	s5 =	simm.s32 $0xFFFFFFFF;
	p2 =	slt.u32 s8, $0xFFFFF086  }
0x1c: {  	p1 =	slt.u32 s9, $0xF7A;
	s5 =	simm.s32 @!p2 $0x0  }
0x1d: {  	s5 =	simm.s32 @p1 $0x1;
	p0 =	seq.s32 s7, s2  }
0x1e: {  	s7 =	smul.u32 @!p0 $0xF7A, s2;
	p2 =	seq.s32 @!p0 s5, $0x0  }
0x1f: {  	s9 =	smul.u32 $0xF7A, s1;
	s8 =	simm.s32 @!p0 $0x1BF5;
	p2 =	por !p2, p0  }
0x20: {  	[sflag:s8] =	ssyncset.s32 @!p0 $0xFFFFF086;
	s6 =	sadd.s32 @!p0 s3, s7;
	s7 =	simm.s32 @!p0 $0x108  }
0x21: {  	s3 =	sadd.s32 s3, s9;
	s6 =	sadd.s32 @!p0 $0x88, s6;
	s7 =	simm.s32 @p2 $0x1082  }
0x22: {  	[simem:s7], [sflag:s8] =	dma.local @!p0 [hbm:s6], $0xF7A  }
0x23: {  	s9 =	sor.u32 $0xD0000000, s2;
	s6 =	simm.s32 $0x108;
	_ =	swait.ge @!p0 [sflag:s8], $0x0  }
0x24: {  	s3 =	sadd.s32 $0x88, s3;
	s6 =	simm.s32 @!p1 $0x1082;
	[sflag:s4] =	ssyncset.s32 $0xFFFFF086  }
0x25: {  	[simem:s6], [sflag:s4] =	dma.local [hbm:s3], $0xF7A  }
0x26: {  	[smem:$0x3F91] =	sst s1;
	(tag) =	ssettag s2;
	_ =	strace s9  }
0x27: {  	s1 =	sld [smem:$0x3FA1]  }
0x28: {  	s2 =	sld [smem:$0x3FA2]  }
0x29: {  	s4 =	sld [smem:$0x3FA4]  }
0x2a: {  	p0 =	seq.s32 s5, $0x0;
	s5 =	sld [smem:$0x3FA5]  }
0x2b: {  	s6 =	sld [smem:$0x3FA6]  }
0x2c: {  	s7 =	sld [smem:$0x3FA7]  }
0x2d: {  	s3 =	simm.s32 $0x108;
	s8 =	sld [smem:$0x3FA8]  }
0x2e: {  	s3 =	simm.s32 @!p0 $0x1082;
	s9 =	sld [smem:$0x3FA9]  }
0x2f: {  	lr =	sadd.s32 s0, s3;
	s0 =	sld [smem:$0x3FA0]  }
0x30: {  	s3 =	sld [smem:$0x3FA3]  }
0x31: {  	[smem:$0x3FAC] =	sst s10  }
0x32: {  	s10 =	sld [smem:$0x3FAA];
	_ =	sdelay $0x3  }
0x33: {  	p0 =	seq.s32 s10, $0x1;
	s10 =	sld [smem:$0x3FAC];
	_ =	sdelay $0x3  }
0x34: {  	[smem:$0x3FAC] =	sst s10  }
0x35: {  	s10 =	sld [smem:$0x3FAB];
	_ =	sdelay $0x3  }
0x36: {  	p1 =	seq.s32 s10, $0x1;
	s10 =	sld [smem:$0x3FAC];
	_ =	sdelay $0x3  }
0x37: {  	[smem:$0x3FAC] =	sst s10  }
0x38: {  	s10 =	sld [smem:$0x3FAD]  }
0x39: {  	_ = 	snop;
	(pc) =	sbr.ind lr, $3  }
0x3a: {  	_ = 	snop  }
0x3b: {  	_ = 	snop  }
0x3c: {  	p2 =	seq.s32 s10, $0x1;
	s10 =	sld [smem:$0x3FAC]  }
0x3d: {  	_ =	shalt  }
0x3e: {  	_ =	shalt  }
0x3f: {  	_ =	shalt  }
0x40: {  	_ =	shalt  }
0x41: {  	_ =	shalt  }
0x42: {  	_ =	shalt  }
0x43: {  	_ =	shalt  }
0x44: {  	_ =	shalt  }
0x45: {  	_ =	shalt  }
0x46: {  	_ =	shalt  }
0x47: {  	_ =	shalt  }
0x48: {  	_ =	shalt  }
0x49: {  	_ =	shalt  }
0x4a: {  	_ =	shalt  }
0x4b: {  	_ =	shalt  }
0x4c: {  	_ =	shalt  }
0x4d: {  	_ =	shalt  }
0x4e: {  	_ =	shalt  }
0x4f: {  	_ =	shalt  }
0x50: {  	_ =	shalt  }
0x51: {  	_ =	shalt  }
0x52: {  	_ =	shalt  }
0x53: {  	_ =	shalt  }
0x54: {  	_ =	shalt  }
0x55: {  	_ =	shalt  }
0x56: {  	_ =	shalt  }
0x57: {  	_ =	shalt  }
0x58: {  	_ =	shalt  }
0x59: {  	_ =	shalt  }
0x5a: {  	_ =	shalt  }
0x5b: {  	_ =	shalt  }
0x5c: {  	_ =	shalt  }
0x5d: {  	_ =	shalt  }
0x5e: {  	_ =	shalt  }
0x5f: {  	_ =	shalt  }
0x60: {  	_ =	shalt  }
0x61: {  	_ =	shalt  }
0x62: {  	_ =	shalt  }
0x63: {  	_ =	shalt  }
0x64: {  	_ =	shalt  }
0x65: {  	_ =	shalt  }
0x66: {  	_ =	shalt  }
0x67: {  	_ =	shalt  }
0x68: {  	_ =	shalt  }
0x69: {  	_ =	shalt  }
0x6a: {  	_ =	shalt  }
0x6b: {  	_ =	shalt  }
0x6c: {  	_ =	shalt  }
0x6d: {  	_ =	shalt  }
0x6e: {  	_ =	shalt  }
0x6f: {  	_ =	shalt  }
0x70: {  	_ =	shalt  }
0x71: {  	_ =	shalt  }
0x72: {  	_ =	shalt  }
0x73: {  	_ =	shalt  }
0x74: {  	_ =	shalt  }
0x75: {  	_ =	shalt  }
0x76: {  	_ =	shalt  }
0x77: {  	_ =	shalt  }
0x78: {  	_ =	shalt  }
0x79: {  	_ =	shalt  }
0x7a: {  	_ =	shalt  }
0x7b: {  	_ =	shalt  }
0x7c: {  	_ =	shalt  }
0x7d: {  	_ =	shalt  }
0x7e: {  	_ =	shalt  }
0x7f: {  	_ =	shalt  }
0x80: {  	_ =	shalt  }
0x81: {  	_ =	shalt  }
0x82: {  	_ =	shalt  }
0x83: {  	_ =	shalt  }
0x84: {  	_ =	shalt  }
0x85: {  	_ =	shalt  }
0x86: {  	_ =	shalt  }
0x87: {  	_ =	shalt  }
.Lfunc_end0:
.L_simem_size_0:
called_computation.2_lowered:
.L_overlay_start_0:
0x88: {  	s2 =	sld [smem:$0x3FD9]  }
0x89: {  	s3 =	sld [smem:$0x3FFE];
	_ =	sdelay $0x1  }
0x8a: {  	s1 =	srdreg.scid  }
0x8b: {  	s0 =	sand.u32 $0x1, s1  }
0x8c: {  	s16 =	sshll.u32 s0, $0xA;
	s2 =	sadd.s32 s3, s2  }
0x8d: {  	s2 =	sadd.s32 s2, s16  }
0x8e: {  	[smem:$0x3FB8] =	sst s2  }
0x8f: {  	_ = 	snop  }
0x90: {  	(tm) =	ssettm $0x1  }
0x91: {  	s17 =	sld [smem:$0x3FFB];
	_ =	sdelay $0x3  }
0x92: {  	_ =	strace s17  }
0x93: {  	s2 =	sld [smem:$0x3FFC];
	_ =	sdelay $0x3  }
0x94: {  	_ =	strace s2  }
0x95: {  	s2 =	sld [smem:$0x3FFD];
	_ =	sdelay $0x3  }
0x96: {  	_ =	strace s2  }
0x97: {  	_ =	strace $0x8FFFFFFF  }
0x98: {  	s18 =	sld [smem:$0x3FDB];
	_ =	sdelay $0x1  }
0x99: {  	s19 =	simm.s32 $_scs_section_size  }
0x9a: {  	s4 =	simm.s32 $_size__tile_overlayer_lowered;
	s5 =	simm.s32 $_tile_overlayer_lowered  }
0x9b: {  	s22 =	simm.s32 $0x1BFF;
	s21 =	sshll.u32 s5, $0x1;
	s2 =	sadd.s32 s19, s18  }
0x9c: {  	s6 =	simm.s32 $0x0;
	s20 =	sshll.u32 s4, $0x1;
	s4 =	sadd.s32 s21, s2  }
0x9d: {  	[timem:s6], [sflag:s22] =	dma.local [hbm:s4], s20  }
0x9e: {  	_ =	swait.ge [sflag:s22], s20  }
0x9f: {  	s3 =	ssub.s32 $0x0, s20;
	[sflag:s22] =	ssyncset.done $0x0  }
0xa0: {  	[sflag:s22] =	ssyncadd.s32 s3;
	_ =	sdelay $0x1  }
0xa1: {  	s23 =	simm.s32 $0x1B8B  }
0xa2: {  	_ =	swait.ge [sflag:s23], $0x1  }
0xa3: {  	[sflag:s23] =	ssyncset.done $0x0  }
0xa4: {  	s25 =	simm.s32 $0x1B8E;
	s24 =	sld [smem:$0x3FFE];
	[sflag:s23] =	ssyncadd.s32 $0xFFFFFFFF  }
0xa5: {  	s26 =	simm.s32 $execute0_lowered;
	[smem:$0x3FD2] =	sst s25  }
0xa6: {  	s4 =	sshll.u32 s26, $0x1;
	_ =	strace $0x8000004C;
	[dreg:$0x1] =	wrdreg $0xFFFFFFFF  }
0xa7: {  	s28 =	simm.s32 $_size_execute0_lowered;
	s2 =	sadd.s32 s2, s4;
	[dreg:$0x0] =	wrdreg $0x0  }
0xa8: {  	s4 =	sshll.u32 s28, $0x1;
	[dreg:$0x2] =	wrdreg s2  }
0xa9: {  	[dreg:$0x3] =	wrdreg s4  }
0xaa: {  	[dreg:$0x4] =	wrdreg $0xC0  }
0xab: {  	_ =	task [dreg:s6], $0x5FFFF  }
0xac: {  	[dreg:$0x1] =	wrdreg $0xFFFFFFFF  }
0xad: {  	[dreg:$0x0] =	wrdreg $0x60  }
0xae: {  	[dreg:$0x2] =	wrdreg s24  }
0xaf: {  	[dreg:$0x3] =	wrdreg $0xB8000  }
0xb0: {  	[dreg:$0x4] =	wrdreg $0x9  }
0xb1: {  	_ =	task.clear_ibuf [dreg:s6], $0x5FFFF;
	_ =	strace $0x9000004C  }
0xb2: {  	s29 =	simm.s32 $0x9;
	_ =	strace $0x8000004E  }
0xb3: {  	_ =	swait.ge [sflag:s29], $0x1  }
0xb4: {  	[sflag:s29] =	ssyncadd.s32 $0xFFFFFFFF  }
0xb5: {  	_ =	strace $0x9000004E  }
0xb6: {  	_ =	sfence  }
0xb7: {  	s30 =	sld [smem:$0x0];
	_ =	sdelay $0x2  }
0xb8: {  	s31 =	sshll.u32 s1, $0xD;
	s1 =	sshrl.u32 s1, $0x2  }
0xb9: {  	s3 =	sand.u32 $0x4000, s31;
	s1 =	sadd.s32 s1, s30  }
0xba: {  	s0 =	sor.u32 s3, s0;
	s1 =	sshll.u32 s1, $0x11  }
0xbb: {  	s0 =	sor.u32 s1, s0  }
0xbc: {  	s0 =	sadd.s32 $0x8F2B, s0  }
0xbd: {  	[sflag:s0] =	ssyncadd.remote.s32 $0x1  }
0xbe: {  	_ =	sfence.sel $0xFFFF  }
0xbf: {  	[dreg:$0x0] =	wrdreg $0xFFFFFFFF;
	(pc) =	sbr.abs _section_cstart, $3  }
0xc0: {  	[dreg:$0x1] =	wrdreg $0xFFFFFFFF  }
0xc1: {  	_ =	task.clear_ibuf [dreg:s6], $0x2FFFF;
	_ =	strace $0x9FFFFFFF  }
0xc2: {  	(tm) =	ssettm $0x7FFFFFFF  }
0xc3: {  	_ =	shalt  }
tec
execute0_lowered:
.L_overlay_start_1:
0x0: {  	(tag) =	ssettag $0x1  }
0x1: {  	s5 =	rddreg [dreg:$0x0]  }
0x2: {  	s2 =	rddreg [dreg:$0x1]  }
0x3: {  	s0 =	rddreg [dreg:$0x2];
	s4 =	srdreg.scid  }
0x4: {  	s1 =	stileid.u32;
	s3 =	simm.s32 $0x0;
	s16 =	simm.s32 $0x80  }
0x5: {  	s17 =	simm.s32 $0x3800;
	s18 =	simm.s32 $0x7800;
	s19 =	simm.s32 $0x2  }
0x6: {  	s20 =	simm.s32 $0x0;
	s6 =	sand.u32 $0x1, s4;
	s7 =	smul.u32 $0x14000, s1  }
0x7: {  	[smem:$0x7FF] =	sst s3;
	s4 =	sadd.s32 $0x12A00, s5;
	s10 =	sadd.s32 $0x3B400, s5  }
0x8: {  	s11 =	sadd.s32 $0x4A00, s5;
	s9 =	smul.u32 $0x50000, s1;
	s30 =	sshll.u32 s1, $0x6  }
0x9: {  	s8 =	smul.u32 $0x140000, s6;
	_ =	strace $0x8000004D;
	s12 =	sshll.u32 s6, $0x4  }
0xa: {  	s25 =	ssub.s32 $0x2, s6;
	p0 =	seq.s32 s6, $0x0;
	s6 =	sor.u32 $0x1C03, s30  }
0xb: {  	s26 =	sor.u32 s1, s12;
	s28 =	sshrl.u32 s25, $0x1;
	s8 =	sadd.s32 s7, s8  }
0xc: {  	s9 =	sshrl.u32 s9, $0x2;
	s29 =	sshrl.u32 s7, $0x3;
	s8 =	sshrl.u32 s8, $0x3  }
0xd: {  	s14 =	ssub.s32 s25, s28;
	s13 =	sadd.s32 s8, s5;
	s8 =	smul.u32 $0x3800, s26  }
.Ltmp0:
0xe: {  	s15 =	sadd.s32 s9, s2;
	s9 =	simm.s32 $0x29;
	(pc) =	sbr.rel .LBB2_1-.Ltmp0, $4  }
0xf: {  	s9 =	simm.s32 @!p0 $0x4;
	s5 =	sadd.s32 s4, s29;
	s31 =	sshrl.u32 s8, $0x3  }
0x10: {  	s7 =	sadd.s32 s10, s31;
	s8 =	sadd.s32 s11, s31;
	s12 =	sadd.s32 $0x380, s31  }
0x11: {  	s10 =	sadd.s32 s10, s12;
	s11 =	sadd.s32 s11, s12;
	s12 =	sadd.s32 $0x71400, s13  }
0x12: {  	s13 =	smax.u32 s14, $0x1;
	s14 =	sshrl.u32 s15, $0x3;
	s15 =	simm.s32 $0x3  }
.LBB2_9:
0x13: {  	s20 =	sadd.s32 $0x1, s20  }
0x14: {  	p0 =	sne.s32 s20, s13  }
.Ltmp1:
0x15: {  	[bflag:$0x0] =	sbarrier.arrive $0xFFFF;
	(pc) =	sbr.rel @!p0 .LBB2_10-.Ltmp1, $4  }
0x16: {  	[hbm:s12], [sflag:s6] =	dma.local [spmem:s14], $0x2800  }
0x17: {  	_ =	swait.ge [sflag:s15], $0x2800  }
0x18: {  	[sflag:s15] =	ssyncset.done $0x0  }
0x19: {  	[sflag:s15] =	ssyncadd.s32 $0xFFFFD800  }
.LBB2_1:
0x1a: {  	[spmem:s14], [sflag:s6] =	dma.local [hbm:s5], $0x2800  }
0x1b: {  	_ =	swait.ge [sflag:s15], $0x2800  }
0x1c: {  	[sflag:s15] =	ssyncset.done $0x0  }
0x1d: {  	[sflag:s15] =	ssyncadd.s32 $0xFFFFD800  }
0x1e: {  	[bflag:$0x0] =	sbarrier.arrive $0xFFFF  }
0x1f: {  	[tilespmem:s3], [sflag:$0x3] =	stream.linear.gather [hbm4b:s7+s3], $0x1C00, $0x38;
	[tilespmem:$0x1F800] =	vst v63  }
0x20: {  	_ =	swait.ge [sflag:s15], $0x1C00  }
0x21: {  	[sflag:s15] =	ssyncset.done $0x0  }
0x22: {  	s21 =	simm.s32 $0x1C00;
	[sflag:s15] =	ssyncadd.s32 $0xFFFFE400  }
0x23: {  	[tilespmem:s21], [sflag:$0x3] =	stream.linear.gather [hbm4b:s8+s3], $0x1C00, $0x38;
	[tilespmem:$0x1F800] =	vst v63  }
0x24: {  	_ =	swait.ge [sflag:s15], $0x1C00  }
.Ltmp2:
0x25: {  	[sflag:s15] =	ssyncset.done $0x0;
	(pc) =	sbr.rel .LBB2_2-.Ltmp2, $4  }
0x26: {  	[sflag:s15] =	ssyncadd.s32 $0xFFFFE400  }
0x27: {  	[tilespmem:s17], [sflag:$0x1] =	stream.indirect.gather [hbm4b:s4+s16], $0x80, s3, s16, $0xb8;
	[tilespmem:$0x1F800] =	vst v63  }
0x28: {  	s22 =	simm.s32 $0x100;
	s23 =	simm.s32 $0x0  }
0x29: {  	[tilespmem:s18], [sflag:$0x2] =	stream.indirect.gather [hbm4b:s4+s16], $0x80, s16, s16, $0xb8;
	[tilespmem:$0x1F800] =	vst v63  }
.LBB2_4:
0x2a: {  	s23 =	sadd.s32 $0x1, s23  }
0x2b: {  	p0 =	sne.s32 s23, $0x38  }
.Ltmp3:
0x2c: {  	_ = 	snop;
	(pc) =	sbr.rel @!p0 .LBB2_5-.Ltmp3, $2  }
0x2d: {  	_ =	sdelay $0x2  }
0x2e: {  	s21 =	sadd.s32 $0x80, s21;
	s22 =	sadd.s32 $0x80, s22  }
.LBB2_2:
0x2f: {  	s24 =	sand.u32 $0x1, s23  }
0x30: {  	p0 =	seq.s32 s24, $0x1  }
0x31: {  	s25 =	simm.s32 @!p0 $0x1  }
0x32: {  	_ =	swait.ge @!p0 [sflag:s25], $0x4000  }
0x33: {  	[sflag:s25] =	ssyncset.done @!p0 $0x0  }
0x34: {  	s26 =	simm.s32 @!p0 $0x3800;
	[sflag:s25] =	ssyncadd.s32 @!p0 $0xFFFFC000;
	s25 =	simm.s32 @!p0 $0x80  }
0x35: {  	[spmem:s2] =	stream.indirect.scatter.add.f32 @!p0 [tilespmem:s26], [sflag:$0x3], $0x80, s21, s25, $0xb8;
	[tilespmem:$0x1F800] =	vst v63  }
0x36: {  	s25 =	simm.s32 @!p0 $0x3  }
0x37: {  	p1 =	sgt.u32 @!p0 s23, $0x35;
	_ =	swait.ge @!p0 [sflag:s25], $0x4000  }
0x38: {  	p1 =	por p1, p0;
	[sflag:s25] =	ssyncset.done @!p0 $0x0  }
0x39: {  	s26 =	simm.s32 @!p1 $0x3800;
	[sflag:s25] =	ssyncadd.s32 @!p0 $0xFFFFC000;
	s25 =	simm.s32 @!p1 $0x80  }
0x3a: {  	[tilespmem:s26], [sflag:$0x1] =	stream.indirect.gather @!p1 [hbm4b:s4+s25], $0x80, s22, s25, $0xb8;
	[tilespmem:$0x1F800] =	vst v63  }
0x3b: {  	p1 =	seq.s32 @!p0 s24, $0x0  }
0x3c: {  	p0 =	por p0, !p1  }
.Ltmp4:
0x3d: {  	_ = 	snop;
	(pc) =	sbr.rel @!p0 .LBB2_4-.Ltmp4, $1  }
0x3e: {  	_ =	sdelay $0x3  }
0x3f: {  	_ =	swait.ge [sflag:s19], $0x4000  }
0x40: {  	[sflag:s19] =	ssyncset.done $0x0  }
0x41: {  	[sflag:s19] =	ssyncadd.s32 $0xFFFFC000  }
0x42: {  	[spmem:s2] =	stream.indirect.scatter.add.f32 [tilespmem:s18], [sflag:$0x3], $0x80, s21, s16, $0xb8;
	[tilespmem:$0x1F800] =	vst v63  }
.Ltmp5:
0x43: {  	_ = 	snop;
	(pc) =	sbr.rel .LBB2_4-.Ltmp5, $4  }
0x44: {  	_ =	swait.ge [sflag:s15], $0x4000  }
0x45: {  	p0 =	sgt.u32 s23, $0x35;
	[sflag:s15] =	ssyncset.done $0x0  }
0x46: {  	s24 =	simm.s32 @!p0 $0x80;
	s25 =	simm.s32 @!p0 $0x7800;
	[sflag:s15] =	ssyncadd.s32 $0xFFFFC000  }
0x47: {  	[tilespmem:s25], [sflag:$0x2] =	stream.indirect.gather @!p0 [hbm4b:s4+s24], $0x80, s22, s24, $0xb8;
	[tilespmem:$0x1F800] =	vst v63  }
.LBB2_5:
0x48: {  	s21 =	simm.s32 $0x0  }
0x49: {  	[tilespmem:s21], [sflag:$0x3] =	stream.linear.gather [hbm4b:s10+s21], $0x1C00, $0x38;
	[tilespmem:$0x1F800] =	vst v63  }
0x4a: {  	_ =	swait.ge [sflag:s15], $0x1C00  }
0x4b: {  	[sflag:s15] =	ssyncset.done $0x0  }
0x4c: {  	s22 =	simm.s32 $0x1C00;
	[sflag:s15] =	ssyncadd.s32 $0xFFFFE400  }
0x4d: {  	[tilespmem:s22], [sflag:$0x3] =	stream.linear.gather [hbm4b:s11+s21], $0x1C00, $0x38;
	[tilespmem:$0x1F800] =	vst v63  }
0x4e: {  	_ =	swait.ge [sflag:s15], $0x1C00  }
.Ltmp6:
0x4f: {  	[sflag:s15] =	ssyncset.done $0x0;
	(pc) =	sbr.rel .LBB2_6-.Ltmp6, $4  }
0x50: {  	[sflag:s15] =	ssyncadd.s32 $0xFFFFE400  }
0x51: {  	[tilespmem:s17], [sflag:$0x1] =	stream.indirect.gather [hbm4b:s4+s16], $0x80, s21, s16, $0xb8;
	[tilespmem:$0x1F800] =	vst v63  }
0x52: {  	s23 =	simm.s32 $0x100  }
0x53: {  	[tilespmem:s18], [sflag:$0x2] =	stream.indirect.gather [hbm4b:s4+s16], $0x80, s16, s16, $0xb8;
	[tilespmem:$0x1F800] =	vst v63  }
.LBB2_8:
0x54: {  	s21 =	sadd.s32 $0x1, s21  }
0x55: {  	p0 =	sne.s32 s9, s21  }
.Ltmp7:
0x56: {  	_ = 	snop;
	(pc) =	sbr.rel @!p0 .LBB2_9-.Ltmp7, $2  }
0x57: {  	_ =	sdelay $0x2  }
0x58: {  	s23 =	sadd.s32 $0x80, s23;
	s22 =	sadd.s32 $0x80, s22  }
.LBB2_6:
0x59: {  	s24 =	sand.u32 $0x1, s21  }
0x5a: {  	p0 =	seq.s32 s24, $0x1  }
0x5b: {  	s25 =	simm.s32 @!p0 $0x1  }
0x5c: {  	_ =	swait.ge @!p0 [sflag:s25], $0x4000  }
0x5d: {  	[sflag:s25] =	ssyncset.done @!p0 $0x0  }
0x5e: {  	s26 =	simm.s32 @!p0 $0x3800;
	[sflag:s25] =	ssyncadd.s32 @!p0 $0xFFFFC000;
	s25 =	simm.s32 @!p0 $0x80  }
0x5f: {  	[spmem:s2] =	stream.indirect.scatter.add.f32 @!p0 [tilespmem:s26], [sflag:$0x3], $0x80, s22, s25, $0xb8;
	[tilespmem:$0x1F800] =	vst v63  }
0x60: {  	s25 =	simm.s32 @!p0 $0x3;
	s26 =	sadd.s32 @!p0 $0x2, s21  }
0x61: {  	_ =	swait.ge @!p0 [sflag:s25], $0x4000;
	p1 =	sge.u32 @!p0 s26, s9  }
0x62: {  	[sflag:s25] =	ssyncset.done @!p0 $0x0;
	p1 =	por p1, p0  }
0x63: {  	[sflag:s25] =	ssyncadd.s32 @!p0 $0xFFFFC000;
	s25 =	simm.s32 @!p1 $0x80;
	s26 =	simm.s32 @!p1 $0x3800  }
0x64: {  	[tilespmem:s26], [sflag:$0x1] =	stream.indirect.gather @!p1 [hbm4b:s4+s25], $0x80, s23, s25, $0xb8;
	[tilespmem:$0x1F800] =	vst v63  }
0x65: {  	p1 =	seq.s32 @!p0 s24, $0x0  }
0x66: {  	p0 =	por p0, !p1  }
.Ltmp8:
0x67: {  	_ = 	snop;
	(pc) =	sbr.rel @!p0 .LBB2_8-.Ltmp8, $1  }
0x68: {  	_ =	sdelay $0x3  }
0x69: {  	_ =	swait.ge [sflag:s19], $0x4000  }
0x6a: {  	[sflag:s19] =	ssyncset.done $0x0  }
0x6b: {  	[sflag:s19] =	ssyncadd.s32 $0xFFFFC000  }
0x6c: {  	[spmem:s2] =	stream.indirect.scatter.add.f32 [tilespmem:s18], [sflag:$0x3], $0x80, s22, s16, $0xb8;
	[tilespmem:$0x1F800] =	vst v63  }
.Ltmp9:
0x6d: {  	_ = 	snop;
	(pc) =	sbr.rel .LBB2_8-.Ltmp9, $4  }
0x6e: {  	s24 =	sadd.s32 $0x2, s21;
	_ =	swait.ge [sflag:s15], $0x4000  }
0x6f: {  	p0 =	sge.u32 s24, s9;
	[sflag:s15] =	ssyncset.done $0x0  }
0x70: {  	s24 =	simm.s32 @!p0 $0x80;
	s25 =	simm.s32 @!p0 $0x7800;
	[sflag:s15] =	ssyncadd.s32 $0xFFFFC000  }
0x71: {  	[tilespmem:s25], [sflag:$0x2] =	stream.indirect.gather @!p0 [hbm4b:s4+s24], $0x80, s23, s24, $0xb8;
	[tilespmem:$0x1F800] =	vst v63  }
.LBB2_10:
0x72: {  	_ =	sfence.sel $0x180000  }
0x73: {  	[bflag:$0x0] =	sbarrier.arrive $0xFFFF  }
0x74: {  	p0 =	sne.s32 s1, $0x0;
	_ =	strace $0x9000004D  }
0x75: {  	s0 =	sadd.s32 @!p0 $0x100000, s0;
	[bflag:$0x2] =	sbarrier.arrive $0xFFFF  }
0x76: {  	[sflag:s0] =	ssyncadd.tile.s32 @!p0 $0x1;
	_ =	shalt  }
.Lfunc_end2:
_tile_overlayer_lowered:
.L_overlay_start_2:
0x77: {  	(tag) =	ssettag $0x2  }
0x78: {  	s0 =	rddreg [dreg:$0x0];
	s2 =	stileid.u32  }
0x79: {  	s1 =	rddreg [dreg:$0x1];
	p0 =	sne.s32 s2, $0x0  }
0x7a: {  	s3 =	rddreg [dreg:$0x2];
	[bflag:$0x3] =	sbarrier.arrive $0xFFFF;
	s2 =	simm.s32 @!p0 $0x1C03  }
0x7b: {  	[timem:s3], [sflag:s2] =	dma.local @!p0 [hbm:s0], s1  }
0x7c: {  	s0 =	simm.s32 @!p0 $0x3  }
0x7d: {  	_ =	swait.ge @!p0 [sflag:s0], s1  }
0x7e: {  	s1 =	ssub.s32 @!p0 $0x0, s1;
	[sflag:s0] =	ssyncset.done @!p0 $0x0  }
0x7f: {  	[sflag:s0] =	ssyncadd.s32 @!p0 s1  }
0x80: {  	[bflag:$0x3] =	sbarrier.arrive $0xFFFF  }
0x81: {  	_ =	shalt  }

// kernel: kernel.19.cloned.1.call-start
scs
__scs_entry_jumppad:
0x0: {  	(pc) =	sbr.rel $0x88, $3  }
0x1: {  	(tag) =	ssettag $0x0;
	lr =	simm.s32 $0x1  }
0x2: {  	[smem:$0x3F91] =	sst lr;
	_ =	strace $0xD0000000  }
0x3: {  	_ = 	snop  }
0x4: {  	_ = 	snop  }
0x5: {  	_ = 	snop  }
0x6: {  	_ = 	snop  }
0x7: {  	_ = 	snop  }
__scs_overlays_trampoline_lowered:
0x8: {  	[smem:$0x3FA0] =	sst s0  }
0x9: {  	[smem:$0x3FA1] =	sst s1  }
0xa: {  	[smem:$0x3FA2] =	sst s2  }
0xb: {  	[smem:$0x3FA3] =	sst s3  }
0xc: {  	[smem:$0x3FA4] =	sst s4  }
0xd: {  	[smem:$0x3FA5] =	sst s5  }
0xe: {  	[smem:$0x3FA6] =	sst s6  }
0xf: {  	[smem:$0x3FA7] =	sst s7  }
0x10: {  	[smem:$0x3FA8] =	sst s8  }
0x11: {  	[smem:$0x3FA9] =	sst s9;
	s0 =	simm.s32 @!p0 $0x0  }
0x12: {  	s1 =	sld [smem:$0x3F8F];
	s0 =	simm.s32 @p0 $0x1  }
0x13: {  	[smem:$0x3FAA] =	sst s0;
	s0 =	simm.s32 @!p1 $0x0  }
0x14: {  	s2 =	sld [smem:$0x3F8E];
	s0 =	simm.s32 @p1 $0x1  }
0x15: {  	[smem:$0x3FAB] =	sst s0;
	s0 =	simm.s32 @!p2 $0x0  }
0x16: {  	s3 =	sld [smem:$0x3FDB];
	s0 =	simm.s32 @p2 $0x1  }
0x17: {  	s4 =	simm.s32 $0x1BF5;
	[smem:$0x3FAD] =	sst s0  }
0x18: {  	s0 =	sld [smem:$0x3F90];
	_ =	swait.ge [sflag:s4], $0x0  }
0x19: {  	s7 =	sld [smem:$0x3F91]  }
0x1a: {  	s8 =	sadd.s32 $0xFFFFE003, lr  }
0x1b: {  	s9 =	sadd.s32 $0xFFFFFEF7, lr;
	s5 =	simm.s32 $0xFFFFFFFF;
	p2 =	slt.u32 s8, $0xFFFFF086  }
0x1c: {  	p1 =	slt.u32 s9, $0xF7A;
	s5 =	simm.s32 @!p2 $0x0  }
0x1d: {  	s5 =	simm.s32 @p1 $0x1;
	p0 =	seq.s32 s7, s2  }
0x1e: {  	s7 =	smul.u32 @!p0 $0xF7A, s2;
	p2 =	seq.s32 @!p0 s5, $0x0  }
0x1f: {  	s9 =	smul.u32 $0xF7A, s1;
	s8 =	simm.s32 @!p0 $0x1BF5;
	p2 =	por !p2, p0  }
0x20: {  	[sflag:s8] =	ssyncset.s32 @!p0 $0xFFFFF086;
	s6 =	sadd.s32 @!p0 s3, s7;
	s7 =	simm.s32 @!p0 $0x108  }
0x21: {  	s3 =	sadd.s32 s3, s9;
	s6 =	sadd.s32 @!p0 $0x88, s6;
	s7 =	simm.s32 @p2 $0x1082  }
0x22: {  	[simem:s7], [sflag:s8] =	dma.local @!p0 [hbm:s6], $0xF7A  }
0x23: {  	s9 =	sor.u32 $0xD0000000, s2;
	s6 =	simm.s32 $0x108;
	_ =	swait.ge @!p0 [sflag:s8], $0x0  }
0x24: {  	s3 =	sadd.s32 $0x88, s3;
	s6 =	simm.s32 @!p1 $0x1082;
	[sflag:s4] =	ssyncset.s32 $0xFFFFF086  }
0x25: {  	[simem:s6], [sflag:s4] =	dma.local [hbm:s3], $0xF7A  }
0x26: {  	[smem:$0x3F91] =	sst s1;
	(tag) =	ssettag s2;
	_ =	strace s9  }
0x27: {  	s1 =	sld [smem:$0x3FA1]  }
0x28: {  	s2 =	sld [smem:$0x3FA2]  }
0x29: {  	s4 =	sld [smem:$0x3FA4]  }
0x2a: {  	p0 =	seq.s32 s5, $0x0;
	s5 =	sld [smem:$0x3FA5]  }
0x2b: {  	s6 =	sld [smem:$0x3FA6]  }
0x2c: {  	s7 =	sld [smem:$0x3FA7]  }
0x2d: {  	s3 =	simm.s32 $0x108;
	s8 =	sld [smem:$0x3FA8]  }
0x2e: {  	s3 =	simm.s32 @!p0 $0x1082;
	s9 =	sld [smem:$0x3FA9]  }
0x2f: {  	lr =	sadd.s32 s0, s3;
	s0 =	sld [smem:$0x3FA0]  }
0x30: {  	s3 =	sld [smem:$0x3FA3]  }
0x31: {  	[smem:$0x3FAC] =	sst s10  }
0x32: {  	s10 =	sld [smem:$0x3FAA];
	_ =	sdelay $0x3  }
0x33: {  	p0 =	seq.s32 s10, $0x1;
	s10 =	sld [smem:$0x3FAC];
	_ =	sdelay $0x3  }
0x34: {  	[smem:$0x3FAC] =	sst s10  }
0x35: {  	s10 =	sld [smem:$0x3FAB];
	_ =	sdelay $0x3  }
0x36: {  	p1 =	seq.s32 s10, $0x1;
	s10 =	sld [smem:$0x3FAC];
	_ =	sdelay $0x3  }
0x37: {  	[smem:$0x3FAC] =	sst s10  }
0x38: {  	s10 =	sld [smem:$0x3FAD]  }
0x39: {  	_ = 	snop;
	(pc) =	sbr.ind lr, $3  }
0x3a: {  	_ = 	snop  }
0x3b: {  	_ = 	snop  }
0x3c: {  	p2 =	seq.s32 s10, $0x1;
	s10 =	sld [smem:$0x3FAC]  }
0x3d: {  	_ =	shalt  }
0x3e: {  	_ =	shalt  }
0x3f: {  	_ =	shalt  }
0x40: {  	_ =	shalt  }
0x41: {  	_ =	shalt  }
0x42: {  	_ =	shalt  }
0x43: {  	_ =	shalt  }
0x44: {  	_ =	shalt  }
0x45: {  	_ =	shalt  }
0x46: {  	_ =	shalt  }
0x47: {  	_ =	shalt  }
0x48: {  	_ =	shalt  }
0x49: {  	_ =	shalt  }
0x4a: {  	_ =	shalt  }
0x4b: {  	_ =	shalt  }
0x4c: {  	_ =	shalt  }
0x4d: {  	_ =	shalt  }
0x4e: {  	_ =	shalt  }
0x4f: {  	_ =	shalt  }
0x50: {  	_ =	shalt  }
0x51: {  	_ =	shalt  }
0x52: {  	_ =	shalt  }
0x53: {  	_ =	shalt  }
0x54: {  	_ =	shalt  }
0x55: {  	_ =	shalt  }
0x56: {  	_ =	shalt  }
0x57: {  	_ =	shalt  }
0x58: {  	_ =	shalt  }
0x59: {  	_ =	shalt  }
0x5a: {  	_ =	shalt  }
0x5b: {  	_ =	shalt  }
0x5c: {  	_ =	shalt  }
0x5d: {  	_ =	shalt  }
0x5e: {  	_ =	shalt  }
0x5f: {  	_ =	shalt  }
0x60: {  	_ =	shalt  }
0x61: {  	_ =	shalt  }
0x62: {  	_ =	shalt  }
0x63: {  	_ =	shalt  }
0x64: {  	_ =	shalt  }
0x65: {  	_ =	shalt  }
0x66: {  	_ =	shalt  }
0x67: {  	_ =	shalt  }
0x68: {  	_ =	shalt  }
0x69: {  	_ =	shalt  }
0x6a: {  	_ =	shalt  }
0x6b: {  	_ =	shalt  }
0x6c: {  	_ =	shalt  }
0x6d: {  	_ =	shalt  }
0x6e: {  	_ =	shalt  }
0x6f: {  	_ =	shalt  }
0x70: {  	_ =	shalt  }
0x71: {  	_ =	shalt  }
0x72: {  	_ =	shalt  }
0x73: {  	_ =	shalt  }
0x74: {  	_ =	shalt  }
0x75: {  	_ =	shalt  }
0x76: {  	_ =	shalt  }
0x77: {  	_ =	shalt  }
0x78: {  	_ =	shalt  }
0x79: {  	_ =	shalt  }
0x7a: {  	_ =	shalt  }
0x7b: {  	_ =	shalt  }
0x7c: {  	_ =	shalt  }
0x7d: {  	_ =	shalt  }
0x7e: {  	_ =	shalt  }
0x7f: {  	_ =	shalt  }
0x80: {  	_ =	shalt  }
0x81: {  	_ =	shalt  }
0x82: {  	_ =	shalt  }
0x83: {  	_ =	shalt  }
0x84: {  	_ =	shalt  }
0x85: {  	_ =	shalt  }
0x86: {  	_ =	shalt  }
0x87: {  	_ =	shalt  }
.Lfunc_end0:
.L_simem_size_0:
called_computation.3_lowered:
.L_overlay_start_0:
0x88: {  	s2 =	sld [smem:$0x3FD9]  }
0x89: {  	s3 =	sld [smem:$0x3FFE];
	_ =	sdelay $0x1  }
0x8a: {  	s1 =	srdreg.scid  }
0x8b: {  	s0 =	sand.u32 $0x1, s1  }
0x8c: {  	s16 =	sshll.u32 s0, $0xA;
	s2 =	sadd.s32 s3, s2  }
0x8d: {  	s2 =	sadd.s32 s2, s16  }
0x8e: {  	[smem:$0x3FB8] =	sst s2  }
0x8f: {  	_ = 	snop  }
0x90: {  	(tm) =	ssettm $0x1  }
0x91: {  	s17 =	sld [smem:$0x3FFB];
	_ =	sdelay $0x3  }
0x92: {  	_ =	strace s17  }
0x93: {  	s2 =	sld [smem:$0x3FFC];
	_ =	sdelay $0x3  }
0x94: {  	_ =	strace s2  }
0x95: {  	s2 =	sld [smem:$0x3FFD];
	_ =	sdelay $0x3  }
0x96: {  	_ =	strace s2  }
0x97: {  	_ =	strace $0x8FFFFFFF  }
0x98: {  	s18 =	sld [smem:$0x3FDB];
	_ =	sdelay $0x1  }
0x99: {  	s19 =	simm.s32 $_scs_section_size  }
0x9a: {  	s4 =	simm.s32 $_size__tile_overlayer_lowered;
	s5 =	simm.s32 $_tile_overlayer_lowered  }
0x9b: {  	s22 =	simm.s32 $0x1BFF;
	s21 =	sshll.u32 s5, $0x1;
	s2 =	sadd.s32 s19, s18  }
0x9c: {  	s6 =	simm.s32 $0x0;
	s20 =	sshll.u32 s4, $0x1;
	s4 =	sadd.s32 s21, s2  }
0x9d: {  	[timem:s6], [sflag:s22] =	dma.local [hbm:s4], s20  }
0x9e: {  	_ =	swait.ge [sflag:s22], s20  }
0x9f: {  	s3 =	ssub.s32 $0x0, s20;
	[sflag:s22] =	ssyncset.done $0x0  }
0xa0: {  	[sflag:s22] =	ssyncadd.s32 s3;
	_ =	sdelay $0x1  }
0xa1: {  	s23 =	simm.s32 $0x1B8B  }
0xa2: {  	_ =	swait.ge [sflag:s23], $0x1  }
0xa3: {  	[sflag:s23] =	ssyncset.done $0x0  }
0xa4: {  	s25 =	simm.s32 $0x1B8E;
	s24 =	sld [smem:$0x3FFE];
	[sflag:s23] =	ssyncadd.s32 $0xFFFFFFFF  }
0xa5: {  	s26 =	simm.s32 $execute0_lowered;
	[smem:$0x3FD2] =	sst s25  }
0xa6: {  	s4 =	sshll.u32 s26, $0x1;
	_ =	strace $0x8000004F;
	[dreg:$0x1] =	wrdreg $0xFFFFFFFF  }
0xa7: {  	s28 =	simm.s32 $_size_execute0_lowered;
	s2 =	sadd.s32 s2, s4;
	[dreg:$0x0] =	wrdreg $0x0  }
0xa8: {  	s4 =	sshll.u32 s28, $0x1;
	[dreg:$0x2] =	wrdreg s2  }
0xa9: {  	[dreg:$0x3] =	wrdreg s4  }
0xaa: {  	[dreg:$0x4] =	wrdreg $0xC0  }
0xab: {  	_ =	task [dreg:s6], $0x5FFFF  }
0xac: {  	[dreg:$0x1] =	wrdreg $0xFFFFFFFF  }
0xad: {  	[dreg:$0x0] =	wrdreg $0x60  }
0xae: {  	[dreg:$0x2] =	wrdreg s24  }
0xaf: {  	[dreg:$0x3] =	wrdreg $0xB8000  }
0xb0: {  	[dreg:$0x4] =	wrdreg $0x9  }
0xb1: {  	_ =	task.clear_ibuf [dreg:s6], $0x5FFFF;
	_ =	strace $0x9000004F  }
0xb2: {  	s29 =	simm.s32 $0x9;
	_ =	strace $0x80000051  }
0xb3: {  	_ =	swait.ge [sflag:s29], $0x1  }
0xb4: {  	[sflag:s29] =	ssyncadd.s32 $0xFFFFFFFF  }
0xb5: {  	_ =	strace $0x90000051  }
0xb6: {  	_ =	sfence  }
0xb7: {  	s30 =	sld [smem:$0x0];
	_ =	sdelay $0x2  }
0xb8: {  	s31 =	sshll.u32 s1, $0xD;
	s1 =	sshrl.u32 s1, $0x2  }
0xb9: {  	s3 =	sand.u32 $0x4000, s31;
	s1 =	sadd.s32 s1, s30  }
0xba: {  	s0 =	sor.u32 s3, s0;
	s1 =	sshll.u32 s1, $0x11  }
0xbb: {  	s0 =	sor.u32 s1, s0  }
0xbc: {  	s0 =	sadd.s32 $0x8F2B, s0  }
0xbd: {  	[sflag:s0] =	ssyncadd.remote.s32 $0x1  }
0xbe: {  	_ =	sfence.sel $0xFFFF  }
0xbf: {  	[dreg:$0x0] =	wrdreg $0xFFFFFFFF;
	(pc) =	sbr.abs _section_cstart, $3  }
0xc0: {  	[dreg:$0x1] =	wrdreg $0xFFFFFFFF  }
0xc1: {  	_ =	task.clear_ibuf [dreg:s6], $0x2FFFF;
	_ =	strace $0x9FFFFFFF  }
0xc2: {  	(tm) =	ssettm $0x7FFFFFFF  }
0xc3: {  	_ =	shalt  }
tec
execute0_lowered:
.L_overlay_start_1:
0x0: {  	(tag) =	ssettag $0x1  }
0x1: {  	s5 =	rddreg [dreg:$0x0]  }
0x2: {  	s2 =	rddreg [dreg:$0x1]  }
0x3: {  	s0 =	rddreg [dreg:$0x2];
	s4 =	srdreg.scid  }
0x4: {  	s1 =	stileid.u32;
	s3 =	simm.s32 $0x0;
	s16 =	simm.s32 $0x80  }
0x5: {  	s17 =	simm.s32 $0x3800;
	s18 =	simm.s32 $0x7800;
	s19 =	simm.s32 $0x2  }
0x6: {  	s20 =	simm.s32 $0x0;
	s6 =	sand.u32 $0x1, s4;
	s7 =	smul.u32 $0x14000, s1  }
0x7: {  	[smem:$0x7FF] =	sst s3;
	s4 =	sadd.s32 $0x12A00, s5;
	s10 =	sadd.s32 $0x3B400, s5  }
0x8: {  	s11 =	sadd.s32 $0x4A00, s5;
	s9 =	smul.u32 $0x50000, s1;
	s30 =	sshll.u32 s1, $0x6  }
0x9: {  	s8 =	smul.u32 $0x140000, s6;
	_ =	strace $0x80000050;
	s12 =	sshll.u32 s6, $0x4  }
0xa: {  	s25 =	ssub.s32 $0x2, s6;
	p0 =	seq.s32 s6, $0x0;
	s6 =	sor.u32 $0x1C03, s30  }
0xb: {  	s26 =	sor.u32 s1, s12;
	s28 =	sshrl.u32 s25, $0x1;
	s8 =	sadd.s32 s7, s8  }
0xc: {  	s9 =	sshrl.u32 s9, $0x2;
	s29 =	sshrl.u32 s7, $0x3;
	s8 =	sshrl.u32 s8, $0x3  }
0xd: {  	s14 =	ssub.s32 s25, s28;
	s13 =	sadd.s32 s8, s5;
	s8 =	smul.u32 $0x3800, s26  }
.Ltmp0:
0xe: {  	s15 =	sadd.s32 s9, s2;
	s9 =	simm.s32 $0x29;
	(pc) =	sbr.rel .LBB2_1-.Ltmp0, $4  }
0xf: {  	s9 =	simm.s32 @!p0 $0x4;
	s5 =	sadd.s32 s4, s29;
	s31 =	sshrl.u32 s8, $0x3  }
0x10: {  	s7 =	sadd.s32 s10, s31;
	s8 =	sadd.s32 s11, s31;
	s12 =	sadd.s32 $0x380, s31  }
0x11: {  	s10 =	sadd.s32 s10, s12;
	s11 =	sadd.s32 s11, s12;
	s12 =	sadd.s32 $0x71400, s13  }
0x12: {  	s13 =	smax.u32 s14, $0x1;
	s14 =	sshrl.u32 s15, $0x3;
	s15 =	simm.s32 $0x3  }
.LBB2_9:
0x13: {  	s20 =	sadd.s32 $0x1, s20  }
0x14: {  	p0 =	sne.s32 s20, s13  }
.Ltmp1:
0x15: {  	[bflag:$0x0] =	sbarrier.arrive $0xFFFF;
	(pc) =	sbr.rel @!p0 .LBB2_10-.Ltmp1, $4  }
0x16: {  	[hbm:s12], [sflag:s6] =	dma.local [spmem:s14], $0x2800  }
0x17: {  	_ =	swait.ge [sflag:s15], $0x2800  }
0x18: {  	[sflag:s15] =	ssyncset.done $0x0  }
0x19: {  	[sflag:s15] =	ssyncadd.s32 $0xFFFFD800  }
.LBB2_1:
0x1a: {  	[spmem:s14], [sflag:s6] =	dma.local [hbm:s5], $0x2800  }
0x1b: {  	_ =	swait.ge [sflag:s15], $0x2800  }
0x1c: {  	[sflag:s15] =	ssyncset.done $0x0  }
0x1d: {  	[sflag:s15] =	ssyncadd.s32 $0xFFFFD800  }
0x1e: {  	[bflag:$0x0] =	sbarrier.arrive $0xFFFF  }
0x1f: {  	[tilespmem:s3], [sflag:$0x3] =	stream.linear.gather [hbm4b:s7+s3], $0x1C00, $0x38;
	[tilespmem:$0x1F800] =	vst v63  }
0x20: {  	_ =	swait.ge [sflag:s15], $0x1C00  }
0x21: {  	[sflag:s15] =	ssyncset.done $0x0  }
0x22: {  	s21 =	simm.s32 $0x1C00;
	[sflag:s15] =	ssyncadd.s32 $0xFFFFE400  }
0x23: {  	[tilespmem:s21], [sflag:$0x3] =	stream.linear.gather [hbm4b:s8+s3], $0x1C00, $0x38;
	[tilespmem:$0x1F800] =	vst v63  }
0x24: {  	_ =	swait.ge [sflag:s15], $0x1C00  }
.Ltmp2:
0x25: {  	[sflag:s15] =	ssyncset.done $0x0;
	(pc) =	sbr.rel .LBB2_2-.Ltmp2, $4  }
0x26: {  	[sflag:s15] =	ssyncadd.s32 $0xFFFFE400  }
0x27: {  	[tilespmem:s17], [sflag:$0x1] =	stream.indirect.gather [hbm4b:s4+s16], $0x80, s3, s16, $0xb8;
	[tilespmem:$0x1F800] =	vst v63  }
0x28: {  	s22 =	simm.s32 $0x100;
	s23 =	simm.s32 $0x0  }
0x29: {  	[tilespmem:s18], [sflag:$0x2] =	stream.indirect.gather [hbm4b:s4+s16], $0x80, s16, s16, $0xb8;
	[tilespmem:$0x1F800] =	vst v63  }
.LBB2_4:
0x2a: {  	s23 =	sadd.s32 $0x1, s23  }
0x2b: {  	p0 =	sne.s32 s23, $0x38  }
.Ltmp3:
0x2c: {  	_ = 	snop;
	(pc) =	sbr.rel @!p0 .LBB2_5-.Ltmp3, $2  }
0x2d: {  	_ =	sdelay $0x2  }
0x2e: {  	s21 =	sadd.s32 $0x80, s21;
	s22 =	sadd.s32 $0x80, s22  }
.LBB2_2:
0x2f: {  	s24 =	sand.u32 $0x1, s23  }
0x30: {  	p0 =	seq.s32 s24, $0x1  }
0x31: {  	s25 =	simm.s32 @!p0 $0x1  }
0x32: {  	_ =	swait.ge @!p0 [sflag:s25], $0x4000  }
0x33: {  	[sflag:s25] =	ssyncset.done @!p0 $0x0  }
0x34: {  	s26 =	simm.s32 @!p0 $0x3800;
	[sflag:s25] =	ssyncadd.s32 @!p0 $0xFFFFC000;
	s25 =	simm.s32 @!p0 $0x80  }
0x35: {  	[spmem:s2] =	stream.indirect.scatter.add.f32 @!p0 [tilespmem:s26], [sflag:$0x3], $0x80, s21, s25, $0xb8;
	[tilespmem:$0x1F800] =	vst v63  }
0x36: {  	s25 =	simm.s32 @!p0 $0x3  }
0x37: {  	p1 =	sgt.u32 @!p0 s23, $0x35;
	_ =	swait.ge @!p0 [sflag:s25], $0x4000  }
0x38: {  	p1 =	por p1, p0;
	[sflag:s25] =	ssyncset.done @!p0 $0x0  }
0x39: {  	s26 =	simm.s32 @!p1 $0x3800;
	[sflag:s25] =	ssyncadd.s32 @!p0 $0xFFFFC000;
	s25 =	simm.s32 @!p1 $0x80  }
0x3a: {  	[tilespmem:s26], [sflag:$0x1] =	stream.indirect.gather @!p1 [hbm4b:s4+s25], $0x80, s22, s25, $0xb8;
	[tilespmem:$0x1F800] =	vst v63  }
0x3b: {  	p1 =	seq.s32 @!p0 s24, $0x0  }
0x3c: {  	p0 =	por p0, !p1  }
.Ltmp4:
0x3d: {  	_ = 	snop;
	(pc) =	sbr.rel @!p0 .LBB2_4-.Ltmp4, $1  }
0x3e: {  	_ =	sdelay $0x3  }
0x3f: {  	_ =	swait.ge [sflag:s19], $0x4000  }
0x40: {  	[sflag:s19] =	ssyncset.done $0x0  }
0x41: {  	[sflag:s19] =	ssyncadd.s32 $0xFFFFC000  }
0x42: {  	[spmem:s2] =	stream.indirect.scatter.add.f32 [tilespmem:s18], [sflag:$0x3], $0x80, s21, s16, $0xb8;
	[tilespmem:$0x1F800] =	vst v63  }
.Ltmp5:
0x43: {  	_ = 	snop;
	(pc) =	sbr.rel .LBB2_4-.Ltmp5, $4  }
0x44: {  	_ =	swait.ge [sflag:s15], $0x4000  }
0x45: {  	p0 =	sgt.u32 s23, $0x35;
	[sflag:s15] =	ssyncset.done $0x0  }
0x46: {  	s24 =	simm.s32 @!p0 $0x80;
	s25 =	simm.s32 @!p0 $0x7800;
	[sflag:s15] =	ssyncadd.s32 $0xFFFFC000  }
0x47: {  	[tilespmem:s25], [sflag:$0x2] =	stream.indirect.gather @!p0 [hbm4b:s4+s24], $0x80, s22, s24, $0xb8;
	[tilespmem:$0x1F800] =	vst v63  }
.LBB2_5:
0x48: {  	s21 =	simm.s32 $0x0  }
0x49: {  	[tilespmem:s21], [sflag:$0x3] =	stream.linear.gather [hbm4b:s10+s21], $0x1C00, $0x38;
	[tilespmem:$0x1F800] =	vst v63  }
0x4a: {  	_ =	swait.ge [sflag:s15], $0x1C00  }
0x4b: {  	[sflag:s15] =	ssyncset.done $0x0  }
0x4c: {  	s22 =	simm.s32 $0x1C00;
	[sflag:s15] =	ssyncadd.s32 $0xFFFFE400  }
0x4d: {  	[tilespmem:s22], [sflag:$0x3] =	stream.linear.gather [hbm4b:s11+s21], $0x1C00, $0x38;
	[tilespmem:$0x1F800] =	vst v63  }
0x4e: {  	_ =	swait.ge [sflag:s15], $0x1C00  }
.Ltmp6:
0x4f: {  	[sflag:s15] =	ssyncset.done $0x0;
	(pc) =	sbr.rel .LBB2_6-.Ltmp6, $4  }
0x50: {  	[sflag:s15] =	ssyncadd.s32 $0xFFFFE400  }
0x51: {  	[tilespmem:s17], [sflag:$0x1] =	stream.indirect.gather [hbm4b:s4+s16], $0x80, s21, s16, $0xb8;
	[tilespmem:$0x1F800] =	vst v63  }
0x52: {  	s23 =	simm.s32 $0x100  }
0x53: {  	[tilespmem:s18], [sflag:$0x2] =	stream.indirect.gather [hbm4b:s4+s16], $0x80, s16, s16, $0xb8;
	[tilespmem:$0x1F800] =	vst v63  }
.LBB2_8:
0x54: {  	s21 =	sadd.s32 $0x1, s21  }
0x55: {  	p0 =	sne.s32 s9, s21  }
.Ltmp7:
0x56: {  	_ = 	snop;
	(pc) =	sbr.rel @!p0 .LBB2_9-.Ltmp7, $2  }
0x57: {  	_ =	sdelay $0x2  }
0x58: {  	s23 =	sadd.s32 $0x80, s23;
	s22 =	sadd.s32 $0x80, s22  }
.LBB2_6:
0x59: {  	s24 =	sand.u32 $0x1, s21  }
0x5a: {  	p0 =	seq.s32 s24, $0x1  }
0x5b: {  	s25 =	simm.s32 @!p0 $0x1  }
0x5c: {  	_ =	swait.ge @!p0 [sflag:s25], $0x4000  }
0x5d: {  	[sflag:s25] =	ssyncset.done @!p0 $0x0  }
0x5e: {  	s26 =	simm.s32 @!p0 $0x3800;
	[sflag:s25] =	ssyncadd.s32 @!p0 $0xFFFFC000;
	s25 =	simm.s32 @!p0 $0x80  }
0x5f: {  	[spmem:s2] =	stream.indirect.scatter.add.f32 @!p0 [tilespmem:s26], [sflag:$0x3], $0x80, s22, s25, $0xb8;
	[tilespmem:$0x1F800] =	vst v63  }
0x60: {  	s25 =	simm.s32 @!p0 $0x3;
	s26 =	sadd.s32 @!p0 $0x2, s21  }
0x61: {  	_ =	swait.ge @!p0 [sflag:s25], $0x4000;
	p1 =	sge.u32 @!p0 s26, s9  }
0x62: {  	[sflag:s25] =	ssyncset.done @!p0 $0x0;
	p1 =	por p1, p0  }
0x63: {  	[sflag:s25] =	ssyncadd.s32 @!p0 $0xFFFFC000;
	s25 =	simm.s32 @!p1 $0x80;
	s26 =	simm.s32 @!p1 $0x3800  }
0x64: {  	[tilespmem:s26], [sflag:$0x1] =	stream.indirect.gather @!p1 [hbm4b:s4+s25], $0x80, s23, s25, $0xb8;
	[tilespmem:$0x1F800] =	vst v63  }
0x65: {  	p1 =	seq.s32 @!p0 s24, $0x0  }
0x66: {  	p0 =	por p0, !p1  }
.Ltmp8:
0x67: {  	_ = 	snop;
	(pc) =	sbr.rel @!p0 .LBB2_8-.Ltmp8, $1  }
0x68: {  	_ =	sdelay $0x3  }
0x69: {  	_ =	swait.ge [sflag:s19], $0x4000  }
0x6a: {  	[sflag:s19] =	ssyncset.done $0x0  }
0x6b: {  	[sflag:s19] =	ssyncadd.s32 $0xFFFFC000  }
0x6c: {  	[spmem:s2] =	stream.indirect.scatter.add.f32 [tilespmem:s18], [sflag:$0x3], $0x80, s22, s16, $0xb8;
	[tilespmem:$0x1F800] =	vst v63  }
.Ltmp9:
0x6d: {  	_ = 	snop;
	(pc) =	sbr.rel .LBB2_8-.Ltmp9, $4  }
0x6e: {  	s24 =	sadd.s32 $0x2, s21;
	_ =	swait.ge [sflag:s15], $0x4000  }
0x6f: {  	p0 =	sge.u32 s24, s9;
	[sflag:s15] =	ssyncset.done $0x0  }
0x70: {  	s24 =	simm.s32 @!p0 $0x80;
	s25 =	simm.s32 @!p0 $0x7800;
	[sflag:s15] =	ssyncadd.s32 $0xFFFFC000  }
0x71: {  	[tilespmem:s25], [sflag:$0x2] =	stream.indirect.gather @!p0 [hbm4b:s4+s24], $0x80, s23, s24, $0xb8;
	[tilespmem:$0x1F800] =	vst v63  }
.LBB2_10:
0x72: {  	_ =	sfence.sel $0x180000  }
0x73: {  	[bflag:$0x0] =	sbarrier.arrive $0xFFFF  }
0x74: {  	p0 =	sne.s32 s1, $0x0;
	_ =	strace $0x90000050  }
0x75: {  	s0 =	sadd.s32 @!p0 $0x100000, s0;
	[bflag:$0x2] =	sbarrier.arrive $0xFFFF  }
0x76: {  	[sflag:s0] =	ssyncadd.tile.s32 @!p0 $0x1;
	_ =	shalt  }
.Lfunc_end2:
_tile_overlayer_lowered:
.L_overlay_start_2:
0x77: {  	(tag) =	ssettag $0x2  }
0x78: {  	s0 =	rddreg [dreg:$0x0];
	s2 =	stileid.u32  }
0x79: {  	s1 =	rddreg [dreg:$0x1];
	p0 =	sne.s32 s2, $0x0  }
0x7a: {  	s3 =	rddreg [dreg:$0x2];
	[bflag:$0x3] =	sbarrier.arrive $0xFFFF;
	s2 =	simm.s32 @!p0 $0x1C03  }
0x7b: {  	[timem:s3], [sflag:s2] =	dma.local @!p0 [hbm:s0], s1  }
0x7c: {  	s0 =	simm.s32 @!p0 $0x3  }
0x7d: {  	_ =	swait.ge @!p0 [sflag:s0], s1  }
0x7e: {  	s1 =	ssub.s32 @!p0 $0x0, s1;
	[sflag:s0] =	ssyncset.done @!p0 $0x0  }
0x7f: {  	[sflag:s0] =	ssyncadd.s32 @!p0 s1  }
0x80: {  	[bflag:$0x3] =	sbarrier.arrive $0xFFFF  }
0x81: {  	_ =	shalt  }

</sc_bundles>
